<compile_context>
chip_gen: v7x
topology: tpu7x:2x2x1
jax: 0.10.2.dev20260603
libtpu: 0.0.44.dev20260713+nightly
codegen_flags: <defaults>
</compile_context>

<pallas_src>
import functools

import jax
import jax.numpy as jnp
import numpy as np
from jax import lax
from jax.experimental import pallas as pl
from jax.experimental.pallas import tpu as pltpu
from jax.experimental.pallas import tpu_sc as plsc

D_IN = 128
D_OUT = 128
D_ACC = 144
WORDS = D_OUT // 2
LANES = 16
NEG_BIG = -1.0e5

NUM_WORKERS = 32
CHUNK = 64
SLAB = 8


def _prologue_body(x_ref, w_ref, asrc_ref, adst_ref, h_ref, es_ref, ed_ref):
    h = jnp.dot(x_ref[...], w_ref[...], preferred_element_type=jnp.float32)
    h_ref[...] = h
    es_ref[...] = jnp.sum(h * asrc_ref[...], axis=1, keepdims=True)
    ed_ref[...] = jnp.sum(h * adst_ref[...], axis=1, keepdims=True)


def _prologue(xf, W, att_src, att_dst, n, bn):
    grid = n // bn
    return pl.pallas_call(
        _prologue_body,
        grid=(grid,),
        in_specs=[
            pl.BlockSpec((bn, D_IN), lambda i: (i, 0)),
            pl.BlockSpec((D_IN, D_OUT), lambda i: (0, 0)),
            pl.BlockSpec((1, D_OUT), lambda i: (0, 0)),
            pl.BlockSpec((1, D_OUT), lambda i: (0, 0)),
        ],
        out_specs=[
            pl.BlockSpec((bn, D_OUT), lambda i: (i, 0)),
            pl.BlockSpec((bn, 1), lambda i: (i, 0)),
            pl.BlockSpec((bn, 1), lambda i: (i, 0)),
        ],
        out_shape=[
            jax.ShapeDtypeStruct((n, D_OUT), jnp.float32),
            jax.ShapeDtypeStruct((n, 1), jnp.float32),
            jax.ShapeDtypeStruct((n, 1), jnp.float32),
        ],
    )(xf, W, att_src.reshape(1, D_OUT), att_dst.reshape(1, D_OUT))


def _make_sc_pass(n_pad, chunks_w):
    acc_rows = n_pad
    rows_per_sub = acc_rows // 16
    n_slabs = chunks_w // SLAB
    last = chunks_w - 1

    mesh = plsc.VectorSubcoreMesh(core_axis_name="c", subcore_axis_name="s")

    @functools.partial(
        pl.kernel,
        out_type=jax.ShapeDtypeStruct((2, acc_rows, D_ACC), jnp.float32),
        mesh=mesh,
        scratch_types=[
            pltpu.VMEM_SHARED((acc_rows, D_ACC), jnp.float32),
            pltpu.VMEM((n_pad,), jnp.float32),
            pltpu.VMEM((n_pad,), jnp.float32),
            pltpu.VMEM((2, SLAB * 2, CHUNK), jnp.int32),
            pltpu.VMEM((CHUNK,), jnp.float32),
            pltpu.VMEM((2, CHUNK, WORDS), jnp.int32),
            pltpu.VMEM((CHUNK, D_ACC), jnp.float32),
            pltpu.SemaphoreType.DMA((2,)),
            pltpu.SemaphoreType.DMA,
            pltpu.SemaphoreType.DMA((2,)),
        ],
        compiler_params=pltpu.CompilerParams(
            needs_layout_passes=False, use_tc_tiling_on_sc=False),
    )
    def sc_pass(hb_hbm, es_hbm, ed_hbm, edges_hbm, out_hbm,
                acc, es_v, ed_v, slab_v, w_v, rows, frows, gsem, ssem, isem):
        cid = lax.axis_index("c")
        sid = lax.axis_index("s")
        wid = sid * 2 + cid

        def _zero_row(j, _):
            for r in range(D_ACC // LANES):
                frows[j, pl.ds(r * LANES, LANES)] = jnp.zeros((LANES,), jnp.float32)
            return 0
        lax.fori_loop(0, CHUNK, _zero_row, 0)
        nfull, rem = rows_per_sub // CHUNK, rows_per_sub % CHUNK
        for blk in range(nfull):
            pltpu.sync_copy(frows,
                            acc.at[pl.ds(sid * rows_per_sub + blk * CHUNK, CHUNK)])
        if rem:
            pltpu.sync_copy(frows.at[pl.ds(0, rem)],
                            acc.at[pl.ds(sid * rows_per_sub + nfull * CHUNK, rem)])

        pltpu.sync_copy(es_hbm, es_v)
        pltpu.sync_copy(ed_hbm, ed_v)
        pltpu.sync_copy(edges_hbm.at[wid * n_slabs], slab_v.at[0])
        plsc.subcore_barrier()

        def _slab_copy(k, slot):
            return pltpu.make_async_copy(
                edges_hbm.at[wid * n_slabs + k], slab_v.at[slot], isem.at[slot])

        def _gather(c, buf):
            k, cm = c // SLAB, c % SLAB
            return pltpu.make_async_copy(
                hb_hbm.at[slab_v.at[k % 2, 2 * cm]], rows.at[buf], gsem.at[buf])

        def _scatter(c):
            k, cm = c // SLAB, c % SLAB
            return pltpu.make_async_copy(
                frows, acc.at[slab_v.at[k % 2, 2 * cm + 1]], ssem)

        _gather(0, 0).start()

        def _body(c, _):
            p = c % 2
            q = 1 - p
            k, cm = c // SLAB, c % SLAB

            for i in range(CHUNK // LANES):
                sl = pl.ds(i * LANES, LANES)
                sv = slab_v[k % 2, 2 * cm, sl]
                dv = slab_v[k % 2, 2 * cm + 1, sl]
                e = plsc.load_gather(es_v, [sv]) + plsc.load_gather(ed_v, [dv])
                e = jnp.where(e >= 0.0, e, e * 0.2)
                w_v[sl] = jnp.exp(e)

            @pl.when(cm == 0)
            def _():
                _slab_copy(jnp.minimum(k + 1, n_slabs - 1), (k + 1) % 2).start()

            @pl.when(cm == SLAB - 1)
            def _():
                pltpu.make_async_copy(
                    edges_hbm.at[wid * n_slabs], slab_v.at[(k + 1) % 2],
                    isem.at[(k + 1) % 2]).wait()

            _gather(c, p).wait()

            @pl.when(c > 0)
            def _():
                _scatter(c - 1).wait()

            _gather(jnp.minimum(c + 1, last), q).start()

            lane0 = lax.broadcasted_iota(jnp.int32, (LANES,), 0) == 0

            @plsc.parallel_loop(0, CHUNK // LANES, unroll=2)
            def _scale(g):
                wvec = w_v[pl.ds(g * LANES, LANES)]
                base_row = g * LANES
                for j in range(LANES):
                    row = base_row + j
                    wj = wvec[j]
                    words = [rows[p, row, pl.ds(r * LANES, LANES)]
                             for r in range(WORDS // LANES)]
                    for r in range(WORDS // LANES):
                        ev = plsc.bitcast(words[r] << 16, jnp.float32)
                        od = plsc.bitcast(words[r] & jnp.int32(-65536), jnp.float32)
                        frows[row, pl.ds(32 * r, LANES)] = ev * wj
                        frows[row, pl.ds(32 * r + LANES, LANES)] = od * wj
                    frows[row, pl.ds(D_OUT, LANES)] = jnp.where(lane0, wj, 0.0)

            _scatter(c).start(add=True)
            return 0

        lax.fori_loop(0, chunks_w, _body, 0)
        _scatter(last).wait()
        _gather(last, (last + 1) % 2).wait()
        plsc.subcore_barrier()

        pltpu.sync_copy(acc.at[pl.ds(sid * rows_per_sub, rows_per_sub)],
                        out_hbm.at[cid, pl.ds(sid * rows_per_sub, rows_per_sub)])

    return sc_pass


def _epilogue_body(parts_ref, h_ref, es_ref, ed_ref, bias_ref, out_ref):
    p = parts_ref[...]
    s = p[0] + p[1]
    acc = s[:, :D_OUT]
    den = s[:, D_OUT:D_OUT + 1]
    h = h_ref[...]
    e_self = es_ref[...] + ed_ref[...]
    e_self = jnp.where(e_self >= 0.0, e_self, e_self * 0.2)
    w_self = jnp.exp(e_self)
    num = acc + w_self * h
    dtot = den + w_self + 1e-16
    out_ref[...] = jnp.maximum(num / dtot + bias_ref[...], 0.0)


def _epilogue(parts, h, es, ed, bias, n, bn):
    grid = n // bn
    return pl.pallas_call(
        _epilogue_body,
        grid=(grid,),
        in_specs=[
            pl.BlockSpec((2, bn, D_ACC), lambda i: (0, i, 0)),
            pl.BlockSpec((bn, D_OUT), lambda i: (i, 0)),
            pl.BlockSpec((bn, 1), lambda i: (i, 0)),
            pl.BlockSpec((bn, 1), lambda i: (i, 0)),
            pl.BlockSpec((1, D_OUT), lambda i: (0, 0)),
        ],
        out_specs=pl.BlockSpec((bn, D_OUT), lambda i: (i, 0)),
        out_shape=jax.ShapeDtypeStruct((n, D_OUT), jnp.float32),
    )(parts, h, es, ed, bias.reshape(1, D_OUT))


def kernel(x, edge_index, W, att_src, att_dst, bias):
    B, n, _ = x.shape
    xf = x.reshape(n, D_IN)
    e = edge_index.shape[1]

    bn = 1000 if n % 1000 == 0 else n // 8
    h, es, ed = _prologue(xf, W, att_src, att_dst, n, bn)

    n_pad = ((n + LANES - 1) // LANES) * LANES + (LANES if n % LANES == 0 else 0)
    n_pad = max(n_pad, n + 1)
    h_pad = jnp.pad(h, ((0, n_pad - n), (0, 0)))
    es_pad = jnp.pad(es.reshape(-1), (0, n_pad - n), constant_values=NEG_BIG)
    ed_pad = jnp.pad(ed.reshape(-1), (0, n_pad - n), constant_values=NEG_BIG)

    hb = jnp.transpose(
        h_pad.astype(jnp.bfloat16).reshape(n_pad, D_OUT // 32, 2, LANES),
        (0, 1, 3, 2))
    hb_words = lax.bitcast_convert_type(hb, jnp.int32).reshape(n_pad, WORDS)

    per = NUM_WORKERS * CHUNK * SLAB
    n_slabs_w = (e + per - 1) // per
    chunks_w = n_slabs_w * SLAB
    e_pad = chunks_w * NUM_WORKERS * CHUNK
    src = jnp.pad(edge_index[0], (0, e_pad - e), constant_values=n)
    dst = jnp.pad(edge_index[1], (0, e_pad - e), constant_values=n)
    edges = jnp.stack(
        [src.reshape(NUM_WORKERS, n_slabs_w, SLAB, CHUNK),
         dst.reshape(NUM_WORKERS, n_slabs_w, SLAB, CHUNK)], axis=3,
    ).reshape(NUM_WORKERS * n_slabs_w, SLAB * 2, CHUNK)

    sc_pass = _make_sc_pass(n_pad, chunks_w)
    parts = sc_pass(hb_words, es_pad, ed_pad, edges)

    out = _epilogue(parts, h, es, ed, bias, n, bn)
    return out.reshape(B, n, D_OUT)

# --- scband reference (transcript-rebuilt; emitter-appended) ---
"""Pipeline reference for scband-gatlayer-66692252172956 (READ-ONLY COPY).

The authoritative reference and input builder live on the scoring server;
editing this copy changes nothing except your own understanding.
"""

import jax, jax.numpy as jnp
import numpy as np

N_NODES = 10000
N_EDGES = 320000
D_IN = 128
D_OUT = 128


def setup_inputs(seed: int = 0) -> dict:
    key = jax.random.key(seed)
    k1, k2, k3, k4, k5 = jax.random.split(key, 5)
    x = jax.random.normal(k1, (1, N_NODES, D_IN), dtype=jnp.float32)
    edge_index = jax.random.randint(k2, (2, N_EDGES), 0, N_NODES, dtype=jnp.int32)
    W = jax.random.normal(k3, (D_IN, D_OUT), dtype=jnp.float32) * (1.0 / np.sqrt(D_IN))
    att_src = jax.random.normal(k4, (D_OUT,), dtype=jnp.float32) * 0.1
    att_dst = jax.random.normal(k5, (D_OUT,), dtype=jnp.float32) * 0.1
    bias = jnp.zeros((D_OUT,), dtype=jnp.float32)
    return {"x": x, "edge_index": edge_index, "W": W, "att_src": att_src, "att_dst": att_dst, "bias": bias}


def reference(x, edge_index, W, att_src, att_dst, bias):
    # GATLayer.forward: flatten batch, GATConv (heads=1, add_self_loops=True), relu, reshape
    B, num_nodes, node_dim = x.shape
    xf = x.reshape(-1, node_dim)
    ei = edge_index.reshape(2, -1)
    n = xf.shape[0]
    # PyG GATConv adds self loops by default
    loop = jnp.arange(n, dtype=ei.dtype)
    src = jnp.concatenate([ei[0], loop])
    dst = jnp.concatenate([ei[1], loop])
    # linear projection (shared for src/dst when heads=1, same node set)
    h = xf @ W  # [n, D_OUT]
    alpha_src = (h * att_src).sum(axis=-1)  # [n]
    alpha_dst = (h * att_dst).sum(axis=-1)  # [n]
    e = alpha_src[src] + alpha_dst[dst]
    e = jax.nn.leaky_relu(e, negative_slope=0.2)
    # softmax over incoming edges per destination node
    emax = jax.ops.segment_max(e, dst, num_segments=n)
    emax = jnp.where(jnp.isfinite(emax), emax, 0.0)
    ee = jnp.exp(e - emax[dst])
    denom = jax.ops.segment_sum(ee, dst, num_segments=n)
    alpha = ee / (denom[dst] + 1e-16)
    # weighted message aggregation (scatter-add by dst)
    out = jax.ops.segment_sum(alpha[:, None] * h[src], dst, num_segments=n)
    out = out + bias
    out = jax.nn.relu(out)
    return out.reshape(B, num_nodes, -1)

if __name__ == "__main__":
    import jax
    _d = setup_inputs()
    print(jax.jit(kernel)(*tuple(_d.values())))

</pallas_src>

<mosaic_0001>
#map = affine_map<(d0, d1) -> (0, 0)>
#map1 = affine_map<(d0, d1) -> (0)>
#map2 = affine_map<(d0, d1) -> (0, 0, 0)>
module attributes {stable_mosaic.version = 14 : i64} {
  func.func @sc_pass(%arg0: i32, %arg1: i32, %arg2: memref<10016x64xi32, #tpu.memory_space<hbm>>, %arg3: memref<10016xf32, #tpu.memory_space<hbm>>, %arg4: memref<10016xf32, #tpu.memory_space<hbm>>, %arg5: memref<640x16x64xi32, #tpu.memory_space<hbm>>, %arg6: memref<2x10016x144xf32, #tpu.memory_space<hbm>>, %arg7: memref<10016x144xf32, #tpu.memory_space<vmem_shared>>, %arg8: memref<10016xf32, #tpu.memory_space<vmem>>, %arg9: memref<10016xf32, #tpu.memory_space<vmem>>, %arg10: memref<2x16x64xi32, #tpu.memory_space<vmem>>, %arg11: memref<64xf32, #tpu.memory_space<vmem>>, %arg12: memref<2x64x64xi32, #tpu.memory_space<vmem>>, %arg13: memref<64x144xf32, #tpu.memory_space<vmem>>, %arg14: memref<2x!tpu.dma_semaphore, #tpu.memory_space<semaphore_mem>>, %arg15: memref<!tpu.dma_semaphore, #tpu.memory_space<semaphore_mem>>, %arg16: memref<2x!tpu.dma_semaphore, #tpu.memory_space<semaphore_mem>>) attributes {dimension_semantics = [#tpu.dimension_semantics<core_parallel>, #tpu.dimension_semantics<subcore_parallel>], iteration_bounds = array<i64: 2, 16>, scalar_prefetch = 0 : i64, scratch_operands = 10 : i64, tpu.core_type = #tpu.core_type<sc_vector_subcore>, window_params = [{transform_indices = #map}, {transform_indices = #map1}, {transform_indices = #map1}, {transform_indices = #map2}, {transform_indices = #map2}]} {
    %mul3A = arith.constant 2 : i32
    %mul3A_0 = arith.muli %arg1, %mul3A : i32
    %add3A = arith.addi %mul3A_0, %arg0 : i32
    %scan3A = arith.constant 0 : i32
    %scan3A_1 = arith.constant 0 : i32
    %scan3A_2 = arith.constant 64 : i32
    %scan3A_3 = arith.addi %scan3A_1, %scan3A_2 : i32
    %scan3A_4 = arith.constant 1 : i32
    %scan3A_5 = scf.for %scan3A_99 = %scan3A_1 to %scan3A_3 step %scan3A_4 iter_args(%scan3A_100 = %scan3A) -> (i32)  : i32 {
      %broadcast_in_dim3A = arith.constant 0.000000e+00 : f32
      %broadcast_in_dim3A_101 = vector.broadcast %broadcast_in_dim3A : f32 to vector<16xf32>
      %swap3A = arith.index_cast %scan3A_99 : i32 to index
      %swap3A_102 = arith.constant 0 : index
      %swap3A_103 = tpu.vector_load %arg13[%swap3A, %swap3A_102] {strides = array<i32>} : memref<64x144xf32, #tpu.memory_space<vmem>>, vector<16xf32>,
      tpu.vector_store %arg13[%swap3A, %swap3A_102], %broadcast_in_dim3A_101 {strides = array<i32>} : memref<64x144xf32, #tpu.memory_space<vmem>>, vector<16xf32>,
      %broadcast_in_dim3A_104 = arith.constant 0.000000e+00 : f32
      %broadcast_in_dim3A_105 = vector.broadcast %broadcast_in_dim3A_104 : f32 to vector<16xf32>
      %swap3A_106 = arith.index_cast %scan3A_99 : i32 to index
      %swap3A_107 = arith.constant 16 : index
      %swap3A_108 = tpu.vector_load %arg13[%swap3A_106, %swap3A_107] {strides = array<i32>} : memref<64x144xf32, #tpu.memory_space<vmem>>, vector<16xf32>,
      tpu.vector_store %arg13[%swap3A_106, %swap3A_107], %broadcast_in_dim3A_105 {strides = array<i32>} : memref<64x144xf32, #tpu.memory_space<vmem>>, vector<16xf32>,
      %broadcast_in_dim3A_109 = arith.constant 0.000000e+00 : f32
      %broadcast_in_dim3A_110 = vector.broadcast %broadcast_in_dim3A_109 : f32 to vector<16xf32>
      %swap3A_111 = arith.index_cast %scan3A_99 : i32 to index
      %swap3A_112 = arith.constant 32 : index
      %swap3A_113 = tpu.vector_load %arg13[%swap3A_111, %swap3A_112] {strides = array<i32>} : memref<64x144xf32, #tpu.memory_space<vmem>>, vector<16xf32>,
      tpu.vector_store %arg13[%swap3A_111, %swap3A_112], %broadcast_in_dim3A_110 {strides = array<i32>} : memref<64x144xf32, #tpu.memory_space<vmem>>, vector<16xf32>,
      %broadcast_in_dim3A_114 = arith.constant 0.000000e+00 : f32
      %broadcast_in_dim3A_115 = vector.broadcast %broadcast_in_dim3A_114 : f32 to vector<16xf32>
      %swap3A_116 = arith.index_cast %scan3A_99 : i32 to index
      %swap3A_117 = arith.constant 48 : index
      %swap3A_118 = tpu.vector_load %arg13[%swap3A_116, %swap3A_117] {strides = array<i32>} : memref<64x144xf32, #tpu.memory_space<vmem>>, vector<16xf32>,
      tpu.vector_store %arg13[%swap3A_116, %swap3A_117], %broadcast_in_dim3A_115 {strides = array<i32>} : memref<64x144xf32, #tpu.memory_space<vmem>>, vector<16xf32>,
      %broadcast_in_dim3A_119 = arith.constant 0.000000e+00 : f32
      %broadcast_in_dim3A_120 = vector.broadcast %broadcast_in_dim3A_119 : f32 to vector<16xf32>
      %swap3A_121 = arith.index_cast %scan3A_99 : i32 to index
      %swap3A_122 = arith.constant 64 : index
      %swap3A_123 = tpu.vector_load %arg13[%swap3A_121, %swap3A_122] {strides = array<i32>} : memref<64x144xf32, #tpu.memory_space<vmem>>, vector<16xf32>,
      tpu.vector_store %arg13[%swap3A_121, %swap3A_122], %broadcast_in_dim3A_120 {strides = array<i32>} : memref<64x144xf32, #tpu.memory_space<vmem>>, vector<16xf32>,
      %broadcast_in_dim3A_124 = arith.constant 0.000000e+00 : f32
      %broadcast_in_dim3A_125 = vector.broadcast %broadcast_in_dim3A_124 : f32 to vector<16xf32>
      %swap3A_126 = arith.index_cast %scan3A_99 : i32 to index
      %swap3A_127 = arith.constant 80 : index
      %swap3A_128 = tpu.vector_load %arg13[%swap3A_126, %swap3A_127] {strides = array<i32>} : memref<64x144xf32, #tpu.memory_space<vmem>>, vector<16xf32>,
      tpu.vector_store %arg13[%swap3A_126, %swap3A_127], %broadcast_in_dim3A_125 {strides = array<i32>} : memref<64x144xf32, #tpu.memory_space<vmem>>, vector<16xf32>,
      %broadcast_in_dim3A_129 = arith.constant 0.000000e+00 : f32
      %broadcast_in_dim3A_130 = vector.broadcast %broadcast_in_dim3A_129 : f32 to vector<16xf32>
      %swap3A_131 = arith.index_cast %scan3A_99 : i32 to index
      %swap3A_132 = arith.constant 96 : index
      %swap3A_133 = tpu.vector_load %arg13[%swap3A_131, %swap3A_132] {strides = array<i32>} : memref<64x144xf32, #tpu.memory_space<vmem>>, vector<16xf32>,
      tpu.vector_store %arg13[%swap3A_131, %swap3A_132], %broadcast_in_dim3A_130 {strides = array<i32>} : memref<64x144xf32, #tpu.memory_space<vmem>>, vector<16xf32>,
      %broadcast_in_dim3A_134 = arith.constant 0.000000e+00 : f32
      %broadcast_in_dim3A_135 = vector.broadcast %broadcast_in_dim3A_134 : f32 to vector<16xf32>
      %swap3A_136 = arith.index_cast %scan3A_99 : i32 to index
      %swap3A_137 = arith.constant 112 : index
      %swap3A_138 = tpu.vector_load %arg13[%swap3A_136, %swap3A_137] {strides = array<i32>} : memref<64x144xf32, #tpu.memory_space<vmem>>, vector<16xf32>,
      tpu.vector_store %arg13[%swap3A_136, %swap3A_137], %broadcast_in_dim3A_135 {strides = array<i32>} : memref<64x144xf32, #tpu.memory_space<vmem>>, vector<16xf32>,
      %broadcast_in_dim3A_139 = arith.constant 0.000000e+00 : f32
      %broadcast_in_dim3A_140 = vector.broadcast %broadcast_in_dim3A_139 : f32 to vector<16xf32>
      %swap3A_141 = arith.index_cast %scan3A_99 : i32 to index
      %swap3A_142 = arith.constant 128 : index
      %swap3A_143 = tpu.vector_load %arg13[%swap3A_141, %swap3A_142] {strides = array<i32>} : memref<64x144xf32, #tpu.memory_space<vmem>>, vector<16xf32>,
      tpu.vector_store %arg13[%swap3A_141, %swap3A_142], %broadcast_in_dim3A_140 {strides = array<i32>} : memref<64x144xf32, #tpu.memory_space<vmem>>, vector<16xf32>,
      %scan3A_144 = arith.constant 0 : i32
      scf.yield %scan3A_144 : i32
    }
    %scan3A_6 = arith.constant 64 : i32
    %mul3A_7 = arith.constant 626 : i32
    %mul3A_8 = arith.muli %arg1, %mul3A_7 : i32
    %add3A_9 = arith.constant 0 : i32
    %add3A_10 = arith.addi %mul3A_8, %add3A_9 : i32
    "tpu.region"() ({
      %run_scoped3A_99 = tpu.sem_alloc : memref<!tpu.dma_semaphore, #tpu.memory_space<semaphore_mem>>
      %dma_start3A_100 = arith.constant 0 : i32
      %dma_start3A_101 = tpu.memref_slice %arg7[%add3A_10, %dma_start3A_100] : memref<10016x144xf32, #tpu.memory_space<vmem_shared>> -> memref<64x144xf32, #tpu.memory_space<vmem_shared>>
      %dma_start3A_102 = arith.constant 0 : i32
      %dma_start3A_103 = tpu.memref_slice %arg7[%add3A_10, %dma_start3A_102] : memref<10016x144xf32, #tpu.memory_space<vmem_shared>> -> memref<64x144xf32, #tpu.memory_space<vmem_shared>>
      tpu.enqueue_dma source(%arg13 : memref<64x144xf32, #tpu.memory_space<vmem>>) target(%dma_start3A_103 : memref<64x144xf32, #tpu.memory_space<vmem_shared>>) target_semaphore(%run_scoped3A_99 : memref<!tpu.dma_semaphore, #tpu.memory_space<semaphore_mem>>)
      %dma_wait3A_104 = arith.constant 0 : i32
      %dma_wait3A_105 = tpu.memref_slice %arg7[%add3A_10, %dma_wait3A_104] : memref<10016x144xf32, #tpu.memory_space<vmem_shared>> -> memref<64x144xf32, #tpu.memory_space<vmem_shared>>
      %dma_wait3A_106 = arith.constant 0 : i32
      %dma_wait3A_107 = tpu.memref_slice %arg7[%add3A_10, %dma_wait3A_106] : memref<10016x144xf32, #tpu.memory_space<vmem_shared>> -> memref<64x144xf32, #tpu.memory_space<vmem_shared>>
      tpu.wait_dma2 semaphore(%run_scoped3A_99 : memref<!tpu.dma_semaphore, #tpu.memory_space<semaphore_mem>>) src(%arg13 : memref<64x144xf32, #tpu.memory_space<vmem>>) dst(%dma_wait3A_107 : memref<64x144xf32, #tpu.memory_space<vmem_shared>>)
      tpu.yield
    }) : () -> ()
    %mul3A_11 = arith.constant 626 : i32
    %mul3A_12 = arith.muli %arg1, %mul3A_11 : i32
    %add3A_13 = arith.constant 64 : i32
    %add3A_14 = arith.addi %mul3A_12, %add3A_13 : i32
    "tpu.region"() ({
      %run_scoped3A_99 = tpu.sem_alloc : memref<!tpu.dma_semaphore, #tpu.memory_space<semaphore_mem>>
      %dma_start3A_100 = arith.constant 0 : i32
      %dma_start3A_101 = tpu.memref_slice %arg7[%add3A_14, %dma_start3A_100] : memref<10016x144xf32, #tpu.memory_space<vmem_shared>> -> memref<64x144xf32, #tpu.memory_space<vmem_shared>>
      %dma_start3A_102 = arith.constant 0 : i32
      %dma_start3A_103 = tpu.memref_slice %arg7[%add3A_14, %dma_start3A_102] : memref<10016x144xf32, #tpu.memory_space<vmem_shared>> -> memref<64x144xf32, #tpu.memory_space<vmem_shared>>
      tpu.enqueue_dma source(%arg13 : memref<64x144xf32, #tpu.memory_space<vmem>>) target(%dma_start3A_103 : memref<64x144xf32, #tpu.memory_space<vmem_shared>>) target_semaphore(%run_scoped3A_99 : memref<!tpu.dma_semaphore, #tpu.memory_space<semaphore_mem>>)
      %dma_wait3A_104 = arith.constant 0 : i32
      %dma_wait3A_105 = tpu.memref_slice %arg7[%add3A_14, %dma_wait3A_104] : memref<10016x144xf32, #tpu.memory_space<vmem_shared>> -> memref<64x144xf32, #tpu.memory_space<vmem_shared>>
      %dma_wait3A_106 = arith.constant 0 : i32
      %dma_wait3A_107 = tpu.memref_slice %arg7[%add3A_14, %dma_wait3A_106] : memref<10016x144xf32, #tpu.memory_space<vmem_shared>> -> memref<64x144xf32, #tpu.memory_space<vmem_shared>>
      tpu.wait_dma2 semaphore(%run_scoped3A_99 : memref<!tpu.dma_semaphore, #tpu.memory_space<semaphore_mem>>) src(%arg13 : memref<64x144xf32, #tpu.memory_space<vmem>>) dst(%dma_wait3A_107 : memref<64x144xf32, #tpu.memory_space<vmem_shared>>)
      tpu.yield
    }) : () -> ()
    %mul3A_15 = arith.constant 626 : i32
    %mul3A_16 = arith.muli %arg1, %mul3A_15 : i32
    %add3A_17 = arith.constant 128 : i32
    %add3A_18 = arith.addi %mul3A_16, %add3A_17 : i32
    "tpu.region"() ({
      %run_scoped3A_99 = tpu.sem_alloc : memref<!tpu.dma_semaphore, #tpu.memory_space<semaphore_mem>>
      %dma_start3A_100 = arith.constant 0 : i32
      %dma_start3A_101 = tpu.memref_slice %arg7[%add3A_18, %dma_start3A_100] : memref<10016x144xf32, #tpu.memory_space<vmem_shared>> -> memref<64x144xf32, #tpu.memory_space<vmem_shared>>
      %dma_start3A_102 = arith.constant 0 : i32
      %dma_start3A_103 = tpu.memref_slice %arg7[%add3A_18, %dma_start3A_102] : memref<10016x144xf32, #tpu.memory_space<vmem_shared>> -> memref<64x144xf32, #tpu.memory_space<vmem_shared>>
      tpu.enqueue_dma source(%arg13 : memref<64x144xf32, #tpu.memory_space<vmem>>) target(%dma_start3A_103 : memref<64x144xf32, #tpu.memory_space<vmem_shared>>) target_semaphore(%run_scoped3A_99 : memref<!tpu.dma_semaphore, #tpu.memory_space<semaphore_mem>>)
      %dma_wait3A_104 = arith.constant 0 : i32
      %dma_wait3A_105 = tpu.memref_slice %arg7[%add3A_18, %dma_wait3A_104] : memref<10016x144xf32, #tpu.memory_space<vmem_shared>> -> memref<64x144xf32, #tpu.memory_space<vmem_shared>>
      %dma_wait3A_106 = arith.constant 0 : i32
      %dma_wait3A_107 = tpu.memref_slice %arg7[%add3A_18, %dma_wait3A_106] : memref<10016x144xf32, #tpu.memory_space<vmem_shared>> -> memref<64x144xf32, #tpu.memory_space<vmem_shared>>
      tpu.wait_dma2 semaphore(%run_scoped3A_99 : memref<!tpu.dma_semaphore, #tpu.memory_space<semaphore_mem>>) src(%arg13 : memref<64x144xf32, #tpu.memory_space<vmem>>) dst(%dma_wait3A_107 : memref<64x144xf32, #tpu.memory_space<vmem_shared>>)
      tpu.yield
    }) : () -> ()
    %mul3A_19 = arith.constant 626 : i32
    %mul3A_20 = arith.muli %arg1, %mul3A_19 : i32
    %add3A_21 = arith.constant 192 : i32
    %add3A_22 = arith.addi %mul3A_20, %add3A_21 : i32
    "tpu.region"() ({
      %run_scoped3A_99 = tpu.sem_alloc : memref<!tpu.dma_semaphore, #tpu.memory_space<semaphore_mem>>
      %dma_start3A_100 = arith.constant 0 : i32
      %dma_start3A_101 = tpu.memref_slice %arg7[%add3A_22, %dma_start3A_100] : memref<10016x144xf32, #tpu.memory_space<vmem_shared>> -> memref<64x144xf32, #tpu.memory_space<vmem_shared>>
      %dma_start3A_102 = arith.constant 0 : i32
      %dma_start3A_103 = tpu.memref_slice %arg7[%add3A_22, %dma_start3A_102] : memref<10016x144xf32, #tpu.memory_space<vmem_shared>> -> memref<64x144xf32, #tpu.memory_space<vmem_shared>>
      tpu.enqueue_dma source(%arg13 : memref<64x144xf32, #tpu.memory_space<vmem>>) target(%dma_start3A_103 : memref<64x144xf32, #tpu.memory_space<vmem_shared>>) target_semaphore(%run_scoped3A_99 : memref<!tpu.dma_semaphore, #tpu.memory_space<semaphore_mem>>)
      %dma_wait3A_104 = arith.constant 0 : i32
      %dma_wait3A_105 = tpu.memref_slice %arg7[%add3A_22, %dma_wait3A_104] : memref<10016x144xf32, #tpu.memory_space<vmem_shared>> -> memref<64x144xf32, #tpu.memory_space<vmem_shared>>
      %dma_wait3A_106 = arith.constant 0 : i32
      %dma_wait3A_107 = tpu.memref_slice %arg7[%add3A_22, %dma_wait3A_106] : memref<10016x144xf32, #tpu.memory_space<vmem_shared>> -> memref<64x144xf32, #tpu.memory_space<vmem_shared>>
      tpu.wait_dma2 semaphore(%run_scoped3A_99 : memref<!tpu.dma_semaphore, #tpu.memory_space<semaphore_mem>>) src(%arg13 : memref<64x144xf32, #tpu.memory_space<vmem>>) dst(%dma_wait3A_107 : memref<64x144xf32, #tpu.memory_space<vmem_shared>>)
      tpu.yield
    }) : () -> ()
    %mul3A_23 = arith.constant 626 : i32
    %mul3A_24 = arith.muli %arg1, %mul3A_23 : i32
    %add3A_25 = arith.constant 256 : i32
    %add3A_26 = arith.addi %mul3A_24, %add3A_25 : i32
    "tpu.region"() ({
      %run_scoped3A_99 = tpu.sem_alloc : memref<!tpu.dma_semaphore, #tpu.memory_space<semaphore_mem>>
      %dma_start3A_100 = arith.constant 0 : i32
      %dma_start3A_101 = tpu.memref_slice %arg7[%add3A_26, %dma_start3A_100] : memref<10016x144xf32, #tpu.memory_space<vmem_shared>> -> memref<64x144xf32, #tpu.memory_space<vmem_shared>>
      %dma_start3A_102 = arith.constant 0 : i32
      %dma_start3A_103 = tpu.memref_slice %arg7[%add3A_26, %dma_start3A_102] : memref<10016x144xf32, #tpu.memory_space<vmem_shared>> -> memref<64x144xf32, #tpu.memory_space<vmem_shared>>
      tpu.enqueue_dma source(%arg13 : memref<64x144xf32, #tpu.memory_space<vmem>>) target(%dma_start3A_103 : memref<64x144xf32, #tpu.memory_space<vmem_shared>>) target_semaphore(%run_scoped3A_99 : memref<!tpu.dma_semaphore, #tpu.memory_space<semaphore_mem>>)
      %dma_wait3A_104 = arith.constant 0 : i32
      %dma_wait3A_105 = tpu.memref_slice %arg7[%add3A_26, %dma_wait3A_104] : memref<10016x144xf32, #tpu.memory_space<vmem_shared>> -> memref<64x144xf32, #tpu.memory_space<vmem_shared>>
      %dma_wait3A_106 = arith.constant 0 : i32
      %dma_wait3A_107 = tpu.memref_slice %arg7[%add3A_26, %dma_wait3A_106] : memref<10016x144xf32, #tpu.memory_space<vmem_shared>> -> memref<64x144xf32, #tpu.memory_space<vmem_shared>>
      tpu.wait_dma2 semaphore(%run_scoped3A_99 : memref<!tpu.dma_semaphore, #tpu.memory_space<semaphore_mem>>) src(%arg13 : memref<64x144xf32, #tpu.memory_space<vmem>>) dst(%dma_wait3A_107 : memref<64x144xf32, #tpu.memory_space<vmem_shared>>)
      tpu.yield
    }) : () -> ()
    %mul3A_27 = arith.constant 626 : i32
    %mul3A_28 = arith.muli %arg1, %mul3A_27 : i32
    %add3A_29 = arith.constant 320 : i32
    %add3A_30 = arith.addi %mul3A_28, %add3A_29 : i32
    "tpu.region"() ({
      %run_scoped3A_99 = tpu.sem_alloc : memref<!tpu.dma_semaphore, #tpu.memory_space<semaphore_mem>>
      %dma_start3A_100 = arith.constant 0 : i32
      %dma_start3A_101 = tpu.memref_slice %arg7[%add3A_30, %dma_start3A_100] : memref<10016x144xf32, #tpu.memory_space<vmem_shared>> -> memref<64x144xf32, #tpu.memory_space<vmem_shared>>
      %dma_start3A_102 = arith.constant 0 : i32
      %dma_start3A_103 = tpu.memref_slice %arg7[%add3A_30, %dma_start3A_102] : memref<10016x144xf32, #tpu.memory_space<vmem_shared>> -> memref<64x144xf32, #tpu.memory_space<vmem_shared>>
      tpu.enqueue_dma source(%arg13 : memref<64x144xf32, #tpu.memory_space<vmem>>) target(%dma_start3A_103 : memref<64x144xf32, #tpu.memory_space<vmem_shared>>) target_semaphore(%run_scoped3A_99 : memref<!tpu.dma_semaphore, #tpu.memory_space<semaphore_mem>>)
      %dma_wait3A_104 = arith.constant 0 : i32
      %dma_wait3A_105 = tpu.memref_slice %arg7[%add3A_30, %dma_wait3A_104] : memref<10016x144xf32, #tpu.memory_space<vmem_shared>> -> memref<64x144xf32, #tpu.memory_space<vmem_shared>>
      %dma_wait3A_106 = arith.constant 0 : i32
      %dma_wait3A_107 = tpu.memref_slice %arg7[%add3A_30, %dma_wait3A_106] : memref<10016x144xf32, #tpu.memory_space<vmem_shared>> -> memref<64x144xf32, #tpu.memory_space<vmem_shared>>
      tpu.wait_dma2 semaphore(%run_scoped3A_99 : memref<!tpu.dma_semaphore, #tpu.memory_space<semaphore_mem>>) src(%arg13 : memref<64x144xf32, #tpu.memory_space<vmem>>) dst(%dma_wait3A_107 : memref<64x144xf32, #tpu.memory_space<vmem_shared>>)
      tpu.yield
    }) : () -> ()
    %mul3A_31 = arith.constant 626 : i32
    %mul3A_32 = arith.muli %arg1, %mul3A_31 : i32
    %add3A_33 = arith.constant 384 : i32
    %add3A_34 = arith.addi %mul3A_32, %add3A_33 : i32
    "tpu.region"() ({
      %run_scoped3A_99 = tpu.sem_alloc : memref<!tpu.dma_semaphore, #tpu.memory_space<semaphore_mem>>
      %dma_start3A_100 = arith.constant 0 : i32
      %dma_start3A_101 = tpu.memref_slice %arg7[%add3A_34, %dma_start3A_100] : memref<10016x144xf32, #tpu.memory_space<vmem_shared>> -> memref<64x144xf32, #tpu.memory_space<vmem_shared>>
      %dma_start3A_102 = arith.constant 0 : i32
      %dma_start3A_103 = tpu.memref_slice %arg7[%add3A_34, %dma_start3A_102] : memref<10016x144xf32, #tpu.memory_space<vmem_shared>> -> memref<64x144xf32, #tpu.memory_space<vmem_shared>>
      tpu.enqueue_dma source(%arg13 : memref<64x144xf32, #tpu.memory_space<vmem>>) target(%dma_start3A_103 : memref<64x144xf32, #tpu.memory_space<vmem_shared>>) target_semaphore(%run_scoped3A_99 : memref<!tpu.dma_semaphore, #tpu.memory_space<semaphore_mem>>)
      %dma_wait3A_104 = arith.constant 0 : i32
      %dma_wait3A_105 = tpu.memref_slice %arg7[%add3A_34, %dma_wait3A_104] : memref<10016x144xf32, #tpu.memory_space<vmem_shared>> -> memref<64x144xf32, #tpu.memory_space<vmem_shared>>
      %dma_wait3A_106 = arith.constant 0 : i32
      %dma_wait3A_107 = tpu.memref_slice %arg7[%add3A_34, %dma_wait3A_106] : memref<10016x144xf32, #tpu.memory_space<vmem_shared>> -> memref<64x144xf32, #tpu.memory_space<vmem_shared>>
      tpu.wait_dma2 semaphore(%run_scoped3A_99 : memref<!tpu.dma_semaphore, #tpu.memory_space<semaphore_mem>>) src(%arg13 : memref<64x144xf32, #tpu.memory_space<vmem>>) dst(%dma_wait3A_107 : memref<64x144xf32, #tpu.memory_space<vmem_shared>>)
      tpu.yield
    }) : () -> ()
    %mul3A_35 = arith.constant 626 : i32
    %mul3A_36 = arith.muli %arg1, %mul3A_35 : i32
    %add3A_37 = arith.constant 448 : i32
    %add3A_38 = arith.addi %mul3A_36, %add3A_37 : i32
    "tpu.region"() ({
      %run_scoped3A_99 = tpu.sem_alloc : memref<!tpu.dma_semaphore, #tpu.memory_space<semaphore_mem>>
      %dma_start3A_100 = arith.constant 0 : i32
      %dma_start3A_101 = tpu.memref_slice %arg7[%add3A_38, %dma_start3A_100] : memref<10016x144xf32, #tpu.memory_space<vmem_shared>> -> memref<64x144xf32, #tpu.memory_space<vmem_shared>>
      %dma_start3A_102 = arith.constant 0 : i32
      %dma_start3A_103 = tpu.memref_slice %arg7[%add3A_38, %dma_start3A_102] : memref<10016x144xf32, #tpu.memory_space<vmem_shared>> -> memref<64x144xf32, #tpu.memory_space<vmem_shared>>
      tpu.enqueue_dma source(%arg13 : memref<64x144xf32, #tpu.memory_space<vmem>>) target(%dma_start3A_103 : memref<64x144xf32, #tpu.memory_space<vmem_shared>>) target_semaphore(%run_scoped3A_99 : memref<!tpu.dma_semaphore, #tpu.memory_space<semaphore_mem>>)
      %dma_wait3A_104 = arith.constant 0 : i32
      %dma_wait3A_105 = tpu.memref_slice %arg7[%add3A_38, %dma_wait3A_104] : memref<10016x144xf32, #tpu.memory_space<vmem_shared>> -> memref<64x144xf32, #tpu.memory_space<vmem_shared>>
      %dma_wait3A_106 = arith.constant 0 : i32
      %dma_wait3A_107 = tpu.memref_slice %arg7[%add3A_38, %dma_wait3A_106] : memref<10016x144xf32, #tpu.memory_space<vmem_shared>> -> memref<64x144xf32, #tpu.memory_space<vmem_shared>>
      tpu.wait_dma2 semaphore(%run_scoped3A_99 : memref<!tpu.dma_semaphore, #tpu.memory_space<semaphore_mem>>) src(%arg13 : memref<64x144xf32, #tpu.memory_space<vmem>>) dst(%dma_wait3A_107 : memref<64x144xf32, #tpu.memory_space<vmem_shared>>)
      tpu.yield
    }) : () -> ()
    %mul3A_39 = arith.constant 626 : i32
    %mul3A_40 = arith.muli %arg1, %mul3A_39 : i32
    %add3A_41 = arith.constant 512 : i32
    %add3A_42 = arith.addi %mul3A_40, %add3A_41 : i32
    "tpu.region"() ({
      %run_scoped3A_99 = tpu.sem_alloc : memref<!tpu.dma_semaphore, #tpu.memory_space<semaphore_mem>>
      %dma_start3A_100 = arith.constant 0 : i32
      %dma_start3A_101 = tpu.memref_slice %arg7[%add3A_42, %dma_start3A_100] : memref<10016x144xf32, #tpu.memory_space<vmem_shared>> -> memref<64x144xf32, #tpu.memory_space<vmem_shared>>
      %dma_start3A_102 = arith.constant 0 : i32
      %dma_start3A_103 = tpu.memref_slice %arg7[%add3A_42, %dma_start3A_102] : memref<10016x144xf32, #tpu.memory_space<vmem_shared>> -> memref<64x144xf32, #tpu.memory_space<vmem_shared>>
      tpu.enqueue_dma source(%arg13 : memref<64x144xf32, #tpu.memory_space<vmem>>) target(%dma_start3A_103 : memref<64x144xf32, #tpu.memory_space<vmem_shared>>) target_semaphore(%run_scoped3A_99 : memref<!tpu.dma_semaphore, #tpu.memory_space<semaphore_mem>>)
      %dma_wait3A_104 = arith.constant 0 : i32
      %dma_wait3A_105 = tpu.memref_slice %arg7[%add3A_42, %dma_wait3A_104] : memref<10016x144xf32, #tpu.memory_space<vmem_shared>> -> memref<64x144xf32, #tpu.memory_space<vmem_shared>>
      %dma_wait3A_106 = arith.constant 0 : i32
      %dma_wait3A_107 = tpu.memref_slice %arg7[%add3A_42, %dma_wait3A_106] : memref<10016x144xf32, #tpu.memory_space<vmem_shared>> -> memref<64x144xf32, #tpu.memory_space<vmem_shared>>
      tpu.wait_dma2 semaphore(%run_scoped3A_99 : memref<!tpu.dma_semaphore, #tpu.memory_space<semaphore_mem>>) src(%arg13 : memref<64x144xf32, #tpu.memory_space<vmem>>) dst(%dma_wait3A_107 : memref<64x144xf32, #tpu.memory_space<vmem_shared>>)
      tpu.yield
    }) : () -> ()
    %mul3A_43 = arith.constant 626 : i32
    %mul3A_44 = arith.muli %arg1, %mul3A_43 : i32
    %add3A_45 = arith.constant 576 : i32
    %add3A_46 = arith.addi %mul3A_44, %add3A_45 : i32
    "tpu.region"() ({
      %run_scoped3A_99 = tpu.sem_alloc : memref<!tpu.dma_semaphore, #tpu.memory_space<semaphore_mem>>
      %dma_start3A_100 = arith.constant 0 : i32
      %dma_start3A_101 = arith.constant 0 : i32
      %dma_start3A_102 = tpu.memref_slice %arg13[%dma_start3A_100, %dma_start3A_101] : memref<64x144xf32, #tpu.memory_space<vmem>> -> memref<50x144xf32, #tpu.memory_space<vmem>>
      %dma_start3A_103 = arith.constant 0 : i32
      %dma_start3A_104 = tpu.memref_slice %arg7[%add3A_46, %dma_start3A_103] : memref<10016x144xf32, #tpu.memory_space<vmem_shared>> -> memref<50x144xf32, #tpu.memory_space<vmem_shared>>
      %dma_start3A_105 = arith.constant 0 : i32
      %dma_start3A_106 = tpu.memref_slice %arg7[%add3A_46, %dma_start3A_105] : memref<10016x144xf32, #tpu.memory_space<vmem_shared>> -> memref<50x144xf32, #tpu.memory_space<vmem_shared>>
      %dma_start3A_107 = arith.constant 0 : i32
      %dma_start3A_108 = arith.constant 0 : i32
      %dma_start3A_109 = tpu.memref_slice %arg13[%dma_start3A_107, %dma_start3A_108] : memref<64x144xf32, #tpu.memory_space<vmem>> -> memref<50x144xf32, #tpu.memory_space<vmem>>
      tpu.enqueue_dma source(%dma_start3A_109 : memref<50x144xf32, #tpu.memory_space<vmem>>) target(%dma_start3A_106 : memref<50x144xf32, #tpu.memory_space<vmem_shared>>) target_semaphore(%run_scoped3A_99 : memref<!tpu.dma_semaphore, #tpu.memory_space<semaphore_mem>>)
      %dma_wait3A_110 = arith.constant 0 : i32
      %dma_wait3A_111 = arith.constant 0 : i32
      %dma_wait3A_112 = tpu.memref_slice %arg13[%dma_wait3A_110, %dma_wait3A_111] : memref<64x144xf32, #tpu.memory_space<vmem>> -> memref<50x144xf32, #tpu.memory_space<vmem>>
      %dma_wait3A_113 = arith.constant 0 : i32
      %dma_wait3A_114 = tpu.memref_slice %arg7[%add3A_46, %dma_wait3A_113] : memref<10016x144xf32, #tpu.memory_space<vmem_shared>> -> memref<50x144xf32, #tpu.memory_space<vmem_shared>>
      %dma_wait3A_115 = arith.constant 0 : i32
      %dma_wait3A_116 = tpu.memref_slice %arg7[%add3A_46, %dma_wait3A_115] : memref<10016x144xf32, #tpu.memory_space<vmem_shared>> -> memref<50x144xf32, #tpu.memory_space<vmem_shared>>
      %dma_wait3A_117 = arith.constant 0 : i32
      %dma_wait3A_118 = arith.constant 0 : i32
      %dma_wait3A_119 = tpu.memref_slice %arg13[%dma_wait3A_117, %dma_wait3A_118] : memref<64x144xf32, #tpu.memory_space<vmem>> -> memref<50x144xf32, #tpu.memory_space<vmem>>
      tpu.wait_dma2 semaphore(%run_scoped3A_99 : memref<!tpu.dma_semaphore, #tpu.memory_space<semaphore_mem>>) src(%dma_wait3A_119 : memref<50x144xf32, #tpu.memory_space<vmem>>) dst(%dma_wait3A_116 : memref<50x144xf32, #tpu.memory_space<vmem_shared>>)
      tpu.yield
    }) : () -> ()
    "tpu.region"() ({
      %run_scoped3A_99 = tpu.sem_alloc : memref<!tpu.dma_semaphore, #tpu.memory_space<semaphore_mem>>
      tpu.enqueue_dma source(%arg3 : memref<10016xf32, #tpu.memory_space<hbm>>) target(%arg8 : memref<10016xf32, #tpu.memory_space<vmem>>) target_semaphore(%run_scoped3A_99 : memref<!tpu.dma_semaphore, #tpu.memory_space<semaphore_mem>>)
      tpu.wait_dma2 semaphore(%run_scoped3A_99 : memref<!tpu.dma_semaphore, #tpu.memory_space<semaphore_mem>>) src(%arg3 : memref<10016xf32, #tpu.memory_space<hbm>>) dst(%arg8 : memref<10016xf32, #tpu.memory_space<vmem>>)
      tpu.yield
    }) : () -> ()
    "tpu.region"() ({
      %run_scoped3A_99 = tpu.sem_alloc : memref<!tpu.dma_semaphore, #tpu.memory_space<semaphore_mem>>
      tpu.enqueue_dma source(%arg4 : memref<10016xf32, #tpu.memory_space<hbm>>) target(%arg9 : memref<10016xf32, #tpu.memory_space<vmem>>) target_semaphore(%run_scoped3A_99 : memref<!tpu.dma_semaphore, #tpu.memory_space<semaphore_mem>>)
      tpu.wait_dma2 semaphore(%run_scoped3A_99 : memref<!tpu.dma_semaphore, #tpu.memory_space<semaphore_mem>>) src(%arg4 : memref<10016xf32, #tpu.memory_space<hbm>>) dst(%arg9 : memref<10016xf32, #tpu.memory_space<vmem>>)
      tpu.yield
    }) : () -> ()
    %mul3A_47 = arith.constant 20 : i32
    %mul3A_48 = arith.muli %add3A, %mul3A_47 : i32
    %run_scoped3A = arith.constant 0 : i32
    "tpu.region"() ({
      %run_scoped3A_99 = tpu.sem_alloc : memref<!tpu.dma_semaphore, #tpu.memory_space<semaphore_mem>>
      %dma_start3A_100 = arith.constant 0 : i32
      %dma_start3A_101 = arith.constant 0 : i32
      %dma_start3A_102 = tpu.memref_slice %arg10[%run_scoped3A, %dma_start3A_100, %dma_start3A_101] : memref<2x16x64xi32, #tpu.memory_space<vmem>> -> memref<1x16x64xi32, #tpu.memory_space<vmem>>
      %dma_start3A_103 = tpu.memref_squeeze %dma_start3A_102 : memref<1x16x64xi32, #tpu.memory_space<vmem>> -> memref<16x64xi32, #tpu.memory_space<vmem>>
      %dma_start3A_104 = arith.constant 0 : i32
      %dma_start3A_105 = arith.constant 0 : i32
      %dma_start3A_106 = tpu.memref_slice %arg5[%mul3A_48, %dma_start3A_104, %dma_start3A_105] : memref<640x16x64xi32, #tpu.memory_space<hbm>> -> memref<1x16x64xi32, #tpu.memory_space<hbm>>
      %dma_start3A_107 = tpu.memref_squeeze %dma_start3A_106 : memref<1x16x64xi32, #tpu.memory_space<hbm>> -> memref<16x64xi32, #tpu.memory_space<hbm>>
      %dma_start3A_108 = arith.constant 0 : i32
      %dma_start3A_109 = arith.constant 0 : i32
      %dma_start3A_110 = tpu.memref_slice %arg10[%run_scoped3A, %dma_start3A_108, %dma_start3A_109] : memref<2x16x64xi32, #tpu.memory_space<vmem>> -> memref<1x16x64xi32, #tpu.memory_space<vmem>>
      %dma_start3A_111 = tpu.memref_squeeze %dma_start3A_110 : memref<1x16x64xi32, #tpu.memory_space<vmem>> -> memref<16x64xi32, #tpu.memory_space<vmem>>
      %dma_start3A_112 = arith.constant 0 : i32
      %dma_start3A_113 = arith.constant 0 : i32
      %dma_start3A_114 = tpu.memref_slice %arg5[%mul3A_48, %dma_start3A_112, %dma_start3A_113] : memref<640x16x64xi32, #tpu.memory_space<hbm>> -> memref<1x16x64xi32, #tpu.memory_space<hbm>>
      %dma_start3A_115 = tpu.memref_squeeze %dma_start3A_114 : memref<1x16x64xi32, #tpu.memory_space<hbm>> -> memref<16x64xi32, #tpu.memory_space<hbm>>
      tpu.enqueue_dma source(%dma_start3A_115 : memref<16x64xi32, #tpu.memory_space<hbm>>) target(%dma_start3A_111 : memref<16x64xi32, #tpu.memory_space<vmem>>) target_semaphore(%run_scoped3A_99 : memref<!tpu.dma_semaphore, #tpu.memory_space<semaphore_mem>>)
      %dma_wait3A_116 = arith.constant 0 : i32
      %dma_wait3A_117 = arith.constant 0 : i32
      %dma_wait3A_118 = tpu.memref_slice %arg10[%run_scoped3A, %dma_wait3A_116, %dma_wait3A_117] : memref<2x16x64xi32, #tpu.memory_space<vmem>> -> memref<1x16x64xi32, #tpu.memory_space<vmem>>
      %dma_wait3A_119 = tpu.memref_squeeze %dma_wait3A_118 : memref<1x16x64xi32, #tpu.memory_space<vmem>> -> memref<16x64xi32, #tpu.memory_space<vmem>>
      %dma_wait3A_120 = arith.constant 0 : i32
      %dma_wait3A_121 = arith.constant 0 : i32
      %dma_wait3A_122 = tpu.memref_slice %arg5[%mul3A_48, %dma_wait3A_120, %dma_wait3A_121] : memref<640x16x64xi32, #tpu.memory_space<hbm>> -> memref<1x16x64xi32, #tpu.memory_space<hbm>>
      %dma_wait3A_123 = tpu.memref_squeeze %dma_wait3A_122 : memref<1x16x64xi32, #tpu.memory_space<hbm>> -> memref<16x64xi32, #tpu.memory_space<hbm>>
      %dma_wait3A_124 = arith.constant 0 : i32
      %dma_wait3A_125 = arith.constant 0 : i32
      %dma_wait3A_126 = tpu.memref_slice %arg10[%run_scoped3A, %dma_wait3A_124, %dma_wait3A_125] : memref<2x16x64xi32, #tpu.memory_space<vmem>> -> memref<1x16x64xi32, #tpu.memory_space<vmem>>
      %dma_wait3A_127 = tpu.memref_squeeze %dma_wait3A_126 : memref<1x16x64xi32, #tpu.memory_space<vmem>> -> memref<16x64xi32, #tpu.memory_space<vmem>>
      %dma_wait3A_128 = arith.constant 0 : i32
      %dma_wait3A_129 = arith.constant 0 : i32
      %dma_wait3A_130 = tpu.memref_slice %arg5[%mul3A_48, %dma_wait3A_128, %dma_wait3A_129] : memref<640x16x64xi32, #tpu.memory_space<hbm>> -> memref<1x16x64xi32, #tpu.memory_space<hbm>>
      %dma_wait3A_131 = tpu.memref_squeeze %dma_wait3A_130 : memref<1x16x64xi32, #tpu.memory_space<hbm>> -> memref<16x64xi32, #tpu.memory_space<hbm>>
      tpu.wait_dma2 semaphore(%run_scoped3A_99 : memref<!tpu.dma_semaphore, #tpu.memory_space<semaphore_mem>>) src(%dma_wait3A_131 : memref<16x64xi32, #tpu.memory_space<hbm>>) dst(%dma_wait3A_127 : memref<16x64xi32, #tpu.memory_space<vmem>>)
      tpu.yield
    }) : () -> ()
    %barrier3A = arith.constant 0 : index
    tpu.barrier barrier_id(%barrier3A)
    %dma_start3A = arith.constant 0 : i32
    %dma_start3A_49 = arith.constant 0 : i32
    %dma_start3A_50 = arith.constant 0 : i32
    %dma_start3A_51 = arith.constant 0 : i32
    %dma_start3A_52 = arith.constant 0 : i32
    %dma_start3A_53 = arith.constant 0 : i32
    %dma_start3A_54 = tpu.memref_slice %arg12[%dma_start3A_50, %dma_start3A_52, %dma_start3A_53] : memref<2x64x64xi32, #tpu.memory_space<vmem>> -> memref<1x64x64xi32, #tpu.memory_space<vmem>>
    %dma_start3A_55 = tpu.memref_squeeze %dma_start3A_54 : memref<1x64x64xi32, #tpu.memory_space<vmem>> -> memref<64x64xi32, #tpu.memory_space<vmem>>
    %dma_start3A_56 = arith.constant 0 : i32
    %dma_start3A_57 = tpu.memref_slice %arg10[%dma_start3A, %dma_start3A_49, %dma_start3A_56] : memref<2x16x64xi32, #tpu.memory_space<vmem>> -> memref<1x1x64xi32, #tpu.memory_space<vmem>>
    %dma_start3A_58 = tpu.memref_squeeze %dma_start3A_57 : memref<1x1x64xi32, #tpu.memory_space<vmem>> -> memref<64xi32, #tpu.memory_space<vmem>>
    %dma_start3A_59 = arith.constant 0 : i32
    %dma_start3A_60 = arith.constant 0 : i32
    %dma_start3A_61 = tpu.memref_slice %arg2[%dma_start3A_59, %dma_start3A_60] : memref<10016x64xi32, #tpu.memory_space<hbm>> -> memref<10016x64xi32, #tpu.memory_space<hbm>>
    %dma_start3A_62 = tpu.memref_slice %arg14[%dma_start3A_51] : memref<2x!tpu.dma_semaphore, #tpu.memory_space<semaphore_mem>> -> memref<1x!tpu.dma_semaphore, #tpu.memory_space<semaphore_mem>>
    %dma_start3A_63 = tpu.memref_squeeze %dma_start3A_62 : memref<1x!tpu.dma_semaphore, #tpu.memory_space<semaphore_mem>> -> memref<!tpu.dma_semaphore, #tpu.memory_space<semaphore_mem>>
    tpu.enqueue_indirect_dma source(%dma_start3A_61 : memref<10016x64xi32, #tpu.memory_space<hbm>>) target(%dma_start3A_55 : memref<64x64xi32, #tpu.memory_space<vmem>>) offsets(%dma_start3A_58 : memref<64xi32, #tpu.memory_space<vmem>>) semaphore(%dma_start3A_63 : memref<!tpu.dma_semaphore, #tpu.memory_space<semaphore_mem>>)
    %scan3A_64 = arith.constant 0 : i32
    %scan3A_65 = arith.constant 0 : i32
    %scan3A_66 = arith.constant 160 : i32
    %scan3A_67 = arith.addi %scan3A_65, %scan3A_66 : i32
    %scan3A_68 = arith.constant 1 : i32
    %scan3A_69 = scf.for %scan3A_99 = %scan3A_65 to %scan3A_67 step %scan3A_68 iter_args(%scan3A_100 = %scan3A_64) -> (i32)  : i32 {
      %jit3A = arith.constant 2 : i32
      %eq3A = arith.constant 0 : i32
      %eq3A_101 = arith.cmpi eq, %jit3A, %eq3A : i32
      %jit3A_102 = arith.constant 1 : i32
      %select_n3A = arith.select %eq3A_101, %jit3A_102, %jit3A : i32
      %rem3A = arith.remsi %scan3A_99, %select_n3A : i32
      %ne3A = arith.constant 0 : i32
      %ne3A_103 = arith.cmpi ne, %rem3A, %ne3A : i32
      %lt3A = arith.constant 0 : i32
      %lt3A_104 = arith.cmpi slt, %rem3A, %lt3A : i32
      %lt3A_105 = arith.constant 0 : i32
      %lt3A_106 = arith.cmpi slt, %select_n3A, %lt3A_105 : i32
      %ne3A_107 = arith.xori %lt3A_104, %lt3A_106 : i1
      %and3A = arith.andi %ne3A_107, %ne3A_103 : i1
      %add3A_108 = arith.addi %rem3A, %select_n3A : i32
      %select_n3A_109 = arith.select %and3A, %add3A_108, %rem3A : i32
      %sub3A = arith.constant 1 : i32
      %sub3A_110 = arith.subi %sub3A, %select_n3A_109 : i32
      %jit3A_111 = arith.constant 8 : i32
      %div3A = arith.divsi %scan3A_99, %jit3A_111 : i32
      %sign3A = arith.constant 0 : i32
      %sign3A_112 = arith.cmpi sgt, %scan3A_99, %sign3A : i32
      %sign3A_113 = arith.extui %sign3A_112 : i1 to i32
      %sign3A_114 = arith.constant 0 : i32
      %sign3A_115 = arith.cmpi slt, %scan3A_99, %sign3A_114 : i32
      %sign3A_116 = arith.extui %sign3A_115 : i1 to i32
      %sign3A_117 = arith.subi %sign3A_113, %sign3A_116 : i32
      %sign3A_118 = arith.constant 0 : i32
      %sign3A_119 = arith.cmpi sgt, %jit3A_111, %sign3A_118 : i32
      %sign3A_120 = arith.extui %sign3A_119 : i1 to i32
      %sign3A_121 = arith.constant 0 : i32
      %sign3A_122 = arith.cmpi slt, %jit3A_111, %sign3A_121 : i32
      %sign3A_123 = arith.extui %sign3A_122 : i1 to i32
      %sign3A_124 = arith.subi %sign3A_120, %sign3A_123 : i32
      %ne3A_125 = arith.cmpi ne, %sign3A_117, %sign3A_124 : i32
      %rem3A_126 = arith.remsi %scan3A_99, %jit3A_111 : i32
      %ne3A_127 = arith.constant 0 : i32
      %ne3A_128 = arith.cmpi ne, %rem3A_126, %ne3A_127 : i32
      %and3A_129 = arith.andi %ne3A_125, %ne3A_128 : i1
      %sub3A_130 = arith.constant 1 : i32
      %sub3A_131 = arith.subi %div3A, %sub3A_130 : i32
      %select_n3A_132 = arith.select %and3A_129, %sub3A_131, %div3A : i32
      %jit3A_133 = arith.constant 8 : i32
      %eq3A_134 = arith.constant 0 : i32
      %eq3A_135 = arith.cmpi eq, %jit3A_133, %eq3A_134 : i32
      %jit3A_136 = arith.constant 1 : i32
      %select_n3A_137 = arith.select %eq3A_135, %jit3A_136, %jit3A_133 : i32
      %rem3A_138 = arith.remsi %scan3A_99, %select_n3A_137 : i32
      %ne3A_139 = arith.constant 0 : i32
      %ne3A_140 = arith.cmpi ne, %rem3A_138, %ne3A_139 : i32
      %lt3A_141 = arith.constant 0 : i32
      %lt3A_142 = arith.cmpi slt, %rem3A_138, %lt3A_141 : i32
      %lt3A_143 = arith.constant 0 : i32
      %lt3A_144 = arith.cmpi slt, %select_n3A_137, %lt3A_143 : i32
      %ne3A_145 = arith.xori %lt3A_142, %lt3A_144 : i1
      %and3A_146 = arith.andi %ne3A_145, %ne3A_140 : i1
      %add3A_147 = arith.addi %rem3A_138, %select_n3A_137 : i32
      %select_n3A_148 = arith.select %and3A_146, %add3A_147, %rem3A_138 : i32
      %jit3A_149 = arith.constant 2 : i32
      %eq3A_150 = arith.constant 0 : i32
      %eq3A_151 = arith.cmpi eq, %jit3A_149, %eq3A_150 : i32
      %jit3A_152 = arith.constant 1 : i32
      %select_n3A_153 = arith.select %eq3A_151, %jit3A_152, %jit3A_149 : i32
      %rem3A_154 = arith.remsi %select_n3A_132, %select_n3A_153 : i32
      %ne3A_155 = arith.constant 0 : i32
      %ne3A_156 = arith.cmpi ne, %rem3A_154, %ne3A_155 : i32
      %lt3A_157 = arith.constant 0 : i32
      %lt3A_158 = arith.cmpi slt, %rem3A_154, %lt3A_157 : i32
      %lt3A_159 = arith.constant 0 : i32
      %lt3A_160 = arith.cmpi slt, %select_n3A_153, %lt3A_159 : i32
      %ne3A_161 = arith.xori %lt3A_158, %lt3A_160 : i1
      %and3A_162 = arith.andi %ne3A_161, %ne3A_156 : i1
      %add3A_163 = arith.addi %rem3A_154, %select_n3A_153 : i32
      %select_n3A_164 = arith.select %and3A_162, %add3A_163, %rem3A_154 : i32
      %mul3A_165 = arith.constant 2 : i32
      %mul3A_166 = arith.muli %mul3A_165, %select_n3A_148 : i32
      %get3A = arith.index_cast %select_n3A_164 : i32 to index
      %get3A_167 = arith.index_cast %mul3A_166 : i32 to index
      %get3A_168 = arith.constant 0 : index
      %get3A_169 = tpu.vector_load %arg10[%get3A, %get3A_167, %get3A_168] {strides = array<i32>} : memref<2x16x64xi32, #tpu.memory_space<vmem>>, vector<16xi32>,
      %jit3A_170 = arith.constant 2 : i32
      %eq3A_171 = arith.constant 0 : i32
      %eq3A_172 = arith.cmpi eq, %jit3A_170, %eq3A_171 : i32
      %jit3A_173 = arith.constant 1 : i32
      %select_n3A_174 = arith.select %eq3A_172, %jit3A_173, %jit3A_170 : i32
      %rem3A_175 = arith.remsi %select_n3A_132, %select_n3A_174 : i32
      %ne3A_176 = arith.constant 0 : i32
      %ne3A_177 = arith.cmpi ne, %rem3A_175, %ne3A_176 : i32
      %lt3A_178 = arith.constant 0 : i32
      %lt3A_179 = arith.cmpi slt, %rem3A_175, %lt3A_178 : i32
      %lt3A_180 = arith.constant 0 : i32
      %lt3A_181 = arith.cmpi slt, %select_n3A_174, %lt3A_180 : i32
      %ne3A_182 = arith.xori %lt3A_179, %lt3A_181 : i1
      %and3A_183 = arith.andi %ne3A_182, %ne3A_177 : i1
      %add3A_184 = arith.addi %rem3A_175, %select_n3A_174 : i32
      %select_n3A_185 = arith.select %and3A_183, %add3A_184, %rem3A_175 : i32
      %mul3A_186 = arith.constant 2 : i32
      %mul3A_187 = arith.muli %mul3A_186, %select_n3A_148 : i32
      %add3A_188 = arith.constant 1 : i32
      %add3A_189 = arith.addi %mul3A_187, %add3A_188 : i32
      %get3A_190 = arith.index_cast %select_n3A_185 : i32 to index
      %get3A_191 = arith.index_cast %add3A_189 : i32 to index
      %get3A_192 = arith.constant 0 : index
      %get3A_193 = tpu.vector_load %arg10[%get3A_190, %get3A_191, %get3A_192] {strides = array<i32>} : memref<2x16x64xi32, #tpu.memory_space<vmem>>, vector<16xi32>,
      %gather3A = tpu.vector_load_idx %arg8[%get3A_169] : memref<10016xf32, #tpu.memory_space<vmem>>[vector<16xi32>], vector<16xf32>,
      %gather3A_194 = tpu.vector_load_idx %arg9[%get3A_193] : memref<10016xf32, #tpu.memory_space<vmem>>[vector<16xi32>], vector<16xf32>,
      %add3A_195 = arith.addf %gather3A, %gather3A_194 : vector<16xf32>
      %ge3A = arith.constant 0.000000e+00 : f32
      %ge3A_196 = vector.broadcast %ge3A : f32 to vector<16xf32>
      %ge3A_197 = arith.cmpf oge, %add3A_195, %ge3A_196 : vector<16xf32>
      %mul3A_198 = arith.constant 2.000000e-01 : f32
      %mul3A_199 = vector.broadcast %mul3A_198 : f32 to vector<16xf32>
      %mul3A_200 = arith.mulf %add3A_195, %mul3A_199 : vector<16xf32>
      %select_n3A_201 = arith.select %ge3A_197, %add3A_195, %mul3A_200 : vector<16xi1>, vector<16xf32>
      %exp3A = math.exp %select_n3A_201 : vector<16xf32>
      %swap3A = arith.constant 0 : index
      %swap3A_202 = tpu.vector_load %arg11[%swap3A] {strides = array<i32>} : memref<64xf32, #tpu.memory_space<vmem>>, vector<16xf32>,
      tpu.vector_store %arg11[%swap3A], %exp3A {strides = array<i32>} : memref<64xf32, #tpu.memory_space<vmem>>, vector<16xf32>,
      %jit3A_203 = arith.constant 2 : i32
      %eq3A_204 = arith.constant 0 : i32
      %eq3A_205 = arith.cmpi eq, %jit3A_203, %eq3A_204 : i32
      %jit3A_206 = arith.constant 1 : i32
      %select_n3A_207 = arith.select %eq3A_205, %jit3A_206, %jit3A_203 : i32
      %rem3A_208 = arith.remsi %select_n3A_132, %select_n3A_207 : i32
      %ne3A_209 = arith.constant 0 : i32
      %ne3A_210 = arith.cmpi ne, %rem3A_208, %ne3A_209 : i32
      %lt3A_211 = arith.constant 0 : i32
      %lt3A_212 = arith.cmpi slt, %rem3A_208, %lt3A_211 : i32
      %lt3A_213 = arith.constant 0 : i32
      %lt3A_214 = arith.cmpi slt, %select_n3A_207, %lt3A_213 : i32
      %ne3A_215 = arith.xori %lt3A_212, %lt3A_214 : i1
      %and3A_216 = arith.andi %ne3A_215, %ne3A_210 : i1
      %add3A_217 = arith.addi %rem3A_208, %select_n3A_207 : i32
      %select_n3A_218 = arith.select %and3A_216, %add3A_217, %rem3A_208 : i32
      %mul3A_219 = arith.constant 2 : i32
      %mul3A_220 = arith.muli %mul3A_219, %select_n3A_148 : i32
      %get3A_221 = arith.index_cast %select_n3A_218 : i32 to index
      %get3A_222 = arith.index_cast %mul3A_220 : i32 to index
      %get3A_223 = arith.constant 16 : index
      %get3A_224 = tpu.vector_load %arg10[%get3A_221, %get3A_222, %get3A_223] {strides = array<i32>} : memref<2x16x64xi32, #tpu.memory_space<vmem>>, vector<16xi32>,
      %jit3A_225 = arith.constant 2 : i32
      %eq3A_226 = arith.constant 0 : i32
      %eq3A_227 = arith.cmpi eq, %jit3A_225, %eq3A_226 : i32
      %jit3A_228 = arith.constant 1 : i32
      %select_n3A_229 = arith.select %eq3A_227, %jit3A_228, %jit3A_225 : i32
      %rem3A_230 = arith.remsi %select_n3A_132, %select_n3A_229 : i32
      %ne3A_231 = arith.constant 0 : i32
      %ne3A_232 = arith.cmpi ne, %rem3A_230, %ne3A_231 : i32
      %lt3A_233 = arith.constant 0 : i32
      %lt3A_234 = arith.cmpi slt, %rem3A_230, %lt3A_233 : i32
      %lt3A_235 = arith.constant 0 : i32
      %lt3A_236 = arith.cmpi slt, %select_n3A_229, %lt3A_235 : i32
      %ne3A_237 = arith.xori %lt3A_234, %lt3A_236 : i1
      %and3A_238 = arith.andi %ne3A_237, %ne3A_232 : i1
      %add3A_239 = arith.addi %rem3A_230, %select_n3A_229 : i32
      %select_n3A_240 = arith.select %and3A_238, %add3A_239, %rem3A_230 : i32
      %mul3A_241 = arith.constant 2 : i32
      %mul3A_242 = arith.muli %mul3A_241, %select_n3A_148 : i32
      %add3A_243 = arith.constant 1 : i32
      %add3A_244 = arith.addi %mul3A_242, %add3A_243 : i32
      %get3A_245 = arith.index_cast %select_n3A_240 : i32 to index
      %get3A_246 = arith.index_cast %add3A_244 : i32 to index
      %get3A_247 = arith.constant 16 : index
      %get3A_248 = tpu.vector_load %arg10[%get3A_245, %get3A_246, %get3A_247] {strides = array<i32>} : memref<2x16x64xi32, #tpu.memory_space<vmem>>, vector<16xi32>,
      %gather3A_249 = tpu.vector_load_idx %arg8[%get3A_224] : memref<10016xf32, #tpu.memory_space<vmem>>[vector<16xi32>], vector<16xf32>,
      %gather3A_250 = tpu.vector_load_idx %arg9[%get3A_248] : memref<10016xf32, #tpu.memory_space<vmem>>[vector<16xi32>], vector<16xf32>,
      %add3A_251 = arith.addf %gather3A_249, %gather3A_250 : vector<16xf32>
      %ge3A_252 = arith.constant 0.000000e+00 : f32
      %ge3A_253 = vector.broadcast %ge3A_252 : f32 to vector<16xf32>
      %ge3A_254 = arith.cmpf oge, %add3A_251, %ge3A_253 : vector<16xf32>
      %mul3A_255 = arith.constant 2.000000e-01 : f32
      %mul3A_256 = vector.broadcast %mul3A_255 : f32 to vector<16xf32>
      %mul3A_257 = arith.mulf %add3A_251, %mul3A_256 : vector<16xf32>
      %select_n3A_258 = arith.select %ge3A_254, %add3A_251, %mul3A_257 : vector<16xi1>, vector<16xf32>
      %exp3A_259 = math.exp %select_n3A_258 : vector<16xf32>
      %swap3A_260 = arith.constant 16 : index
      %swap3A_261 = tpu.vector_load %arg11[%swap3A_260] {strides = array<i32>} : memref<64xf32, #tpu.memory_space<vmem>>, vector<16xf32>,
      tpu.vector_store %arg11[%swap3A_260], %exp3A_259 {strides = array<i32>} : memref<64xf32, #tpu.memory_space<vmem>>, vector<16xf32>,
      %jit3A_262 = arith.constant 2 : i32
      %eq3A_263 = arith.constant 0 : i32
      %eq3A_264 = arith.cmpi eq, %jit3A_262, %eq3A_263 : i32
      %jit3A_265 = arith.constant 1 : i32
      %select_n3A_266 = arith.select %eq3A_264, %jit3A_265, %jit3A_262 : i32
      %rem3A_267 = arith.remsi %select_n3A_132, %select_n3A_266 : i32
      %ne3A_268 = arith.constant 0 : i32
      %ne3A_269 = arith.cmpi ne, %rem3A_267, %ne3A_268 : i32
      %lt3A_270 = arith.constant 0 : i32
      %lt3A_271 = arith.cmpi slt, %rem3A_267, %lt3A_270 : i32
      %lt3A_272 = arith.constant 0 : i32
      %lt3A_273 = arith.cmpi slt, %select_n3A_266, %lt3A_272 : i32
      %ne3A_274 = arith.xori %lt3A_271, %lt3A_273 : i1
      %and3A_275 = arith.andi %ne3A_274, %ne3A_269 : i1
      %add3A_276 = arith.addi %rem3A_267, %select_n3A_266 : i32
      %select_n3A_277 = arith.select %and3A_275, %add3A_276, %rem3A_267 : i32
      %mul3A_278 = arith.constant 2 : i32
      %mul3A_279 = arith.muli %mul3A_278, %select_n3A_148 : i32
      %get3A_280 = arith.index_cast %select_n3A_277 : i32 to index
      %get3A_281 = arith.index_cast %mul3A_279 : i32 to index
      %get3A_282 = arith.constant 32 : index
      %get3A_283 = tpu.vector_load %arg10[%get3A_280, %get3A_281, %get3A_282] {strides = array<i32>} : memref<2x16x64xi32, #tpu.memory_space<vmem>>, vector<16xi32>,
      %jit3A_284 = arith.constant 2 : i32
      %eq3A_285 = arith.constant 0 : i32
      %eq3A_286 = arith.cmpi eq, %jit3A_284, %eq3A_285 : i32
      %jit3A_287 = arith.constant 1 : i32
      %select_n3A_288 = arith.select %eq3A_286, %jit3A_287, %jit3A_284 : i32
      %rem3A_289 = arith.remsi %select_n3A_132, %select_n3A_288 : i32
      %ne3A_290 = arith.constant 0 : i32
      %ne3A_291 = arith.cmpi ne, %rem3A_289, %ne3A_290 : i32
      %lt3A_292 = arith.constant 0 : i32
      %lt3A_293 = arith.cmpi slt, %rem3A_289, %lt3A_292 : i32
      %lt3A_294 = arith.constant 0 : i32
      %lt3A_295 = arith.cmpi slt, %select_n3A_288, %lt3A_294 : i32
      %ne3A_296 = arith.xori %lt3A_293, %lt3A_295 : i1
      %and3A_297 = arith.andi %ne3A_296, %ne3A_291 : i1
      %add3A_298 = arith.addi %rem3A_289, %select_n3A_288 : i32
      %select_n3A_299 = arith.select %and3A_297, %add3A_298, %rem3A_289 : i32
      %mul3A_300 = arith.constant 2 : i32
      %mul3A_301 = arith.muli %mul3A_300, %select_n3A_148 : i32
      %add3A_302 = arith.constant 1 : i32
      %add3A_303 = arith.addi %mul3A_301, %add3A_302 : i32
      %get3A_304 = arith.index_cast %select_n3A_299 : i32 to index
      %get3A_305 = arith.index_cast %add3A_303 : i32 to index
      %get3A_306 = arith.constant 32 : index
      %get3A_307 = tpu.vector_load %arg10[%get3A_304, %get3A_305, %get3A_306] {strides = array<i32>} : memref<2x16x64xi32, #tpu.memory_space<vmem>>, vector<16xi32>,
      %gather3A_308 = tpu.vector_load_idx %arg8[%get3A_283] : memref<10016xf32, #tpu.memory_space<vmem>>[vector<16xi32>], vector<16xf32>,
      %gather3A_309 = tpu.vector_load_idx %arg9[%get3A_307] : memref<10016xf32, #tpu.memory_space<vmem>>[vector<16xi32>], vector<16xf32>,
      %add3A_310 = arith.addf %gather3A_308, %gather3A_309 : vector<16xf32>
      %ge3A_311 = arith.constant 0.000000e+00 : f32
      %ge3A_312 = vector.broadcast %ge3A_311 : f32 to vector<16xf32>
      %ge3A_313 = arith.cmpf oge, %add3A_310, %ge3A_312 : vector<16xf32>
      %mul3A_314 = arith.constant 2.000000e-01 : f32
      %mul3A_315 = vector.broadcast %mul3A_314 : f32 to vector<16xf32>
      %mul3A_316 = arith.mulf %add3A_310, %mul3A_315 : vector<16xf32>
      %select_n3A_317 = arith.select %ge3A_313, %add3A_310, %mul3A_316 : vector<16xi1>, vector<16xf32>
      %exp3A_318 = math.exp %select_n3A_317 : vector<16xf32>
      %swap3A_319 = arith.constant 32 : index
      %swap3A_320 = tpu.vector_load %arg11[%swap3A_319] {strides = array<i32>} : memref<64xf32, #tpu.memory_space<vmem>>, vector<16xf32>,
      tpu.vector_store %arg11[%swap3A_319], %exp3A_318 {strides = array<i32>} : memref<64xf32, #tpu.memory_space<vmem>>, vector<16xf32>,
      %jit3A_321 = arith.constant 2 : i32
      %eq3A_322 = arith.constant 0 : i32
      %eq3A_323 = arith.cmpi eq, %jit3A_321, %eq3A_322 : i32
      %jit3A_324 = arith.constant 1 : i32
      %select_n3A_325 = arith.select %eq3A_323, %jit3A_324, %jit3A_321 : i32
      %rem3A_326 = arith.remsi %select_n3A_132, %select_n3A_325 : i32
      %ne3A_327 = arith.constant 0 : i32
      %ne3A_328 = arith.cmpi ne, %rem3A_326, %ne3A_327 : i32
      %lt3A_329 = arith.constant 0 : i32
      %lt3A_330 = arith.cmpi slt, %rem3A_326, %lt3A_329 : i32
      %lt3A_331 = arith.constant 0 : i32
      %lt3A_332 = arith.cmpi slt, %select_n3A_325, %lt3A_331 : i32
      %ne3A_333 = arith.xori %lt3A_330, %lt3A_332 : i1
      %and3A_334 = arith.andi %ne3A_333, %ne3A_328 : i1
      %add3A_335 = arith.addi %rem3A_326, %select_n3A_325 : i32
      %select_n3A_336 = arith.select %and3A_334, %add3A_335, %rem3A_326 : i32
      %mul3A_337 = arith.constant 2 : i32
      %mul3A_338 = arith.muli %mul3A_337, %select_n3A_148 : i32
      %get3A_339 = arith.index_cast %select_n3A_336 : i32 to index
      %get3A_340 = arith.index_cast %mul3A_338 : i32 to index
      %get3A_341 = arith.constant 48 : index
      %get3A_342 = tpu.vector_load %arg10[%get3A_339, %get3A_340, %get3A_341] {strides = array<i32>} : memref<2x16x64xi32, #tpu.memory_space<vmem>>, vector<16xi32>,
      %jit3A_343 = arith.constant 2 : i32
      %eq3A_344 = arith.constant 0 : i32
      %eq3A_345 = arith.cmpi eq, %jit3A_343, %eq3A_344 : i32
      %jit3A_346 = arith.constant 1 : i32
      %select_n3A_347 = arith.select %eq3A_345, %jit3A_346, %jit3A_343 : i32
      %rem3A_348 = arith.remsi %select_n3A_132, %select_n3A_347 : i32
      %ne3A_349 = arith.constant 0 : i32
      %ne3A_350 = arith.cmpi ne, %rem3A_348, %ne3A_349 : i32
      %lt3A_351 = arith.constant 0 : i32
      %lt3A_352 = arith.cmpi slt, %rem3A_348, %lt3A_351 : i32
      %lt3A_353 = arith.constant 0 : i32
      %lt3A_354 = arith.cmpi slt, %select_n3A_347, %lt3A_353 : i32
      %ne3A_355 = arith.xori %lt3A_352, %lt3A_354 : i1
      %and3A_356 = arith.andi %ne3A_355, %ne3A_350 : i1
      %add3A_357 = arith.addi %rem3A_348, %select_n3A_347 : i32
      %select_n3A_358 = arith.select %and3A_356, %add3A_357, %rem3A_348 : i32
      %mul3A_359 = arith.constant 2 : i32
      %mul3A_360 = arith.muli %mul3A_359, %select_n3A_148 : i32
      %add3A_361 = arith.constant 1 : i32
      %add3A_362 = arith.addi %mul3A_360, %add3A_361 : i32
      %get3A_363 = arith.index_cast %select_n3A_358 : i32 to index
      %get3A_364 = arith.index_cast %add3A_362 : i32 to index
      %get3A_365 = arith.constant 48 : index
      %get3A_366 = tpu.vector_load %arg10[%get3A_363, %get3A_364, %get3A_365] {strides = array<i32>} : memref<2x16x64xi32, #tpu.memory_space<vmem>>, vector<16xi32>,
      %gather3A_367 = tpu.vector_load_idx %arg8[%get3A_342] : memref<10016xf32, #tpu.memory_space<vmem>>[vector<16xi32>], vector<16xf32>,
      %gather3A_368 = tpu.vector_load_idx %arg9[%get3A_366] : memref<10016xf32, #tpu.memory_space<vmem>>[vector<16xi32>], vector<16xf32>,
      %add3A_369 = arith.addf %gather3A_367, %gather3A_368 : vector<16xf32>
      %ge3A_370 = arith.constant 0.000000e+00 : f32
      %ge3A_371 = vector.broadcast %ge3A_370 : f32 to vector<16xf32>
      %ge3A_372 = arith.cmpf oge, %add3A_369, %ge3A_371 : vector<16xf32>
      %mul3A_373 = arith.constant 2.000000e-01 : f32
      %mul3A_374 = vector.broadcast %mul3A_373 : f32 to vector<16xf32>
      %mul3A_375 = arith.mulf %add3A_369, %mul3A_374 : vector<16xf32>
      %select_n3A_376 = arith.select %ge3A_372, %add3A_369, %mul3A_375 : vector<16xi1>, vector<16xf32>
      %exp3A_377 = math.exp %select_n3A_376 : vector<16xf32>
      %swap3A_378 = arith.constant 48 : index
      %swap3A_379 = tpu.vector_load %arg11[%swap3A_378] {strides = array<i32>} : memref<64xf32, #tpu.memory_space<vmem>>, vector<16xf32>,
      tpu.vector_store %arg11[%swap3A_378], %exp3A_377 {strides = array<i32>} : memref<64xf32, #tpu.memory_space<vmem>>, vector<16xf32>,
      %eq3A_380 = arith.constant 0 : i32
      %eq3A_381 = arith.cmpi eq, %select_n3A_148, %eq3A_380 : i32
      %convert_element_type3A = arith.extui %eq3A_381 : i1 to i32
      %cond3A = arith.constant 0 : i32
      %cond3A_382 = arith.cmpi ne, %convert_element_type3A, %cond3A : i32
      scf.if %cond3A_382 {
        %add3A_607 = arith.constant 1 : i32
        %add3A_608 = arith.addi %select_n3A_132, %add3A_607 : i32
        %min3A_609 = arith.constant 19 : i32
        %min3A_610 = arith.minsi %add3A_608, %min3A_609 : i32
        %add3A_611 = arith.constant 1 : i32
        %add3A_612 = arith.addi %select_n3A_132, %add3A_611 : i32
        %jit3A_613 = arith.constant 2 : i32
        %eq3A_614 = arith.constant 0 : i32
        %eq3A_615 = arith.cmpi eq, %jit3A_613, %eq3A_614 : i32
        %jit3A_616 = arith.constant 1 : i32
        %select_n3A_617 = arith.select %eq3A_615, %jit3A_616, %jit3A_613 : i32
        %rem3A_618 = arith.remsi %add3A_612, %select_n3A_617 : i32
        %ne3A_619 = arith.constant 0 : i32
        %ne3A_620 = arith.cmpi ne, %rem3A_618, %ne3A_619 : i32
        %lt3A_621 = arith.constant 0 : i32
        %lt3A_622 = arith.cmpi slt, %rem3A_618, %lt3A_621 : i32
        %lt3A_623 = arith.constant 0 : i32
        %lt3A_624 = arith.cmpi slt, %select_n3A_617, %lt3A_623 : i32
        %ne3A_625 = arith.xori %lt3A_622, %lt3A_624 : i1
        %and3A_626 = arith.andi %ne3A_625, %ne3A_620 : i1
        %add3A_627 = arith.addi %rem3A_618, %select_n3A_617 : i32
        %select_n3A_628 = arith.select %and3A_626, %add3A_627, %rem3A_618 : i32
        %mul3A_629 = arith.constant 20 : i32
        %mul3A_630 = arith.muli %add3A, %mul3A_629 : i32
        %add3A_631 = arith.addi %mul3A_630, %min3A_610 : i32
        %dma_start3A_632 = arith.constant 0 : i32
        %dma_start3A_633 = arith.constant 0 : i32
        %dma_start3A_634 = tpu.memref_slice %arg10[%select_n3A_628, %dma_start3A_632, %dma_start3A_633] : memref<2x16x64xi32, #tpu.memory_space<vmem>> -> memref<1x16x64xi32, #tpu.memory_space<vmem>>
        %dma_start3A_635 = tpu.memref_squeeze %dma_start3A_634 : memref<1x16x64xi32, #tpu.memory_space<vmem>> -> memref<16x64xi32, #tpu.memory_space<vmem>>
        %dma_start3A_636 = arith.constant 0 : i32
        %dma_start3A_637 = arith.constant 0 : i32
        %dma_start3A_638 = tpu.memref_slice %arg5[%add3A_631, %dma_start3A_636, %dma_start3A_637] : memref<640x16x64xi32, #tpu.memory_space<hbm>> -> memref<1x16x64xi32, #tpu.memory_space<hbm>>
        %dma_start3A_639 = tpu.memref_squeeze %dma_start3A_638 : memref<1x16x64xi32, #tpu.memory_space<hbm>> -> memref<16x64xi32, #tpu.memory_space<hbm>>
        %dma_start3A_640 = tpu.memref_slice %arg16[%select_n3A_628] : memref<2x!tpu.dma_semaphore, #tpu.memory_space<semaphore_mem>> -> memref<1x!tpu.dma_semaphore, #tpu.memory_space<semaphore_mem>>
        %dma_start3A_641 = tpu.memref_squeeze %dma_start3A_640 : memref<1x!tpu.dma_semaphore, #tpu.memory_space<semaphore_mem>> -> memref<!tpu.dma_semaphore, #tpu.memory_space<semaphore_mem>>
        %dma_start3A_642 = arith.constant 0 : i32
        %dma_start3A_643 = arith.constant 0 : i32
        %dma_start3A_644 = tpu.memref_slice %arg10[%select_n3A_628, %dma_start3A_642, %dma_start3A_643] : memref<2x16x64xi32, #tpu.memory_space<vmem>> -> memref<1x16x64xi32, #tpu.memory_space<vmem>>
        %dma_start3A_645 = tpu.memref_squeeze %dma_start3A_644 : memref<1x16x64xi32, #tpu.memory_space<vmem>> -> memref<16x64xi32, #tpu.memory_space<vmem>>
        %dma_start3A_646 = arith.constant 0 : i32
        %dma_start3A_647 = arith.constant 0 : i32
        %dma_start3A_648 = tpu.memref_slice %arg5[%add3A_631, %dma_start3A_646, %dma_start3A_647] : memref<640x16x64xi32, #tpu.memory_space<hbm>> -> memref<1x16x64xi32, #tpu.memory_space<hbm>>
        %dma_start3A_649 = tpu.memref_squeeze %dma_start3A_648 : memref<1x16x64xi32, #tpu.memory_space<hbm>> -> memref<16x64xi32, #tpu.memory_space<hbm>>
        tpu.enqueue_dma source(%dma_start3A_649 : memref<16x64xi32, #tpu.memory_space<hbm>>) target(%dma_start3A_645 : memref<16x64xi32, #tpu.memory_space<vmem>>) target_semaphore(%dma_start3A_641 : memref<!tpu.dma_semaphore, #tpu.memory_space<semaphore_mem>>)
      } else {
      }
      %eq3A_383 = arith.constant 7 : i32
      %eq3A_384 = arith.cmpi eq, %select_n3A_148, %eq3A_383 : i32
      %convert_element_type3A_385 = arith.extui %eq3A_384 : i1 to i32
      %cond3A_386 = arith.constant 0 : i32
      %cond3A_387 = arith.cmpi ne, %convert_element_type3A_385, %cond3A_386 : i32
      scf.if %cond3A_387 {
        %mul3A_607 = arith.constant 20 : i32
        %mul3A_608 = arith.muli %add3A, %mul3A_607 : i32
        %add3A_609 = arith.constant 1 : i32
        %add3A_610 = arith.addi %select_n3A_132, %add3A_609 : i32
        %jit3A_611 = arith.constant 2 : i32
        %eq3A_612 = arith.constant 0 : i32
        %eq3A_613 = arith.cmpi eq, %jit3A_611, %eq3A_612 : i32
        %jit3A_614 = arith.constant 1 : i32
        %select_n3A_615 = arith.select %eq3A_613, %jit3A_614, %jit3A_611 : i32
        %rem3A_616 = arith.remsi %add3A_610, %select_n3A_615 : i32
        %ne3A_617 = arith.constant 0 : i32
        %ne3A_618 = arith.cmpi ne, %rem3A_616, %ne3A_617 : i32
        %lt3A_619 = arith.constant 0 : i32
        %lt3A_620 = arith.cmpi slt, %rem3A_616, %lt3A_619 : i32
        %lt3A_621 = arith.constant 0 : i32
        %lt3A_622 = arith.cmpi slt, %select_n3A_615, %lt3A_621 : i32
        %ne3A_623 = arith.xori %lt3A_620, %lt3A_622 : i1
        %and3A_624 = arith.andi %ne3A_623, %ne3A_618 : i1
        %add3A_625 = arith.addi %rem3A_616, %select_n3A_615 : i32
        %select_n3A_626 = arith.select %and3A_624, %add3A_625, %rem3A_616 : i32
        %add3A_627 = arith.constant 1 : i32
        %add3A_628 = arith.addi %select_n3A_132, %add3A_627 : i32
        %jit3A_629 = arith.constant 2 : i32
        %eq3A_630 = arith.constant 0 : i32
        %eq3A_631 = arith.cmpi eq, %jit3A_629, %eq3A_630 : i32
        %jit3A_632 = arith.constant 1 : i32
        %select_n3A_633 = arith.select %eq3A_631, %jit3A_632, %jit3A_629 : i32
        %rem3A_634 = arith.remsi %add3A_628, %select_n3A_633 : i32
        %ne3A_635 = arith.constant 0 : i32
        %ne3A_636 = arith.cmpi ne, %rem3A_634, %ne3A_635 : i32
        %lt3A_637 = arith.constant 0 : i32
        %lt3A_638 = arith.cmpi slt, %rem3A_634, %lt3A_637 : i32
        %lt3A_639 = arith.constant 0 : i32
        %lt3A_640 = arith.cmpi slt, %select_n3A_633, %lt3A_639 : i32
        %ne3A_641 = arith.xori %lt3A_638, %lt3A_640 : i1
        %and3A_642 = arith.andi %ne3A_641, %ne3A_636 : i1
        %add3A_643 = arith.addi %rem3A_634, %select_n3A_633 : i32
        %select_n3A_644 = arith.select %and3A_642, %add3A_643, %rem3A_634 : i32
        %dma_wait3A_645 = arith.constant 0 : i32
        %dma_wait3A_646 = arith.constant 0 : i32
        %dma_wait3A_647 = tpu.memref_slice %arg10[%select_n3A_626, %dma_wait3A_645, %dma_wait3A_646] : memref<2x16x64xi32, #tpu.memory_space<vmem>> -> memref<1x16x64xi32, #tpu.memory_space<vmem>>
        %dma_wait3A_648 = tpu.memref_squeeze %dma_wait3A_647 : memref<1x16x64xi32, #tpu.memory_space<vmem>> -> memref<16x64xi32, #tpu.memory_space<vmem>>
        %dma_wait3A_649 = arith.constant 0 : i32
        %dma_wait3A_650 = arith.constant 0 : i32
        %dma_wait3A_651 = tpu.memref_slice %arg5[%mul3A_608, %dma_wait3A_649, %dma_wait3A_650] : memref<640x16x64xi32, #tpu.memory_space<hbm>> -> memref<1x16x64xi32, #tpu.memory_space<hbm>>
        %dma_wait3A_652 = tpu.memref_squeeze %dma_wait3A_651 : memref<1x16x64xi32, #tpu.memory_space<hbm>> -> memref<16x64xi32, #tpu.memory_space<hbm>>
        %dma_wait3A_653 = tpu.memref_slice %arg16[%select_n3A_644] : memref<2x!tpu.dma_semaphore, #tpu.memory_space<semaphore_mem>> -> memref<1x!tpu.dma_semaphore, #tpu.memory_space<semaphore_mem>>
        %dma_wait3A_654 = tpu.memref_squeeze %dma_wait3A_653 : memref<1x!tpu.dma_semaphore, #tpu.memory_space<semaphore_mem>> -> memref<!tpu.dma_semaphore, #tpu.memory_space<semaphore_mem>>
        %dma_wait3A_655 = arith.constant 0 : i32
        %dma_wait3A_656 = arith.constant 0 : i32
        %dma_wait3A_657 = tpu.memref_slice %arg10[%select_n3A_626, %dma_wait3A_655, %dma_wait3A_656] : memref<2x16x64xi32, #tpu.memory_space<vmem>> -> memref<1x16x64xi32, #tpu.memory_space<vmem>>
        %dma_wait3A_658 = tpu.memref_squeeze %dma_wait3A_657 : memref<1x16x64xi32, #tpu.memory_space<vmem>> -> memref<16x64xi32, #tpu.memory_space<vmem>>
        %dma_wait3A_659 = arith.constant 0 : i32
        %dma_wait3A_660 = arith.constant 0 : i32
        %dma_wait3A_661 = tpu.memref_slice %arg5[%mul3A_608, %dma_wait3A_659, %dma_wait3A_660] : memref<640x16x64xi32, #tpu.memory_space<hbm>> -> memref<1x16x64xi32, #tpu.memory_space<hbm>>
        %dma_wait3A_662 = tpu.memref_squeeze %dma_wait3A_661 : memref<1x16x64xi32, #tpu.memory_space<hbm>> -> memref<16x64xi32, #tpu.memory_space<hbm>>
        tpu.wait_dma2 semaphore(%dma_wait3A_654 : memref<!tpu.dma_semaphore, #tpu.memory_space<semaphore_mem>>) src(%dma_wait3A_662 : memref<16x64xi32, #tpu.memory_space<hbm>>) dst(%dma_wait3A_658 : memref<16x64xi32, #tpu.memory_space<vmem>>)
      } else {
      }
      %jit3A_388 = arith.constant 8 : i32
      %div3A_389 = arith.divsi %scan3A_99, %jit3A_388 : i32
      %sign3A_390 = arith.constant 0 : i32
      %sign3A_391 = arith.cmpi sgt, %scan3A_99, %sign3A_390 : i32
      %sign3A_392 = arith.extui %sign3A_391 : i1 to i32
      %sign3A_393 = arith.constant 0 : i32
      %sign3A_394 = arith.cmpi slt, %scan3A_99, %sign3A_393 : i32
      %sign3A_395 = arith.extui %sign3A_394 : i1 to i32
      %sign3A_396 = arith.subi %sign3A_392, %sign3A_395 : i32
      %sign3A_397 = arith.constant 0 : i32
      %sign3A_398 = arith.cmpi sgt, %jit3A_388, %sign3A_397 : i32
      %sign3A_399 = arith.extui %sign3A_398 : i1 to i32
      %sign3A_400 = arith.constant 0 : i32
      %sign3A_401 = arith.cmpi slt, %jit3A_388, %sign3A_400 : i32
      %sign3A_402 = arith.extui %sign3A_401 : i1 to i32
      %sign3A_403 = arith.subi %sign3A_399, %sign3A_402 : i32
      %ne3A_404 = arith.cmpi ne, %sign3A_396, %sign3A_403 : i32
      %rem3A_405 = arith.remsi %scan3A_99, %jit3A_388 : i32
      %ne3A_406 = arith.constant 0 : i32
      %ne3A_407 = arith.cmpi ne, %rem3A_405, %ne3A_406 : i32
      %and3A_408 = arith.andi %ne3A_404, %ne3A_407 : i1
      %sub3A_409 = arith.constant 1 : i32
      %sub3A_410 = arith.subi %div3A_389, %sub3A_409 : i32
      %select_n3A_411 = arith.select %and3A_408, %sub3A_410, %div3A_389 : i32
      %jit3A_412 = arith.constant 8 : i32
      %eq3A_413 = arith.constant 0 : i32
      %eq3A_414 = arith.cmpi eq, %jit3A_412, %eq3A_413 : i32
      %jit3A_415 = arith.constant 1 : i32
      %select_n3A_416 = arith.select %eq3A_414, %jit3A_415, %jit3A_412 : i32
      %rem3A_417 = arith.remsi %scan3A_99, %select_n3A_416 : i32
      %ne3A_418 = arith.constant 0 : i32
      %ne3A_419 = arith.cmpi ne, %rem3A_417, %ne3A_418 : i32
      %lt3A_420 = arith.constant 0 : i32
      %lt3A_421 = arith.cmpi slt, %rem3A_417, %lt3A_420 : i32
      %lt3A_422 = arith.constant 0 : i32
      %lt3A_423 = arith.cmpi slt, %select_n3A_416, %lt3A_422 : i32
      %ne3A_424 = arith.xori %lt3A_421, %lt3A_423 : i1
      %and3A_425 = arith.andi %ne3A_424, %ne3A_419 : i1
      %add3A_426 = arith.addi %rem3A_417, %select_n3A_416 : i32
      %select_n3A_427 = arith.select %and3A_425, %add3A_426, %rem3A_417 : i32
      %jit3A_428 = arith.constant 2 : i32
      %eq3A_429 = arith.constant 0 : i32
      %eq3A_430 = arith.cmpi eq, %jit3A_428, %eq3A_429 : i32
      %jit3A_431 = arith.constant 1 : i32
      %select_n3A_432 = arith.select %eq3A_430, %jit3A_431, %jit3A_428 : i32
      %rem3A_433 = arith.remsi %select_n3A_411, %select_n3A_432 : i32
      %ne3A_434 = arith.constant 0 : i32
      %ne3A_435 = arith.cmpi ne, %rem3A_433, %ne3A_434 : i32
      %lt3A_436 = arith.constant 0 : i32
      %lt3A_437 = arith.cmpi slt, %rem3A_433, %lt3A_436 : i32
      %lt3A_438 = arith.constant 0 : i32
      %lt3A_439 = arith.cmpi slt, %select_n3A_432, %lt3A_438 : i32
      %ne3A_440 = arith.xori %lt3A_437, %lt3A_439 : i1
      %and3A_441 = arith.andi %ne3A_440, %ne3A_435 : i1
      %add3A_442 = arith.addi %rem3A_433, %select_n3A_432 : i32
      %select_n3A_443 = arith.select %and3A_441, %add3A_442, %rem3A_433 : i32
      %mul3A_444 = arith.constant 2 : i32
      %mul3A_445 = arith.muli %mul3A_444, %select_n3A_427 : i32
      %dma_wait3A_446 = arith.constant 0 : i32
      %dma_wait3A_447 = arith.constant 0 : i32
      %dma_wait3A_448 = tpu.memref_slice %arg12[%select_n3A_109, %dma_wait3A_446, %dma_wait3A_447] : memref<2x64x64xi32, #tpu.memory_space<vmem>> -> memref<1x64x64xi32, #tpu.memory_space<vmem>>
      %dma_wait3A_449 = tpu.memref_squeeze %dma_wait3A_448 : memref<1x64x64xi32, #tpu.memory_space<vmem>> -> memref<64x64xi32, #tpu.memory_space<vmem>>
      %dma_wait3A_450 = arith.constant 0 : i32
      %dma_wait3A_451 = tpu.memref_slice %arg10[%select_n3A_443, %mul3A_445, %dma_wait3A_450] : memref<2x16x64xi32, #tpu.memory_space<vmem>> -> memref<1x1x64xi32, #tpu.memory_space<vmem>>
      %dma_wait3A_452 = tpu.memref_squeeze %dma_wait3A_451 : memref<1x1x64xi32, #tpu.memory_space<vmem>> -> memref<64xi32, #tpu.memory_space<vmem>>
      %dma_wait3A_453 = arith.constant 0 : i32
      %dma_wait3A_454 = arith.constant 0 : i32
      %dma_wait3A_455 = tpu.memref_slice %arg2[%dma_wait3A_453, %dma_wait3A_454] : memref<10016x64xi32, #tpu.memory_space<hbm>> -> memref<10016x64xi32, #tpu.memory_space<hbm>>
      %dma_wait3A_456 = tpu.memref_slice %arg14[%select_n3A_109] : memref<2x!tpu.dma_semaphore, #tpu.memory_space<semaphore_mem>> -> memref<1x!tpu.dma_semaphore, #tpu.memory_space<semaphore_mem>>
      %dma_wait3A_457 = tpu.memref_squeeze %dma_wait3A_456 : memref<1x!tpu.dma_semaphore, #tpu.memory_space<semaphore_mem>> -> memref<!tpu.dma_semaphore, #tpu.memory_space<semaphore_mem>>
      tpu.wait_indirect_dma semaphore(%dma_wait3A_457 : memref<!tpu.dma_semaphore, #tpu.memory_space<semaphore_mem>>) src(%dma_wait3A_455 : memref<10016x64xi32, #tpu.memory_space<hbm>>) dst(%dma_wait3A_449 : memref<64x64xi32, #tpu.memory_space<vmem>>)
      %gt3A = arith.constant 0 : i32
      %gt3A_458 = arith.cmpi sgt, %scan3A_99, %gt3A : i32
      %convert_element_type3A_459 = arith.extui %gt3A_458 : i1 to i32
      %cond3A_460 = arith.constant 0 : i32
      %cond3A_461 = arith.cmpi ne, %convert_element_type3A_459, %cond3A_460 : i32
      scf.if %cond3A_461 {
        %sub3A_607 = arith.constant 1 : i32
        %sub3A_608 = arith.subi %scan3A_99, %sub3A_607 : i32
        %jit3A_609 = arith.constant 8 : i32
        %div3A_610 = arith.divsi %sub3A_608, %jit3A_609 : i32
        %sign3A_611 = arith.constant 0 : i32
        %sign3A_612 = arith.cmpi sgt, %sub3A_608, %sign3A_611 : i32
        %sign3A_613 = arith.extui %sign3A_612 : i1 to i32
        %sign3A_614 = arith.constant 0 : i32
        %sign3A_615 = arith.cmpi slt, %sub3A_608, %sign3A_614 : i32
        %sign3A_616 = arith.extui %sign3A_615 : i1 to i32
        %sign3A_617 = arith.subi %sign3A_613, %sign3A_616 : i32
        %sign3A_618 = arith.constant 0 : i32
        %sign3A_619 = arith.cmpi sgt, %jit3A_609, %sign3A_618 : i32
        %sign3A_620 = arith.extui %sign3A_619 : i1 to i32
        %sign3A_621 = arith.constant 0 : i32
        %sign3A_622 = arith.cmpi slt, %jit3A_609, %sign3A_621 : i32
        %sign3A_623 = arith.extui %sign3A_622 : i1 to i32
        %sign3A_624 = arith.subi %sign3A_620, %sign3A_623 : i32
        %ne3A_625 = arith.cmpi ne, %sign3A_617, %sign3A_624 : i32
        %rem3A_626 = arith.remsi %sub3A_608, %jit3A_609 : i32
        %ne3A_627 = arith.constant 0 : i32
        %ne3A_628 = arith.cmpi ne, %rem3A_626, %ne3A_627 : i32
        %and3A_629 = arith.andi %ne3A_625, %ne3A_628 : i1
        %sub3A_630 = arith.constant 1 : i32
        %sub3A_631 = arith.subi %div3A_610, %sub3A_630 : i32
        %select_n3A_632 = arith.select %and3A_629, %sub3A_631, %div3A_610 : i32
        %jit3A_633 = arith.constant 8 : i32
        %eq3A_634 = arith.constant 0 : i32
        %eq3A_635 = arith.cmpi eq, %jit3A_633, %eq3A_634 : i32
        %jit3A_636 = arith.constant 1 : i32
        %select_n3A_637 = arith.select %eq3A_635, %jit3A_636, %jit3A_633 : i32
        %rem3A_638 = arith.remsi %sub3A_608, %select_n3A_637 : i32
        %ne3A_639 = arith.constant 0 : i32
        %ne3A_640 = arith.cmpi ne, %rem3A_638, %ne3A_639 : i32
        %lt3A_641 = arith.constant 0 : i32
        %lt3A_642 = arith.cmpi slt, %rem3A_638, %lt3A_641 : i32
        %lt3A_643 = arith.constant 0 : i32
        %lt3A_644 = arith.cmpi slt, %select_n3A_637, %lt3A_643 : i32
        %ne3A_645 = arith.xori %lt3A_642, %lt3A_644 : i1
        %and3A_646 = arith.andi %ne3A_645, %ne3A_640 : i1
        %add3A_647 = arith.addi %rem3A_638, %select_n3A_637 : i32
        %select_n3A_648 = arith.select %and3A_646, %add3A_647, %rem3A_638 : i32
        %jit3A_649 = arith.constant 2 : i32
        %eq3A_650 = arith.constant 0 : i32
        %eq3A_651 = arith.cmpi eq, %jit3A_649, %eq3A_650 : i32
        %jit3A_652 = arith.constant 1 : i32
        %select_n3A_653 = arith.select %eq3A_651, %jit3A_652, %jit3A_649 : i32
        %rem3A_654 = arith.remsi %select_n3A_632, %select_n3A_653 : i32
        %ne3A_655 = arith.constant 0 : i32
        %ne3A_656 = arith.cmpi ne, %rem3A_654, %ne3A_655 : i32
        %lt3A_657 = arith.constant 0 : i32
        %lt3A_658 = arith.cmpi slt, %rem3A_654, %lt3A_657 : i32
        %lt3A_659 = arith.constant 0 : i32
        %lt3A_660 = arith.cmpi slt, %select_n3A_653, %lt3A_659 : i32
        %ne3A_661 = arith.xori %lt3A_658, %lt3A_660 : i1
        %and3A_662 = arith.andi %ne3A_661, %ne3A_656 : i1
        %add3A_663 = arith.addi %rem3A_654, %select_n3A_653 : i32
        %select_n3A_664 = arith.select %and3A_662, %add3A_663, %rem3A_654 : i32
        %mul3A_665 = arith.constant 2 : i32
        %mul3A_666 = arith.muli %mul3A_665, %select_n3A_648 : i32
        %add3A_667 = arith.constant 1 : i32
        %add3A_668 = arith.addi %mul3A_666, %add3A_667 : i32
        %dma_wait3A_669 = arith.constant 0 : i32
        %dma_wait3A_670 = tpu.memref_slice %arg10[%select_n3A_664, %add3A_668, %dma_wait3A_669] : memref<2x16x64xi32, #tpu.memory_space<vmem>> -> memref<1x1x64xi32, #tpu.memory_space<vmem>>
        %dma_wait3A_671 = tpu.memref_squeeze %dma_wait3A_670 : memref<1x1x64xi32, #tpu.memory_space<vmem>> -> memref<64xi32, #tpu.memory_space<vmem>>
        %dma_wait3A_672 = arith.constant 0 : i32
        %dma_wait3A_673 = arith.constant 0 : i32
        %dma_wait3A_674 = tpu.memref_slice %arg7[%dma_wait3A_672, %dma_wait3A_673] : memref<10016x144xf32, #tpu.memory_space<vmem_shared>> -> memref<10016x144xf32, #tpu.memory_space<vmem_shared>>
        tpu.wait_indirect_dma semaphore(%arg15 : memref<!tpu.dma_semaphore, #tpu.memory_space<semaphore_mem>>) src(%arg13 : memref<64x144xf32, #tpu.memory_space<vmem>>) dst(%dma_wait3A_674 : memref<10016x144xf32, #tpu.memory_space<vmem_shared>>)
      } else {
      }
      %add3A_462 = arith.constant 1 : i32
      %add3A_463 = arith.addi %scan3A_99, %add3A_462 : i32
      %min3A = arith.constant 159 : i32
      %min3A_464 = arith.minsi %add3A_463, %min3A : i32
      %jit3A_465 = arith.constant 8 : i32
      %div3A_466 = arith.divsi %min3A_464, %jit3A_465 : i32
      %sign3A_467 = arith.constant 0 : i32
      %sign3A_468 = arith.cmpi sgt, %min3A_464, %sign3A_467 : i32
      %sign3A_469 = arith.extui %sign3A_468 : i1 to i32
      %sign3A_470 = arith.constant 0 : i32
      %sign3A_471 = arith.cmpi slt, %min3A_464, %sign3A_470 : i32
      %sign3A_472 = arith.extui %sign3A_471 : i1 to i32
      %sign3A_473 = arith.subi %sign3A_469, %sign3A_472 : i32
      %sign3A_474 = arith.constant 0 : i32
      %sign3A_475 = arith.cmpi sgt, %jit3A_465, %sign3A_474 : i32
      %sign3A_476 = arith.extui %sign3A_475 : i1 to i32
      %sign3A_477 = arith.constant 0 : i32
      %sign3A_478 = arith.cmpi slt, %jit3A_465, %sign3A_477 : i32
      %sign3A_479 = arith.extui %sign3A_478 : i1 to i32
      %sign3A_480 = arith.subi %sign3A_476, %sign3A_479 : i32
      %ne3A_481 = arith.cmpi ne, %sign3A_473, %sign3A_480 : i32
      %rem3A_482 = arith.remsi %min3A_464, %jit3A_465 : i32
      %ne3A_483 = arith.constant 0 : i32
      %ne3A_484 = arith.cmpi ne, %rem3A_482, %ne3A_483 : i32
      %and3A_485 = arith.andi %ne3A_481, %ne3A_484 : i1
      %sub3A_486 = arith.constant 1 : i32
      %sub3A_487 = arith.subi %div3A_466, %sub3A_486 : i32
      %select_n3A_488 = arith.select %and3A_485, %sub3A_487, %div3A_466 : i32
      %jit3A_489 = arith.constant 8 : i32
      %eq3A_490 = arith.constant 0 : i32
      %eq3A_491 = arith.cmpi eq, %jit3A_489, %eq3A_490 : i32
      %jit3A_492 = arith.constant 1 : i32
      %select_n3A_493 = arith.select %eq3A_491, %jit3A_492, %jit3A_489 : i32
      %rem3A_494 = arith.remsi %min3A_464, %select_n3A_493 : i32
      %ne3A_495 = arith.constant 0 : i32
      %ne3A_496 = arith.cmpi ne, %rem3A_494, %ne3A_495 : i32
      %lt3A_497 = arith.constant 0 : i32
      %lt3A_498 = arith.cmpi slt, %rem3A_494, %lt3A_497 : i32
      %lt3A_499 = arith.constant 0 : i32
      %lt3A_500 = arith.cmpi slt, %select_n3A_493, %lt3A_499 : i32
      %ne3A_501 = arith.xori %lt3A_498, %lt3A_500 : i1
      %and3A_502 = arith.andi %ne3A_501, %ne3A_496 : i1
      %add3A_503 = arith.addi %rem3A_494, %select_n3A_493 : i32
      %select_n3A_504 = arith.select %and3A_502, %add3A_503, %rem3A_494 : i32
      %jit3A_505 = arith.constant 2 : i32
      %eq3A_506 = arith.constant 0 : i32
      %eq3A_507 = arith.cmpi eq, %jit3A_505, %eq3A_506 : i32
      %jit3A_508 = arith.constant 1 : i32
      %select_n3A_509 = arith.select %eq3A_507, %jit3A_508, %jit3A_505 : i32
      %rem3A_510 = arith.remsi %select_n3A_488, %select_n3A_509 : i32
      %ne3A_511 = arith.constant 0 : i32
      %ne3A_512 = arith.cmpi ne, %rem3A_510, %ne3A_511 : i32
      %lt3A_513 = arith.constant 0 : i32
      %lt3A_514 = arith.cmpi slt, %rem3A_510, %lt3A_513 : i32
      %lt3A_515 = arith.constant 0 : i32
      %lt3A_516 = arith.cmpi slt, %select_n3A_509, %lt3A_515 : i32
      %ne3A_517 = arith.xori %lt3A_514, %lt3A_516 : i1
      %and3A_518 = arith.andi %ne3A_517, %ne3A_512 : i1
      %add3A_519 = arith.addi %rem3A_510, %select_n3A_509 : i32
      %select_n3A_520 = arith.select %and3A_518, %add3A_519, %rem3A_510 : i32
      %mul3A_521 = arith.constant 2 : i32
      %mul3A_522 = arith.muli %mul3A_521, %select_n3A_504 : i32
      %dma_start3A_523 = arith.constant 0 : i32
      %dma_start3A_524 = arith.constant 0 : i32
      %dma_start3A_525 = tpu.memref_slice %arg12[%sub3A_110, %dma_start3A_523, %dma_start3A_524] : memref<2x64x64xi32, #tpu.memory_space<vmem>> -> memref<1x64x64xi32, #tpu.memory_space<vmem>>
      %dma_start3A_526 = tpu.memref_squeeze %dma_start3A_525 : memref<1x64x64xi32, #tpu.memory_space<vmem>> -> memref<64x64xi32, #tpu.memory_space<vmem>>
      %dma_start3A_527 = arith.constant 0 : i32
      %dma_start3A_528 = tpu.memref_slice %arg10[%select_n3A_520, %mul3A_522, %dma_start3A_527] : memref<2x16x64xi32, #tpu.memory_space<vmem>> -> memref<1x1x64xi32, #tpu.memory_space<vmem>>
      %dma_start3A_529 = tpu.memref_squeeze %dma_start3A_528 : memref<1x1x64xi32, #tpu.memory_space<vmem>> -> memref<64xi32, #tpu.memory_space<vmem>>
      %dma_start3A_530 = arith.constant 0 : i32
      %dma_start3A_531 = arith.constant 0 : i32
      %dma_start3A_532 = tpu.memref_slice %arg2[%dma_start3A_530, %dma_start3A_531] : memref<10016x64xi32, #tpu.memory_space<hbm>> -> memref<10016x64xi32, #tpu.memory_space<hbm>>
      %dma_start3A_533 = tpu.memref_slice %arg14[%sub3A_110] : memref<2x!tpu.dma_semaphore, #tpu.memory_space<semaphore_mem>> -> memref<1x!tpu.dma_semaphore, #tpu.memory_space<semaphore_mem>>
      %dma_start3A_534 = tpu.memref_squeeze %dma_start3A_533 : memref<1x!tpu.dma_semaphore, #tpu.memory_space<semaphore_mem>> -> memref<!tpu.dma_semaphore, #tpu.memory_space<semaphore_mem>>
      tpu.enqueue_indirect_dma source(%dma_start3A_532 : memref<10016x64xi32, #tpu.memory_space<hbm>>) target(%dma_start3A_526 : memref<64x64xi32, #tpu.memory_space<vmem>>) offsets(%dma_start3A_529 : memref<64xi32, #tpu.memory_space<vmem>>) semaphore(%dma_start3A_534 : memref<!tpu.dma_semaphore, #tpu.memory_space<semaphore_mem>>)
      %iota3A = tpu.iota {dimensions = array<i32: 0>} : vector<16xi32>
      %eq3A_535 = arith.constant 0 : i32
      %eq3A_536 = vector.broadcast %eq3A_535 : i32 to vector<16xi32>
      %eq3A_537 = arith.cmpi eq, %iota3A, %eq3A_536 : vector<16xi32>
      %parallel_loop3A = arith.constant 0 : i32
      %parallel_loop3A_538 = arith.constant 4 : i32
      %parallel_loop3A_539 = arith.constant 1 : i32
      scf.for %parallel_loop3A_607 = %parallel_loop3A to %parallel_loop3A_538 step %parallel_loop3A_539  : i32 {
        %parallel_loop3A_608 = arith.constant 16 : i32
        %parallel_loop3A_609 = arith.muli %parallel_loop3A_607, %parallel_loop3A_608 : i32
        %parallel_loop3A_610 = arith.index_cast %parallel_loop3A_609 : i32 to index
        %parallel_loop3A_611 = tpu.vector_load %arg11[%parallel_loop3A_610] {strides = array<i32>} : memref<64xf32, #tpu.memory_space<vmem>>, vector<16xf32>,
        %parallel_loop3A_612 = arith.constant 16 : i32
        %parallel_loop3A_613 = arith.muli %parallel_loop3A_607, %parallel_loop3A_612 : i32
        %parallel_loop3A_614 = arith.constant 0 : i32
        %parallel_loop3A_615 = arith.addi %parallel_loop3A_613, %parallel_loop3A_614 : i32
        %parallel_loop3A_616 = vector.extract_strided_slice %parallel_loop3A_611 {offsets = [0], sizes = [1], strides = [1]} : vector<16xf32> to vector<1xf32>
        %parallel_loop3A_617 = vector.extract %parallel_loop3A_616[0] : f32 from vector<1xf32>
        %parallel_loop3A_618 = arith.index_cast %select_n3A_109 : i32 to index
        %parallel_loop3A_619 = arith.index_cast %parallel_loop3A_615 : i32 to index
        %parallel_loop3A_620 = arith.constant 0 : index
        %parallel_loop3A_621 = tpu.vector_load %arg12[%parallel_loop3A_618, %parallel_loop3A_619, %parallel_loop3A_620] {strides = array<i32>} : memref<2x64x64xi32, #tpu.memory_space<vmem>>, vector<16xi32>,
        %parallel_loop3A_622 = arith.index_cast %select_n3A_109 : i32 to index
        %parallel_loop3A_623 = arith.index_cast %parallel_loop3A_615 : i32 to index
        %parallel_loop3A_624 = arith.constant 16 : index
        %parallel_loop3A_625 = tpu.vector_load %arg12[%parallel_loop3A_622, %parallel_loop3A_623, %parallel_loop3A_624] {strides = array<i32>} : memref<2x64x64xi32, #tpu.memory_space<vmem>>, vector<16xi32>,
        %parallel_loop3A_626 = arith.index_cast %select_n3A_109 : i32 to index
        %parallel_loop3A_627 = arith.index_cast %parallel_loop3A_615 : i32 to index
        %parallel_loop3A_628 = arith.constant 32 : index
        %parallel_loop3A_629 = tpu.vector_load %arg12[%parallel_loop3A_626, %parallel_loop3A_627, %parallel_loop3A_628] {strides = array<i32>} : memref<2x64x64xi32, #tpu.memory_space<vmem>>, vector<16xi32>,
        %parallel_loop3A_630 = arith.index_cast %select_n3A_109 : i32 to index
        %parallel_loop3A_631 = arith.index_cast %parallel_loop3A_615 : i32 to index
        %parallel_loop3A_632 = arith.constant 48 : index
        %parallel_loop3A_633 = tpu.vector_load %arg12[%parallel_loop3A_630, %parallel_loop3A_631, %parallel_loop3A_632] {strides = array<i32>} : memref<2x64x64xi32, #tpu.memory_space<vmem>>, vector<16xi32>,
        %parallel_loop3A_634 = arith.constant 16 : i32
        %parallel_loop3A_635 = vector.broadcast %parallel_loop3A_634 : i32 to vector<16xi32>
        %parallel_loop3A_636 = arith.shli %parallel_loop3A_621, %parallel_loop3A_635 : vector<16xi32>
        %parallel_loop3A_637 = vector.bitcast %parallel_loop3A_636 : vector<16xi32> to vector<16xf32>
        %parallel_loop3A_638 = arith.constant -65536 : i32
        %parallel_loop3A_639 = vector.broadcast %parallel_loop3A_638 : i32 to vector<16xi32>
        %parallel_loop3A_640 = arith.andi %parallel_loop3A_621, %parallel_loop3A_639 : vector<16xi32>
        %parallel_loop3A_641 = vector.bitcast %parallel_loop3A_640 : vector<16xi32> to vector<16xf32>
        %parallel_loop3A_642 = vector.broadcast %parallel_loop3A_617 : f32 to vector<16xf32>
        %parallel_loop3A_643 = arith.mulf %parallel_loop3A_637, %parallel_loop3A_642 : vector<16xf32>
        %parallel_loop3A_644 = arith.index_cast %parallel_loop3A_615 : i32 to index
        %parallel_loop3A_645 = arith.constant 0 : index
        %parallel_loop3A_646 = tpu.vector_load %arg13[%parallel_loop3A_644, %parallel_loop3A_645] {strides = array<i32>} : memref<64x144xf32, #tpu.memory_space<vmem>>, vector<16xf32>,
        tpu.vector_store %arg13[%parallel_loop3A_644, %parallel_loop3A_645], %parallel_loop3A_643 {strides = array<i32>} : memref<64x144xf32, #tpu.memory_space<vmem>>, vector<16xf32>,
        %parallel_loop3A_647 = vector.broadcast %parallel_loop3A_617 : f32 to vector<16xf32>
        %parallel_loop3A_648 = arith.mulf %parallel_loop3A_641, %parallel_loop3A_647 : vector<16xf32>
        %parallel_loop3A_649 = arith.index_cast %parallel_loop3A_615 : i32 to index
        %parallel_loop3A_650 = arith.constant 16 : index
        %parallel_loop3A_651 = tpu.vector_load %arg13[%parallel_loop3A_649, %parallel_loop3A_650] {strides = array<i32>} : memref<64x144xf32, #tpu.memory_space<vmem>>, vector<16xf32>,
        tpu.vector_store %arg13[%parallel_loop3A_649, %parallel_loop3A_650], %parallel_loop3A_648 {strides = array<i32>} : memref<64x144xf32, #tpu.memory_space<vmem>>, vector<16xf32>,
        %parallel_loop3A_652 = arith.constant 16 : i32
        %parallel_loop3A_653 = vector.broadcast %parallel_loop3A_652 : i32 to vector<16xi32>
        %parallel_loop3A_654 = arith.shli %parallel_loop3A_625, %parallel_loop3A_653 : vector<16xi32>
        %parallel_loop3A_655 = vector.bitcast %parallel_loop3A_654 : vector<16xi32> to vector<16xf32>
        %parallel_loop3A_656 = arith.constant -65536 : i32
        %parallel_loop3A_657 = vector.broadcast %parallel_loop3A_656 : i32 to vector<16xi32>
        %parallel_loop3A_658 = arith.andi %parallel_loop3A_625, %parallel_loop3A_657 : vector<16xi32>
        %parallel_loop3A_659 = vector.bitcast %parallel_loop3A_658 : vector<16xi32> to vector<16xf32>
        %parallel_loop3A_660 = vector.broadcast %parallel_loop3A_617 : f32 to vector<16xf32>
        %parallel_loop3A_661 = arith.mulf %parallel_loop3A_655, %parallel_loop3A_660 : vector<16xf32>
        %parallel_loop3A_662 = arith.index_cast %parallel_loop3A_615 : i32 to index
        %parallel_loop3A_663 = arith.constant 32 : index
        %parallel_loop3A_664 = tpu.vector_load %arg13[%parallel_loop3A_662, %parallel_loop3A_663] {strides = array<i32>} : memref<64x144xf32, #tpu.memory_space<vmem>>, vector<16xf32>,
        tpu.vector_store %arg13[%parallel_loop3A_662, %parallel_loop3A_663], %parallel_loop3A_661 {strides = array<i32>} : memref<64x144xf32, #tpu.memory_space<vmem>>, vector<16xf32>,
        %parallel_loop3A_665 = vector.broadcast %parallel_loop3A_617 : f32 to vector<16xf32>
        %parallel_loop3A_666 = arith.mulf %parallel_loop3A_659, %parallel_loop3A_665 : vector<16xf32>
        %parallel_loop3A_667 = arith.index_cast %parallel_loop3A_615 : i32 to index
        %parallel_loop3A_668 = arith.constant 48 : index
        %parallel_loop3A_669 = tpu.vector_load %arg13[%parallel_loop3A_667, %parallel_loop3A_668] {strides = array<i32>} : memref<64x144xf32, #tpu.memory_space<vmem>>, vector<16xf32>,
        tpu.vector_store %arg13[%parallel_loop3A_667, %parallel_loop3A_668], %parallel_loop3A_666 {strides = array<i32>} : memref<64x144xf32, #tpu.memory_space<vmem>>, vector<16xf32>,
        %parallel_loop3A_670 = arith.constant 16 : i32
        %parallel_loop3A_671 = vector.broadcast %parallel_loop3A_670 : i32 to vector<16xi32>
        %parallel_loop3A_672 = arith.shli %parallel_loop3A_629, %parallel_loop3A_671 : vector<16xi32>
        %parallel_loop3A_673 = vector.bitcast %parallel_loop3A_672 : vector<16xi32> to vector<16xf32>
        %parallel_loop3A_674 = arith.constant -65536 : i32
        %parallel_loop3A_675 = vector.broadcast %parallel_loop3A_674 : i32 to vector<16xi32>
        %parallel_loop3A_676 = arith.andi %parallel_loop3A_629, %parallel_loop3A_675 : vector<16xi32>
        %parallel_loop3A_677 = vector.bitcast %parallel_loop3A_676 : vector<16xi32> to vector<16xf32>
        %parallel_loop3A_678 = vector.broadcast %parallel_loop3A_617 : f32 to vector<16xf32>
        %parallel_loop3A_679 = arith.mulf %parallel_loop3A_673, %parallel_loop3A_678 : vector<16xf32>
        %parallel_loop3A_680 = arith.index_cast %parallel_loop3A_615 : i32 to index
        %parallel_loop3A_681 = arith.constant 64 : index
        %parallel_loop3A_682 = tpu.vector_load %arg13[%parallel_loop3A_680, %parallel_loop3A_681] {strides = array<i32>} : memref<64x144xf32, #tpu.memory_space<vmem>>, vector<16xf32>,
        tpu.vector_store %arg13[%parallel_loop3A_680, %parallel_loop3A_681], %parallel_loop3A_679 {strides = array<i32>} : memref<64x144xf32, #tpu.memory_space<vmem>>, vector<16xf32>,
        %parallel_loop3A_683 = vector.broadcast %parallel_loop3A_617 : f32 to vector<16xf32>
        %parallel_loop3A_684 = arith.mulf %parallel_loop3A_677, %parallel_loop3A_683 : vector<16xf32>
        %parallel_loop3A_685 = arith.index_cast %parallel_loop3A_615 : i32 to index
        %parallel_loop3A_686 = arith.constant 80 : index
        %parallel_loop3A_687 = tpu.vector_load %arg13[%parallel_loop3A_685, %parallel_loop3A_686] {strides = array<i32>} : memref<64x144xf32, #tpu.memory_space<vmem>>, vector<16xf32>,
        tpu.vector_store %arg13[%parallel_loop3A_685, %parallel_loop3A_686], %parallel_loop3A_684 {strides = array<i32>} : memref<64x144xf32, #tpu.memory_space<vmem>>, vector<16xf32>,
        %parallel_loop3A_688 = arith.constant 16 : i32
        %parallel_loop3A_689 = vector.broadcast %parallel_loop3A_688 : i32 to vector<16xi32>
        %parallel_loop3A_690 = arith.shli %parallel_loop3A_633, %parallel_loop3A_689 : vector<16xi32>
        %parallel_loop3A_691 = vector.bitcast %parallel_loop3A_690 : vector<16xi32> to vector<16xf32>
        %parallel_loop3A_692 = arith.constant -65536 : i32
        %parallel_loop3A_693 = vector.broadcast %parallel_loop3A_692 : i32 to vector<16xi32>
        %parallel_loop3A_694 = arith.andi %parallel_loop3A_633, %parallel_loop3A_693 : vector<16xi32>
        %parallel_loop3A_695 = vector.bitcast %parallel_loop3A_694 : vector<16xi32> to vector<16xf32>
        %parallel_loop3A_696 = vector.broadcast %parallel_loop3A_617 : f32 to vector<16xf32>
        %parallel_loop3A_697 = arith.mulf %parallel_loop3A_691, %parallel_loop3A_696 : vector<16xf32>
        %parallel_loop3A_698 = arith.index_cast %parallel_loop3A_615 : i32 to index
        %parallel_loop3A_699 = arith.constant 96 : index
        %parallel_loop3A_700 = tpu.vector_load %arg13[%parallel_loop3A_698, %parallel_loop3A_699] {strides = array<i32>} : memref<64x144xf32, #tpu.memory_space<vmem>>, vector<16xf32>,
        tpu.vector_store %arg13[%parallel_loop3A_698, %parallel_loop3A_699], %parallel_loop3A_697 {strides = array<i32>} : memref<64x144xf32, #tpu.memory_space<vmem>>, vector<16xf32>,
        %parallel_loop3A_701 = vector.broadcast %parallel_loop3A_617 : f32 to vector<16xf32>
        %parallel_loop3A_702 = arith.mulf %parallel_loop3A_695, %parallel_loop3A_701 : vector<16xf32>
        %parallel_loop3A_703 = arith.index_cast %parallel_loop3A_615 : i32 to index
        %parallel_loop3A_704 = arith.constant 112 : index
        %parallel_loop3A_705 = tpu.vector_load %arg13[%parallel_loop3A_703, %parallel_loop3A_704] {strides = array<i32>} : memref<64x144xf32, #tpu.memory_space<vmem>>, vector<16xf32>,
        tpu.vector_store %arg13[%parallel_loop3A_703, %parallel_loop3A_704], %parallel_loop3A_702 {strides = array<i32>} : memref<64x144xf32, #tpu.memory_space<vmem>>, vector<16xf32>,
        %parallel_loop3A_706 = arith.constant 0.000000e+00 : f32
        %parallel_loop3A_707 = vector.broadcast %parallel_loop3A_617 : f32 to vector<16xf32>
        %parallel_loop3A_708 = vector.broadcast %parallel_loop3A_706 : f32 to vector<16xf32>
        %parallel_loop3A_709 = arith.select %eq3A_537, %parallel_loop3A_707, %parallel_loop3A_708 : vector<16xi1>, vector<16xf32>
        %parallel_loop3A_710 = arith.index_cast %parallel_loop3A_615 : i32 to index
        %parallel_loop3A_711 = arith.constant 128 : index
        %parallel_loop3A_712 = tpu.vector_load %arg13[%parallel_loop3A_710, %parallel_loop3A_711] {strides = array<i32>} : memref<64x144xf32, #tpu.memory_space<vmem>>, vector<16xf32>,
        tpu.vector_store %arg13[%parallel_loop3A_710, %parallel_loop3A_711], %parallel_loop3A_709 {strides = array<i32>} : memref<64x144xf32, #tpu.memory_space<vmem>>, vector<16xf32>,
        %parallel_loop3A_713 = arith.constant 1 : i32
        %parallel_loop3A_714 = arith.addi %parallel_loop3A_613, %parallel_loop3A_713 : i32
        %parallel_loop3A_715 = vector.extract_strided_slice %parallel_loop3A_611 {offsets = [1], sizes = [1], strides = [1]} : vector<16xf32> to vector<1xf32>
        %parallel_loop3A_716 = vector.extract %parallel_loop3A_715[0] : f32 from vector<1xf32>
        %parallel_loop3A_717 = arith.index_cast %select_n3A_109 : i32 to index
        %parallel_loop3A_718 = arith.index_cast %parallel_loop3A_714 : i32 to index
        %parallel_loop3A_719 = arith.constant 0 : index
        %parallel_loop3A_720 = tpu.vector_load %arg12[%parallel_loop3A_717, %parallel_loop3A_718, %parallel_loop3A_719] {strides = array<i32>} : memref<2x64x64xi32, #tpu.memory_space<vmem>>, vector<16xi32>,
        %parallel_loop3A_721 = arith.index_cast %select_n3A_109 : i32 to index
        %parallel_loop3A_722 = arith.index_cast %parallel_loop3A_714 : i32 to index
        %parallel_loop3A_723 = arith.constant 16 : index
        %parallel_loop3A_724 = tpu.vector_load %arg12[%parallel_loop3A_721, %parallel_loop3A_722, %parallel_loop3A_723] {strides = array<i32>} : memref<2x64x64xi32, #tpu.memory_space<vmem>>, vector<16xi32>,
        %parallel_loop3A_725 = arith.index_cast %select_n3A_109 : i32 to index
        %parallel_loop3A_726 = arith.index_cast %parallel_loop3A_714 : i32 to index
        %parallel_loop3A_727 = arith.constant 32 : index
        %parallel_loop3A_728 = tpu.vector_load %arg12[%parallel_loop3A_725, %parallel_loop3A_726, %parallel_loop3A_727] {strides = array<i32>} : memref<2x64x64xi32, #tpu.memory_space<vmem>>, vector<16xi32>,
        %parallel_loop3A_729 = arith.index_cast %select_n3A_109 : i32 to index
        %parallel_loop3A_730 = arith.index_cast %parallel_loop3A_714 : i32 to index
        %parallel_loop3A_731 = arith.constant 48 : index
        %parallel_loop3A_732 = tpu.vector_load %arg12[%parallel_loop3A_729, %parallel_loop3A_730, %parallel_loop3A_731] {strides = array<i32>} : memref<2x64x64xi32, #tpu.memory_space<vmem>>, vector<16xi32>,
        %parallel_loop3A_733 = arith.constant 16 : i32
        %parallel_loop3A_734 = vector.broadcast %parallel_loop3A_733 : i32 to vector<16xi32>
        %parallel_loop3A_735 = arith.shli %parallel_loop3A_720, %parallel_loop3A_734 : vector<16xi32>
        %parallel_loop3A_736 = vector.bitcast %parallel_loop3A_735 : vector<16xi32> to vector<16xf32>
        %parallel_loop3A_737 = arith.constant -65536 : i32
        %parallel_loop3A_738 = vector.broadcast %parallel_loop3A_737 : i32 to vector<16xi32>
        %parallel_loop3A_739 = arith.andi %parallel_loop3A_720, %parallel_loop3A_738 : vector<16xi32>
        %parallel_loop3A_740 = vector.bitcast %parallel_loop3A_739 : vector<16xi32> to vector<16xf32>
        %parallel_loop3A_741 = vector.broadcast %parallel_loop3A_716 : f32 to vector<16xf32>
        %parallel_loop3A_742 = arith.mulf %parallel_loop3A_736, %parallel_loop3A_741 : vector<16xf32>
        %parallel_loop3A_743 = arith.index_cast %parallel_loop3A_714 : i32 to index
        %parallel_loop3A_744 = arith.constant 0 : index
        %parallel_loop3A_745 = tpu.vector_load %arg13[%parallel_loop3A_743, %parallel_loop3A_744] {strides = array<i32>} : memref<64x144xf32, #tpu.memory_space<vmem>>, vector<16xf32>,
        tpu.vector_store %arg13[%parallel_loop3A_743, %parallel_loop3A_744], %parallel_loop3A_742 {strides = array<i32>} : memref<64x144xf32, #tpu.memory_space<vmem>>, vector<16xf32>,
        %parallel_loop3A_746 = vector.broadcast %parallel_loop3A_716 : f32 to vector<16xf32>
        %parallel_loop3A_747 = arith.mulf %parallel_loop3A_740, %parallel_loop3A_746 : vector<16xf32>
        %parallel_loop3A_748 = arith.index_cast %parallel_loop3A_714 : i32 to index
        %parallel_loop3A_749 = arith.constant 16 : index
        %parallel_loop3A_750 = tpu.vector_load %arg13[%parallel_loop3A_748, %parallel_loop3A_749] {strides = array<i32>} : memref<64x144xf32, #tpu.memory_space<vmem>>, vector<16xf32>,
        tpu.vector_store %arg13[%parallel_loop3A_748, %parallel_loop3A_749], %parallel_loop3A_747 {strides = array<i32>} : memref<64x144xf32, #tpu.memory_space<vmem>>, vector<16xf32>,
        %parallel_loop3A_751 = arith.constant 16 : i32
        %parallel_loop3A_752 = vector.broadcast %parallel_loop3A_751 : i32 to vector<16xi32>
        %parallel_loop3A_753 = arith.shli %parallel_loop3A_724, %parallel_loop3A_752 : vector<16xi32>
        %parallel_loop3A_754 = vector.bitcast %parallel_loop3A_753 : vector<16xi32> to vector<16xf32>
        %parallel_loop3A_755 = arith.constant -65536 : i32
        %parallel_loop3A_756 = vector.broadcast %parallel_loop3A_755 : i32 to vector<16xi32>
        %parallel_loop3A_757 = arith.andi %parallel_loop3A_724, %parallel_loop3A_756 : vector<16xi32>
        %parallel_loop3A_758 = vector.bitcast %parallel_loop3A_757 : vector<16xi32> to vector<16xf32>
        %parallel_loop3A_759 = vector.broadcast %parallel_loop3A_716 : f32 to vector<16xf32>
        %parallel_loop3A_760 = arith.mulf %parallel_loop3A_754, %parallel_loop3A_759 : vector<16xf32>
        %parallel_loop3A_761 = arith.index_cast %parallel_loop3A_714 : i32 to index
        %parallel_loop3A_762 = arith.constant 32 : index
        %parallel_loop3A_763 = tpu.vector_load %arg13[%parallel_loop3A_761, %parallel_loop3A_762] {strides = array<i32>} : memref<64x144xf32, #tpu.memory_space<vmem>>, vector<16xf32>,
        tpu.vector_store %arg13[%parallel_loop3A_761, %parallel_loop3A_762], %parallel_loop3A_760 {strides = array<i32>} : memref<64x144xf32, #tpu.memory_space<vmem>>, vector<16xf32>,
        %parallel_loop3A_764 = vector.broadcast %parallel_loop3A_716 : f32 to vector<16xf32>
        %parallel_loop3A_765 = arith.mulf %parallel_loop3A_758, %parallel_loop3A_764 : vector<16xf32>
        %parallel_loop3A_766 = arith.index_cast %parallel_loop3A_714 : i32 to index
        %parallel_loop3A_767 = arith.constant 48 : index
        %parallel_loop3A_768 = tpu.vector_load %arg13[%parallel_loop3A_766, %parallel_loop3A_767] {strides = array<i32>} : memref<64x144xf32, #tpu.memory_space<vmem>>, vector<16xf32>,
        tpu.vector_store %arg13[%parallel_loop3A_766, %parallel_loop3A_767], %parallel_loop3A_765 {strides = array<i32>} : memref<64x144xf32, #tpu.memory_space<vmem>>, vector<16xf32>,
        %parallel_loop3A_769 = arith.constant 16 : i32
        %parallel_loop3A_770 = vector.broadcast %parallel_loop3A_769 : i32 to vector<16xi32>
        %parallel_loop3A_771 = arith.shli %parallel_loop3A_728, %parallel_loop3A_770 : vector<16xi32>
        %parallel_loop3A_772 = vector.bitcast %parallel_loop3A_771 : vector<16xi32> to vector<16xf32>
        %parallel_loop3A_773 = arith.constant -65536 : i32
        %parallel_loop3A_774 = vector.broadcast %parallel_loop3A_773 : i32 to vector<16xi32>
        %parallel_loop3A_775 = arith.andi %parallel_loop3A_728, %parallel_loop3A_774 : vector<16xi32>
        %parallel_loop3A_776 = vector.bitcast %parallel_loop3A_775 : vector<16xi32> to vector<16xf32>
        %parallel_loop3A_777 = vector.broadcast %parallel_loop3A_716 : f32 to vector<16xf32>
        %parallel_loop3A_778 = arith.mulf %parallel_loop3A_772, %parallel_loop3A_777 : vector<16xf32>
        %parallel_loop3A_779 = arith.index_cast %parallel_loop3A_714 : i32 to index
        %parallel_loop3A_780 = arith.constant 64 : index
        %parallel_loop3A_781 = tpu.vector_load %arg13[%parallel_loop3A_779, %parallel_loop3A_780] {strides = array<i32>} : memref<64x144xf32, #tpu.memory_space<vmem>>, vector<16xf32>,
        tpu.vector_store %arg13[%parallel_loop3A_779, %parallel_loop3A_780], %parallel_loop3A_778 {strides = array<i32>} : memref<64x144xf32, #tpu.memory_space<vmem>>, vector<16xf32>,
        %parallel_loop3A_782 = vector.broadcast %parallel_loop3A_716 : f32 to vector<16xf32>
        %parallel_loop3A_783 = arith.mulf %parallel_loop3A_776, %parallel_loop3A_782 : vector<16xf32>
        %parallel_loop3A_784 = arith.index_cast %parallel_loop3A_714 : i32 to index
        %parallel_loop3A_785 = arith.constant 80 : index
        %parallel_loop3A_786 = tpu.vector_load %arg13[%parallel_loop3A_784, %parallel_loop3A_785] {strides = array<i32>} : memref<64x144xf32, #tpu.memory_space<vmem>>, vector<16xf32>,
        tpu.vector_store %arg13[%parallel_loop3A_784, %parallel_loop3A_785], %parallel_loop3A_783 {strides = array<i32>} : memref<64x144xf32, #tpu.memory_space<vmem>>, vector<16xf32>,
        %parallel_loop3A_787 = arith.constant 16 : i32
        %parallel_loop3A_788 = vector.broadcast %parallel_loop3A_787 : i32 to vector<16xi32>
        %parallel_loop3A_789 = arith.shli %parallel_loop3A_732, %parallel_loop3A_788 : vector<16xi32>
        %parallel_loop3A_790 = vector.bitcast %parallel_loop3A_789 : vector<16xi32> to vector<16xf32>
        %parallel_loop3A_791 = arith.constant -65536 : i32
        %parallel_loop3A_792 = vector.broadcast %parallel_loop3A_791 : i32 to vector<16xi32>
        %parallel_loop3A_793 = arith.andi %parallel_loop3A_732, %parallel_loop3A_792 : vector<16xi32>
        %parallel_loop3A_794 = vector.bitcast %parallel_loop3A_793 : vector<16xi32> to vector<16xf32>
        %parallel_loop3A_795 = vector.broadcast %parallel_loop3A_716 : f32 to vector<16xf32>
        %parallel_loop3A_796 = arith.mulf %parallel_loop3A_790, %parallel_loop3A_795 : vector<16xf32>
        %parallel_loop3A_797 = arith.index_cast %parallel_loop3A_714 : i32 to index
        %parallel_loop3A_798 = arith.constant 96 : index
        %parallel_loop3A_799 = tpu.vector_load %arg13[%parallel_loop3A_797, %parallel_loop3A_798] {strides = array<i32>} : memref<64x144xf32, #tpu.memory_space<vmem>>, vector<16xf32>,
        tpu.vector_store %arg13[%parallel_loop3A_797, %parallel_loop3A_798], %parallel_loop3A_796 {strides = array<i32>} : memref<64x144xf32, #tpu.memory_space<vmem>>, vector<16xf32>,
        %parallel_loop3A_800 = vector.broadcast %parallel_loop3A_716 : f32 to vector<16xf32>
        %parallel_loop3A_801 = arith.mulf %parallel_loop3A_794, %parallel_loop3A_800 : vector<16xf32>
        %parallel_loop3A_802 = arith.index_cast %parallel_loop3A_714 : i32 to index
        %parallel_loop3A_803 = arith.constant 112 : index
        %parallel_loop3A_804 = tpu.vector_load %arg13[%parallel_loop3A_802, %parallel_loop3A_803] {strides = array<i32>} : memref<64x144xf32, #tpu.memory_space<vmem>>, vector<16xf32>,
        tpu.vector_store %arg13[%parallel_loop3A_802, %parallel_loop3A_803], %parallel_loop3A_801 {strides = array<i32>} : memref<64x144xf32, #tpu.memory_space<vmem>>, vector<16xf32>,
        %parallel_loop3A_805 = arith.constant 0.000000e+00 : f32
        %parallel_loop3A_806 = vector.broadcast %parallel_loop3A_716 : f32 to vector<16xf32>
        %parallel_loop3A_807 = vector.broadcast %parallel_loop3A_805 : f32 to vector<16xf32>
        %parallel_loop3A_808 = arith.select %eq3A_537, %parallel_loop3A_806, %parallel_loop3A_807 : vector<16xi1>, vector<16xf32>
        %parallel_loop3A_809 = arith.index_cast %parallel_loop3A_714 : i32 to index
        %parallel_loop3A_810 = arith.constant 128 : index
        %parallel_loop3A_811 = tpu.vector_load %arg13[%parallel_loop3A_809, %parallel_loop3A_810] {strides = array<i32>} : memref<64x144xf32, #tpu.memory_space<vmem>>, vector<16xf32>,
        tpu.vector_store %arg13[%parallel_loop3A_809, %parallel_loop3A_810], %parallel_loop3A_808 {strides = array<i32>} : memref<64x144xf32, #tpu.memory_space<vmem>>, vector<16xf32>,
        %parallel_loop3A_812 = arith.constant 2 : i32
        %parallel_loop3A_813 = arith.addi %parallel_loop3A_613, %parallel_loop3A_812 : i32
        %parallel_loop3A_814 = vector.extract_strided_slice %parallel_loop3A_611 {offsets = [2], sizes = [1], strides = [1]} : vector<16xf32> to vector<1xf32>
        %parallel_loop3A_815 = vector.extract %parallel_loop3A_814[0] : f32 from vector<1xf32>
        %parallel_loop3A_816 = arith.index_cast %select_n3A_109 : i32 to index
        %parallel_loop3A_817 = arith.index_cast %parallel_loop3A_813 : i32 to index
        %parallel_loop3A_818 = arith.constant 0 : index
        %parallel_loop3A_819 = tpu.vector_load %arg12[%parallel_loop3A_816, %parallel_loop3A_817, %parallel_loop3A_818] {strides = array<i32>} : memref<2x64x64xi32, #tpu.memory_space<vmem>>, vector<16xi32>,
        %parallel_loop3A_820 = arith.index_cast %select_n3A_109 : i32 to index
        %parallel_loop3A_821 = arith.index_cast %parallel_loop3A_813 : i32 to index
        %parallel_loop3A_822 = arith.constant 16 : index
        %parallel_loop3A_823 = tpu.vector_load %arg12[%parallel_loop3A_820, %parallel_loop3A_821, %parallel_loop3A_822] {strides = array<i32>} : memref<2x64x64xi32, #tpu.memory_space<vmem>>, vector<16xi32>,
        %parallel_loop3A_824 = arith.index_cast %select_n3A_109 : i32 to index
        %parallel_loop3A_825 = arith.index_cast %parallel_loop3A_813 : i32 to index
        %parallel_loop3A_826 = arith.constant 32 : index
        %parallel_loop3A_827 = tpu.vector_load %arg12[%parallel_loop3A_824, %parallel_loop3A_825, %parallel_loop3A_826] {strides = array<i32>} : memref<2x64x64xi32, #tpu.memory_space<vmem>>, vector<16xi32>,
        %parallel_loop3A_828 = arith.index_cast %select_n3A_109 : i32 to index
        %parallel_loop3A_829 = arith.index_cast %parallel_loop3A_813 : i32 to index
        %parallel_loop3A_830 = arith.constant 48 : index
        %parallel_loop3A_831 = tpu.vector_load %arg12[%parallel_loop3A_828, %parallel_loop3A_829, %parallel_loop3A_830] {strides = array<i32>} : memref<2x64x64xi32, #tpu.memory_space<vmem>>, vector<16xi32>,
        %parallel_loop3A_832 = arith.constant 16 : i32
        %parallel_loop3A_833 = vector.broadcast %parallel_loop3A_832 : i32 to vector<16xi32>
        %parallel_loop3A_834 = arith.shli %parallel_loop3A_819, %parallel_loop3A_833 : vector<16xi32>
        %parallel_loop3A_835 = vector.bitcast %parallel_loop3A_834 : vector<16xi32> to vector<16xf32>
        %parallel_loop3A_836 = arith.constant -65536 : i32
        %parallel_loop3A_837 = vector.broadcast %parallel_loop3A_836 : i32 to vector<16xi32>
        %parallel_loop3A_838 = arith.andi %parallel_loop3A_819, %parallel_loop3A_837 : vector<16xi32>
        %parallel_loop3A_839 = vector.bitcast %parallel_loop3A_838 : vector<16xi32> to vector<16xf32>
        %parallel_loop3A_840 = vector.broadcast %parallel_loop3A_815 : f32 to vector<16xf32>
        %parallel_loop3A_841 = arith.mulf %parallel_loop3A_835, %parallel_loop3A_840 : vector<16xf32>
        %parallel_loop3A_842 = arith.index_cast %parallel_loop3A_813 : i32 to index
        %parallel_loop3A_843 = arith.constant 0 : index
        %parallel_loop3A_844 = tpu.vector_load %arg13[%parallel_loop3A_842, %parallel_loop3A_843] {strides = array<i32>} : memref<64x144xf32, #tpu.memory_space<vmem>>, vector<16xf32>,
        tpu.vector_store %arg13[%parallel_loop3A_842, %parallel_loop3A_843], %parallel_loop3A_841 {strides = array<i32>} : memref<64x144xf32, #tpu.memory_space<vmem>>, vector<16xf32>,
        %parallel_loop3A_845 = vector.broadcast %parallel_loop3A_815 : f32 to vector<16xf32>
        %parallel_loop3A_846 = arith.mulf %parallel_loop3A_839, %parallel_loop3A_845 : vector<16xf32>
        %parallel_loop3A_847 = arith.index_cast %parallel_loop3A_813 : i32 to index
        %parallel_loop3A_848 = arith.constant 16 : index
        %parallel_loop3A_849 = tpu.vector_load %arg13[%parallel_loop3A_847, %parallel_loop3A_848] {strides = array<i32>} : memref<64x144xf32, #tpu.memory_space<vmem>>, vector<16xf32>,
        tpu.vector_store %arg13[%parallel_loop3A_847, %parallel_loop3A_848], %parallel_loop3A_846 {strides = array<i32>} : memref<64x144xf32, #tpu.memory_space<vmem>>, vector<16xf32>,
        %parallel_loop3A_850 = arith.constant 16 : i32
        %parallel_loop3A_851 = vector.broadcast %parallel_loop3A_850 : i32 to vector<16xi32>
        %parallel_loop3A_852 = arith.shli %parallel_loop3A_823, %parallel_loop3A_851 : vector<16xi32>
        %parallel_loop3A_853 = vector.bitcast %parallel_loop3A_852 : vector<16xi32> to vector<16xf32>
        %parallel_loop3A_854 = arith.constant -65536 : i32
        %parallel_loop3A_855 = vector.broadcast %parallel_loop3A_854 : i32 to vector<16xi32>
        %parallel_loop3A_856 = arith.andi %parallel_loop3A_823, %parallel_loop3A_855 : vector<16xi32>
        %parallel_loop3A_857 = vector.bitcast %parallel_loop3A_856 : vector<16xi32> to vector<16xf32>
        %parallel_loop3A_858 = vector.broadcast %parallel_loop3A_815 : f32 to vector<16xf32>
        %parallel_loop3A_859 = arith.mulf %parallel_loop3A_853, %parallel_loop3A_858 : vector<16xf32>
        %parallel_loop3A_860 = arith.index_cast %parallel_loop3A_813 : i32 to index
        %parallel_loop3A_861 = arith.constant 32 : index
        %parallel_loop3A_862 = tpu.vector_load %arg13[%parallel_loop3A_860, %parallel_loop3A_861] {strides = array<i32>} : memref<64x144xf32, #tpu.memory_space<vmem>>, vector<16xf32>,
        tpu.vector_store %arg13[%parallel_loop3A_860, %parallel_loop3A_861], %parallel_loop3A_859 {strides = array<i32>} : memref<64x144xf32, #tpu.memory_space<vmem>>, vector<16xf32>,
        %parallel_loop3A_863 = vector.broadcast %parallel_loop3A_815 : f32 to vector<16xf32>
        %parallel_loop3A_864 = arith.mulf %parallel_loop3A_857, %parallel_loop3A_863 : vector<16xf32>
        %parallel_loop3A_865 = arith.index_cast %parallel_loop3A_813 : i32 to index
        %parallel_loop3A_866 = arith.constant 48 : index
        %parallel_loop3A_867 = tpu.vector_load %arg13[%parallel_loop3A_865, %parallel_loop3A_866] {strides = array<i32>} : memref<64x144xf32, #tpu.memory_space<vmem>>, vector<16xf32>,
        tpu.vector_store %arg13[%parallel_loop3A_865, %parallel_loop3A_866], %parallel_loop3A_864 {strides = array<i32>} : memref<64x144xf32, #tpu.memory_space<vmem>>, vector<16xf32>,
        %parallel_loop3A_868 = arith.constant 16 : i32
        %parallel_loop3A_869 = vector.broadcast %parallel_loop3A_868 : i32 to vector<16xi32>
        %parallel_loop3A_870 = arith.shli %parallel_loop3A_827, %parallel_loop3A_869 : vector<16xi32>
        %parallel_loop3A_871 = vector.bitcast %parallel_loop3A_870 : vector<16xi32> to vector<16xf32>
        %parallel_loop3A_872 = arith.constant -65536 : i32
        %parallel_loop3A_873 = vector.broadcast %parallel_loop3A_872 : i32 to vector<16xi32>
        %parallel_loop3A_874 = arith.andi %parallel_loop3A_827, %parallel_loop3A_873 : vector<16xi32>
        %parallel_loop3A_875 = vector.bitcast %parallel_loop3A_874 : vector<16xi32> to vector<16xf32>
        %parallel_loop3A_876 = vector.broadcast %parallel_loop3A_815 : f32 to vector<16xf32>
        %parallel_loop3A_877 = arith.mulf %parallel_loop3A_871, %parallel_loop3A_876 : vector<16xf32>
        %parallel_loop3A_878 = arith.index_cast %parallel_loop3A_813 : i32 to index
        %parallel_loop3A_879 = arith.constant 64 : index
        %parallel_loop3A_880 = tpu.vector_load %arg13[%parallel_loop3A_878, %parallel_loop3A_879] {strides = array<i32>} : memref<64x144xf32, #tpu.memory_space<vmem>>, vector<16xf32>,
        tpu.vector_store %arg13[%parallel_loop3A_878, %parallel_loop3A_879], %parallel_loop3A_877 {strides = array<i32>} : memref<64x144xf32, #tpu.memory_space<vmem>>, vector<16xf32>,
        %parallel_loop3A_881 = vector.broadcast %parallel_loop3A_815 : f32 to vector<16xf32>
        %parallel_loop3A_882 = arith.mulf %parallel_loop3A_875, %parallel_loop3A_881 : vector<16xf32>
        %parallel_loop3A_883 = arith.index_cast %parallel_loop3A_813 : i32 to index
        %parallel_loop3A_884 = arith.constant 80 : index
        %parallel_loop3A_885 = tpu.vector_load %arg13[%parallel_loop3A_883, %parallel_loop3A_884] {strides = array<i32>} : memref<64x144xf32, #tpu.memory_space<vmem>>, vector<16xf32>,
        tpu.vector_store %arg13[%parallel_loop3A_883, %parallel_loop3A_884], %parallel_loop3A_882 {strides = array<i32>} : memref<64x144xf32, #tpu.memory_space<vmem>>, vector<16xf32>,
        %parallel_loop3A_886 = arith.constant 16 : i32
        %parallel_loop3A_887 = vector.broadcast %parallel_loop3A_886 : i32 to vector<16xi32>
        %parallel_loop3A_888 = arith.shli %parallel_loop3A_831, %parallel_loop3A_887 : vector<16xi32>
        %parallel_loop3A_889 = vector.bitcast %parallel_loop3A_888 : vector<16xi32> to vector<16xf32>
        %parallel_loop3A_890 = arith.constant -65536 : i32
        %parallel_loop3A_891 = vector.broadcast %parallel_loop3A_890 : i32 to vector<16xi32>
        %parallel_loop3A_892 = arith.andi %parallel_loop3A_831, %parallel_loop3A_891 : vector<16xi32>
        %parallel_loop3A_893 = vector.bitcast %parallel_loop3A_892 : vector<16xi32> to vector<16xf32>
        %parallel_loop3A_894 = vector.broadcast %parallel_loop3A_815 : f32 to vector<16xf32>
        %parallel_loop3A_895 = arith.mulf %parallel_loop3A_889, %parallel_loop3A_894 : vector<16xf32>
        %parallel_loop3A_896 = arith.index_cast %parallel_loop3A_813 : i32 to index
        %parallel_loop3A_897 = arith.constant 96 : index
        %parallel_loop3A_898 = tpu.vector_load %arg13[%parallel_loop3A_896, %parallel_loop3A_897] {strides = array<i32>} : memref<64x144xf32, #tpu.memory_space<vmem>>, vector<16xf32>,
        tpu.vector_store %arg13[%parallel_loop3A_896, %parallel_loop3A_897], %parallel_loop3A_895 {strides = array<i32>} : memref<64x144xf32, #tpu.memory_space<vmem>>, vector<16xf32>,
        %parallel_loop3A_899 = vector.broadcast %parallel_loop3A_815 : f32 to vector<16xf32>
        %parallel_loop3A_900 = arith.mulf %parallel_loop3A_893, %parallel_loop3A_899 : vector<16xf32>
        %parallel_loop3A_901 = arith.index_cast %parallel_loop3A_813 : i32 to index
        %parallel_loop3A_902 = arith.constant 112 : index
        %parallel_loop3A_903 = tpu.vector_load %arg13[%parallel_loop3A_901, %parallel_loop3A_902] {strides = array<i32>} : memref<64x144xf32, #tpu.memory_space<vmem>>, vector<16xf32>,
        tpu.vector_store %arg13[%parallel_loop3A_901, %parallel_loop3A_902], %parallel_loop3A_900 {strides = array<i32>} : memref<64x144xf32, #tpu.memory_space<vmem>>, vector<16xf32>,
        %parallel_loop3A_904 = arith.constant 0.000000e+00 : f32
        %parallel_loop3A_905 = vector.broadcast %parallel_loop3A_815 : f32 to vector<16xf32>
        %parallel_loop3A_906 = vector.broadcast %parallel_loop3A_904 : f32 to vector<16xf32>
        %parallel_loop3A_907 = arith.select %eq3A_537, %parallel_loop3A_905, %parallel_loop3A_906 : vector<16xi1>, vector<16xf32>
        %parallel_loop3A_908 = arith.index_cast %parallel_loop3A_813 : i32 to index
        %parallel_loop3A_909 = arith.constant 128 : index
        %parallel_loop3A_910 = tpu.vector_load %arg13[%parallel_loop3A_908, %parallel_loop3A_909] {strides = array<i32>} : memref<64x144xf32, #tpu.memory_space<vmem>>, vector<16xf32>,
        tpu.vector_store %arg13[%parallel_loop3A_908, %parallel_loop3A_909], %parallel_loop3A_907 {strides = array<i32>} : memref<64x144xf32, #tpu.memory_space<vmem>>, vector<16xf32>,
        %parallel_loop3A_911 = arith.constant 3 : i32
        %parallel_loop3A_912 = arith.addi %parallel_loop3A_613, %parallel_loop3A_911 : i32
        %parallel_loop3A_913 = vector.extract_strided_slice %parallel_loop3A_611 {offsets = [3], sizes = [1], strides = [1]} : vector<16xf32> to vector<1xf32>
        %parallel_loop3A_914 = vector.extract %parallel_loop3A_913[0] : f32 from vector<1xf32>
        %parallel_loop3A_915 = arith.index_cast %select_n3A_109 : i32 to index
        %parallel_loop3A_916 = arith.index_cast %parallel_loop3A_912 : i32 to index
        %parallel_loop3A_917 = arith.constant 0 : index
        %parallel_loop3A_918 = tpu.vector_load %arg12[%parallel_loop3A_915, %parallel_loop3A_916, %parallel_loop3A_917] {strides = array<i32>} : memref<2x64x64xi32, #tpu.memory_space<vmem>>, vector<16xi32>,
        %parallel_loop3A_919 = arith.index_cast %select_n3A_109 : i32 to index
        %parallel_loop3A_920 = arith.index_cast %parallel_loop3A_912 : i32 to index
        %parallel_loop3A_921 = arith.constant 16 : index
        %parallel_loop3A_922 = tpu.vector_load %arg12[%parallel_loop3A_919, %parallel_loop3A_920, %parallel_loop3A_921] {strides = array<i32>} : memref<2x64x64xi32, #tpu.memory_space<vmem>>, vector<16xi32>,
        %parallel_loop3A_923 = arith.index_cast %select_n3A_109 : i32 to index
        %parallel_loop3A_924 = arith.index_cast %parallel_loop3A_912 : i32 to index
        %parallel_loop3A_925 = arith.constant 32 : index
        %parallel_loop3A_926 = tpu.vector_load %arg12[%parallel_loop3A_923, %parallel_loop3A_924, %parallel_loop3A_925] {strides = array<i32>} : memref<2x64x64xi32, #tpu.memory_space<vmem>>, vector<16xi32>,
        %parallel_loop3A_927 = arith.index_cast %select_n3A_109 : i32 to index
        %parallel_loop3A_928 = arith.index_cast %parallel_loop3A_912 : i32 to index
        %parallel_loop3A_929 = arith.constant 48 : index
        %parallel_loop3A_930 = tpu.vector_load %arg12[%parallel_loop3A_927, %parallel_loop3A_928, %parallel_loop3A_929] {strides = array<i32>} : memref<2x64x64xi32, #tpu.memory_space<vmem>>, vector<16xi32>,
        %parallel_loop3A_931 = arith.constant 16 : i32
        %parallel_loop3A_932 = vector.broadcast %parallel_loop3A_931 : i32 to vector<16xi32>
        %parallel_loop3A_933 = arith.shli %parallel_loop3A_918, %parallel_loop3A_932 : vector<16xi32>
        %parallel_loop3A_934 = vector.bitcast %parallel_loop3A_933 : vector<16xi32> to vector<16xf32>
        %parallel_loop3A_935 = arith.constant -65536 : i32
        %parallel_loop3A_936 = vector.broadcast %parallel_loop3A_935 : i32 to vector<16xi32>
        %parallel_loop3A_937 = arith.andi %parallel_loop3A_918, %parallel_loop3A_936 : vector<16xi32>
        %parallel_loop3A_938 = vector.bitcast %parallel_loop3A_937 : vector<16xi32> to vector<16xf32>
        %parallel_loop3A_939 = vector.broadcast %parallel_loop3A_914 : f32 to vector<16xf32>
        %parallel_loop3A_940 = arith.mulf %parallel_loop3A_934, %parallel_loop3A_939 : vector<16xf32>
        %parallel_loop3A_941 = arith.index_cast %parallel_loop3A_912 : i32 to index
        %parallel_loop3A_942 = arith.constant 0 : index
        %parallel_loop3A_943 = tpu.vector_load %arg13[%parallel_loop3A_941, %parallel_loop3A_942] {strides = array<i32>} : memref<64x144xf32, #tpu.memory_space<vmem>>, vector<16xf32>,
        tpu.vector_store %arg13[%parallel_loop3A_941, %parallel_loop3A_942], %parallel_loop3A_940 {strides = array<i32>} : memref<64x144xf32, #tpu.memory_space<vmem>>, vector<16xf32>,
        %parallel_loop3A_944 = vector.broadcast %parallel_loop3A_914 : f32 to vector<16xf32>
        %parallel_loop3A_945 = arith.mulf %parallel_loop3A_938, %parallel_loop3A_944 : vector<16xf32>
        %parallel_loop3A_946 = arith.index_cast %parallel_loop3A_912 : i32 to index
        %parallel_loop3A_947 = arith.constant 16 : index
        %parallel_loop3A_948 = tpu.vector_load %arg13[%parallel_loop3A_946, %parallel_loop3A_947] {strides = array<i32>} : memref<64x144xf32, #tpu.memory_space<vmem>>, vector<16xf32>,
        tpu.vector_store %arg13[%parallel_loop3A_946, %parallel_loop3A_947], %parallel_loop3A_945 {strides = array<i32>} : memref<64x144xf32, #tpu.memory_space<vmem>>, vector<16xf32>,
        %parallel_loop3A_949 = arith.constant 16 : i32
        %parallel_loop3A_950 = vector.broadcast %parallel_loop3A_949 : i32 to vector<16xi32>
        %parallel_loop3A_951 = arith.shli %parallel_loop3A_922, %parallel_loop3A_950 : vector<16xi32>
        %parallel_loop3A_952 = vector.bitcast %parallel_loop3A_951 : vector<16xi32> to vector<16xf32>
        %parallel_loop3A_953 = arith.constant -65536 : i32
        %parallel_loop3A_954 = vector.broadcast %parallel_loop3A_953 : i32 to vector<16xi32>
        %parallel_loop3A_955 = arith.andi %parallel_loop3A_922, %parallel_loop3A_954 : vector<16xi32>
        %parallel_loop3A_956 = vector.bitcast %parallel_loop3A_955 : vector<16xi32> to vector<16xf32>
        %parallel_loop3A_957 = vector.broadcast %parallel_loop3A_914 : f32 to vector<16xf32>
        %parallel_loop3A_958 = arith.mulf %parallel_loop3A_952, %parallel_loop3A_957 : vector<16xf32>
        %parallel_loop3A_959 = arith.index_cast %parallel_loop3A_912 : i32 to index
        %parallel_loop3A_960 = arith.constant 32 : index
        %parallel_loop3A_961 = tpu.vector_load %arg13[%parallel_loop3A_959, %parallel_loop3A_960] {strides = array<i32>} : memref<64x144xf32, #tpu.memory_space<vmem>>, vector<16xf32>,
        tpu.vector_store %arg13[%parallel_loop3A_959, %parallel_loop3A_960], %parallel_loop3A_958 {strides = array<i32>} : memref<64x144xf32, #tpu.memory_space<vmem>>, vector<16xf32>,
        %parallel_loop3A_962 = vector.broadcast %parallel_loop3A_914 : f32 to vector<16xf32>
        %parallel_loop3A_963 = arith.mulf %parallel_loop3A_956, %parallel_loop3A_962 : vector<16xf32>
        %parallel_loop3A_964 = arith.index_cast %parallel_loop3A_912 : i32 to index
        %parallel_loop3A_965 = arith.constant 48 : index
        %parallel_loop3A_966 = tpu.vector_load %arg13[%parallel_loop3A_964, %parallel_loop3A_965] {strides = array<i32>} : memref<64x144xf32, #tpu.memory_space<vmem>>, vector<16xf32>,
        tpu.vector_store %arg13[%parallel_loop3A_964, %parallel_loop3A_965], %parallel_loop3A_963 {strides = array<i32>} : memref<64x144xf32, #tpu.memory_space<vmem>>, vector<16xf32>,
        %parallel_loop3A_967 = arith.constant 16 : i32
        %parallel_loop3A_968 = vector.broadcast %parallel_loop3A_967 : i32 to vector<16xi32>
        %parallel_loop3A_969 = arith.shli %parallel_loop3A_926, %parallel_loop3A_968 : vector<16xi32>
        %parallel_loop3A_970 = vector.bitcast %parallel_loop3A_969 : vector<16xi32> to vector<16xf32>
        %parallel_loop3A_971 = arith.constant -65536 : i32
        %parallel_loop3A_972 = vector.broadcast %parallel_loop3A_971 : i32 to vector<16xi32>
        %parallel_loop3A_973 = arith.andi %parallel_loop3A_926, %parallel_loop3A_972 : vector<16xi32>
        %parallel_loop3A_974 = vector.bitcast %parallel_loop3A_973 : vector<16xi32> to vector<16xf32>
        %parallel_loop3A_975 = vector.broadcast %parallel_loop3A_914 : f32 to vector<16xf32>
        %parallel_loop3A_976 = arith.mulf %parallel_loop3A_970, %parallel_loop3A_975 : vector<16xf32>
        %parallel_loop3A_977 = arith.index_cast %parallel_loop3A_912 : i32 to index
        %parallel_loop3A_978 = arith.constant 64 : index
        %parallel_loop3A_979 = tpu.vector_load %arg13[%parallel_loop3A_977, %parallel_loop3A_978] {strides = array<i32>} : memref<64x144xf32, #tpu.memory_space<vmem>>, vector<16xf32>,
        tpu.vector_store %arg13[%parallel_loop3A_977, %parallel_loop3A_978], %parallel_loop3A_976 {strides = array<i32>} : memref<64x144xf32, #tpu.memory_space<vmem>>, vector<16xf32>,
        %parallel_loop3A_980 = vector.broadcast %parallel_loop3A_914 : f32 to vector<16xf32>
        %parallel_loop3A_981 = arith.mulf %parallel_loop3A_974, %parallel_loop3A_980 : vector<16xf32>
        %parallel_loop3A_982 = arith.index_cast %parallel_loop3A_912 : i32 to index
        %parallel_loop3A_983 = arith.constant 80 : index
        %parallel_loop3A_984 = tpu.vector_load %arg13[%parallel_loop3A_982, %parallel_loop3A_983] {strides = array<i32>} : memref<64x144xf32, #tpu.memory_space<vmem>>, vector<16xf32>,
        tpu.vector_store %arg13[%parallel_loop3A_982, %parallel_loop3A_983], %parallel_loop3A_981 {strides = array<i32>} : memref<64x144xf32, #tpu.memory_space<vmem>>, vector<16xf32>,
        %parallel_loop3A_985 = arith.constant 16 : i32
        %parallel_loop3A_986 = vector.broadcast %parallel_loop3A_985 : i32 to vector<16xi32>
        %parallel_loop3A_987 = arith.shli %parallel_loop3A_930, %parallel_loop3A_986 : vector<16xi32>
        %parallel_loop3A_988 = vector.bitcast %parallel_loop3A_987 : vector<16xi32> to vector<16xf32>
        %parallel_loop3A_989 = arith.constant -65536 : i32
        %parallel_loop3A_990 = vector.broadcast %parallel_loop3A_989 : i32 to vector<16xi32>
        %parallel_loop3A_991 = arith.andi %parallel_loop3A_930, %parallel_loop3A_990 : vector<16xi32>
        %parallel_loop3A_992 = vector.bitcast %parallel_loop3A_991 : vector<16xi32> to vector<16xf32>
        %parallel_loop3A_993 = vector.broadcast %parallel_loop3A_914 : f32 to vector<16xf32>
        %parallel_loop3A_994 = arith.mulf %parallel_loop3A_988, %parallel_loop3A_993 : vector<16xf32>
        %parallel_loop3A_995 = arith.index_cast %parallel_loop3A_912 : i32 to index
        %parallel_loop3A_996 = arith.constant 96 : index
        %parallel_loop3A_997 = tpu.vector_load %arg13[%parallel_loop3A_995, %parallel_loop3A_996] {strides = array<i32>} : memref<64x144xf32, #tpu.memory_space<vmem>>, vector<16xf32>,
        tpu.vector_store %arg13[%parallel_loop3A_995, %parallel_loop3A_996], %parallel_loop3A_994 {strides = array<i32>} : memref<64x144xf32, #tpu.memory_space<vmem>>, vector<16xf32>,
        %parallel_loop3A_998 = vector.broadcast %parallel_loop3A_914 : f32 to vector<16xf32>
        %parallel_loop3A_999 = arith.mulf %parallel_loop3A_992, %parallel_loop3A_998 : vector<16xf32>
        %parallel_loop3A_1000 = arith.index_cast %parallel_loop3A_912 : i32 to index
        %parallel_loop3A_1001 = arith.constant 112 : index
        %parallel_loop3A_1002 = tpu.vector_load %arg13[%parallel_loop3A_1000, %parallel_loop3A_1001] {strides = array<i32>} : memref<64x144xf32, #tpu.memory_space<vmem>>, vector<16xf32>,
        tpu.vector_store %arg13[%parallel_loop3A_1000, %parallel_loop3A_1001], %parallel_loop3A_999 {strides = array<i32>} : memref<64x144xf32, #tpu.memory_space<vmem>>, vector<16xf32>,
        %parallel_loop3A_1003 = arith.constant 0.000000e+00 : f32
        %parallel_loop3A_1004 = vector.broadcast %parallel_loop3A_914 : f32 to vector<16xf32>
        %parallel_loop3A_1005 = vector.broadcast %parallel_loop3A_1003 : f32 to vector<16xf32>
        %parallel_loop3A_1006 = arith.select %eq3A_537, %parallel_loop3A_1004, %parallel_loop3A_1005 : vector<16xi1>, vector<16xf32>
        %parallel_loop3A_1007 = arith.index_cast %parallel_loop3A_912 : i32 to index
        %parallel_loop3A_1008 = arith.constant 128 : index
        %parallel_loop3A_1009 = tpu.vector_load %arg13[%parallel_loop3A_1007, %parallel_loop3A_1008] {strides = array<i32>} : memref<64x144xf32, #tpu.memory_space<vmem>>, vector<16xf32>,
        tpu.vector_store %arg13[%parallel_loop3A_1007, %parallel_loop3A_1008], %parallel_loop3A_1006 {strides = array<i32>} : memref<64x144xf32, #tpu.memory_space<vmem>>, vector<16xf32>,
        %parallel_loop3A_1010 = arith.constant 4 : i32
        %parallel_loop3A_1011 = arith.addi %parallel_loop3A_613, %parallel_loop3A_1010 : i32
        %parallel_loop3A_1012 = vector.extract_strided_slice %parallel_loop3A_611 {offsets = [4], sizes = [1], strides = [1]} : vector<16xf32> to vector<1xf32>
        %parallel_loop3A_1013 = vector.extract %parallel_loop3A_1012[0] : f32 from vector<1xf32>
        %parallel_loop3A_1014 = arith.index_cast %select_n3A_109 : i32 to index
        %parallel_loop3A_1015 = arith.index_cast %parallel_loop3A_1011 : i32 to index
        %parallel_loop3A_1016 = arith.constant 0 : index
        %parallel_loop3A_1017 = tpu.vector_load %arg12[%parallel_loop3A_1014, %parallel_loop3A_1015, %parallel_loop3A_1016] {strides = array<i32>} : memref<2x64x64xi32, #tpu.memory_space<vmem>>, vector<16xi32>,
        %parallel_loop3A_1018 = arith.index_cast %select_n3A_109 : i32 to index
        %parallel_loop3A_1019 = arith.index_cast %parallel_loop3A_1011 : i32 to index
        %parallel_loop3A_1020 = arith.constant 16 : index
        %parallel_loop3A_1021 = tpu.vector_load %arg12[%parallel_loop3A_1018, %parallel_loop3A_1019, %parallel_loop3A_1020] {strides = array<i32>} : memref<2x64x64xi32, #tpu.memory_space<vmem>>, vector<16xi32>,
        %parallel_loop3A_1022 = arith.index_cast %select_n3A_109 : i32 to index
        %parallel_loop3A_1023 = arith.index_cast %parallel_loop3A_1011 : i32 to index
        %parallel_loop3A_1024 = arith.constant 32 : index
        %parallel_loop3A_1025 = tpu.vector_load %arg12[%parallel_loop3A_1022, %parallel_loop3A_1023, %parallel_loop3A_1024] {strides = array<i32>} : memref<2x64x64xi32, #tpu.memory_space<vmem>>, vector<16xi32>,
        %parallel_loop3A_1026 = arith.index_cast %select_n3A_109 : i32 to index
        %parallel_loop3A_1027 = arith.index_cast %parallel_loop3A_1011 : i32 to index
        %parallel_loop3A_1028 = arith.constant 48 : index
        %parallel_loop3A_1029 = tpu.vector_load %arg12[%parallel_loop3A_1026, %parallel_loop3A_1027, %parallel_loop3A_1028] {strides = array<i32>} : memref<2x64x64xi32, #tpu.memory_space<vmem>>, vector<16xi32>,
        %parallel_loop3A_1030 = arith.constant 16 : i32
        %parallel_loop3A_1031 = vector.broadcast %parallel_loop3A_1030 : i32 to vector<16xi32>
        %parallel_loop3A_1032 = arith.shli %parallel_loop3A_1017, %parallel_loop3A_1031 : vector<16xi32>
        %parallel_loop3A_1033 = vector.bitcast %parallel_loop3A_1032 : vector<16xi32> to vector<16xf32>
        %parallel_loop3A_1034 = arith.constant -65536 : i32
        %parallel_loop3A_1035 = vector.broadcast %parallel_loop3A_1034 : i32 to vector<16xi32>
        %parallel_loop3A_1036 = arith.andi %parallel_loop3A_1017, %parallel_loop3A_1035 : vector<16xi32>
        %parallel_loop3A_1037 = vector.bitcast %parallel_loop3A_1036 : vector<16xi32> to vector<16xf32>
        %parallel_loop3A_1038 = vector.broadcast %parallel_loop3A_1013 : f32 to vector<16xf32>
        %parallel_loop3A_1039 = arith.mulf %parallel_loop3A_1033, %parallel_loop3A_1038 : vector<16xf32>
        %parallel_loop3A_1040 = arith.index_cast %parallel_loop3A_1011 : i32 to index
        %parallel_loop3A_1041 = arith.constant 0 : index
        %parallel_loop3A_1042 = tpu.vector_load %arg13[%parallel_loop3A_1040, %parallel_loop3A_1041] {strides = array<i32>} : memref<64x144xf32, #tpu.memory_space<vmem>>, vector<16xf32>,
        tpu.vector_store %arg13[%parallel_loop3A_1040, %parallel_loop3A_1041], %parallel_loop3A_1039 {strides = array<i32>} : memref<64x144xf32, #tpu.memory_space<vmem>>, vector<16xf32>,
        %parallel_loop3A_1043 = vector.broadcast %parallel_loop3A_1013 : f32 to vector<16xf32>
        %parallel_loop3A_1044 = arith.mulf %parallel_loop3A_1037, %parallel_loop3A_1043 : vector<16xf32>
        %parallel_loop3A_1045 = arith.index_cast %parallel_loop3A_1011 : i32 to index
        %parallel_loop3A_1046 = arith.constant 16 : index
        %parallel_loop3A_1047 = tpu.vector_load %arg13[%parallel_loop3A_1045, %parallel_loop3A_1046] {strides = array<i32>} : memref<64x144xf32, #tpu.memory_space<vmem>>, vector<16xf32>,
        tpu.vector_store %arg13[%parallel_loop3A_1045, %parallel_loop3A_1046], %parallel_loop3A_1044 {strides = array<i32>} : memref<64x144xf32, #tpu.memory_space<vmem>>, vector<16xf32>,
        %parallel_loop3A_1048 = arith.constant 16 : i32
        %parallel_loop3A_1049 = vector.broadcast %parallel_loop3A_1048 : i32 to vector<16xi32>
        %parallel_loop3A_1050 = arith.shli %parallel_loop3A_1021, %parallel_loop3A_1049 : vector<16xi32>
        %parallel_loop3A_1051 = vector.bitcast %parallel_loop3A_1050 : vector<16xi32> to vector<16xf32>
        %parallel_loop3A_1052 = arith.constant -65536 : i32
        %parallel_loop3A_1053 = vector.broadcast %parallel_loop3A_1052 : i32 to vector<16xi32>
        %parallel_loop3A_1054 = arith.andi %parallel_loop3A_1021, %parallel_loop3A_1053 : vector<16xi32>
        %parallel_loop3A_1055 = vector.bitcast %parallel_loop3A_1054 : vector<16xi32> to vector<16xf32>
        %parallel_loop3A_1056 = vector.broadcast %parallel_loop3A_1013 : f32 to vector<16xf32>
        %parallel_loop3A_1057 = arith.mulf %parallel_loop3A_1051, %parallel_loop3A_1056 : vector<16xf32>
        %parallel_loop3A_1058 = arith.index_cast %parallel_loop3A_1011 : i32 to index
        %parallel_loop3A_1059 = arith.constant 32 : index
        %parallel_loop3A_1060 = tpu.vector_load %arg13[%parallel_loop3A_1058, %parallel_loop3A_1059] {strides = array<i32>} : memref<64x144xf32, #tpu.memory_space<vmem>>, vector<16xf32>,
        tpu.vector_store %arg13[%parallel_loop3A_1058, %parallel_loop3A_1059], %parallel_loop3A_1057 {strides = array<i32>} : memref<64x144xf32, #tpu.memory_space<vmem>>, vector<16xf32>,
        %parallel_loop3A_1061 = vector.broadcast %parallel_loop3A_1013 : f32 to vector<16xf32>
        %parallel_loop3A_1062 = arith.mulf %parallel_loop3A_1055, %parallel_loop3A_1061 : vector<16xf32>
        %parallel_loop3A_1063 = arith.index_cast %parallel_loop3A_1011 : i32 to index
        %parallel_loop3A_1064 = arith.constant 48 : index
        %parallel_loop3A_1065 = tpu.vector_load %arg13[%parallel_loop3A_1063, %parallel_loop3A_1064] {strides = array<i32>} : memref<64x144xf32, #tpu.memory_space<vmem>>, vector<16xf32>,
        tpu.vector_store %arg13[%parallel_loop3A_1063, %parallel_loop3A_1064], %parallel_loop3A_1062 {strides = array<i32>} : memref<64x144xf32, #tpu.memory_space<vmem>>, vector<16xf32>,
        %parallel_loop3A_1066 = arith.constant 16 : i32
        %parallel_loop3A_1067 = vector.broadcast %parallel_loop3A_1066 : i32 to vector<16xi32>
        %parallel_loop3A_1068 = arith.shli %parallel_loop3A_1025, %parallel_loop3A_1067 : vector<16xi32>
        %parallel_loop3A_1069 = vector.bitcast %parallel_loop3A_1068 : vector<16xi32> to vector<16xf32>
        %parallel_loop3A_1070 = arith.constant -65536 : i32
        %parallel_loop3A_1071 = vector.broadcast %parallel_loop3A_1070 : i32 to vector<16xi32>
        %parallel_loop3A_1072 = arith.andi %parallel_loop3A_1025, %parallel_loop3A_1071 : vector<16xi32>
        %parallel_loop3A_1073 = vector.bitcast %parallel_loop3A_1072 : vector<16xi32> to vector<16xf32>
        %parallel_loop3A_1074 = vector.broadcast %parallel_loop3A_1013 : f32 to vector<16xf32>
        %parallel_loop3A_1075 = arith.mulf %parallel_loop3A_1069, %parallel_loop3A_1074 : vector<16xf32>
        %parallel_loop3A_1076 = arith.index_cast %parallel_loop3A_1011 : i32 to index
        %parallel_loop3A_1077 = arith.constant 64 : index
        %parallel_loop3A_1078 = tpu.vector_load %arg13[%parallel_loop3A_1076, %parallel_loop3A_1077] {strides = array<i32>} : memref<64x144xf32, #tpu.memory_space<vmem>>, vector<16xf32>,
        tpu.vector_store %arg13[%parallel_loop3A_1076, %parallel_loop3A_1077], %parallel_loop3A_1075 {strides = array<i32>} : memref<64x144xf32, #tpu.memory_space<vmem>>, vector<16xf32>,
        %parallel_loop3A_1079 = vector.broadcast %parallel_loop3A_1013 : f32 to vector<16xf32>
        %parallel_loop3A_1080 = arith.mulf %parallel_loop3A_1073, %parallel_loop3A_1079 : vector<16xf32>
        %parallel_loop3A_1081 = arith.index_cast %parallel_loop3A_1011 : i32 to index
        %parallel_loop3A_1082 = arith.constant 80 : index
        %parallel_loop3A_1083 = tpu.vector_load %arg13[%parallel_loop3A_1081, %parallel_loop3A_1082] {strides = array<i32>} : memref<64x144xf32, #tpu.memory_space<vmem>>, vector<16xf32>,
        tpu.vector_store %arg13[%parallel_loop3A_1081, %parallel_loop3A_1082], %parallel_loop3A_1080 {strides = array<i32>} : memref<64x144xf32, #tpu.memory_space<vmem>>, vector<16xf32>,
        %parallel_loop3A_1084 = arith.constant 16 : i32
        %parallel_loop3A_1085 = vector.broadcast %parallel_loop3A_1084 : i32 to vector<16xi32>
        %parallel_loop3A_1086 = arith.shli %parallel_loop3A_1029, %parallel_loop3A_1085 : vector<16xi32>
        %parallel_loop3A_1087 = vector.bitcast %parallel_loop3A_1086 : vector<16xi32> to vector<16xf32>
        %parallel_loop3A_1088 = arith.constant -65536 : i32
        %parallel_loop3A_1089 = vector.broadcast %parallel_loop3A_1088 : i32 to vector<16xi32>
        %parallel_loop3A_1090 = arith.andi %parallel_loop3A_1029, %parallel_loop3A_1089 : vector<16xi32>
        %parallel_loop3A_1091 = vector.bitcast %parallel_loop3A_1090 : vector<16xi32> to vector<16xf32>
        %parallel_loop3A_1092 = vector.broadcast %parallel_loop3A_1013 : f32 to vector<16xf32>
        %parallel_loop3A_1093 = arith.mulf %parallel_loop3A_1087, %parallel_loop3A_1092 : vector<16xf32>
        %parallel_loop3A_1094 = arith.index_cast %parallel_loop3A_1011 : i32 to index
        %parallel_loop3A_1095 = arith.constant 96 : index
        %parallel_loop3A_1096 = tpu.vector_load %arg13[%parallel_loop3A_1094, %parallel_loop3A_1095] {strides = array<i32>} : memref<64x144xf32, #tpu.memory_space<vmem>>, vector<16xf32>,
        tpu.vector_store %arg13[%parallel_loop3A_1094, %parallel_loop3A_1095], %parallel_loop3A_1093 {strides = array<i32>} : memref<64x144xf32, #tpu.memory_space<vmem>>, vector<16xf32>,
        %parallel_loop3A_1097 = vector.broadcast %parallel_loop3A_1013 : f32 to vector<16xf32>
        %parallel_loop3A_1098 = arith.mulf %parallel_loop3A_1091, %parallel_loop3A_1097 : vector<16xf32>
        %parallel_loop3A_1099 = arith.index_cast %parallel_loop3A_1011 : i32 to index
        %parallel_loop3A_1100 = arith.constant 112 : index
        %parallel_loop3A_1101 = tpu.vector_load %arg13[%parallel_loop3A_1099, %parallel_loop3A_1100] {strides = array<i32>} : memref<64x144xf32, #tpu.memory_space<vmem>>, vector<16xf32>,
        tpu.vector_store %arg13[%parallel_loop3A_1099, %parallel_loop3A_1100], %parallel_loop3A_1098 {strides = array<i32>} : memref<64x144xf32, #tpu.memory_space<vmem>>, vector<16xf32>,
        %parallel_loop3A_1102 = arith.constant 0.000000e+00 : f32
        %parallel_loop3A_1103 = vector.broadcast %parallel_loop3A_1013 : f32 to vector<16xf32>
        %parallel_loop3A_1104 = vector.broadcast %parallel_loop3A_1102 : f32 to vector<16xf32>
        %parallel_loop3A_1105 = arith.select %eq3A_537, %parallel_loop3A_1103, %parallel_loop3A_1104 : vector<16xi1>, vector<16xf32>
        %parallel_loop3A_1106 = arith.index_cast %parallel_loop3A_1011 : i32 to index
        %parallel_loop3A_1107 = arith.constant 128 : index
        %parallel_loop3A_1108 = tpu.vector_load %arg13[%parallel_loop3A_1106, %parallel_loop3A_1107] {strides = array<i32>} : memref<64x144xf32, #tpu.memory_space<vmem>>, vector<16xf32>,
        tpu.vector_store %arg13[%parallel_loop3A_1106, %parallel_loop3A_1107], %parallel_loop3A_1105 {strides = array<i32>} : memref<64x144xf32, #tpu.memory_space<vmem>>, vector<16xf32>,
        %parallel_loop3A_1109 = arith.constant 5 : i32
        %parallel_loop3A_1110 = arith.addi %parallel_loop3A_613, %parallel_loop3A_1109 : i32
        %parallel_loop3A_1111 = vector.extract_strided_slice %parallel_loop3A_611 {offsets = [5], sizes = [1], strides = [1]} : vector<16xf32> to vector<1xf32>
        %parallel_loop3A_1112 = vector.extract %parallel_loop3A_1111[0] : f32 from vector<1xf32>
        %parallel_loop3A_1113 = arith.index_cast %select_n3A_109 : i32 to index
        %parallel_loop3A_1114 = arith.index_cast %parallel_loop3A_1110 : i32 to index
        %parallel_loop3A_1115 = arith.constant 0 : index
        %parallel_loop3A_1116 = tpu.vector_load %arg12[%parallel_loop3A_1113, %parallel_loop3A_1114, %parallel_loop3A_1115] {strides = array<i32>} : memref<2x64x64xi32, #tpu.memory_space<vmem>>, vector<16xi32>,
        %parallel_loop3A_1117 = arith.index_cast %select_n3A_109 : i32 to index
        %parallel_loop3A_1118 = arith.index_cast %parallel_loop3A_1110 : i32 to index
        %parallel_loop3A_1119 = arith.constant 16 : index
        %parallel_loop3A_1120 = tpu.vector_load %arg12[%parallel_loop3A_1117, %parallel_loop3A_1118, %parallel_loop3A_1119] {strides = array<i32>} : memref<2x64x64xi32, #tpu.memory_space<vmem>>, vector<16xi32>,
        %parallel_loop3A_1121 = arith.index_cast %select_n3A_109 : i32 to index
        %parallel_loop3A_1122 = arith.index_cast %parallel_loop3A_1110 : i32 to index
        %parallel_loop3A_1123 = arith.constant 32 : index
        %parallel_loop3A_1124 = tpu.vector_load %arg12[%parallel_loop3A_1121, %parallel_loop3A_1122, %parallel_loop3A_1123] {strides = array<i32>} : memref<2x64x64xi32, #tpu.memory_space<vmem>>, vector<16xi32>,
        %parallel_loop3A_1125 = arith.index_cast %select_n3A_109 : i32 to index
        %parallel_loop3A_1126 = arith.index_cast %parallel_loop3A_1110 : i32 to index
        %parallel_loop3A_1127 = arith.constant 48 : index
        %parallel_loop3A_1128 = tpu.vector_load %arg12[%parallel_loop3A_1125, %parallel_loop3A_1126, %parallel_loop3A_1127] {strides = array<i32>} : memref<2x64x64xi32, #tpu.memory_space<vmem>>, vector<16xi32>,
        %parallel_loop3A_1129 = arith.constant 16 : i32
        %parallel_loop3A_1130 = vector.broadcast %parallel_loop3A_1129 : i32 to vector<16xi32>
        %parallel_loop3A_1131 = arith.shli %parallel_loop3A_1116, %parallel_loop3A_1130 : vector<16xi32>
        %parallel_loop3A_1132 = vector.bitcast %parallel_loop3A_1131 : vector<16xi32> to vector<16xf32>
        %parallel_loop3A_1133 = arith.constant -65536 : i32
        %parallel_loop3A_1134 = vector.broadcast %parallel_loop3A_1133 : i32 to vector<16xi32>
        %parallel_loop3A_1135 = arith.andi %parallel_loop3A_1116, %parallel_loop3A_1134 : vector<16xi32>
        %parallel_loop3A_1136 = vector.bitcast %parallel_loop3A_1135 : vector<16xi32> to vector<16xf32>
        %parallel_loop3A_1137 = vector.broadcast %parallel_loop3A_1112 : f32 to vector<16xf32>
        %parallel_loop3A_1138 = arith.mulf %parallel_loop3A_1132, %parallel_loop3A_1137 : vector<16xf32>
        %parallel_loop3A_1139 = arith.index_cast %parallel_loop3A_1110 : i32 to index
        %parallel_loop3A_1140 = arith.constant 0 : index
        %parallel_loop3A_1141 = tpu.vector_load %arg13[%parallel_loop3A_1139, %parallel_loop3A_1140] {strides = array<i32>} : memref<64x144xf32, #tpu.memory_space<vmem>>, vector<16xf32>,
        tpu.vector_store %arg13[%parallel_loop3A_1139, %parallel_loop3A_1140], %parallel_loop3A_1138 {strides = array<i32>} : memref<64x144xf32, #tpu.memory_space<vmem>>, vector<16xf32>,
        %parallel_loop3A_1142 = vector.broadcast %parallel_loop3A_1112 : f32 to vector<16xf32>
        %parallel_loop3A_1143 = arith.mulf %parallel_loop3A_1136, %parallel_loop3A_1142 : vector<16xf32>
        %parallel_loop3A_1144 = arith.index_cast %parallel_loop3A_1110 : i32 to index
        %parallel_loop3A_1145 = arith.constant 16 : index
        %parallel_loop3A_1146 = tpu.vector_load %arg13[%parallel_loop3A_1144, %parallel_loop3A_1145] {strides = array<i32>} : memref<64x144xf32, #tpu.memory_space<vmem>>, vector<16xf32>,
        tpu.vector_store %arg13[%parallel_loop3A_1144, %parallel_loop3A_1145], %parallel_loop3A_1143 {strides = array<i32>} : memref<64x144xf32, #tpu.memory_space<vmem>>, vector<16xf32>,
        %parallel_loop3A_1147 = arith.constant 16 : i32
        %parallel_loop3A_1148 = vector.broadcast %parallel_loop3A_1147 : i32 to vector<16xi32>
        %parallel_loop3A_1149 = arith.shli %parallel_loop3A_1120, %parallel_loop3A_1148 : vector<16xi32>
        %parallel_loop3A_1150 = vector.bitcast %parallel_loop3A_1149 : vector<16xi32> to vector<16xf32>
        %parallel_loop3A_1151 = arith.constant -65536 : i32
        %parallel_loop3A_1152 = vector.broadcast %parallel_loop3A_1151 : i32 to vector<16xi32>
        %parallel_loop3A_1153 = arith.andi %parallel_loop3A_1120, %parallel_loop3A_1152 : vector<16xi32>
        %parallel_loop3A_1154 = vector.bitcast %parallel_loop3A_1153 : vector<16xi32> to vector<16xf32>
        %parallel_loop3A_1155 = vector.broadcast %parallel_loop3A_1112 : f32 to vector<16xf32>
        %parallel_loop3A_1156 = arith.mulf %parallel_loop3A_1150, %parallel_loop3A_1155 : vector<16xf32>
        %parallel_loop3A_1157 = arith.index_cast %parallel_loop3A_1110 : i32 to index
        %parallel_loop3A_1158 = arith.constant 32 : index
        %parallel_loop3A_1159 = tpu.vector_load %arg13[%parallel_loop3A_1157, %parallel_loop3A_1158] {strides = array<i32>} : memref<64x144xf32, #tpu.memory_space<vmem>>, vector<16xf32>,
        tpu.vector_store %arg13[%parallel_loop3A_1157, %parallel_loop3A_1158], %parallel_loop3A_1156 {strides = array<i32>} : memref<64x144xf32, #tpu.memory_space<vmem>>, vector<16xf32>,
        %parallel_loop3A_1160 = vector.broadcast %parallel_loop3A_1112 : f32 to vector<16xf32>
        %parallel_loop3A_1161 = arith.mulf %parallel_loop3A_1154, %parallel_loop3A_1160 : vector<16xf32>
        %parallel_loop3A_1162 = arith.index_cast %parallel_loop3A_1110 : i32 to index
        %parallel_loop3A_1163 = arith.constant 48 : index
        %parallel_loop3A_1164 = tpu.vector_load %arg13[%parallel_loop3A_1162, %parallel_loop3A_1163] {strides = array<i32>} : memref<64x144xf32, #tpu.memory_space<vmem>>, vector<16xf32>,
        tpu.vector_store %arg13[%parallel_loop3A_1162, %parallel_loop3A_1163], %parallel_loop3A_1161 {strides = array<i32>} : memref<64x144xf32, #tpu.memory_space<vmem>>, vector<16xf32>,
        %parallel_loop3A_1165 = arith.constant 16 : i32
        %parallel_loop3A_1166 = vector.broadcast %parallel_loop3A_1165 : i32 to vector<16xi32>
        %parallel_loop3A_1167 = arith.shli %parallel_loop3A_1124, %parallel_loop3A_1166 : vector<16xi32>
        %parallel_loop3A_1168 = vector.bitcast %parallel_loop3A_1167 : vector<16xi32> to vector<16xf32>
        %parallel_loop3A_1169 = arith.constant -65536 : i32
        %parallel_loop3A_1170 = vector.broadcast %parallel_loop3A_1169 : i32 to vector<16xi32>
        %parallel_loop3A_1171 = arith.andi %parallel_loop3A_1124, %parallel_loop3A_1170 : vector<16xi32>
        %parallel_loop3A_1172 = vector.bitcast %parallel_loop3A_1171 : vector<16xi32> to vector<16xf32>
        %parallel_loop3A_1173 = vector.broadcast %parallel_loop3A_1112 : f32 to vector<16xf32>
        %parallel_loop3A_1174 = arith.mulf %parallel_loop3A_1168, %parallel_loop3A_1173 : vector<16xf32>
        %parallel_loop3A_1175 = arith.index_cast %parallel_loop3A_1110 : i32 to index
        %parallel_loop3A_1176 = arith.constant 64 : index
        %parallel_loop3A_1177 = tpu.vector_load %arg13[%parallel_loop3A_1175, %parallel_loop3A_1176] {strides = array<i32>} : memref<64x144xf32, #tpu.memory_space<vmem>>, vector<16xf32>,
        tpu.vector_store %arg13[%parallel_loop3A_1175, %parallel_loop3A_1176], %parallel_loop3A_1174 {strides = array<i32>} : memref<64x144xf32, #tpu.memory_space<vmem>>, vector<16xf32>,
        %parallel_loop3A_1178 = vector.broadcast %parallel_loop3A_1112 : f32 to vector<16xf32>
        %parallel_loop3A_1179 = arith.mulf %parallel_loop3A_1172, %parallel_loop3A_1178 : vector<16xf32>
        %parallel_loop3A_1180 = arith.index_cast %parallel_loop3A_1110 : i32 to index
        %parallel_loop3A_1181 = arith.constant 80 : index
        %parallel_loop3A_1182 = tpu.vector_load %arg13[%parallel_loop3A_1180, %parallel_loop3A_1181] {strides = array<i32>} : memref<64x144xf32, #tpu.memory_space<vmem>>, vector<16xf32>,
        tpu.vector_store %arg13[%parallel_loop3A_1180, %parallel_loop3A_1181], %parallel_loop3A_1179 {strides = array<i32>} : memref<64x144xf32, #tpu.memory_space<vmem>>, vector<16xf32>,
        %parallel_loop3A_1183 = arith.constant 16 : i32
        %parallel_loop3A_1184 = vector.broadcast %parallel_loop3A_1183 : i32 to vector<16xi32>
        %parallel_loop3A_1185 = arith.shli %parallel_loop3A_1128, %parallel_loop3A_1184 : vector<16xi32>
        %parallel_loop3A_1186 = vector.bitcast %parallel_loop3A_1185 : vector<16xi32> to vector<16xf32>
        %parallel_loop3A_1187 = arith.constant -65536 : i32
        %parallel_loop3A_1188 = vector.broadcast %parallel_loop3A_1187 : i32 to vector<16xi32>
        %parallel_loop3A_1189 = arith.andi %parallel_loop3A_1128, %parallel_loop3A_1188 : vector<16xi32>
        %parallel_loop3A_1190 = vector.bitcast %parallel_loop3A_1189 : vector<16xi32> to vector<16xf32>
        %parallel_loop3A_1191 = vector.broadcast %parallel_loop3A_1112 : f32 to vector<16xf32>
        %parallel_loop3A_1192 = arith.mulf %parallel_loop3A_1186, %parallel_loop3A_1191 : vector<16xf32>
        %parallel_loop3A_1193 = arith.index_cast %parallel_loop3A_1110 : i32 to index
        %parallel_loop3A_1194 = arith.constant 96 : index
        %parallel_loop3A_1195 = tpu.vector_load %arg13[%parallel_loop3A_1193, %parallel_loop3A_1194] {strides = array<i32>} : memref<64x144xf32, #tpu.memory_space<vmem>>, vector<16xf32>,
        tpu.vector_store %arg13[%parallel_loop3A_1193, %parallel_loop3A_1194], %parallel_loop3A_1192 {strides = array<i32>} : memref<64x144xf32, #tpu.memory_space<vmem>>, vector<16xf32>,
        %parallel_loop3A_1196 = vector.broadcast %parallel_loop3A_1112 : f32 to vector<16xf32>
        %parallel_loop3A_1197 = arith.mulf %parallel_loop3A_1190, %parallel_loop3A_1196 : vector<16xf32>
        %parallel_loop3A_1198 = arith.index_cast %parallel_loop3A_1110 : i32 to index
        %parallel_loop3A_1199 = arith.constant 112 : index
        %parallel_loop3A_1200 = tpu.vector_load %arg13[%parallel_loop3A_1198, %parallel_loop3A_1199] {strides = array<i32>} : memref<64x144xf32, #tpu.memory_space<vmem>>, vector<16xf32>,
        tpu.vector_store %arg13[%parallel_loop3A_1198, %parallel_loop3A_1199], %parallel_loop3A_1197 {strides = array<i32>} : memref<64x144xf32, #tpu.memory_space<vmem>>, vector<16xf32>,
        %parallel_loop3A_1201 = arith.constant 0.000000e+00 : f32
        %parallel_loop3A_1202 = vector.broadcast %parallel_loop3A_1112 : f32 to vector<16xf32>
        %parallel_loop3A_1203 = vector.broadcast %parallel_loop3A_1201 : f32 to vector<16xf32>
        %parallel_loop3A_1204 = arith.select %eq3A_537, %parallel_loop3A_1202, %parallel_loop3A_1203 : vector<16xi1>, vector<16xf32>
        %parallel_loop3A_1205 = arith.index_cast %parallel_loop3A_1110 : i32 to index
        %parallel_loop3A_1206 = arith.constant 128 : index
        %parallel_loop3A_1207 = tpu.vector_load %arg13[%parallel_loop3A_1205, %parallel_loop3A_1206] {strides = array<i32>} : memref<64x144xf32, #tpu.memory_space<vmem>>, vector<16xf32>,
        tpu.vector_store %arg13[%parallel_loop3A_1205, %parallel_loop3A_1206], %parallel_loop3A_1204 {strides = array<i32>} : memref<64x144xf32, #tpu.memory_space<vmem>>, vector<16xf32>,
        %parallel_loop3A_1208 = arith.constant 6 : i32
        %parallel_loop3A_1209 = arith.addi %parallel_loop3A_613, %parallel_loop3A_1208 : i32
        %parallel_loop3A_1210 = vector.extract_strided_slice %parallel_loop3A_611 {offsets = [6], sizes = [1], strides = [1]} : vector<16xf32> to vector<1xf32>
        %parallel_loop3A_1211 = vector.extract %parallel_loop3A_1210[0] : f32 from vector<1xf32>
        %parallel_loop3A_1212 = arith.index_cast %select_n3A_109 : i32 to index
        %parallel_loop3A_1213 = arith.index_cast %parallel_loop3A_1209 : i32 to index
        %parallel_loop3A_1214 = arith.constant 0 : index
        %parallel_loop3A_1215 = tpu.vector_load %arg12[%parallel_loop3A_1212, %parallel_loop3A_1213, %parallel_loop3A_1214] {strides = array<i32>} : memref<2x64x64xi32, #tpu.memory_space<vmem>>, vector<16xi32>,
        %parallel_loop3A_1216 = arith.index_cast %select_n3A_109 : i32 to index
        %parallel_loop3A_1217 = arith.index_cast %parallel_loop3A_1209 : i32 to index
        %parallel_loop3A_1218 = arith.constant 16 : index
        %parallel_loop3A_1219 = tpu.vector_load %arg12[%parallel_loop3A_1216, %parallel_loop3A_1217, %parallel_loop3A_1218] {strides = array<i32>} : memref<2x64x64xi32, #tpu.memory_space<vmem>>, vector<16xi32>,
        %parallel_loop3A_1220 = arith.index_cast %select_n3A_109 : i32 to index
        %parallel_loop3A_1221 = arith.index_cast %parallel_loop3A_1209 : i32 to index
        %parallel_loop3A_1222 = arith.constant 32 : index
        %parallel_loop3A_1223 = tpu.vector_load %arg12[%parallel_loop3A_1220, %parallel_loop3A_1221, %parallel_loop3A_1222] {strides = array<i32>} : memref<2x64x64xi32, #tpu.memory_space<vmem>>, vector<16xi32>,
        %parallel_loop3A_1224 = arith.index_cast %select_n3A_109 : i32 to index
        %parallel_loop3A_1225 = arith.index_cast %parallel_loop3A_1209 : i32 to index
        %parallel_loop3A_1226 = arith.constant 48 : index
        %parallel_loop3A_1227 = tpu.vector_load %arg12[%parallel_loop3A_1224, %parallel_loop3A_1225, %parallel_loop3A_1226] {strides = array<i32>} : memref<2x64x64xi32, #tpu.memory_space<vmem>>, vector<16xi32>,
        %parallel_loop3A_1228 = arith.constant 16 : i32
        %parallel_loop3A_1229 = vector.broadcast %parallel_loop3A_1228 : i32 to vector<16xi32>
        %parallel_loop3A_1230 = arith.shli %parallel_loop3A_1215, %parallel_loop3A_1229 : vector<16xi32>
        %parallel_loop3A_1231 = vector.bitcast %parallel_loop3A_1230 : vector<16xi32> to vector<16xf32>
        %parallel_loop3A_1232 = arith.constant -65536 : i32
        %parallel_loop3A_1233 = vector.broadcast %parallel_loop3A_1232 : i32 to vector<16xi32>
        %parallel_loop3A_1234 = arith.andi %parallel_loop3A_1215, %parallel_loop3A_1233 : vector<16xi32>
        %parallel_loop3A_1235 = vector.bitcast %parallel_loop3A_1234 : vector<16xi32> to vector<16xf32>
        %parallel_loop3A_1236 = vector.broadcast %parallel_loop3A_1211 : f32 to vector<16xf32>
        %parallel_loop3A_1237 = arith.mulf %parallel_loop3A_1231, %parallel_loop3A_1236 : vector<16xf32>
        %parallel_loop3A_1238 = arith.index_cast %parallel_loop3A_1209 : i32 to index
        %parallel_loop3A_1239 = arith.constant 0 : index
        %parallel_loop3A_1240 = tpu.vector_load %arg13[%parallel_loop3A_1238, %parallel_loop3A_1239] {strides = array<i32>} : memref<64x144xf32, #tpu.memory_space<vmem>>, vector<16xf32>,
        tpu.vector_store %arg13[%parallel_loop3A_1238, %parallel_loop3A_1239], %parallel_loop3A_1237 {strides = array<i32>} : memref<64x144xf32, #tpu.memory_space<vmem>>, vector<16xf32>,
        %parallel_loop3A_1241 = vector.broadcast %parallel_loop3A_1211 : f32 to vector<16xf32>
        %parallel_loop3A_1242 = arith.mulf %parallel_loop3A_1235, %parallel_loop3A_1241 : vector<16xf32>
        %parallel_loop3A_1243 = arith.index_cast %parallel_loop3A_1209 : i32 to index
        %parallel_loop3A_1244 = arith.constant 16 : index
        %parallel_loop3A_1245 = tpu.vector_load %arg13[%parallel_loop3A_1243, %parallel_loop3A_1244] {strides = array<i32>} : memref<64x144xf32, #tpu.memory_space<vmem>>, vector<16xf32>,
        tpu.vector_store %arg13[%parallel_loop3A_1243, %parallel_loop3A_1244], %parallel_loop3A_1242 {strides = array<i32>} : memref<64x144xf32, #tpu.memory_space<vmem>>, vector<16xf32>,
        %parallel_loop3A_1246 = arith.constant 16 : i32
        %parallel_loop3A_1247 = vector.broadcast %parallel_loop3A_1246 : i32 to vector<16xi32>
        %parallel_loop3A_1248 = arith.shli %parallel_loop3A_1219, %parallel_loop3A_1247 : vector<16xi32>
        %parallel_loop3A_1249 = vector.bitcast %parallel_loop3A_1248 : vector<16xi32> to vector<16xf32>
        %parallel_loop3A_1250 = arith.constant -65536 : i32
        %parallel_loop3A_1251 = vector.broadcast %parallel_loop3A_1250 : i32 to vector<16xi32>
        %parallel_loop3A_1252 = arith.andi %parallel_loop3A_1219, %parallel_loop3A_1251 : vector<16xi32>
        %parallel_loop3A_1253 = vector.bitcast %parallel_loop3A_1252 : vector<16xi32> to vector<16xf32>
        %parallel_loop3A_1254 = vector.broadcast %parallel_loop3A_1211 : f32 to vector<16xf32>
        %parallel_loop3A_1255 = arith.mulf %parallel_loop3A_1249, %parallel_loop3A_1254 : vector<16xf32>
        %parallel_loop3A_1256 = arith.index_cast %parallel_loop3A_1209 : i32 to index
        %parallel_loop3A_1257 = arith.constant 32 : index
        %parallel_loop3A_1258 = tpu.vector_load %arg13[%parallel_loop3A_1256, %parallel_loop3A_1257] {strides = array<i32>} : memref<64x144xf32, #tpu.memory_space<vmem>>, vector<16xf32>,
        tpu.vector_store %arg13[%parallel_loop3A_1256, %parallel_loop3A_1257], %parallel_loop3A_1255 {strides = array<i32>} : memref<64x144xf32, #tpu.memory_space<vmem>>, vector<16xf32>,
        %parallel_loop3A_1259 = vector.broadcast %parallel_loop3A_1211 : f32 to vector<16xf32>
        %parallel_loop3A_1260 = arith.mulf %parallel_loop3A_1253, %parallel_loop3A_1259 : vector<16xf32>
        %parallel_loop3A_1261 = arith.index_cast %parallel_loop3A_1209 : i32 to index
        %parallel_loop3A_1262 = arith.constant 48 : index
        %parallel_loop3A_1263 = tpu.vector_load %arg13[%parallel_loop3A_1261, %parallel_loop3A_1262] {strides = array<i32>} : memref<64x144xf32, #tpu.memory_space<vmem>>, vector<16xf32>,
        tpu.vector_store %arg13[%parallel_loop3A_1261, %parallel_loop3A_1262], %parallel_loop3A_1260 {strides = array<i32>} : memref<64x144xf32, #tpu.memory_space<vmem>>, vector<16xf32>,
        %parallel_loop3A_1264 = arith.constant 16 : i32
        %parallel_loop3A_1265 = vector.broadcast %parallel_loop3A_1264 : i32 to vector<16xi32>
        %parallel_loop3A_1266 = arith.shli %parallel_loop3A_1223, %parallel_loop3A_1265 : vector<16xi32>
        %parallel_loop3A_1267 = vector.bitcast %parallel_loop3A_1266 : vector<16xi32> to vector<16xf32>
        %parallel_loop3A_1268 = arith.constant -65536 : i32
        %parallel_loop3A_1269 = vector.broadcast %parallel_loop3A_1268 : i32 to vector<16xi32>
        %parallel_loop3A_1270 = arith.andi %parallel_loop3A_1223, %parallel_loop3A_1269 : vector<16xi32>
        %parallel_loop3A_1271 = vector.bitcast %parallel_loop3A_1270 : vector<16xi32> to vector<16xf32>
        %parallel_loop3A_1272 = vector.broadcast %parallel_loop3A_1211 : f32 to vector<16xf32>
        %parallel_loop3A_1273 = arith.mulf %parallel_loop3A_1267, %parallel_loop3A_1272 : vector<16xf32>
        %parallel_loop3A_1274 = arith.index_cast %parallel_loop3A_1209 : i32 to index
        %parallel_loop3A_1275 = arith.constant 64 : index
        %parallel_loop3A_1276 = tpu.vector_load %arg13[%parallel_loop3A_1274, %parallel_loop3A_1275] {strides = array<i32>} : memref<64x144xf32, #tpu.memory_space<vmem>>, vector<16xf32>,
        tpu.vector_store %arg13[%parallel_loop3A_1274, %parallel_loop3A_1275], %parallel_loop3A_1273 {strides = array<i32>} : memref<64x144xf32, #tpu.memory_space<vmem>>, vector<16xf32>,
        %parallel_loop3A_1277 = vector.broadcast %parallel_loop3A_1211 : f32 to vector<16xf32>
        %parallel_loop3A_1278 = arith.mulf %parallel_loop3A_1271, %parallel_loop3A_1277 : vector<16xf32>
        %parallel_loop3A_1279 = arith.index_cast %parallel_loop3A_1209 : i32 to index
        %parallel_loop3A_1280 = arith.constant 80 : index
        %parallel_loop3A_1281 = tpu.vector_load %arg13[%parallel_loop3A_1279, %parallel_loop3A_1280] {strides = array<i32>} : memref<64x144xf32, #tpu.memory_space<vmem>>, vector<16xf32>,
        tpu.vector_store %arg13[%parallel_loop3A_1279, %parallel_loop3A_1280], %parallel_loop3A_1278 {strides = array<i32>} : memref<64x144xf32, #tpu.memory_space<vmem>>, vector<16xf32>,
        %parallel_loop3A_1282 = arith.constant 16 : i32
        %parallel_loop3A_1283 = vector.broadcast %parallel_loop3A_1282 : i32 to vector<16xi32>
        %parallel_loop3A_1284 = arith.shli %parallel_loop3A_1227, %parallel_loop3A_1283 : vector<16xi32>
        %parallel_loop3A_1285 = vector.bitcast %parallel_loop3A_1284 : vector<16xi32> to vector<16xf32>
        %parallel_loop3A_1286 = arith.constant -65536 : i32
        %parallel_loop3A_1287 = vector.broadcast %parallel_loop3A_1286 : i32 to vector<16xi32>
        %parallel_loop3A_1288 = arith.andi %parallel_loop3A_1227, %parallel_loop3A_1287 : vector<16xi32>
        %parallel_loop3A_1289 = vector.bitcast %parallel_loop3A_1288 : vector<16xi32> to vector<16xf32>
        %parallel_loop3A_1290 = vector.broadcast %parallel_loop3A_1211 : f32 to vector<16xf32>
        %parallel_loop3A_1291 = arith.mulf %parallel_loop3A_1285, %parallel_loop3A_1290 : vector<16xf32>
        %parallel_loop3A_1292 = arith.index_cast %parallel_loop3A_1209 : i32 to index
        %parallel_loop3A_1293 = arith.constant 96 : index
        %parallel_loop3A_1294 = tpu.vector_load %arg13[%parallel_loop3A_1292, %parallel_loop3A_1293] {strides = array<i32>} : memref<64x144xf32, #tpu.memory_space<vmem>>, vector<16xf32>,
        tpu.vector_store %arg13[%parallel_loop3A_1292, %parallel_loop3A_1293], %parallel_loop3A_1291 {strides = array<i32>} : memref<64x144xf32, #tpu.memory_space<vmem>>, vector<16xf32>,
        %parallel_loop3A_1295 = vector.broadcast %parallel_loop3A_1211 : f32 to vector<16xf32>
        %parallel_loop3A_1296 = arith.mulf %parallel_loop3A_1289, %parallel_loop3A_1295 : vector<16xf32>
        %parallel_loop3A_1297 = arith.index_cast %parallel_loop3A_1209 : i32 to index
        %parallel_loop3A_1298 = arith.constant 112 : index
        %parallel_loop3A_1299 = tpu.vector_load %arg13[%parallel_loop3A_1297, %parallel_loop3A_1298] {strides = array<i32>} : memref<64x144xf32, #tpu.memory_space<vmem>>, vector<16xf32>,
        tpu.vector_store %arg13[%parallel_loop3A_1297, %parallel_loop3A_1298], %parallel_loop3A_1296 {strides = array<i32>} : memref<64x144xf32, #tpu.memory_space<vmem>>, vector<16xf32>,
        %parallel_loop3A_1300 = arith.constant 0.000000e+00 : f32
        %parallel_loop3A_1301 = vector.broadcast %parallel_loop3A_1211 : f32 to vector<16xf32>
        %parallel_loop3A_1302 = vector.broadcast %parallel_loop3A_1300 : f32 to vector<16xf32>
        %parallel_loop3A_1303 = arith.select %eq3A_537, %parallel_loop3A_1301, %parallel_loop3A_1302 : vector<16xi1>, vector<16xf32>
        %parallel_loop3A_1304 = arith.index_cast %parallel_loop3A_1209 : i32 to index
        %parallel_loop3A_1305 = arith.constant 128 : index
        %parallel_loop3A_1306 = tpu.vector_load %arg13[%parallel_loop3A_1304, %parallel_loop3A_1305] {strides = array<i32>} : memref<64x144xf32, #tpu.memory_space<vmem>>, vector<16xf32>,
        tpu.vector_store %arg13[%parallel_loop3A_1304, %parallel_loop3A_1305], %parallel_loop3A_1303 {strides = array<i32>} : memref<64x144xf32, #tpu.memory_space<vmem>>, vector<16xf32>,
        %parallel_loop3A_1307 = arith.constant 7 : i32
        %parallel_loop3A_1308 = arith.addi %parallel_loop3A_613, %parallel_loop3A_1307 : i32
        %parallel_loop3A_1309 = vector.extract_strided_slice %parallel_loop3A_611 {offsets = [7], sizes = [1], strides = [1]} : vector<16xf32> to vector<1xf32>
        %parallel_loop3A_1310 = vector.extract %parallel_loop3A_1309[0] : f32 from vector<1xf32>
        %parallel_loop3A_1311 = arith.index_cast %select_n3A_109 : i32 to index
        %parallel_loop3A_1312 = arith.index_cast %parallel_loop3A_1308 : i32 to index
        %parallel_loop3A_1313 = arith.constant 0 : index
        %parallel_loop3A_1314 = tpu.vector_load %arg12[%parallel_loop3A_1311, %parallel_loop3A_1312, %parallel_loop3A_1313] {strides = array<i32>} : memref<2x64x64xi32, #tpu.memory_space<vmem>>, vector<16xi32>,
        %parallel_loop3A_1315 = arith.index_cast %select_n3A_109 : i32 to index
        %parallel_loop3A_1316 = arith.index_cast %parallel_loop3A_1308 : i32 to index
        %parallel_loop3A_1317 = arith.constant 16 : index
        %parallel_loop3A_1318 = tpu.vector_load %arg12[%parallel_loop3A_1315, %parallel_loop3A_1316, %parallel_loop3A_1317] {strides = array<i32>} : memref<2x64x64xi32, #tpu.memory_space<vmem>>, vector<16xi32>,
        %parallel_loop3A_1319 = arith.index_cast %select_n3A_109 : i32 to index
        %parallel_loop3A_1320 = arith.index_cast %parallel_loop3A_1308 : i32 to index
        %parallel_loop3A_1321 = arith.constant 32 : index
        %parallel_loop3A_1322 = tpu.vector_load %arg12[%parallel_loop3A_1319, %parallel_loop3A_1320, %parallel_loop3A_1321] {strides = array<i32>} : memref<2x64x64xi32, #tpu.memory_space<vmem>>, vector<16xi32>,
        %parallel_loop3A_1323 = arith.index_cast %select_n3A_109 : i32 to index
        %parallel_loop3A_1324 = arith.index_cast %parallel_loop3A_1308 : i32 to index
        %parallel_loop3A_1325 = arith.constant 48 : index
        %parallel_loop3A_1326 = tpu.vector_load %arg12[%parallel_loop3A_1323, %parallel_loop3A_1324, %parallel_loop3A_1325] {strides = array<i32>} : memref<2x64x64xi32, #tpu.memory_space<vmem>>, vector<16xi32>,
        %parallel_loop3A_1327 = arith.constant 16 : i32
        %parallel_loop3A_1328 = vector.broadcast %parallel_loop3A_1327 : i32 to vector<16xi32>
        %parallel_loop3A_1329 = arith.shli %parallel_loop3A_1314, %parallel_loop3A_1328 : vector<16xi32>
        %parallel_loop3A_1330 = vector.bitcast %parallel_loop3A_1329 : vector<16xi32> to vector<16xf32>
        %parallel_loop3A_1331 = arith.constant -65536 : i32
        %parallel_loop3A_1332 = vector.broadcast %parallel_loop3A_1331 : i32 to vector<16xi32>
        %parallel_loop3A_1333 = arith.andi %parallel_loop3A_1314, %parallel_loop3A_1332 : vector<16xi32>
        %parallel_loop3A_1334 = vector.bitcast %parallel_loop3A_1333 : vector<16xi32> to vector<16xf32>
        %parallel_loop3A_1335 = vector.broadcast %parallel_loop3A_1310 : f32 to vector<16xf32>
        %parallel_loop3A_1336 = arith.mulf %parallel_loop3A_1330, %parallel_loop3A_1335 : vector<16xf32>
        %parallel_loop3A_1337 = arith.index_cast %parallel_loop3A_1308 : i32 to index
        %parallel_loop3A_1338 = arith.constant 0 : index
        %parallel_loop3A_1339 = tpu.vector_load %arg13[%parallel_loop3A_1337, %parallel_loop3A_1338] {strides = array<i32>} : memref<64x144xf32, #tpu.memory_space<vmem>>, vector<16xf32>,
        tpu.vector_store %arg13[%parallel_loop3A_1337, %parallel_loop3A_1338], %parallel_loop3A_1336 {strides = array<i32>} : memref<64x144xf32, #tpu.memory_space<vmem>>, vector<16xf32>,
        %parallel_loop3A_1340 = vector.broadcast %parallel_loop3A_1310 : f32 to vector<16xf32>
        %parallel_loop3A_1341 = arith.mulf %parallel_loop3A_1334, %parallel_loop3A_1340 : vector<16xf32>
        %parallel_loop3A_1342 = arith.index_cast %parallel_loop3A_1308 : i32 to index
        %parallel_loop3A_1343 = arith.constant 16 : index
        %parallel_loop3A_1344 = tpu.vector_load %arg13[%parallel_loop3A_1342, %parallel_loop3A_1343] {strides = array<i32>} : memref<64x144xf32, #tpu.memory_space<vmem>>, vector<16xf32>,
        tpu.vector_store %arg13[%parallel_loop3A_1342, %parallel_loop3A_1343], %parallel_loop3A_1341 {strides = array<i32>} : memref<64x144xf32, #tpu.memory_space<vmem>>, vector<16xf32>,
        %parallel_loop3A_1345 = arith.constant 16 : i32
        %parallel_loop3A_1346 = vector.broadcast %parallel_loop3A_1345 : i32 to vector<16xi32>
        %parallel_loop3A_1347 = arith.shli %parallel_loop3A_1318, %parallel_loop3A_1346 : vector<16xi32>
        %parallel_loop3A_1348 = vector.bitcast %parallel_loop3A_1347 : vector<16xi32> to vector<16xf32>
        %parallel_loop3A_1349 = arith.constant -65536 : i32
        %parallel_loop3A_1350 = vector.broadcast %parallel_loop3A_1349 : i32 to vector<16xi32>
        %parallel_loop3A_1351 = arith.andi %parallel_loop3A_1318, %parallel_loop3A_1350 : vector<16xi32>
        %parallel_loop3A_1352 = vector.bitcast %parallel_loop3A_1351 : vector<16xi32> to vector<16xf32>
        %parallel_loop3A_1353 = vector.broadcast %parallel_loop3A_1310 : f32 to vector<16xf32>
        %parallel_loop3A_1354 = arith.mulf %parallel_loop3A_1348, %parallel_loop3A_1353 : vector<16xf32>
        %parallel_loop3A_1355 = arith.index_cast %parallel_loop3A_1308 : i32 to index
        %parallel_loop3A_1356 = arith.constant 32 : index
        %parallel_loop3A_1357 = tpu.vector_load %arg13[%parallel_loop3A_1355, %parallel_loop3A_1356] {strides = array<i32>} : memref<64x144xf32, #tpu.memory_space<vmem>>, vector<16xf32>,
        tpu.vector_store %arg13[%parallel_loop3A_1355, %parallel_loop3A_1356], %parallel_loop3A_1354 {strides = array<i32>} : memref<64x144xf32, #tpu.memory_space<vmem>>, vector<16xf32>,
        %parallel_loop3A_1358 = vector.broadcast %parallel_loop3A_1310 : f32 to vector<16xf32>
        %parallel_loop3A_1359 = arith.mulf %parallel_loop3A_1352, %parallel_loop3A_1358 : vector<16xf32>
        %parallel_loop3A_1360 = arith.index_cast %parallel_loop3A_1308 : i32 to index
        %parallel_loop3A_1361 = arith.constant 48 : index
        %parallel_loop3A_1362 = tpu.vector_load %arg13[%parallel_loop3A_1360, %parallel_loop3A_1361] {strides = array<i32>} : memref<64x144xf32, #tpu.memory_space<vmem>>, vector<16xf32>,
        tpu.vector_store %arg13[%parallel_loop3A_1360, %parallel_loop3A_1361], %parallel_loop3A_1359 {strides = array<i32>} : memref<64x144xf32, #tpu.memory_space<vmem>>, vector<16xf32>,
        %parallel_loop3A_1363 = arith.constant 16 : i32
        %parallel_loop3A_1364 = vector.broadcast %parallel_loop3A_1363 : i32 to vector<16xi32>
        %parallel_loop3A_1365 = arith.shli %parallel_loop3A_1322, %parallel_loop3A_1364 : vector<16xi32>
        %parallel_loop3A_1366 = vector.bitcast %parallel_loop3A_1365 : vector<16xi32> to vector<16xf32>
        %parallel_loop3A_1367 = arith.constant -65536 : i32
        %parallel_loop3A_1368 = vector.broadcast %parallel_loop3A_1367 : i32 to vector<16xi32>
        %parallel_loop3A_1369 = arith.andi %parallel_loop3A_1322, %parallel_loop3A_1368 : vector<16xi32>
        %parallel_loop3A_1370 = vector.bitcast %parallel_loop3A_1369 : vector<16xi32> to vector<16xf32>
        %parallel_loop3A_1371 = vector.broadcast %parallel_loop3A_1310 : f32 to vector<16xf32>
        %parallel_loop3A_1372 = arith.mulf %parallel_loop3A_1366, %parallel_loop3A_1371 : vector<16xf32>
        %parallel_loop3A_1373 = arith.index_cast %parallel_loop3A_1308 : i32 to index
        %parallel_loop3A_1374 = arith.constant 64 : index
        %parallel_loop3A_1375 = tpu.vector_load %arg13[%parallel_loop3A_1373, %parallel_loop3A_1374] {strides = array<i32>} : memref<64x144xf32, #tpu.memory_space<vmem>>, vector<16xf32>,
        tpu.vector_store %arg13[%parallel_loop3A_1373, %parallel_loop3A_1374], %parallel_loop3A_1372 {strides = array<i32>} : memref<64x144xf32, #tpu.memory_space<vmem>>, vector<16xf32>,
        %parallel_loop3A_1376 = vector.broadcast %parallel_loop3A_1310 : f32 to vector<16xf32>
        %parallel_loop3A_1377 = arith.mulf %parallel_loop3A_1370, %parallel_loop3A_1376 : vector<16xf32>
        %parallel_loop3A_1378 = arith.index_cast %parallel_loop3A_1308 : i32 to index
        %parallel_loop3A_1379 = arith.constant 80 : index
        %parallel_loop3A_1380 = tpu.vector_load %arg13[%parallel_loop3A_1378, %parallel_loop3A_1379] {strides = array<i32>} : memref<64x144xf32, #tpu.memory_space<vmem>>, vector<16xf32>,
        tpu.vector_store %arg13[%parallel_loop3A_1378, %parallel_loop3A_1379], %parallel_loop3A_1377 {strides = array<i32>} : memref<64x144xf32, #tpu.memory_space<vmem>>, vector<16xf32>,
        %parallel_loop3A_1381 = arith.constant 16 : i32
        %parallel_loop3A_1382 = vector.broadcast %parallel_loop3A_1381 : i32 to vector<16xi32>
        %parallel_loop3A_1383 = arith.shli %parallel_loop3A_1326, %parallel_loop3A_1382 : vector<16xi32>
        %parallel_loop3A_1384 = vector.bitcast %parallel_loop3A_1383 : vector<16xi32> to vector<16xf32>
        %parallel_loop3A_1385 = arith.constant -65536 : i32
        %parallel_loop3A_1386 = vector.broadcast %parallel_loop3A_1385 : i32 to vector<16xi32>
        %parallel_loop3A_1387 = arith.andi %parallel_loop3A_1326, %parallel_loop3A_1386 : vector<16xi32>
        %parallel_loop3A_1388 = vector.bitcast %parallel_loop3A_1387 : vector<16xi32> to vector<16xf32>
        %parallel_loop3A_1389 = vector.broadcast %parallel_loop3A_1310 : f32 to vector<16xf32>
        %parallel_loop3A_1390 = arith.mulf %parallel_loop3A_1384, %parallel_loop3A_1389 : vector<16xf32>
        %parallel_loop3A_1391 = arith.index_cast %parallel_loop3A_1308 : i32 to index
        %parallel_loop3A_1392 = arith.constant 96 : index
        %parallel_loop3A_1393 = tpu.vector_load %arg13[%parallel_loop3A_1391, %parallel_loop3A_1392] {strides = array<i32>} : memref<64x144xf32, #tpu.memory_space<vmem>>, vector<16xf32>,
        tpu.vector_store %arg13[%parallel_loop3A_1391, %parallel_loop3A_1392], %parallel_loop3A_1390 {strides = array<i32>} : memref<64x144xf32, #tpu.memory_space<vmem>>, vector<16xf32>,
        %parallel_loop3A_1394 = vector.broadcast %parallel_loop3A_1310 : f32 to vector<16xf32>
        %parallel_loop3A_1395 = arith.mulf %parallel_loop3A_1388, %parallel_loop3A_1394 : vector<16xf32>
        %parallel_loop3A_1396 = arith.index_cast %parallel_loop3A_1308 : i32 to index
        %parallel_loop3A_1397 = arith.constant 112 : index
        %parallel_loop3A_1398 = tpu.vector_load %arg13[%parallel_loop3A_1396, %parallel_loop3A_1397] {strides = array<i32>} : memref<64x144xf32, #tpu.memory_space<vmem>>, vector<16xf32>,
        tpu.vector_store %arg13[%parallel_loop3A_1396, %parallel_loop3A_1397], %parallel_loop3A_1395 {strides = array<i32>} : memref<64x144xf32, #tpu.memory_space<vmem>>, vector<16xf32>,
        %parallel_loop3A_1399 = arith.constant 0.000000e+00 : f32
        %parallel_loop3A_1400 = vector.broadcast %parallel_loop3A_1310 : f32 to vector<16xf32>
        %parallel_loop3A_1401 = vector.broadcast %parallel_loop3A_1399 : f32 to vector<16xf32>
        %parallel_loop3A_1402 = arith.select %eq3A_537, %parallel_loop3A_1400, %parallel_loop3A_1401 : vector<16xi1>, vector<16xf32>
        %parallel_loop3A_1403 = arith.index_cast %parallel_loop3A_1308 : i32 to index
        %parallel_loop3A_1404 = arith.constant 128 : index
        %parallel_loop3A_1405 = tpu.vector_load %arg13[%parallel_loop3A_1403, %parallel_loop3A_1404] {strides = array<i32>} : memref<64x144xf32, #tpu.memory_space<vmem>>, vector<16xf32>,
        tpu.vector_store %arg13[%parallel_loop3A_1403, %parallel_loop3A_1404], %parallel_loop3A_1402 {strides = array<i32>} : memref<64x144xf32, #tpu.memory_space<vmem>>, vector<16xf32>,
        %parallel_loop3A_1406 = arith.constant 8 : i32
        %parallel_loop3A_1407 = arith.addi %parallel_loop3A_613, %parallel_loop3A_1406 : i32
        %parallel_loop3A_1408 = vector.extract_strided_slice %parallel_loop3A_611 {offsets = [8], sizes = [1], strides = [1]} : vector<16xf32> to vector<1xf32>
        %parallel_loop3A_1409 = vector.extract %parallel_loop3A_1408[0] : f32 from vector<1xf32>
        %parallel_loop3A_1410 = arith.index_cast %select_n3A_109 : i32 to index
        %parallel_loop3A_1411 = arith.index_cast %parallel_loop3A_1407 : i32 to index
        %parallel_loop3A_1412 = arith.constant 0 : index
        %parallel_loop3A_1413 = tpu.vector_load %arg12[%parallel_loop3A_1410, %parallel_loop3A_1411, %parallel_loop3A_1412] {strides = array<i32>} : memref<2x64x64xi32, #tpu.memory_space<vmem>>, vector<16xi32>,
        %parallel_loop3A_1414 = arith.index_cast %select_n3A_109 : i32 to index
        %parallel_loop3A_1415 = arith.index_cast %parallel_loop3A_1407 : i32 to index
        %parallel_loop3A_1416 = arith.constant 16 : index
        %parallel_loop3A_1417 = tpu.vector_load %arg12[%parallel_loop3A_1414, %parallel_loop3A_1415, %parallel_loop3A_1416] {strides = array<i32>} : memref<2x64x64xi32, #tpu.memory_space<vmem>>, vector<16xi32>,
        %parallel_loop3A_1418 = arith.index_cast %select_n3A_109 : i32 to index
        %parallel_loop3A_1419 = arith.index_cast %parallel_loop3A_1407 : i32 to index
        %parallel_loop3A_1420 = arith.constant 32 : index
        %parallel_loop3A_1421 = tpu.vector_load %arg12[%parallel_loop3A_1418, %parallel_loop3A_1419, %parallel_loop3A_1420] {strides = array<i32>} : memref<2x64x64xi32, #tpu.memory_space<vmem>>, vector<16xi32>,
        %parallel_loop3A_1422 = arith.index_cast %select_n3A_109 : i32 to index
        %parallel_loop3A_1423 = arith.index_cast %parallel_loop3A_1407 : i32 to index
        %parallel_loop3A_1424 = arith.constant 48 : index
        %parallel_loop3A_1425 = tpu.vector_load %arg12[%parallel_loop3A_1422, %parallel_loop3A_1423, %parallel_loop3A_1424] {strides = array<i32>} : memref<2x64x64xi32, #tpu.memory_space<vmem>>, vector<16xi32>,
        %parallel_loop3A_1426 = arith.constant 16 : i32
        %parallel_loop3A_1427 = vector.broadcast %parallel_loop3A_1426 : i32 to vector<16xi32>
        %parallel_loop3A_1428 = arith.shli %parallel_loop3A_1413, %parallel_loop3A_1427 : vector<16xi32>
        %parallel_loop3A_1429 = vector.bitcast %parallel_loop3A_1428 : vector<16xi32> to vector<16xf32>
        %parallel_loop3A_1430 = arith.constant -65536 : i32
        %parallel_loop3A_1431 = vector.broadcast %parallel_loop3A_1430 : i32 to vector<16xi32>
        %parallel_loop3A_1432 = arith.andi %parallel_loop3A_1413, %parallel_loop3A_1431 : vector<16xi32>
        %parallel_loop3A_1433 = vector.bitcast %parallel_loop3A_1432 : vector<16xi32> to vector<16xf32>
        %parallel_loop3A_1434 = vector.broadcast %parallel_loop3A_1409 : f32 to vector<16xf32>
        %parallel_loop3A_1435 = arith.mulf %parallel_loop3A_1429, %parallel_loop3A_1434 : vector<16xf32>
        %parallel_loop3A_1436 = arith.index_cast %parallel_loop3A_1407 : i32 to index
        %parallel_loop3A_1437 = arith.constant 0 : index
        %parallel_loop3A_1438 = tpu.vector_load %arg13[%parallel_loop3A_1436, %parallel_loop3A_1437] {strides = array<i32>} : memref<64x144xf32, #tpu.memory_space<vmem>>, vector<16xf32>,
        tpu.vector_store %arg13[%parallel_loop3A_1436, %parallel_loop3A_1437], %parallel_loop3A_1435 {strides = array<i32>} : memref<64x144xf32, #tpu.memory_space<vmem>>, vector<16xf32>,
        %parallel_loop3A_1439 = vector.broadcast %parallel_loop3A_1409 : f32 to vector<16xf32>
        %parallel_loop3A_1440 = arith.mulf %parallel_loop3A_1433, %parallel_loop3A_1439 : vector<16xf32>
        %parallel_loop3A_1441 = arith.index_cast %parallel_loop3A_1407 : i32 to index
        %parallel_loop3A_1442 = arith.constant 16 : index
        %parallel_loop3A_1443 = tpu.vector_load %arg13[%parallel_loop3A_1441, %parallel_loop3A_1442] {strides = array<i32>} : memref<64x144xf32, #tpu.memory_space<vmem>>, vector<16xf32>,
        tpu.vector_store %arg13[%parallel_loop3A_1441, %parallel_loop3A_1442], %parallel_loop3A_1440 {strides = array<i32>} : memref<64x144xf32, #tpu.memory_space<vmem>>, vector<16xf32>,
        %parallel_loop3A_1444 = arith.constant 16 : i32
        %parallel_loop3A_1445 = vector.broadcast %parallel_loop3A_1444 : i32 to vector<16xi32>
        %parallel_loop3A_1446 = arith.shli %parallel_loop3A_1417, %parallel_loop3A_1445 : vector<16xi32>
        %parallel_loop3A_1447 = vector.bitcast %parallel_loop3A_1446 : vector<16xi32> to vector<16xf32>
        %parallel_loop3A_1448 = arith.constant -65536 : i32
        %parallel_loop3A_1449 = vector.broadcast %parallel_loop3A_1448 : i32 to vector<16xi32>
        %parallel_loop3A_1450 = arith.andi %parallel_loop3A_1417, %parallel_loop3A_1449 : vector<16xi32>
        %parallel_loop3A_1451 = vector.bitcast %parallel_loop3A_1450 : vector<16xi32> to vector<16xf32>
        %parallel_loop3A_1452 = vector.broadcast %parallel_loop3A_1409 : f32 to vector<16xf32>
        %parallel_loop3A_1453 = arith.mulf %parallel_loop3A_1447, %parallel_loop3A_1452 : vector<16xf32>
        %parallel_loop3A_1454 = arith.index_cast %parallel_loop3A_1407 : i32 to index
        %parallel_loop3A_1455 = arith.constant 32 : index
        %parallel_loop3A_1456 = tpu.vector_load %arg13[%parallel_loop3A_1454, %parallel_loop3A_1455] {strides = array<i32>} : memref<64x144xf32, #tpu.memory_space<vmem>>, vector<16xf32>,
        tpu.vector_store %arg13[%parallel_loop3A_1454, %parallel_loop3A_1455], %parallel_loop3A_1453 {strides = array<i32>} : memref<64x144xf32, #tpu.memory_space<vmem>>, vector<16xf32>,
        %parallel_loop3A_1457 = vector.broadcast %parallel_loop3A_1409 : f32 to vector<16xf32>
        %parallel_loop3A_1458 = arith.mulf %parallel_loop3A_1451, %parallel_loop3A_1457 : vector<16xf32>
        %parallel_loop3A_1459 = arith.index_cast %parallel_loop3A_1407 : i32 to index
        %parallel_loop3A_1460 = arith.constant 48 : index
        %parallel_loop3A_1461 = tpu.vector_load %arg13[%parallel_loop3A_1459, %parallel_loop3A_1460] {strides = array<i32>} : memref<64x144xf32, #tpu.memory_space<vmem>>, vector<16xf32>,
        tpu.vector_store %arg13[%parallel_loop3A_1459, %parallel_loop3A_1460], %parallel_loop3A_1458 {strides = array<i32>} : memref<64x144xf32, #tpu.memory_space<vmem>>, vector<16xf32>,
        %parallel_loop3A_1462 = arith.constant 16 : i32
        %parallel_loop3A_1463 = vector.broadcast %parallel_loop3A_1462 : i32 to vector<16xi32>
        %parallel_loop3A_1464 = arith.shli %parallel_loop3A_1421, %parallel_loop3A_1463 : vector<16xi32>
        %parallel_loop3A_1465 = vector.bitcast %parallel_loop3A_1464 : vector<16xi32> to vector<16xf32>
        %parallel_loop3A_1466 = arith.constant -65536 : i32
        %parallel_loop3A_1467 = vector.broadcast %parallel_loop3A_1466 : i32 to vector<16xi32>
        %parallel_loop3A_1468 = arith.andi %parallel_loop3A_1421, %parallel_loop3A_1467 : vector<16xi32>
        %parallel_loop3A_1469 = vector.bitcast %parallel_loop3A_1468 : vector<16xi32> to vector<16xf32>
        %parallel_loop3A_1470 = vector.broadcast %parallel_loop3A_1409 : f32 to vector<16xf32>
        %parallel_loop3A_1471 = arith.mulf %parallel_loop3A_1465, %parallel_loop3A_1470 : vector<16xf32>
        %parallel_loop3A_1472 = arith.index_cast %parallel_loop3A_1407 : i32 to index
        %parallel_loop3A_1473 = arith.constant 64 : index
        %parallel_loop3A_1474 = tpu.vector_load %arg13[%parallel_loop3A_1472, %parallel_loop3A_1473] {strides = array<i32>} : memref<64x144xf32, #tpu.memory_space<vmem>>, vector<16xf32>,
        tpu.vector_store %arg13[%parallel_loop3A_1472, %parallel_loop3A_1473], %parallel_loop3A_1471 {strides = array<i32>} : memref<64x144xf32, #tpu.memory_space<vmem>>, vector<16xf32>,
        %parallel_loop3A_1475 = vector.broadcast %parallel_loop3A_1409 : f32 to vector<16xf32>
        %parallel_loop3A_1476 = arith.mulf %parallel_loop3A_1469, %parallel_loop3A_1475 : vector<16xf32>
        %parallel_loop3A_1477 = arith.index_cast %parallel_loop3A_1407 : i32 to index
        %parallel_loop3A_1478 = arith.constant 80 : index
        %parallel_loop3A_1479 = tpu.vector_load %arg13[%parallel_loop3A_1477, %parallel_loop3A_1478] {strides = array<i32>} : memref<64x144xf32, #tpu.memory_space<vmem>>, vector<16xf32>,
        tpu.vector_store %arg13[%parallel_loop3A_1477, %parallel_loop3A_1478], %parallel_loop3A_1476 {strides = array<i32>} : memref<64x144xf32, #tpu.memory_space<vmem>>, vector<16xf32>,
        %parallel_loop3A_1480 = arith.constant 16 : i32
        %parallel_loop3A_1481 = vector.broadcast %parallel_loop3A_1480 : i32 to vector<16xi32>
        %parallel_loop3A_1482 = arith.shli %parallel_loop3A_1425, %parallel_loop3A_1481 : vector<16xi32>
        %parallel_loop3A_1483 = vector.bitcast %parallel_loop3A_1482 : vector<16xi32> to vector<16xf32>
        %parallel_loop3A_1484 = arith.constant -65536 : i32
        %parallel_loop3A_1485 = vector.broadcast %parallel_loop3A_1484 : i32 to vector<16xi32>
        %parallel_loop3A_1486 = arith.andi %parallel_loop3A_1425, %parallel_loop3A_1485 : vector<16xi32>
        %parallel_loop3A_1487 = vector.bitcast %parallel_loop3A_1486 : vector<16xi32> to vector<16xf32>
        %parallel_loop3A_1488 = vector.broadcast %parallel_loop3A_1409 : f32 to vector<16xf32>
        %parallel_loop3A_1489 = arith.mulf %parallel_loop3A_1483, %parallel_loop3A_1488 : vector<16xf32>
        %parallel_loop3A_1490 = arith.index_cast %parallel_loop3A_1407 : i32 to index
        %parallel_loop3A_1491 = arith.constant 96 : index
        %parallel_loop3A_1492 = tpu.vector_load %arg13[%parallel_loop3A_1490, %parallel_loop3A_1491] {strides = array<i32>} : memref<64x144xf32, #tpu.memory_space<vmem>>, vector<16xf32>,
        tpu.vector_store %arg13[%parallel_loop3A_1490, %parallel_loop3A_1491], %parallel_loop3A_1489 {strides = array<i32>} : memref<64x144xf32, #tpu.memory_space<vmem>>, vector<16xf32>,
        %parallel_loop3A_1493 = vector.broadcast %parallel_loop3A_1409 : f32 to vector<16xf32>
        %parallel_loop3A_1494 = arith.mulf %parallel_loop3A_1487, %parallel_loop3A_1493 : vector<16xf32>
        %parallel_loop3A_1495 = arith.index_cast %parallel_loop3A_1407 : i32 to index
        %parallel_loop3A_1496 = arith.constant 112 : index
        %parallel_loop3A_1497 = tpu.vector_load %arg13[%parallel_loop3A_1495, %parallel_loop3A_1496] {strides = array<i32>} : memref<64x144xf32, #tpu.memory_space<vmem>>, vector<16xf32>,
        tpu.vector_store %arg13[%parallel_loop3A_1495, %parallel_loop3A_1496], %parallel_loop3A_1494 {strides = array<i32>} : memref<64x144xf32, #tpu.memory_space<vmem>>, vector<16xf32>,
        %parallel_loop3A_1498 = arith.constant 0.000000e+00 : f32
        %parallel_loop3A_1499 = vector.broadcast %parallel_loop3A_1409 : f32 to vector<16xf32>
        %parallel_loop3A_1500 = vector.broadcast %parallel_loop3A_1498 : f32 to vector<16xf32>
        %parallel_loop3A_1501 = arith.select %eq3A_537, %parallel_loop3A_1499, %parallel_loop3A_1500 : vector<16xi1>, vector<16xf32>
        %parallel_loop3A_1502 = arith.index_cast %parallel_loop3A_1407 : i32 to index
        %parallel_loop3A_1503 = arith.constant 128 : index
        %parallel_loop3A_1504 = tpu.vector_load %arg13[%parallel_loop3A_1502, %parallel_loop3A_1503] {strides = array<i32>} : memref<64x144xf32, #tpu.memory_space<vmem>>, vector<16xf32>,
        tpu.vector_store %arg13[%parallel_loop3A_1502, %parallel_loop3A_1503], %parallel_loop3A_1501 {strides = array<i32>} : memref<64x144xf32, #tpu.memory_space<vmem>>, vector<16xf32>,
        %parallel_loop3A_1505 = arith.constant 9 : i32
        %parallel_loop3A_1506 = arith.addi %parallel_loop3A_613, %parallel_loop3A_1505 : i32
        %parallel_loop3A_1507 = vector.extract_strided_slice %parallel_loop3A_611 {offsets = [9], sizes = [1], strides = [1]} : vector<16xf32> to vector<1xf32>
        %parallel_loop3A_1508 = vector.extract %parallel_loop3A_1507[0] : f32 from vector<1xf32>
        %parallel_loop3A_1509 = arith.index_cast %select_n3A_109 : i32 to index
        %parallel_loop3A_1510 = arith.index_cast %parallel_loop3A_1506 : i32 to index
        %parallel_loop3A_1511 = arith.constant 0 : index
        %parallel_loop3A_1512 = tpu.vector_load %arg12[%parallel_loop3A_1509, %parallel_loop3A_1510, %parallel_loop3A_1511] {strides = array<i32>} : memref<2x64x64xi32, #tpu.memory_space<vmem>>, vector<16xi32>,
        %parallel_loop3A_1513 = arith.index_cast %select_n3A_109 : i32 to index
        %parallel_loop3A_1514 = arith.index_cast %parallel_loop3A_1506 : i32 to index
        %parallel_loop3A_1515 = arith.constant 16 : index
        %parallel_loop3A_1516 = tpu.vector_load %arg12[%parallel_loop3A_1513, %parallel_loop3A_1514, %parallel_loop3A_1515] {strides = array<i32>} : memref<2x64x64xi32, #tpu.memory_space<vmem>>, vector<16xi32>,
        %parallel_loop3A_1517 = arith.index_cast %select_n3A_109 : i32 to index
        %parallel_loop3A_1518 = arith.index_cast %parallel_loop3A_1506 : i32 to index
        %parallel_loop3A_1519 = arith.constant 32 : index
        %parallel_loop3A_1520 = tpu.vector_load %arg12[%parallel_loop3A_1517, %parallel_loop3A_1518, %parallel_loop3A_1519] {strides = array<i32>} : memref<2x64x64xi32, #tpu.memory_space<vmem>>, vector<16xi32>,
        %parallel_loop3A_1521 = arith.index_cast %select_n3A_109 : i32 to index
        %parallel_loop3A_1522 = arith.index_cast %parallel_loop3A_1506 : i32 to index
        %parallel_loop3A_1523 = arith.constant 48 : index
        %parallel_loop3A_1524 = tpu.vector_load %arg12[%parallel_loop3A_1521, %parallel_loop3A_1522, %parallel_loop3A_1523] {strides = array<i32>} : memref<2x64x64xi32, #tpu.memory_space<vmem>>, vector<16xi32>,
        %parallel_loop3A_1525 = arith.constant 16 : i32
        %parallel_loop3A_1526 = vector.broadcast %parallel_loop3A_1525 : i32 to vector<16xi32>
        %parallel_loop3A_1527 = arith.shli %parallel_loop3A_1512, %parallel_loop3A_1526 : vector<16xi32>
        %parallel_loop3A_1528 = vector.bitcast %parallel_loop3A_1527 : vector<16xi32> to vector<16xf32>
        %parallel_loop3A_1529 = arith.constant -65536 : i32
        %parallel_loop3A_1530 = vector.broadcast %parallel_loop3A_1529 : i32 to vector<16xi32>
        %parallel_loop3A_1531 = arith.andi %parallel_loop3A_1512, %parallel_loop3A_1530 : vector<16xi32>
        %parallel_loop3A_1532 = vector.bitcast %parallel_loop3A_1531 : vector<16xi32> to vector<16xf32>
        %parallel_loop3A_1533 = vector.broadcast %parallel_loop3A_1508 : f32 to vector<16xf32>
        %parallel_loop3A_1534 = arith.mulf %parallel_loop3A_1528, %parallel_loop3A_1533 : vector<16xf32>
        %parallel_loop3A_1535 = arith.index_cast %parallel_loop3A_1506 : i32 to index
        %parallel_loop3A_1536 = arith.constant 0 : index
        %parallel_loop3A_1537 = tpu.vector_load %arg13[%parallel_loop3A_1535, %parallel_loop3A_1536] {strides = array<i32>} : memref<64x144xf32, #tpu.memory_space<vmem>>, vector<16xf32>,
        tpu.vector_store %arg13[%parallel_loop3A_1535, %parallel_loop3A_1536], %parallel_loop3A_1534 {strides = array<i32>} : memref<64x144xf32, #tpu.memory_space<vmem>>, vector<16xf32>,
        %parallel_loop3A_1538 = vector.broadcast %parallel_loop3A_1508 : f32 to vector<16xf32>
        %parallel_loop3A_1539 = arith.mulf %parallel_loop3A_1532, %parallel_loop3A_1538 : vector<16xf32>
        %parallel_loop3A_1540 = arith.index_cast %parallel_loop3A_1506 : i32 to index
        %parallel_loop3A_1541 = arith.constant 16 : index
        %parallel_loop3A_1542 = tpu.vector_load %arg13[%parallel_loop3A_1540, %parallel_loop3A_1541] {strides = array<i32>} : memref<64x144xf32, #tpu.memory_space<vmem>>, vector<16xf32>,
        tpu.vector_store %arg13[%parallel_loop3A_1540, %parallel_loop3A_1541], %parallel_loop3A_1539 {strides = array<i32>} : memref<64x144xf32, #tpu.memory_space<vmem>>, vector<16xf32>,
        %parallel_loop3A_1543 = arith.constant 16 : i32
        %parallel_loop3A_1544 = vector.broadcast %parallel_loop3A_1543 : i32 to vector<16xi32>
        %parallel_loop3A_1545 = arith.shli %parallel_loop3A_1516, %parallel_loop3A_1544 : vector<16xi32>
        %parallel_loop3A_1546 = vector.bitcast %parallel_loop3A_1545 : vector<16xi32> to vector<16xf32>
        %parallel_loop3A_1547 = arith.constant -65536 : i32
        %parallel_loop3A_1548 = vector.broadcast %parallel_loop3A_1547 : i32 to vector<16xi32>
        %parallel_loop3A_1549 = arith.andi %parallel_loop3A_1516, %parallel_loop3A_1548 : vector<16xi32>
        %parallel_loop3A_1550 = vector.bitcast %parallel_loop3A_1549 : vector<16xi32> to vector<16xf32>
        %parallel_loop3A_1551 = vector.broadcast %parallel_loop3A_1508 : f32 to vector<16xf32>
        %parallel_loop3A_1552 = arith.mulf %parallel_loop3A_1546, %parallel_loop3A_1551 : vector<16xf32>
        %parallel_loop3A_1553 = arith.index_cast %parallel_loop3A_1506 : i32 to index
        %parallel_loop3A_1554 = arith.constant 32 : index
        %parallel_loop3A_1555 = tpu.vector_load %arg13[%parallel_loop3A_1553, %parallel_loop3A_1554] {strides = array<i32>} : memref<64x144xf32, #tpu.memory_space<vmem>>, vector<16xf32>,
        tpu.vector_store %arg13[%parallel_loop3A_1553, %parallel_loop3A_1554], %parallel_loop3A_1552 {strides = array<i32>} : memref<64x144xf32, #tpu.memory_space<vmem>>, vector<16xf32>,
        %parallel_loop3A_1556 = vector.broadcast %parallel_loop3A_1508 : f32 to vector<16xf32>
        %parallel_loop3A_1557 = arith.mulf %parallel_loop3A_1550, %parallel_loop3A_1556 : vector<16xf32>
        %parallel_loop3A_1558 = arith.index_cast %parallel_loop3A_1506 : i32 to index
        %parallel_loop3A_1559 = arith.constant 48 : index
        %parallel_loop3A_1560 = tpu.vector_load %arg13[%parallel_loop3A_1558, %parallel_loop3A_1559] {strides = array<i32>} : memref<64x144xf32, #tpu.memory_space<vmem>>, vector<16xf32>,
        tpu.vector_store %arg13[%parallel_loop3A_1558, %parallel_loop3A_1559], %parallel_loop3A_1557 {strides = array<i32>} : memref<64x144xf32, #tpu.memory_space<vmem>>, vector<16xf32>,
        %parallel_loop3A_1561 = arith.constant 16 : i32
        %parallel_loop3A_1562 = vector.broadcast %parallel_loop3A_1561 : i32 to vector<16xi32>
        %parallel_loop3A_1563 = arith.shli %parallel_loop3A_1520, %parallel_loop3A_1562 : vector<16xi32>
        %parallel_loop3A_1564 = vector.bitcast %parallel_loop3A_1563 : vector<16xi32> to vector<16xf32>
        %parallel_loop3A_1565 = arith.constant -65536 : i32
        %parallel_loop3A_1566 = vector.broadcast %parallel_loop3A_1565 : i32 to vector<16xi32>
        %parallel_loop3A_1567 = arith.andi %parallel_loop3A_1520, %parallel_loop3A_1566 : vector<16xi32>
        %parallel_loop3A_1568 = vector.bitcast %parallel_loop3A_1567 : vector<16xi32> to vector<16xf32>
        %parallel_loop3A_1569 = vector.broadcast %parallel_loop3A_1508 : f32 to vector<16xf32>
        %parallel_loop3A_1570 = arith.mulf %parallel_loop3A_1564, %parallel_loop3A_1569 : vector<16xf32>
        %parallel_loop3A_1571 = arith.index_cast %parallel_loop3A_1506 : i32 to index
        %parallel_loop3A_1572 = arith.constant 64 : index
        %parallel_loop3A_1573 = tpu.vector_load %arg13[%parallel_loop3A_1571, %parallel_loop3A_1572] {strides = array<i32>} : memref<64x144xf32, #tpu.memory_space<vmem>>, vector<16xf32>,
        tpu.vector_store %arg13[%parallel_loop3A_1571, %parallel_loop3A_1572], %parallel_loop3A_1570 {strides = array<i32>} : memref<64x144xf32, #tpu.memory_space<vmem>>, vector<16xf32>,
        %parallel_loop3A_1574 = vector.broadcast %parallel_loop3A_1508 : f32 to vector<16xf32>
        %parallel_loop3A_1575 = arith.mulf %parallel_loop3A_1568, %parallel_loop3A_1574 : vector<16xf32>
        %parallel_loop3A_1576 = arith.index_cast %parallel_loop3A_1506 : i32 to index
        %parallel_loop3A_1577 = arith.constant 80 : index
        %parallel_loop3A_1578 = tpu.vector_load %arg13[%parallel_loop3A_1576, %parallel_loop3A_1577] {strides = array<i32>} : memref<64x144xf32, #tpu.memory_space<vmem>>, vector<16xf32>,
        tpu.vector_store %arg13[%parallel_loop3A_1576, %parallel_loop3A_1577], %parallel_loop3A_1575 {strides = array<i32>} : memref<64x144xf32, #tpu.memory_space<vmem>>, vector<16xf32>,
        %parallel_loop3A_1579 = arith.constant 16 : i32
        %parallel_loop3A_1580 = vector.broadcast %parallel_loop3A_1579 : i32 to vector<16xi32>
        %parallel_loop3A_1581 = arith.shli %parallel_loop3A_1524, %parallel_loop3A_1580 : vector<16xi32>
        %parallel_loop3A_1582 = vector.bitcast %parallel_loop3A_1581 : vector<16xi32> to vector<16xf32>
        %parallel_loop3A_1583 = arith.constant -65536 : i32
        %parallel_loop3A_1584 = vector.broadcast %parallel_loop3A_1583 : i32 to vector<16xi32>
        %parallel_loop3A_1585 = arith.andi %parallel_loop3A_1524, %parallel_loop3A_1584 : vector<16xi32>
        %parallel_loop3A_1586 = vector.bitcast %parallel_loop3A_1585 : vector<16xi32> to vector<16xf32>
        %parallel_loop3A_1587 = vector.broadcast %parallel_loop3A_1508 : f32 to vector<16xf32>
        %parallel_loop3A_1588 = arith.mulf %parallel_loop3A_1582, %parallel_loop3A_1587 : vector<16xf32>
        %parallel_loop3A_1589 = arith.index_cast %parallel_loop3A_1506 : i32 to index
        %parallel_loop3A_1590 = arith.constant 96 : index
        %parallel_loop3A_1591 = tpu.vector_load %arg13[%parallel_loop3A_1589, %parallel_loop3A_1590] {strides = array<i32>} : memref<64x144xf32, #tpu.memory_space<vmem>>, vector<16xf32>,
        tpu.vector_store %arg13[%parallel_loop3A_1589, %parallel_loop3A_1590], %parallel_loop3A_1588 {strides = array<i32>} : memref<64x144xf32, #tpu.memory_space<vmem>>, vector<16xf32>,
        %parallel_loop3A_1592 = vector.broadcast %parallel_loop3A_1508 : f32 to vector<16xf32>
        %parallel_loop3A_1593 = arith.mulf %parallel_loop3A_1586, %parallel_loop3A_1592 : vector<16xf32>
        %parallel_loop3A_1594 = arith.index_cast %parallel_loop3A_1506 : i32 to index
        %parallel_loop3A_1595 = arith.constant 112 : index
        %parallel_loop3A_1596 = tpu.vector_load %arg13[%parallel_loop3A_1594, %parallel_loop3A_1595] {strides = array<i32>} : memref<64x144xf32, #tpu.memory_space<vmem>>, vector<16xf32>,
        tpu.vector_store %arg13[%parallel_loop3A_1594, %parallel_loop3A_1595], %parallel_loop3A_1593 {strides = array<i32>} : memref<64x144xf32, #tpu.memory_space<vmem>>, vector<16xf32>,
        %parallel_loop3A_1597 = arith.constant 0.000000e+00 : f32
        %parallel_loop3A_1598 = vector.broadcast %parallel_loop3A_1508 : f32 to vector<16xf32>
        %parallel_loop3A_1599 = vector.broadcast %parallel_loop3A_1597 : f32 to vector<16xf32>
        %parallel_loop3A_1600 = arith.select %eq3A_537, %parallel_loop3A_1598, %parallel_loop3A_1599 : vector<16xi1>, vector<16xf32>
        %parallel_loop3A_1601 = arith.index_cast %parallel_loop3A_1506 : i32 to index
        %parallel_loop3A_1602 = arith.constant 128 : index
        %parallel_loop3A_1603 = tpu.vector_load %arg13[%parallel_loop3A_1601, %parallel_loop3A_1602] {strides = array<i32>} : memref<64x144xf32, #tpu.memory_space<vmem>>, vector<16xf32>,
        tpu.vector_store %arg13[%parallel_loop3A_1601, %parallel_loop3A_1602], %parallel_loop3A_1600 {strides = array<i32>} : memref<64x144xf32, #tpu.memory_space<vmem>>, vector<16xf32>,
        %parallel_loop3A_1604 = arith.constant 10 : i32
        %parallel_loop3A_1605 = arith.addi %parallel_loop3A_613, %parallel_loop3A_1604 : i32
        %parallel_loop3A_1606 = vector.extract_strided_slice %parallel_loop3A_611 {offsets = [10], sizes = [1], strides = [1]} : vector<16xf32> to vector<1xf32>
        %parallel_loop3A_1607 = vector.extract %parallel_loop3A_1606[0] : f32 from vector<1xf32>
        %parallel_loop3A_1608 = arith.index_cast %select_n3A_109 : i32 to index
        %parallel_loop3A_1609 = arith.index_cast %parallel_loop3A_1605 : i32 to index
        %parallel_loop3A_1610 = arith.constant 0 : index
        %parallel_loop3A_1611 = tpu.vector_load %arg12[%parallel_loop3A_1608, %parallel_loop3A_1609, %parallel_loop3A_1610] {strides = array<i32>} : memref<2x64x64xi32, #tpu.memory_space<vmem>>, vector<16xi32>,
        %parallel_loop3A_1612 = arith.index_cast %select_n3A_109 : i32 to index
        %parallel_loop3A_1613 = arith.index_cast %parallel_loop3A_1605 : i32 to index
        %parallel_loop3A_1614 = arith.constant 16 : index
        %parallel_loop3A_1615 = tpu.vector_load %arg12[%parallel_loop3A_1612, %parallel_loop3A_1613, %parallel_loop3A_1614] {strides = array<i32>} : memref<2x64x64xi32, #tpu.memory_space<vmem>>, vector<16xi32>,
        %parallel_loop3A_1616 = arith.index_cast %select_n3A_109 : i32 to index
        %parallel_loop3A_1617 = arith.index_cast %parallel_loop3A_1605 : i32 to index
        %parallel_loop3A_1618 = arith.constant 32 : index
        %parallel_loop3A_1619 = tpu.vector_load %arg12[%parallel_loop3A_1616, %parallel_loop3A_1617, %parallel_loop3A_1618] {strides = array<i32>} : memref<2x64x64xi32, #tpu.memory_space<vmem>>, vector<16xi32>,
        %parallel_loop3A_1620 = arith.index_cast %select_n3A_109 : i32 to index
        %parallel_loop3A_1621 = arith.index_cast %parallel_loop3A_1605 : i32 to index
        %parallel_loop3A_1622 = arith.constant 48 : index
        %parallel_loop3A_1623 = tpu.vector_load %arg12[%parallel_loop3A_1620, %parallel_loop3A_1621, %parallel_loop3A_1622] {strides = array<i32>} : memref<2x64x64xi32, #tpu.memory_space<vmem>>, vector<16xi32>,
        %parallel_loop3A_1624 = arith.constant 16 : i32
        %parallel_loop3A_1625 = vector.broadcast %parallel_loop3A_1624 : i32 to vector<16xi32>
        %parallel_loop3A_1626 = arith.shli %parallel_loop3A_1611, %parallel_loop3A_1625 : vector<16xi32>
        %parallel_loop3A_1627 = vector.bitcast %parallel_loop3A_1626 : vector<16xi32> to vector<16xf32>
        %parallel_loop3A_1628 = arith.constant -65536 : i32
        %parallel_loop3A_1629 = vector.broadcast %parallel_loop3A_1628 : i32 to vector<16xi32>
        %parallel_loop3A_1630 = arith.andi %parallel_loop3A_1611, %parallel_loop3A_1629 : vector<16xi32>
        %parallel_loop3A_1631 = vector.bitcast %parallel_loop3A_1630 : vector<16xi32> to vector<16xf32>
        %parallel_loop3A_1632 = vector.broadcast %parallel_loop3A_1607 : f32 to vector<16xf32>
        %parallel_loop3A_1633 = arith.mulf %parallel_loop3A_1627, %parallel_loop3A_1632 : vector<16xf32>
        %parallel_loop3A_1634 = arith.index_cast %parallel_loop3A_1605 : i32 to index
        %parallel_loop3A_1635 = arith.constant 0 : index
        %parallel_loop3A_1636 = tpu.vector_load %arg13[%parallel_loop3A_1634, %parallel_loop3A_1635] {strides = array<i32>} : memref<64x144xf32, #tpu.memory_space<vmem>>, vector<16xf32>,
        tpu.vector_store %arg13[%parallel_loop3A_1634, %parallel_loop3A_1635], %parallel_loop3A_1633 {strides = array<i32>} : memref<64x144xf32, #tpu.memory_space<vmem>>, vector<16xf32>,
        %parallel_loop3A_1637 = vector.broadcast %parallel_loop3A_1607 : f32 to vector<16xf32>
        %parallel_loop3A_1638 = arith.mulf %parallel_loop3A_1631, %parallel_loop3A_1637 : vector<16xf32>
        %parallel_loop3A_1639 = arith.index_cast %parallel_loop3A_1605 : i32 to index
        %parallel_loop3A_1640 = arith.constant 16 : index
        %parallel_loop3A_1641 = tpu.vector_load %arg13[%parallel_loop3A_1639, %parallel_loop3A_1640] {strides = array<i32>} : memref<64x144xf32, #tpu.memory_space<vmem>>, vector<16xf32>,
        tpu.vector_store %arg13[%parallel_loop3A_1639, %parallel_loop3A_1640], %parallel_loop3A_1638 {strides = array<i32>} : memref<64x144xf32, #tpu.memory_space<vmem>>, vector<16xf32>,
        %parallel_loop3A_1642 = arith.constant 16 : i32
        %parallel_loop3A_1643 = vector.broadcast %parallel_loop3A_1642 : i32 to vector<16xi32>
        %parallel_loop3A_1644 = arith.shli %parallel_loop3A_1615, %parallel_loop3A_1643 : vector<16xi32>
        %parallel_loop3A_1645 = vector.bitcast %parallel_loop3A_1644 : vector<16xi32> to vector<16xf32>
        %parallel_loop3A_1646 = arith.constant -65536 : i32
        %parallel_loop3A_1647 = vector.broadcast %parallel_loop3A_1646 : i32 to vector<16xi32>
        %parallel_loop3A_1648 = arith.andi %parallel_loop3A_1615, %parallel_loop3A_1647 : vector<16xi32>
        %parallel_loop3A_1649 = vector.bitcast %parallel_loop3A_1648 : vector<16xi32> to vector<16xf32>
        %parallel_loop3A_1650 = vector.broadcast %parallel_loop3A_1607 : f32 to vector<16xf32>
        %parallel_loop3A_1651 = arith.mulf %parallel_loop3A_1645, %parallel_loop3A_1650 : vector<16xf32>
        %parallel_loop3A_1652 = arith.index_cast %parallel_loop3A_1605 : i32 to index
        %parallel_loop3A_1653 = arith.constant 32 : index
        %parallel_loop3A_1654 = tpu.vector_load %arg13[%parallel_loop3A_1652, %parallel_loop3A_1653] {strides = array<i32>} : memref<64x144xf32, #tpu.memory_space<vmem>>, vector<16xf32>,
        tpu.vector_store %arg13[%parallel_loop3A_1652, %parallel_loop3A_1653], %parallel_loop3A_1651 {strides = array<i32>} : memref<64x144xf32, #tpu.memory_space<vmem>>, vector<16xf32>,
        %parallel_loop3A_1655 = vector.broadcast %parallel_loop3A_1607 : f32 to vector<16xf32>
        %parallel_loop3A_1656 = arith.mulf %parallel_loop3A_1649, %parallel_loop3A_1655 : vector<16xf32>
        %parallel_loop3A_1657 = arith.index_cast %parallel_loop3A_1605 : i32 to index
        %parallel_loop3A_1658 = arith.constant 48 : index
        %parallel_loop3A_1659 = tpu.vector_load %arg13[%parallel_loop3A_1657, %parallel_loop3A_1658] {strides = array<i32>} : memref<64x144xf32, #tpu.memory_space<vmem>>, vector<16xf32>,
        tpu.vector_store %arg13[%parallel_loop3A_1657, %parallel_loop3A_1658], %parallel_loop3A_1656 {strides = array<i32>} : memref<64x144xf32, #tpu.memory_space<vmem>>, vector<16xf32>,
        %parallel_loop3A_1660 = arith.constant 16 : i32
        %parallel_loop3A_1661 = vector.broadcast %parallel_loop3A_1660 : i32 to vector<16xi32>
        %parallel_loop3A_1662 = arith.shli %parallel_loop3A_1619, %parallel_loop3A_1661 : vector<16xi32>
        %parallel_loop3A_1663 = vector.bitcast %parallel_loop3A_1662 : vector<16xi32> to vector<16xf32>
        %parallel_loop3A_1664 = arith.constant -65536 : i32
        %parallel_loop3A_1665 = vector.broadcast %parallel_loop3A_1664 : i32 to vector<16xi32>
        %parallel_loop3A_1666 = arith.andi %parallel_loop3A_1619, %parallel_loop3A_1665 : vector<16xi32>
        %parallel_loop3A_1667 = vector.bitcast %parallel_loop3A_1666 : vector<16xi32> to vector<16xf32>
        %parallel_loop3A_1668 = vector.broadcast %parallel_loop3A_1607 : f32 to vector<16xf32>
        %parallel_loop3A_1669 = arith.mulf %parallel_loop3A_1663, %parallel_loop3A_1668 : vector<16xf32>
        %parallel_loop3A_1670 = arith.index_cast %parallel_loop3A_1605 : i32 to index
        %parallel_loop3A_1671 = arith.constant 64 : index
        %parallel_loop3A_1672 = tpu.vector_load %arg13[%parallel_loop3A_1670, %parallel_loop3A_1671] {strides = array<i32>} : memref<64x144xf32, #tpu.memory_space<vmem>>, vector<16xf32>,
        tpu.vector_store %arg13[%parallel_loop3A_1670, %parallel_loop3A_1671], %parallel_loop3A_1669 {strides = array<i32>} : memref<64x144xf32, #tpu.memory_space<vmem>>, vector<16xf32>,
        %parallel_loop3A_1673 = vector.broadcast %parallel_loop3A_1607 : f32 to vector<16xf32>
        %parallel_loop3A_1674 = arith.mulf %parallel_loop3A_1667, %parallel_loop3A_1673 : vector<16xf32>
        %parallel_loop3A_1675 = arith.index_cast %parallel_loop3A_1605 : i32 to index
        %parallel_loop3A_1676 = arith.constant 80 : index
        %parallel_loop3A_1677 = tpu.vector_load %arg13[%parallel_loop3A_1675, %parallel_loop3A_1676] {strides = array<i32>} : memref<64x144xf32, #tpu.memory_space<vmem>>, vector<16xf32>,
        tpu.vector_store %arg13[%parallel_loop3A_1675, %parallel_loop3A_1676], %parallel_loop3A_1674 {strides = array<i32>} : memref<64x144xf32, #tpu.memory_space<vmem>>, vector<16xf32>,
        %parallel_loop3A_1678 = arith.constant 16 : i32
        %parallel_loop3A_1679 = vector.broadcast %parallel_loop3A_1678 : i32 to vector<16xi32>
        %parallel_loop3A_1680 = arith.shli %parallel_loop3A_1623, %parallel_loop3A_1679 : vector<16xi32>
        %parallel_loop3A_1681 = vector.bitcast %parallel_loop3A_1680 : vector<16xi32> to vector<16xf32>
        %parallel_loop3A_1682 = arith.constant -65536 : i32
        %parallel_loop3A_1683 = vector.broadcast %parallel_loop3A_1682 : i32 to vector<16xi32>
        %parallel_loop3A_1684 = arith.andi %parallel_loop3A_1623, %parallel_loop3A_1683 : vector<16xi32>
        %parallel_loop3A_1685 = vector.bitcast %parallel_loop3A_1684 : vector<16xi32> to vector<16xf32>
        %parallel_loop3A_1686 = vector.broadcast %parallel_loop3A_1607 : f32 to vector<16xf32>
        %parallel_loop3A_1687 = arith.mulf %parallel_loop3A_1681, %parallel_loop3A_1686 : vector<16xf32>
        %parallel_loop3A_1688 = arith.index_cast %parallel_loop3A_1605 : i32 to index
        %parallel_loop3A_1689 = arith.constant 96 : index
        %parallel_loop3A_1690 = tpu.vector_load %arg13[%parallel_loop3A_1688, %parallel_loop3A_1689] {strides = array<i32>} : memref<64x144xf32, #tpu.memory_space<vmem>>, vector<16xf32>,
        tpu.vector_store %arg13[%parallel_loop3A_1688, %parallel_loop3A_1689], %parallel_loop3A_1687 {strides = array<i32>} : memref<64x144xf32, #tpu.memory_space<vmem>>, vector<16xf32>,
        %parallel_loop3A_1691 = vector.broadcast %parallel_loop3A_1607 : f32 to vector<16xf32>
        %parallel_loop3A_1692 = arith.mulf %parallel_loop3A_1685, %parallel_loop3A_1691 : vector<16xf32>
        %parallel_loop3A_1693 = arith.index_cast %parallel_loop3A_1605 : i32 to index
        %parallel_loop3A_1694 = arith.constant 112 : index
        %parallel_loop3A_1695 = tpu.vector_load %arg13[%parallel_loop3A_1693, %parallel_loop3A_1694] {strides = array<i32>} : memref<64x144xf32, #tpu.memory_space<vmem>>, vector<16xf32>,
        tpu.vector_store %arg13[%parallel_loop3A_1693, %parallel_loop3A_1694], %parallel_loop3A_1692 {strides = array<i32>} : memref<64x144xf32, #tpu.memory_space<vmem>>, vector<16xf32>,
        %parallel_loop3A_1696 = arith.constant 0.000000e+00 : f32
        %parallel_loop3A_1697 = vector.broadcast %parallel_loop3A_1607 : f32 to vector<16xf32>
        %parallel_loop3A_1698 = vector.broadcast %parallel_loop3A_1696 : f32 to vector<16xf32>
        %parallel_loop3A_1699 = arith.select %eq3A_537, %parallel_loop3A_1697, %parallel_loop3A_1698 : vector<16xi1>, vector<16xf32>
        %parallel_loop3A_1700 = arith.index_cast %parallel_loop3A_1605 : i32 to index
        %parallel_loop3A_1701 = arith.constant 128 : index
        %parallel_loop3A_1702 = tpu.vector_load %arg13[%parallel_loop3A_1700, %parallel_loop3A_1701] {strides = array<i32>} : memref<64x144xf32, #tpu.memory_space<vmem>>, vector<16xf32>,
        tpu.vector_store %arg13[%parallel_loop3A_1700, %parallel_loop3A_1701], %parallel_loop3A_1699 {strides = array<i32>} : memref<64x144xf32, #tpu.memory_space<vmem>>, vector<16xf32>,
        %parallel_loop3A_1703 = arith.constant 11 : i32
        %parallel_loop3A_1704 = arith.addi %parallel_loop3A_613, %parallel_loop3A_1703 : i32
        %parallel_loop3A_1705 = vector.extract_strided_slice %parallel_loop3A_611 {offsets = [11], sizes = [1], strides = [1]} : vector<16xf32> to vector<1xf32>
        %parallel_loop3A_1706 = vector.extract %parallel_loop3A_1705[0] : f32 from vector<1xf32>
        %parallel_loop3A_1707 = arith.index_cast %select_n3A_109 : i32 to index
        %parallel_loop3A_1708 = arith.index_cast %parallel_loop3A_1704 : i32 to index
        %parallel_loop3A_1709 = arith.constant 0 : index
        %parallel_loop3A_1710 = tpu.vector_load %arg12[%parallel_loop3A_1707, %parallel_loop3A_1708, %parallel_loop3A_1709] {strides = array<i32>} : memref<2x64x64xi32, #tpu.memory_space<vmem>>, vector<16xi32>,
        %parallel_loop3A_1711 = arith.index_cast %select_n3A_109 : i32 to index
        %parallel_loop3A_1712 = arith.index_cast %parallel_loop3A_1704 : i32 to index
        %parallel_loop3A_1713 = arith.constant 16 : index
        %parallel_loop3A_1714 = tpu.vector_load %arg12[%parallel_loop3A_1711, %parallel_loop3A_1712, %parallel_loop3A_1713] {strides = array<i32>} : memref<2x64x64xi32, #tpu.memory_space<vmem>>, vector<16xi32>,
        %parallel_loop3A_1715 = arith.index_cast %select_n3A_109 : i32 to index
        %parallel_loop3A_1716 = arith.index_cast %parallel_loop3A_1704 : i32 to index
        %parallel_loop3A_1717 = arith.constant 32 : index
        %parallel_loop3A_1718 = tpu.vector_load %arg12[%parallel_loop3A_1715, %parallel_loop3A_1716, %parallel_loop3A_1717] {strides = array<i32>} : memref<2x64x64xi32, #tpu.memory_space<vmem>>, vector<16xi32>,
        %parallel_loop3A_1719 = arith.index_cast %select_n3A_109 : i32 to index
        %parallel_loop3A_1720 = arith.index_cast %parallel_loop3A_1704 : i32 to index
        %parallel_loop3A_1721 = arith.constant 48 : index
        %parallel_loop3A_1722 = tpu.vector_load %arg12[%parallel_loop3A_1719, %parallel_loop3A_1720, %parallel_loop3A_1721] {strides = array<i32>} : memref<2x64x64xi32, #tpu.memory_space<vmem>>, vector<16xi32>,
        %parallel_loop3A_1723 = arith.constant 16 : i32
        %parallel_loop3A_1724 = vector.broadcast %parallel_loop3A_1723 : i32 to vector<16xi32>
        %parallel_loop3A_1725 = arith.shli %parallel_loop3A_1710, %parallel_loop3A_1724 : vector<16xi32>
        %parallel_loop3A_1726 = vector.bitcast %parallel_loop3A_1725 : vector<16xi32> to vector<16xf32>
        %parallel_loop3A_1727 = arith.constant -65536 : i32
        %parallel_loop3A_1728 = vector.broadcast %parallel_loop3A_1727 : i32 to vector<16xi32>
        %parallel_loop3A_1729 = arith.andi %parallel_loop3A_1710, %parallel_loop3A_1728 : vector<16xi32>
        %parallel_loop3A_1730 = vector.bitcast %parallel_loop3A_1729 : vector<16xi32> to vector<16xf32>
        %parallel_loop3A_1731 = vector.broadcast %parallel_loop3A_1706 : f32 to vector<16xf32>
        %parallel_loop3A_1732 = arith.mulf %parallel_loop3A_1726, %parallel_loop3A_1731 : vector<16xf32>
        %parallel_loop3A_1733 = arith.index_cast %parallel_loop3A_1704 : i32 to index
        %parallel_loop3A_1734 = arith.constant 0 : index
        %parallel_loop3A_1735 = tpu.vector_load %arg13[%parallel_loop3A_1733, %parallel_loop3A_1734] {strides = array<i32>} : memref<64x144xf32, #tpu.memory_space<vmem>>, vector<16xf32>,
        tpu.vector_store %arg13[%parallel_loop3A_1733, %parallel_loop3A_1734], %parallel_loop3A_1732 {strides = array<i32>} : memref<64x144xf32, #tpu.memory_space<vmem>>, vector<16xf32>,
        %parallel_loop3A_1736 = vector.broadcast %parallel_loop3A_1706 : f32 to vector<16xf32>
        %parallel_loop3A_1737 = arith.mulf %parallel_loop3A_1730, %parallel_loop3A_1736 : vector<16xf32>
        %parallel_loop3A_1738 = arith.index_cast %parallel_loop3A_1704 : i32 to index
        %parallel_loop3A_1739 = arith.constant 16 : index
        %parallel_loop3A_1740 = tpu.vector_load %arg13[%parallel_loop3A_1738, %parallel_loop3A_1739] {strides = array<i32>} : memref<64x144xf32, #tpu.memory_space<vmem>>, vector<16xf32>,
        tpu.vector_store %arg13[%parallel_loop3A_1738, %parallel_loop3A_1739], %parallel_loop3A_1737 {strides = array<i32>} : memref<64x144xf32, #tpu.memory_space<vmem>>, vector<16xf32>,
        %parallel_loop3A_1741 = arith.constant 16 : i32
        %parallel_loop3A_1742 = vector.broadcast %parallel_loop3A_1741 : i32 to vector<16xi32>
        %parallel_loop3A_1743 = arith.shli %parallel_loop3A_1714, %parallel_loop3A_1742 : vector<16xi32>
        %parallel_loop3A_1744 = vector.bitcast %parallel_loop3A_1743 : vector<16xi32> to vector<16xf32>
        %parallel_loop3A_1745 = arith.constant -65536 : i32
        %parallel_loop3A_1746 = vector.broadcast %parallel_loop3A_1745 : i32 to vector<16xi32>
        %parallel_loop3A_1747 = arith.andi %parallel_loop3A_1714, %parallel_loop3A_1746 : vector<16xi32>
        %parallel_loop3A_1748 = vector.bitcast %parallel_loop3A_1747 : vector<16xi32> to vector<16xf32>
        %parallel_loop3A_1749 = vector.broadcast %parallel_loop3A_1706 : f32 to vector<16xf32>
        %parallel_loop3A_1750 = arith.mulf %parallel_loop3A_1744, %parallel_loop3A_1749 : vector<16xf32>
        %parallel_loop3A_1751 = arith.index_cast %parallel_loop3A_1704 : i32 to index
        %parallel_loop3A_1752 = arith.constant 32 : index
        %parallel_loop3A_1753 = tpu.vector_load %arg13[%parallel_loop3A_1751, %parallel_loop3A_1752] {strides = array<i32>} : memref<64x144xf32, #tpu.memory_space<vmem>>, vector<16xf32>,
        tpu.vector_store %arg13[%parallel_loop3A_1751, %parallel_loop3A_1752], %parallel_loop3A_1750 {strides = array<i32>} : memref<64x144xf32, #tpu.memory_space<vmem>>, vector<16xf32>,
        %parallel_loop3A_1754 = vector.broadcast %parallel_loop3A_1706 : f32 to vector<16xf32>
        %parallel_loop3A_1755 = arith.mulf %parallel_loop3A_1748, %parallel_loop3A_1754 : vector<16xf32>
        %parallel_loop3A_1756 = arith.index_cast %parallel_loop3A_1704 : i32 to index
        %parallel_loop3A_1757 = arith.constant 48 : index
        %parallel_loop3A_1758 = tpu.vector_load %arg13[%parallel_loop3A_1756, %parallel_loop3A_1757] {strides = array<i32>} : memref<64x144xf32, #tpu.memory_space<vmem>>, vector<16xf32>,
        tpu.vector_store %arg13[%parallel_loop3A_1756, %parallel_loop3A_1757], %parallel_loop3A_1755 {strides = array<i32>} : memref<64x144xf32, #tpu.memory_space<vmem>>, vector<16xf32>,
        %parallel_loop3A_1759 = arith.constant 16 : i32
        %parallel_loop3A_1760 = vector.broadcast %parallel_loop3A_1759 : i32 to vector<16xi32>
        %parallel_loop3A_1761 = arith.shli %parallel_loop3A_1718, %parallel_loop3A_1760 : vector<16xi32>
        %parallel_loop3A_1762 = vector.bitcast %parallel_loop3A_1761 : vector<16xi32> to vector<16xf32>
        %parallel_loop3A_1763 = arith.constant -65536 : i32
        %parallel_loop3A_1764 = vector.broadcast %parallel_loop3A_1763 : i32 to vector<16xi32>
        %parallel_loop3A_1765 = arith.andi %parallel_loop3A_1718, %parallel_loop3A_1764 : vector<16xi32>
        %parallel_loop3A_1766 = vector.bitcast %parallel_loop3A_1765 : vector<16xi32> to vector<16xf32>
        %parallel_loop3A_1767 = vector.broadcast %parallel_loop3A_1706 : f32 to vector<16xf32>
        %parallel_loop3A_1768 = arith.mulf %parallel_loop3A_1762, %parallel_loop3A_1767 : vector<16xf32>
        %parallel_loop3A_1769 = arith.index_cast %parallel_loop3A_1704 : i32 to index
        %parallel_loop3A_1770 = arith.constant 64 : index
        %parallel_loop3A_1771 = tpu.vector_load %arg13[%parallel_loop3A_1769, %parallel_loop3A_1770] {strides = array<i32>} : memref<64x144xf32, #tpu.memory_space<vmem>>, vector<16xf32>,
        tpu.vector_store %arg13[%parallel_loop3A_1769, %parallel_loop3A_1770], %parallel_loop3A_1768 {strides = array<i32>} : memref<64x144xf32, #tpu.memory_space<vmem>>, vector<16xf32>,
        %parallel_loop3A_1772 = vector.broadcast %parallel_loop3A_1706 : f32 to vector<16xf32>
        %parallel_loop3A_1773 = arith.mulf %parallel_loop3A_1766, %parallel_loop3A_1772 : vector<16xf32>
        %parallel_loop3A_1774 = arith.index_cast %parallel_loop3A_1704 : i32 to index
        %parallel_loop3A_1775 = arith.constant 80 : index
        %parallel_loop3A_1776 = tpu.vector_load %arg13[%parallel_loop3A_1774, %parallel_loop3A_1775] {strides = array<i32>} : memref<64x144xf32, #tpu.memory_space<vmem>>, vector<16xf32>,
        tpu.vector_store %arg13[%parallel_loop3A_1774, %parallel_loop3A_1775], %parallel_loop3A_1773 {strides = array<i32>} : memref<64x144xf32, #tpu.memory_space<vmem>>, vector<16xf32>,
        %parallel_loop3A_1777 = arith.constant 16 : i32
        %parallel_loop3A_1778 = vector.broadcast %parallel_loop3A_1777 : i32 to vector<16xi32>
        %parallel_loop3A_1779 = arith.shli %parallel_loop3A_1722, %parallel_loop3A_1778 : vector<16xi32>
        %parallel_loop3A_1780 = vector.bitcast %parallel_loop3A_1779 : vector<16xi32> to vector<16xf32>
        %parallel_loop3A_1781 = arith.constant -65536 : i32
        %parallel_loop3A_1782 = vector.broadcast %parallel_loop3A_1781 : i32 to vector<16xi32>
        %parallel_loop3A_1783 = arith.andi %parallel_loop3A_1722, %parallel_loop3A_1782 : vector<16xi32>
        %parallel_loop3A_1784 = vector.bitcast %parallel_loop3A_1783 : vector<16xi32> to vector<16xf32>
        %parallel_loop3A_1785 = vector.broadcast %parallel_loop3A_1706 : f32 to vector<16xf32>
        %parallel_loop3A_1786 = arith.mulf %parallel_loop3A_1780, %parallel_loop3A_1785 : vector<16xf32>
        %parallel_loop3A_1787 = arith.index_cast %parallel_loop3A_1704 : i32 to index
        %parallel_loop3A_1788 = arith.constant 96 : index
        %parallel_loop3A_1789 = tpu.vector_load %arg13[%parallel_loop3A_1787, %parallel_loop3A_1788] {strides = array<i32>} : memref<64x144xf32, #tpu.memory_space<vmem>>, vector<16xf32>,
        tpu.vector_store %arg13[%parallel_loop3A_1787, %parallel_loop3A_1788], %parallel_loop3A_1786 {strides = array<i32>} : memref<64x144xf32, #tpu.memory_space<vmem>>, vector<16xf32>,
        %parallel_loop3A_1790 = vector.broadcast %parallel_loop3A_1706 : f32 to vector<16xf32>
        %parallel_loop3A_1791 = arith.mulf %parallel_loop3A_1784, %parallel_loop3A_1790 : vector<16xf32>
        %parallel_loop3A_1792 = arith.index_cast %parallel_loop3A_1704 : i32 to index
        %parallel_loop3A_1793 = arith.constant 112 : index
        %parallel_loop3A_1794 = tpu.vector_load %arg13[%parallel_loop3A_1792, %parallel_loop3A_1793] {strides = array<i32>} : memref<64x144xf32, #tpu.memory_space<vmem>>, vector<16xf32>,
        tpu.vector_store %arg13[%parallel_loop3A_1792, %parallel_loop3A_1793], %parallel_loop3A_1791 {strides = array<i32>} : memref<64x144xf32, #tpu.memory_space<vmem>>, vector<16xf32>,
        %parallel_loop3A_1795 = arith.constant 0.000000e+00 : f32
        %parallel_loop3A_1796 = vector.broadcast %parallel_loop3A_1706 : f32 to vector<16xf32>
        %parallel_loop3A_1797 = vector.broadcast %parallel_loop3A_1795 : f32 to vector<16xf32>
        %parallel_loop3A_1798 = arith.select %eq3A_537, %parallel_loop3A_1796, %parallel_loop3A_1797 : vector<16xi1>, vector<16xf32>
        %parallel_loop3A_1799 = arith.index_cast %parallel_loop3A_1704 : i32 to index
        %parallel_loop3A_1800 = arith.constant 128 : index
        %parallel_loop3A_1801 = tpu.vector_load %arg13[%parallel_loop3A_1799, %parallel_loop3A_1800] {strides = array<i32>} : memref<64x144xf32, #tpu.memory_space<vmem>>, vector<16xf32>,
        tpu.vector_store %arg13[%parallel_loop3A_1799, %parallel_loop3A_1800], %parallel_loop3A_1798 {strides = array<i32>} : memref<64x144xf32, #tpu.memory_space<vmem>>, vector<16xf32>,
        %parallel_loop3A_1802 = arith.constant 12 : i32
        %parallel_loop3A_1803 = arith.addi %parallel_loop3A_613, %parallel_loop3A_1802 : i32
        %parallel_loop3A_1804 = vector.extract_strided_slice %parallel_loop3A_611 {offsets = [12], sizes = [1], strides = [1]} : vector<16xf32> to vector<1xf32>
        %parallel_loop3A_1805 = vector.extract %parallel_loop3A_1804[0] : f32 from vector<1xf32>
        %parallel_loop3A_1806 = arith.index_cast %select_n3A_109 : i32 to index
        %parallel_loop3A_1807 = arith.index_cast %parallel_loop3A_1803 : i32 to index
        %parallel_loop3A_1808 = arith.constant 0 : index
        %parallel_loop3A_1809 = tpu.vector_load %arg12[%parallel_loop3A_1806, %parallel_loop3A_1807, %parallel_loop3A_1808] {strides = array<i32>} : memref<2x64x64xi32, #tpu.memory_space<vmem>>, vector<16xi32>,
        %parallel_loop3A_1810 = arith.index_cast %select_n3A_109 : i32 to index
        %parallel_loop3A_1811 = arith.index_cast %parallel_loop3A_1803 : i32 to index
        %parallel_loop3A_1812 = arith.constant 16 : index
        %parallel_loop3A_1813 = tpu.vector_load %arg12[%parallel_loop3A_1810, %parallel_loop3A_1811, %parallel_loop3A_1812] {strides = array<i32>} : memref<2x64x64xi32, #tpu.memory_space<vmem>>, vector<16xi32>,
        %parallel_loop3A_1814 = arith.index_cast %select_n3A_109 : i32 to index
        %parallel_loop3A_1815 = arith.index_cast %parallel_loop3A_1803 : i32 to index
        %parallel_loop3A_1816 = arith.constant 32 : index
        %parallel_loop3A_1817 = tpu.vector_load %arg12[%parallel_loop3A_1814, %parallel_loop3A_1815, %parallel_loop3A_1816] {strides = array<i32>} : memref<2x64x64xi32, #tpu.memory_space<vmem>>, vector<16xi32>,
        %parallel_loop3A_1818 = arith.index_cast %select_n3A_109 : i32 to index
        %parallel_loop3A_1819 = arith.index_cast %parallel_loop3A_1803 : i32 to index
        %parallel_loop3A_1820 = arith.constant 48 : index
        %parallel_loop3A_1821 = tpu.vector_load %arg12[%parallel_loop3A_1818, %parallel_loop3A_1819, %parallel_loop3A_1820] {strides = array<i32>} : memref<2x64x64xi32, #tpu.memory_space<vmem>>, vector<16xi32>,
        %parallel_loop3A_1822 = arith.constant 16 : i32
        %parallel_loop3A_1823 = vector.broadcast %parallel_loop3A_1822 : i32 to vector<16xi32>
        %parallel_loop3A_1824 = arith.shli %parallel_loop3A_1809, %parallel_loop3A_1823 : vector<16xi32>
        %parallel_loop3A_1825 = vector.bitcast %parallel_loop3A_1824 : vector<16xi32> to vector<16xf32>
        %parallel_loop3A_1826 = arith.constant -65536 : i32
        %parallel_loop3A_1827 = vector.broadcast %parallel_loop3A_1826 : i32 to vector<16xi32>
        %parallel_loop3A_1828 = arith.andi %parallel_loop3A_1809, %parallel_loop3A_1827 : vector<16xi32>
        %parallel_loop3A_1829 = vector.bitcast %parallel_loop3A_1828 : vector<16xi32> to vector<16xf32>
        %parallel_loop3A_1830 = vector.broadcast %parallel_loop3A_1805 : f32 to vector<16xf32>
        %parallel_loop3A_1831 = arith.mulf %parallel_loop3A_1825, %parallel_loop3A_1830 : vector<16xf32>
        %parallel_loop3A_1832 = arith.index_cast %parallel_loop3A_1803 : i32 to index
        %parallel_loop3A_1833 = arith.constant 0 : index
        %parallel_loop3A_1834 = tpu.vector_load %arg13[%parallel_loop3A_1832, %parallel_loop3A_1833] {strides = array<i32>} : memref<64x144xf32, #tpu.memory_space<vmem>>, vector<16xf32>,
        tpu.vector_store %arg13[%parallel_loop3A_1832, %parallel_loop3A_1833], %parallel_loop3A_1831 {strides = array<i32>} : memref<64x144xf32, #tpu.memory_space<vmem>>, vector<16xf32>,
        %parallel_loop3A_1835 = vector.broadcast %parallel_loop3A_1805 : f32 to vector<16xf32>
        %parallel_loop3A_1836 = arith.mulf %parallel_loop3A_1829, %parallel_loop3A_1835 : vector<16xf32>
        %parallel_loop3A_1837 = arith.index_cast %parallel_loop3A_1803 : i32 to index
        %parallel_loop3A_1838 = arith.constant 16 : index
        %parallel_loop3A_1839 = tpu.vector_load %arg13[%parallel_loop3A_1837, %parallel_loop3A_1838] {strides = array<i32>} : memref<64x144xf32, #tpu.memory_space<vmem>>, vector<16xf32>,
        tpu.vector_store %arg13[%parallel_loop3A_1837, %parallel_loop3A_1838], %parallel_loop3A_1836 {strides = array<i32>} : memref<64x144xf32, #tpu.memory_space<vmem>>, vector<16xf32>,
        %parallel_loop3A_1840 = arith.constant 16 : i32
        %parallel_loop3A_1841 = vector.broadcast %parallel_loop3A_1840 : i32 to vector<16xi32>
        %parallel_loop3A_1842 = arith.shli %parallel_loop3A_1813, %parallel_loop3A_1841 : vector<16xi32>
        %parallel_loop3A_1843 = vector.bitcast %parallel_loop3A_1842 : vector<16xi32> to vector<16xf32>
        %parallel_loop3A_1844 = arith.constant -65536 : i32
        %parallel_loop3A_1845 = vector.broadcast %parallel_loop3A_1844 : i32 to vector<16xi32>
        %parallel_loop3A_1846 = arith.andi %parallel_loop3A_1813, %parallel_loop3A_1845 : vector<16xi32>
        %parallel_loop3A_1847 = vector.bitcast %parallel_loop3A_1846 : vector<16xi32> to vector<16xf32>
        %parallel_loop3A_1848 = vector.broadcast %parallel_loop3A_1805 : f32 to vector<16xf32>
        %parallel_loop3A_1849 = arith.mulf %parallel_loop3A_1843, %parallel_loop3A_1848 : vector<16xf32>
        %parallel_loop3A_1850 = arith.index_cast %parallel_loop3A_1803 : i32 to index
        %parallel_loop3A_1851 = arith.constant 32 : index
        %parallel_loop3A_1852 = tpu.vector_load %arg13[%parallel_loop3A_1850, %parallel_loop3A_1851] {strides = array<i32>} : memref<64x144xf32, #tpu.memory_space<vmem>>, vector<16xf32>,
        tpu.vector_store %arg13[%parallel_loop3A_1850, %parallel_loop3A_1851], %parallel_loop3A_1849 {strides = array<i32>} : memref<64x144xf32, #tpu.memory_space<vmem>>, vector<16xf32>,
        %parallel_loop3A_1853 = vector.broadcast %parallel_loop3A_1805 : f32 to vector<16xf32>
        %parallel_loop3A_1854 = arith.mulf %parallel_loop3A_1847, %parallel_loop3A_1853 : vector<16xf32>
        %parallel_loop3A_1855 = arith.index_cast %parallel_loop3A_1803 : i32 to index
        %parallel_loop3A_1856 = arith.constant 48 : index
        %parallel_loop3A_1857 = tpu.vector_load %arg13[%parallel_loop3A_1855, %parallel_loop3A_1856] {strides = array<i32>} : memref<64x144xf32, #tpu.memory_space<vmem>>, vector<16xf32>,
        tpu.vector_store %arg13[%parallel_loop3A_1855, %parallel_loop3A_1856], %parallel_loop3A_1854 {strides = array<i32>} : memref<64x144xf32, #tpu.memory_space<vmem>>, vector<16xf32>,
        %parallel_loop3A_1858 = arith.constant 16 : i32
        %parallel_loop3A_1859 = vector.broadcast %parallel_loop3A_1858 : i32 to vector<16xi32>
        %parallel_loop3A_1860 = arith.shli %parallel_loop3A_1817, %parallel_loop3A_1859 : vector<16xi32>
        %parallel_loop3A_1861 = vector.bitcast %parallel_loop3A_1860 : vector<16xi32> to vector<16xf32>
        %parallel_loop3A_1862 = arith.constant -65536 : i32
        %parallel_loop3A_1863 = vector.broadcast %parallel_loop3A_1862 : i32 to vector<16xi32>
        %parallel_loop3A_1864 = arith.andi %parallel_loop3A_1817, %parallel_loop3A_1863 : vector<16xi32>
        %parallel_loop3A_1865 = vector.bitcast %parallel_loop3A_1864 : vector<16xi32> to vector<16xf32>
        %parallel_loop3A_1866 = vector.broadcast %parallel_loop3A_1805 : f32 to vector<16xf32>
        %parallel_loop3A_1867 = arith.mulf %parallel_loop3A_1861, %parallel_loop3A_1866 : vector<16xf32>
        %parallel_loop3A_1868 = arith.index_cast %parallel_loop3A_1803 : i32 to index
        %parallel_loop3A_1869 = arith.constant 64 : index
        %parallel_loop3A_1870 = tpu.vector_load %arg13[%parallel_loop3A_1868, %parallel_loop3A_1869] {strides = array<i32>} : memref<64x144xf32, #tpu.memory_space<vmem>>, vector<16xf32>,
        tpu.vector_store %arg13[%parallel_loop3A_1868, %parallel_loop3A_1869], %parallel_loop3A_1867 {strides = array<i32>} : memref<64x144xf32, #tpu.memory_space<vmem>>, vector<16xf32>,
        %parallel_loop3A_1871 = vector.broadcast %parallel_loop3A_1805 : f32 to vector<16xf32>
        %parallel_loop3A_1872 = arith.mulf %parallel_loop3A_1865, %parallel_loop3A_1871 : vector<16xf32>
        %parallel_loop3A_1873 = arith.index_cast %parallel_loop3A_1803 : i32 to index
        %parallel_loop3A_1874 = arith.constant 80 : index
        %parallel_loop3A_1875 = tpu.vector_load %arg13[%parallel_loop3A_1873, %parallel_loop3A_1874] {strides = array<i32>} : memref<64x144xf32, #tpu.memory_space<vmem>>, vector<16xf32>,
        tpu.vector_store %arg13[%parallel_loop3A_1873, %parallel_loop3A_1874], %parallel_loop3A_1872 {strides = array<i32>} : memref<64x144xf32, #tpu.memory_space<vmem>>, vector<16xf32>,
        %parallel_loop3A_1876 = arith.constant 16 : i32
        %parallel_loop3A_1877 = vector.broadcast %parallel_loop3A_1876 : i32 to vector<16xi32>
        %parallel_loop3A_1878 = arith.shli %parallel_loop3A_1821, %parallel_loop3A_1877 : vector<16xi32>
        %parallel_loop3A_1879 = vector.bitcast %parallel_loop3A_1878 : vector<16xi32> to vector<16xf32>
        %parallel_loop3A_1880 = arith.constant -65536 : i32
        %parallel_loop3A_1881 = vector.broadcast %parallel_loop3A_1880 : i32 to vector<16xi32>
        %parallel_loop3A_1882 = arith.andi %parallel_loop3A_1821, %parallel_loop3A_1881 : vector<16xi32>
        %parallel_loop3A_1883 = vector.bitcast %parallel_loop3A_1882 : vector<16xi32> to vector<16xf32>
        %parallel_loop3A_1884 = vector.broadcast %parallel_loop3A_1805 : f32 to vector<16xf32>
        %parallel_loop3A_1885 = arith.mulf %parallel_loop3A_1879, %parallel_loop3A_1884 : vector<16xf32>
        %parallel_loop3A_1886 = arith.index_cast %parallel_loop3A_1803 : i32 to index
        %parallel_loop3A_1887 = arith.constant 96 : index
        %parallel_loop3A_1888 = tpu.vector_load %arg13[%parallel_loop3A_1886, %parallel_loop3A_1887] {strides = array<i32>} : memref<64x144xf32, #tpu.memory_space<vmem>>, vector<16xf32>,
        tpu.vector_store %arg13[%parallel_loop3A_1886, %parallel_loop3A_1887], %parallel_loop3A_1885 {strides = array<i32>} : memref<64x144xf32, #tpu.memory_space<vmem>>, vector<16xf32>,
        %parallel_loop3A_1889 = vector.broadcast %parallel_loop3A_1805 : f32 to vector<16xf32>
        %parallel_loop3A_1890 = arith.mulf %parallel_loop3A_1883, %parallel_loop3A_1889 : vector<16xf32>
        %parallel_loop3A_1891 = arith.index_cast %parallel_loop3A_1803 : i32 to index
        %parallel_loop3A_1892 = arith.constant 112 : index
        %parallel_loop3A_1893 = tpu.vector_load %arg13[%parallel_loop3A_1891, %parallel_loop3A_1892] {strides = array<i32>} : memref<64x144xf32, #tpu.memory_space<vmem>>, vector<16xf32>,
        tpu.vector_store %arg13[%parallel_loop3A_1891, %parallel_loop3A_1892], %parallel_loop3A_1890 {strides = array<i32>} : memref<64x144xf32, #tpu.memory_space<vmem>>, vector<16xf32>,
        %parallel_loop3A_1894 = arith.constant 0.000000e+00 : f32
        %parallel_loop3A_1895 = vector.broadcast %parallel_loop3A_1805 : f32 to vector<16xf32>
        %parallel_loop3A_1896 = vector.broadcast %parallel_loop3A_1894 : f32 to vector<16xf32>
        %parallel_loop3A_1897 = arith.select %eq3A_537, %parallel_loop3A_1895, %parallel_loop3A_1896 : vector<16xi1>, vector<16xf32>
        %parallel_loop3A_1898 = arith.index_cast %parallel_loop3A_1803 : i32 to index
        %parallel_loop3A_1899 = arith.constant 128 : index
        %parallel_loop3A_1900 = tpu.vector_load %arg13[%parallel_loop3A_1898, %parallel_loop3A_1899] {strides = array<i32>} : memref<64x144xf32, #tpu.memory_space<vmem>>, vector<16xf32>,
        tpu.vector_store %arg13[%parallel_loop3A_1898, %parallel_loop3A_1899], %parallel_loop3A_1897 {strides = array<i32>} : memref<64x144xf32, #tpu.memory_space<vmem>>, vector<16xf32>,
        %parallel_loop3A_1901 = arith.constant 13 : i32
        %parallel_loop3A_1902 = arith.addi %parallel_loop3A_613, %parallel_loop3A_1901 : i32
        %parallel_loop3A_1903 = vector.extract_strided_slice %parallel_loop3A_611 {offsets = [13], sizes = [1], strides = [1]} : vector<16xf32> to vector<1xf32>
        %parallel_loop3A_1904 = vector.extract %parallel_loop3A_1903[0] : f32 from vector<1xf32>
        %parallel_loop3A_1905 = arith.index_cast %select_n3A_109 : i32 to index
        %parallel_loop3A_1906 = arith.index_cast %parallel_loop3A_1902 : i32 to index
        %parallel_loop3A_1907 = arith.constant 0 : index
        %parallel_loop3A_1908 = tpu.vector_load %arg12[%parallel_loop3A_1905, %parallel_loop3A_1906, %parallel_loop3A_1907] {strides = array<i32>} : memref<2x64x64xi32, #tpu.memory_space<vmem>>, vector<16xi32>,
        %parallel_loop3A_1909 = arith.index_cast %select_n3A_109 : i32 to index
        %parallel_loop3A_1910 = arith.index_cast %parallel_loop3A_1902 : i32 to index
        %parallel_loop3A_1911 = arith.constant 16 : index
        %parallel_loop3A_1912 = tpu.vector_load %arg12[%parallel_loop3A_1909, %parallel_loop3A_1910, %parallel_loop3A_1911] {strides = array<i32>} : memref<2x64x64xi32, #tpu.memory_space<vmem>>, vector<16xi32>,
        %parallel_loop3A_1913 = arith.index_cast %select_n3A_109 : i32 to index
        %parallel_loop3A_1914 = arith.index_cast %parallel_loop3A_1902 : i32 to index
        %parallel_loop3A_1915 = arith.constant 32 : index
        %parallel_loop3A_1916 = tpu.vector_load %arg12[%parallel_loop3A_1913, %parallel_loop3A_1914, %parallel_loop3A_1915] {strides = array<i32>} : memref<2x64x64xi32, #tpu.memory_space<vmem>>, vector<16xi32>,
        %parallel_loop3A_1917 = arith.index_cast %select_n3A_109 : i32 to index
        %parallel_loop3A_1918 = arith.index_cast %parallel_loop3A_1902 : i32 to index
        %parallel_loop3A_1919 = arith.constant 48 : index
        %parallel_loop3A_1920 = tpu.vector_load %arg12[%parallel_loop3A_1917, %parallel_loop3A_1918, %parallel_loop3A_1919] {strides = array<i32>} : memref<2x64x64xi32, #tpu.memory_space<vmem>>, vector<16xi32>,
        %parallel_loop3A_1921 = arith.constant 16 : i32
        %parallel_loop3A_1922 = vector.broadcast %parallel_loop3A_1921 : i32 to vector<16xi32>
        %parallel_loop3A_1923 = arith.shli %parallel_loop3A_1908, %parallel_loop3A_1922 : vector<16xi32>
        %parallel_loop3A_1924 = vector.bitcast %parallel_loop3A_1923 : vector<16xi32> to vector<16xf32>
        %parallel_loop3A_1925 = arith.constant -65536 : i32
        %parallel_loop3A_1926 = vector.broadcast %parallel_loop3A_1925 : i32 to vector<16xi32>
        %parallel_loop3A_1927 = arith.andi %parallel_loop3A_1908, %parallel_loop3A_1926 : vector<16xi32>
        %parallel_loop3A_1928 = vector.bitcast %parallel_loop3A_1927 : vector<16xi32> to vector<16xf32>
        %parallel_loop3A_1929 = vector.broadcast %parallel_loop3A_1904 : f32 to vector<16xf32>
        %parallel_loop3A_1930 = arith.mulf %parallel_loop3A_1924, %parallel_loop3A_1929 : vector<16xf32>
        %parallel_loop3A_1931 = arith.index_cast %parallel_loop3A_1902 : i32 to index
        %parallel_loop3A_1932 = arith.constant 0 : index
        %parallel_loop3A_1933 = tpu.vector_load %arg13[%parallel_loop3A_1931, %parallel_loop3A_1932] {strides = array<i32>} : memref<64x144xf32, #tpu.memory_space<vmem>>, vector<16xf32>,
        tpu.vector_store %arg13[%parallel_loop3A_1931, %parallel_loop3A_1932], %parallel_loop3A_1930 {strides = array<i32>} : memref<64x144xf32, #tpu.memory_space<vmem>>, vector<16xf32>,
        %parallel_loop3A_1934 = vector.broadcast %parallel_loop3A_1904 : f32 to vector<16xf32>
        %parallel_loop3A_1935 = arith.mulf %parallel_loop3A_1928, %parallel_loop3A_1934 : vector<16xf32>
        %parallel_loop3A_1936 = arith.index_cast %parallel_loop3A_1902 : i32 to index
        %parallel_loop3A_1937 = arith.constant 16 : index
        %parallel_loop3A_1938 = tpu.vector_load %arg13[%parallel_loop3A_1936, %parallel_loop3A_1937] {strides = array<i32>} : memref<64x144xf32, #tpu.memory_space<vmem>>, vector<16xf32>,
        tpu.vector_store %arg13[%parallel_loop3A_1936, %parallel_loop3A_1937], %parallel_loop3A_1935 {strides = array<i32>} : memref<64x144xf32, #tpu.memory_space<vmem>>, vector<16xf32>,
        %parallel_loop3A_1939 = arith.constant 16 : i32
        %parallel_loop3A_1940 = vector.broadcast %parallel_loop3A_1939 : i32 to vector<16xi32>
        %parallel_loop3A_1941 = arith.shli %parallel_loop3A_1912, %parallel_loop3A_1940 : vector<16xi32>
        %parallel_loop3A_1942 = vector.bitcast %parallel_loop3A_1941 : vector<16xi32> to vector<16xf32>
        %parallel_loop3A_1943 = arith.constant -65536 : i32
        %parallel_loop3A_1944 = vector.broadcast %parallel_loop3A_1943 : i32 to vector<16xi32>
        %parallel_loop3A_1945 = arith.andi %parallel_loop3A_1912, %parallel_loop3A_1944 : vector<16xi32>
        %parallel_loop3A_1946 = vector.bitcast %parallel_loop3A_1945 : vector<16xi32> to vector<16xf32>
        %parallel_loop3A_1947 = vector.broadcast %parallel_loop3A_1904 : f32 to vector<16xf32>
        %parallel_loop3A_1948 = arith.mulf %parallel_loop3A_1942, %parallel_loop3A_1947 : vector<16xf32>
        %parallel_loop3A_1949 = arith.index_cast %parallel_loop3A_1902 : i32 to index
        %parallel_loop3A_1950 = arith.constant 32 : index
        %parallel_loop3A_1951 = tpu.vector_load %arg13[%parallel_loop3A_1949, %parallel_loop3A_1950] {strides = array<i32>} : memref<64x144xf32, #tpu.memory_space<vmem>>, vector<16xf32>,
        tpu.vector_store %arg13[%parallel_loop3A_1949, %parallel_loop3A_1950], %parallel_loop3A_1948 {strides = array<i32>} : memref<64x144xf32, #tpu.memory_space<vmem>>, vector<16xf32>,
        %parallel_loop3A_1952 = vector.broadcast %parallel_loop3A_1904 : f32 to vector<16xf32>
        %parallel_loop3A_1953 = arith.mulf %parallel_loop3A_1946, %parallel_loop3A_1952 : vector<16xf32>
        %parallel_loop3A_1954 = arith.index_cast %parallel_loop3A_1902 : i32 to index
        %parallel_loop3A_1955 = arith.constant 48 : index
        %parallel_loop3A_1956 = tpu.vector_load %arg13[%parallel_loop3A_1954, %parallel_loop3A_1955] {strides = array<i32>} : memref<64x144xf32, #tpu.memory_space<vmem>>, vector<16xf32>,
        tpu.vector_store %arg13[%parallel_loop3A_1954, %parallel_loop3A_1955], %parallel_loop3A_1953 {strides = array<i32>} : memref<64x144xf32, #tpu.memory_space<vmem>>, vector<16xf32>,
        %parallel_loop3A_1957 = arith.constant 16 : i32
        %parallel_loop3A_1958 = vector.broadcast %parallel_loop3A_1957 : i32 to vector<16xi32>
        %parallel_loop3A_1959 = arith.shli %parallel_loop3A_1916, %parallel_loop3A_1958 : vector<16xi32>
        %parallel_loop3A_1960 = vector.bitcast %parallel_loop3A_1959 : vector<16xi32> to vector<16xf32>
        %parallel_loop3A_1961 = arith.constant -65536 : i32
        %parallel_loop3A_1962 = vector.broadcast %parallel_loop3A_1961 : i32 to vector<16xi32>
        %parallel_loop3A_1963 = arith.andi %parallel_loop3A_1916, %parallel_loop3A_1962 : vector<16xi32>
        %parallel_loop3A_1964 = vector.bitcast %parallel_loop3A_1963 : vector<16xi32> to vector<16xf32>
        %parallel_loop3A_1965 = vector.broadcast %parallel_loop3A_1904 : f32 to vector<16xf32>
        %parallel_loop3A_1966 = arith.mulf %parallel_loop3A_1960, %parallel_loop3A_1965 : vector<16xf32>
        %parallel_loop3A_1967 = arith.index_cast %parallel_loop3A_1902 : i32 to index
        %parallel_loop3A_1968 = arith.constant 64 : index
        %parallel_loop3A_1969 = tpu.vector_load %arg13[%parallel_loop3A_1967, %parallel_loop3A_1968] {strides = array<i32>} : memref<64x144xf32, #tpu.memory_space<vmem>>, vector<16xf32>,
        tpu.vector_store %arg13[%parallel_loop3A_1967, %parallel_loop3A_1968], %parallel_loop3A_1966 {strides = array<i32>} : memref<64x144xf32, #tpu.memory_space<vmem>>, vector<16xf32>,
        %parallel_loop3A_1970 = vector.broadcast %parallel_loop3A_1904 : f32 to vector<16xf32>
        %parallel_loop3A_1971 = arith.mulf %parallel_loop3A_1964, %parallel_loop3A_1970 : vector<16xf32>
        %parallel_loop3A_1972 = arith.index_cast %parallel_loop3A_1902 : i32 to index
        %parallel_loop3A_1973 = arith.constant 80 : index
        %parallel_loop3A_1974 = tpu.vector_load %arg13[%parallel_loop3A_1972, %parallel_loop3A_1973] {strides = array<i32>} : memref<64x144xf32, #tpu.memory_space<vmem>>, vector<16xf32>,
        tpu.vector_store %arg13[%parallel_loop3A_1972, %parallel_loop3A_1973], %parallel_loop3A_1971 {strides = array<i32>} : memref<64x144xf32, #tpu.memory_space<vmem>>, vector<16xf32>,
        %parallel_loop3A_1975 = arith.constant 16 : i32
        %parallel_loop3A_1976 = vector.broadcast %parallel_loop3A_1975 : i32 to vector<16xi32>
        %parallel_loop3A_1977 = arith.shli %parallel_loop3A_1920, %parallel_loop3A_1976 : vector<16xi32>
        %parallel_loop3A_1978 = vector.bitcast %parallel_loop3A_1977 : vector<16xi32> to vector<16xf32>
        %parallel_loop3A_1979 = arith.constant -65536 : i32
        %parallel_loop3A_1980 = vector.broadcast %parallel_loop3A_1979 : i32 to vector<16xi32>
        %parallel_loop3A_1981 = arith.andi %parallel_loop3A_1920, %parallel_loop3A_1980 : vector<16xi32>
        %parallel_loop3A_1982 = vector.bitcast %parallel_loop3A_1981 : vector<16xi32> to vector<16xf32>
        %parallel_loop3A_1983 = vector.broadcast %parallel_loop3A_1904 : f32 to vector<16xf32>
        %parallel_loop3A_1984 = arith.mulf %parallel_loop3A_1978, %parallel_loop3A_1983 : vector<16xf32>
        %parallel_loop3A_1985 = arith.index_cast %parallel_loop3A_1902 : i32 to index
        %parallel_loop3A_1986 = arith.constant 96 : index
        %parallel_loop3A_1987 = tpu.vector_load %arg13[%parallel_loop3A_1985, %parallel_loop3A_1986] {strides = array<i32>} : memref<64x144xf32, #tpu.memory_space<vmem>>, vector<16xf32>,
        tpu.vector_store %arg13[%parallel_loop3A_1985, %parallel_loop3A_1986], %parallel_loop3A_1984 {strides = array<i32>} : memref<64x144xf32, #tpu.memory_space<vmem>>, vector<16xf32>,
        %parallel_loop3A_1988 = vector.broadcast %parallel_loop3A_1904 : f32 to vector<16xf32>
        %parallel_loop3A_1989 = arith.mulf %parallel_loop3A_1982, %parallel_loop3A_1988 : vector<16xf32>
        %parallel_loop3A_1990 = arith.index_cast %parallel_loop3A_1902 : i32 to index
        %parallel_loop3A_1991 = arith.constant 112 : index
        %parallel_loop3A_1992 = tpu.vector_load %arg13[%parallel_loop3A_1990, %parallel_loop3A_1991] {strides = array<i32>} : memref<64x144xf32, #tpu.memory_space<vmem>>, vector<16xf32>,
        tpu.vector_store %arg13[%parallel_loop3A_1990, %parallel_loop3A_1991], %parallel_loop3A_1989 {strides = array<i32>} : memref<64x144xf32, #tpu.memory_space<vmem>>, vector<16xf32>,
        %parallel_loop3A_1993 = arith.constant 0.000000e+00 : f32
        %parallel_loop3A_1994 = vector.broadcast %parallel_loop3A_1904 : f32 to vector<16xf32>
        %parallel_loop3A_1995 = vector.broadcast %parallel_loop3A_1993 : f32 to vector<16xf32>
        %parallel_loop3A_1996 = arith.select %eq3A_537, %parallel_loop3A_1994, %parallel_loop3A_1995 : vector<16xi1>, vector<16xf32>
        %parallel_loop3A_1997 = arith.index_cast %parallel_loop3A_1902 : i32 to index
        %parallel_loop3A_1998 = arith.constant 128 : index
        %parallel_loop3A_1999 = tpu.vector_load %arg13[%parallel_loop3A_1997, %parallel_loop3A_1998] {strides = array<i32>} : memref<64x144xf32, #tpu.memory_space<vmem>>, vector<16xf32>,
        tpu.vector_store %arg13[%parallel_loop3A_1997, %parallel_loop3A_1998], %parallel_loop3A_1996 {strides = array<i32>} : memref<64x144xf32, #tpu.memory_space<vmem>>, vector<16xf32>,
        %parallel_loop3A_2000 = arith.constant 14 : i32
        %parallel_loop3A_2001 = arith.addi %parallel_loop3A_613, %parallel_loop3A_2000 : i32
        %parallel_loop3A_2002 = vector.extract_strided_slice %parallel_loop3A_611 {offsets = [14], sizes = [1], strides = [1]} : vector<16xf32> to vector<1xf32>
        %parallel_loop3A_2003 = vector.extract %parallel_loop3A_2002[0] : f32 from vector<1xf32>
        %parallel_loop3A_2004 = arith.index_cast %select_n3A_109 : i32 to index
        %parallel_loop3A_2005 = arith.index_cast %parallel_loop3A_2001 : i32 to index
        %parallel_loop3A_2006 = arith.constant 0 : index
        %parallel_loop3A_2007 = tpu.vector_load %arg12[%parallel_loop3A_2004, %parallel_loop3A_2005, %parallel_loop3A_2006] {strides = array<i32>} : memref<2x64x64xi32, #tpu.memory_space<vmem>>, vector<16xi32>,
        %parallel_loop3A_2008 = arith.index_cast %select_n3A_109 : i32 to index
        %parallel_loop3A_2009 = arith.index_cast %parallel_loop3A_2001 : i32 to index
        %parallel_loop3A_2010 = arith.constant 16 : index
        %parallel_loop3A_2011 = tpu.vector_load %arg12[%parallel_loop3A_2008, %parallel_loop3A_2009, %parallel_loop3A_2010] {strides = array<i32>} : memref<2x64x64xi32, #tpu.memory_space<vmem>>, vector<16xi32>,
        %parallel_loop3A_2012 = arith.index_cast %select_n3A_109 : i32 to index
        %parallel_loop3A_2013 = arith.index_cast %parallel_loop3A_2001 : i32 to index
        %parallel_loop3A_2014 = arith.constant 32 : index
        %parallel_loop3A_2015 = tpu.vector_load %arg12[%parallel_loop3A_2012, %parallel_loop3A_2013, %parallel_loop3A_2014] {strides = array<i32>} : memref<2x64x64xi32, #tpu.memory_space<vmem>>, vector<16xi32>,
        %parallel_loop3A_2016 = arith.index_cast %select_n3A_109 : i32 to index
        %parallel_loop3A_2017 = arith.index_cast %parallel_loop3A_2001 : i32 to index
        %parallel_loop3A_2018 = arith.constant 48 : index
        %parallel_loop3A_2019 = tpu.vector_load %arg12[%parallel_loop3A_2016, %parallel_loop3A_2017, %parallel_loop3A_2018] {strides = array<i32>} : memref<2x64x64xi32, #tpu.memory_space<vmem>>, vector<16xi32>,
        %parallel_loop3A_2020 = arith.constant 16 : i32
        %parallel_loop3A_2021 = vector.broadcast %parallel_loop3A_2020 : i32 to vector<16xi32>
        %parallel_loop3A_2022 = arith.shli %parallel_loop3A_2007, %parallel_loop3A_2021 : vector<16xi32>
        %parallel_loop3A_2023 = vector.bitcast %parallel_loop3A_2022 : vector<16xi32> to vector<16xf32>
        %parallel_loop3A_2024 = arith.constant -65536 : i32
        %parallel_loop3A_2025 = vector.broadcast %parallel_loop3A_2024 : i32 to vector<16xi32>
        %parallel_loop3A_2026 = arith.andi %parallel_loop3A_2007, %parallel_loop3A_2025 : vector<16xi32>
        %parallel_loop3A_2027 = vector.bitcast %parallel_loop3A_2026 : vector<16xi32> to vector<16xf32>
        %parallel_loop3A_2028 = vector.broadcast %parallel_loop3A_2003 : f32 to vector<16xf32>
        %parallel_loop3A_2029 = arith.mulf %parallel_loop3A_2023, %parallel_loop3A_2028 : vector<16xf32>
        %parallel_loop3A_2030 = arith.index_cast %parallel_loop3A_2001 : i32 to index
        %parallel_loop3A_2031 = arith.constant 0 : index
        %parallel_loop3A_2032 = tpu.vector_load %arg13[%parallel_loop3A_2030, %parallel_loop3A_2031] {strides = array<i32>} : memref<64x144xf32, #tpu.memory_space<vmem>>, vector<16xf32>,
        tpu.vector_store %arg13[%parallel_loop3A_2030, %parallel_loop3A_2031], %parallel_loop3A_2029 {strides = array<i32>} : memref<64x144xf32, #tpu.memory_space<vmem>>, vector<16xf32>,
        %parallel_loop3A_2033 = vector.broadcast %parallel_loop3A_2003 : f32 to vector<16xf32>
        %parallel_loop3A_2034 = arith.mulf %parallel_loop3A_2027, %parallel_loop3A_2033 : vector<16xf32>
        %parallel_loop3A_2035 = arith.index_cast %parallel_loop3A_2001 : i32 to index
        %parallel_loop3A_2036 = arith.constant 16 : index
        %parallel_loop3A_2037 = tpu.vector_load %arg13[%parallel_loop3A_2035, %parallel_loop3A_2036] {strides = array<i32>} : memref<64x144xf32, #tpu.memory_space<vmem>>, vector<16xf32>,
        tpu.vector_store %arg13[%parallel_loop3A_2035, %parallel_loop3A_2036], %parallel_loop3A_2034 {strides = array<i32>} : memref<64x144xf32, #tpu.memory_space<vmem>>, vector<16xf32>,
        %parallel_loop3A_2038 = arith.constant 16 : i32
        %parallel_loop3A_2039 = vector.broadcast %parallel_loop3A_2038 : i32 to vector<16xi32>
        %parallel_loop3A_2040 = arith.shli %parallel_loop3A_2011, %parallel_loop3A_2039 : vector<16xi32>
        %parallel_loop3A_2041 = vector.bitcast %parallel_loop3A_2040 : vector<16xi32> to vector<16xf32>
        %parallel_loop3A_2042 = arith.constant -65536 : i32
        %parallel_loop3A_2043 = vector.broadcast %parallel_loop3A_2042 : i32 to vector<16xi32>
        %parallel_loop3A_2044 = arith.andi %parallel_loop3A_2011, %parallel_loop3A_2043 : vector<16xi32>
        %parallel_loop3A_2045 = vector.bitcast %parallel_loop3A_2044 : vector<16xi32> to vector<16xf32>
        %parallel_loop3A_2046 = vector.broadcast %parallel_loop3A_2003 : f32 to vector<16xf32>
        %parallel_loop3A_2047 = arith.mulf %parallel_loop3A_2041, %parallel_loop3A_2046 : vector<16xf32>
        %parallel_loop3A_2048 = arith.index_cast %parallel_loop3A_2001 : i32 to index
        %parallel_loop3A_2049 = arith.constant 32 : index
        %parallel_loop3A_2050 = tpu.vector_load %arg13[%parallel_loop3A_2048, %parallel_loop3A_2049] {strides = array<i32>} : memref<64x144xf32, #tpu.memory_space<vmem>>, vector<16xf32>,
        tpu.vector_store %arg13[%parallel_loop3A_2048, %parallel_loop3A_2049], %parallel_loop3A_2047 {strides = array<i32>} : memref<64x144xf32, #tpu.memory_space<vmem>>, vector<16xf32>,
        %parallel_loop3A_2051 = vector.broadcast %parallel_loop3A_2003 : f32 to vector<16xf32>
        %parallel_loop3A_2052 = arith.mulf %parallel_loop3A_2045, %parallel_loop3A_2051 : vector<16xf32>
        %parallel_loop3A_2053 = arith.index_cast %parallel_loop3A_2001 : i32 to index
        %parallel_loop3A_2054 = arith.constant 48 : index
        %parallel_loop3A_2055 = tpu.vector_load %arg13[%parallel_loop3A_2053, %parallel_loop3A_2054] {strides = array<i32>} : memref<64x144xf32, #tpu.memory_space<vmem>>, vector<16xf32>,
        tpu.vector_store %arg13[%parallel_loop3A_2053, %parallel_loop3A_2054], %parallel_loop3A_2052 {strides = array<i32>} : memref<64x144xf32, #tpu.memory_space<vmem>>, vector<16xf32>,
        %parallel_loop3A_2056 = arith.constant 16 : i32
        %parallel_loop3A_2057 = vector.broadcast %parallel_loop3A_2056 : i32 to vector<16xi32>
        %parallel_loop3A_2058 = arith.shli %parallel_loop3A_2015, %parallel_loop3A_2057 : vector<16xi32>
        %parallel_loop3A_2059 = vector.bitcast %parallel_loop3A_2058 : vector<16xi32> to vector<16xf32>
        %parallel_loop3A_2060 = arith.constant -65536 : i32
        %parallel_loop3A_2061 = vector.broadcast %parallel_loop3A_2060 : i32 to vector<16xi32>
        %parallel_loop3A_2062 = arith.andi %parallel_loop3A_2015, %parallel_loop3A_2061 : vector<16xi32>
        %parallel_loop3A_2063 = vector.bitcast %parallel_loop3A_2062 : vector<16xi32> to vector<16xf32>
        %parallel_loop3A_2064 = vector.broadcast %parallel_loop3A_2003 : f32 to vector<16xf32>
        %parallel_loop3A_2065 = arith.mulf %parallel_loop3A_2059, %parallel_loop3A_2064 : vector<16xf32>
        %parallel_loop3A_2066 = arith.index_cast %parallel_loop3A_2001 : i32 to index
        %parallel_loop3A_2067 = arith.constant 64 : index
        %parallel_loop3A_2068 = tpu.vector_load %arg13[%parallel_loop3A_2066, %parallel_loop3A_2067] {strides = array<i32>} : memref<64x144xf32, #tpu.memory_space<vmem>>, vector<16xf32>,
        tpu.vector_store %arg13[%parallel_loop3A_2066, %parallel_loop3A_2067], %parallel_loop3A_2065 {strides = array<i32>} : memref<64x144xf32, #tpu.memory_space<vmem>>, vector<16xf32>,
        %parallel_loop3A_2069 = vector.broadcast %parallel_loop3A_2003 : f32 to vector<16xf32>
        %parallel_loop3A_2070 = arith.mulf %parallel_loop3A_2063, %parallel_loop3A_2069 : vector<16xf32>
        %parallel_loop3A_2071 = arith.index_cast %parallel_loop3A_2001 : i32 to index
        %parallel_loop3A_2072 = arith.constant 80 : index
        %parallel_loop3A_2073 = tpu.vector_load %arg13[%parallel_loop3A_2071, %parallel_loop3A_2072] {strides = array<i32>} : memref<64x144xf32, #tpu.memory_space<vmem>>, vector<16xf32>,
        tpu.vector_store %arg13[%parallel_loop3A_2071, %parallel_loop3A_2072], %parallel_loop3A_2070 {strides = array<i32>} : memref<64x144xf32, #tpu.memory_space<vmem>>, vector<16xf32>,
        %parallel_loop3A_2074 = arith.constant 16 : i32
        %parallel_loop3A_2075 = vector.broadcast %parallel_loop3A_2074 : i32 to vector<16xi32>
        %parallel_loop3A_2076 = arith.shli %parallel_loop3A_2019, %parallel_loop3A_2075 : vector<16xi32>
        %parallel_loop3A_2077 = vector.bitcast %parallel_loop3A_2076 : vector<16xi32> to vector<16xf32>
        %parallel_loop3A_2078 = arith.constant -65536 : i32
        %parallel_loop3A_2079 = vector.broadcast %parallel_loop3A_2078 : i32 to vector<16xi32>
        %parallel_loop3A_2080 = arith.andi %parallel_loop3A_2019, %parallel_loop3A_2079 : vector<16xi32>
        %parallel_loop3A_2081 = vector.bitcast %parallel_loop3A_2080 : vector<16xi32> to vector<16xf32>
        %parallel_loop3A_2082 = vector.broadcast %parallel_loop3A_2003 : f32 to vector<16xf32>
        %parallel_loop3A_2083 = arith.mulf %parallel_loop3A_2077, %parallel_loop3A_2082 : vector<16xf32>
        %parallel_loop3A_2084 = arith.index_cast %parallel_loop3A_2001 : i32 to index
        %parallel_loop3A_2085 = arith.constant 96 : index
        %parallel_loop3A_2086 = tpu.vector_load %arg13[%parallel_loop3A_2084, %parallel_loop3A_2085] {strides = array<i32>} : memref<64x144xf32, #tpu.memory_space<vmem>>, vector<16xf32>,
        tpu.vector_store %arg13[%parallel_loop3A_2084, %parallel_loop3A_2085], %parallel_loop3A_2083 {strides = array<i32>} : memref<64x144xf32, #tpu.memory_space<vmem>>, vector<16xf32>,
        %parallel_loop3A_2087 = vector.broadcast %parallel_loop3A_2003 : f32 to vector<16xf32>
        %parallel_loop3A_2088 = arith.mulf %parallel_loop3A_2081, %parallel_loop3A_2087 : vector<16xf32>
        %parallel_loop3A_2089 = arith.index_cast %parallel_loop3A_2001 : i32 to index
        %parallel_loop3A_2090 = arith.constant 112 : index
        %parallel_loop3A_2091 = tpu.vector_load %arg13[%parallel_loop3A_2089, %parallel_loop3A_2090] {strides = array<i32>} : memref<64x144xf32, #tpu.memory_space<vmem>>, vector<16xf32>,
        tpu.vector_store %arg13[%parallel_loop3A_2089, %parallel_loop3A_2090], %parallel_loop3A_2088 {strides = array<i32>} : memref<64x144xf32, #tpu.memory_space<vmem>>, vector<16xf32>,
        %parallel_loop3A_2092 = arith.constant 0.000000e+00 : f32
        %parallel_loop3A_2093 = vector.broadcast %parallel_loop3A_2003 : f32 to vector<16xf32>
        %parallel_loop3A_2094 = vector.broadcast %parallel_loop3A_2092 : f32 to vector<16xf32>
        %parallel_loop3A_2095 = arith.select %eq3A_537, %parallel_loop3A_2093, %parallel_loop3A_2094 : vector<16xi1>, vector<16xf32>
        %parallel_loop3A_2096 = arith.index_cast %parallel_loop3A_2001 : i32 to index
        %parallel_loop3A_2097 = arith.constant 128 : index
        %parallel_loop3A_2098 = tpu.vector_load %arg13[%parallel_loop3A_2096, %parallel_loop3A_2097] {strides = array<i32>} : memref<64x144xf32, #tpu.memory_space<vmem>>, vector<16xf32>,
        tpu.vector_store %arg13[%parallel_loop3A_2096, %parallel_loop3A_2097], %parallel_loop3A_2095 {strides = array<i32>} : memref<64x144xf32, #tpu.memory_space<vmem>>, vector<16xf32>,
        %parallel_loop3A_2099 = arith.constant 15 : i32
        %parallel_loop3A_2100 = arith.addi %parallel_loop3A_613, %parallel_loop3A_2099 : i32
        %parallel_loop3A_2101 = vector.extract_strided_slice %parallel_loop3A_611 {offsets = [15], sizes = [1], strides = [1]} : vector<16xf32> to vector<1xf32>
        %parallel_loop3A_2102 = vector.extract %parallel_loop3A_2101[0] : f32 from vector<1xf32>
        %parallel_loop3A_2103 = arith.index_cast %select_n3A_109 : i32 to index
        %parallel_loop3A_2104 = arith.index_cast %parallel_loop3A_2100 : i32 to index
        %parallel_loop3A_2105 = arith.constant 0 : index
        %parallel_loop3A_2106 = tpu.vector_load %arg12[%parallel_loop3A_2103, %parallel_loop3A_2104, %parallel_loop3A_2105] {strides = array<i32>} : memref<2x64x64xi32, #tpu.memory_space<vmem>>, vector<16xi32>,
        %parallel_loop3A_2107 = arith.index_cast %select_n3A_109 : i32 to index
        %parallel_loop3A_2108 = arith.index_cast %parallel_loop3A_2100 : i32 to index
        %parallel_loop3A_2109 = arith.constant 16 : index
        %parallel_loop3A_2110 = tpu.vector_load %arg12[%parallel_loop3A_2107, %parallel_loop3A_2108, %parallel_loop3A_2109] {strides = array<i32>} : memref<2x64x64xi32, #tpu.memory_space<vmem>>, vector<16xi32>,
        %parallel_loop3A_2111 = arith.index_cast %select_n3A_109 : i32 to index
        %parallel_loop3A_2112 = arith.index_cast %parallel_loop3A_2100 : i32 to index
        %parallel_loop3A_2113 = arith.constant 32 : index
        %parallel_loop3A_2114 = tpu.vector_load %arg12[%parallel_loop3A_2111, %parallel_loop3A_2112, %parallel_loop3A_2113] {strides = array<i32>} : memref<2x64x64xi32, #tpu.memory_space<vmem>>, vector<16xi32>,
        %parallel_loop3A_2115 = arith.index_cast %select_n3A_109 : i32 to index
        %parallel_loop3A_2116 = arith.index_cast %parallel_loop3A_2100 : i32 to index
        %parallel_loop3A_2117 = arith.constant 48 : index
        %parallel_loop3A_2118 = tpu.vector_load %arg12[%parallel_loop3A_2115, %parallel_loop3A_2116, %parallel_loop3A_2117] {strides = array<i32>} : memref<2x64x64xi32, #tpu.memory_space<vmem>>, vector<16xi32>,
        %parallel_loop3A_2119 = arith.constant 16 : i32
        %parallel_loop3A_2120 = vector.broadcast %parallel_loop3A_2119 : i32 to vector<16xi32>
        %parallel_loop3A_2121 = arith.shli %parallel_loop3A_2106, %parallel_loop3A_2120 : vector<16xi32>
        %parallel_loop3A_2122 = vector.bitcast %parallel_loop3A_2121 : vector<16xi32> to vector<16xf32>
        %parallel_loop3A_2123 = arith.constant -65536 : i32
        %parallel_loop3A_2124 = vector.broadcast %parallel_loop3A_2123 : i32 to vector<16xi32>
        %parallel_loop3A_2125 = arith.andi %parallel_loop3A_2106, %parallel_loop3A_2124 : vector<16xi32>
        %parallel_loop3A_2126 = vector.bitcast %parallel_loop3A_2125 : vector<16xi32> to vector<16xf32>
        %parallel_loop3A_2127 = vector.broadcast %parallel_loop3A_2102 : f32 to vector<16xf32>
        %parallel_loop3A_2128 = arith.mulf %parallel_loop3A_2122, %parallel_loop3A_2127 : vector<16xf32>
        %parallel_loop3A_2129 = arith.index_cast %parallel_loop3A_2100 : i32 to index
        %parallel_loop3A_2130 = arith.constant 0 : index
        %parallel_loop3A_2131 = tpu.vector_load %arg13[%parallel_loop3A_2129, %parallel_loop3A_2130] {strides = array<i32>} : memref<64x144xf32, #tpu.memory_space<vmem>>, vector<16xf32>,
        tpu.vector_store %arg13[%parallel_loop3A_2129, %parallel_loop3A_2130], %parallel_loop3A_2128 {strides = array<i32>} : memref<64x144xf32, #tpu.memory_space<vmem>>, vector<16xf32>,
        %parallel_loop3A_2132 = vector.broadcast %parallel_loop3A_2102 : f32 to vector<16xf32>
        %parallel_loop3A_2133 = arith.mulf %parallel_loop3A_2126, %parallel_loop3A_2132 : vector<16xf32>
        %parallel_loop3A_2134 = arith.index_cast %parallel_loop3A_2100 : i32 to index
        %parallel_loop3A_2135 = arith.constant 16 : index
        %parallel_loop3A_2136 = tpu.vector_load %arg13[%parallel_loop3A_2134, %parallel_loop3A_2135] {strides = array<i32>} : memref<64x144xf32, #tpu.memory_space<vmem>>, vector<16xf32>,
        tpu.vector_store %arg13[%parallel_loop3A_2134, %parallel_loop3A_2135], %parallel_loop3A_2133 {strides = array<i32>} : memref<64x144xf32, #tpu.memory_space<vmem>>, vector<16xf32>,
        %parallel_loop3A_2137 = arith.constant 16 : i32
        %parallel_loop3A_2138 = vector.broadcast %parallel_loop3A_2137 : i32 to vector<16xi32>
        %parallel_loop3A_2139 = arith.shli %parallel_loop3A_2110, %parallel_loop3A_2138 : vector<16xi32>
        %parallel_loop3A_2140 = vector.bitcast %parallel_loop3A_2139 : vector<16xi32> to vector<16xf32>
        %parallel_loop3A_2141 = arith.constant -65536 : i32
        %parallel_loop3A_2142 = vector.broadcast %parallel_loop3A_2141 : i32 to vector<16xi32>
        %parallel_loop3A_2143 = arith.andi %parallel_loop3A_2110, %parallel_loop3A_2142 : vector<16xi32>
        %parallel_loop3A_2144 = vector.bitcast %parallel_loop3A_2143 : vector<16xi32> to vector<16xf32>
        %parallel_loop3A_2145 = vector.broadcast %parallel_loop3A_2102 : f32 to vector<16xf32>
        %parallel_loop3A_2146 = arith.mulf %parallel_loop3A_2140, %parallel_loop3A_2145 : vector<16xf32>
        %parallel_loop3A_2147 = arith.index_cast %parallel_loop3A_2100 : i32 to index
        %parallel_loop3A_2148 = arith.constant 32 : index
        %parallel_loop3A_2149 = tpu.vector_load %arg13[%parallel_loop3A_2147, %parallel_loop3A_2148] {strides = array<i32>} : memref<64x144xf32, #tpu.memory_space<vmem>>, vector<16xf32>,
        tpu.vector_store %arg13[%parallel_loop3A_2147, %parallel_loop3A_2148], %parallel_loop3A_2146 {strides = array<i32>} : memref<64x144xf32, #tpu.memory_space<vmem>>, vector<16xf32>,
        %parallel_loop3A_2150 = vector.broadcast %parallel_loop3A_2102 : f32 to vector<16xf32>
        %parallel_loop3A_2151 = arith.mulf %parallel_loop3A_2144, %parallel_loop3A_2150 : vector<16xf32>
        %parallel_loop3A_2152 = arith.index_cast %parallel_loop3A_2100 : i32 to index
        %parallel_loop3A_2153 = arith.constant 48 : index
        %parallel_loop3A_2154 = tpu.vector_load %arg13[%parallel_loop3A_2152, %parallel_loop3A_2153] {strides = array<i32>} : memref<64x144xf32, #tpu.memory_space<vmem>>, vector<16xf32>,
        tpu.vector_store %arg13[%parallel_loop3A_2152, %parallel_loop3A_2153], %parallel_loop3A_2151 {strides = array<i32>} : memref<64x144xf32, #tpu.memory_space<vmem>>, vector<16xf32>,
        %parallel_loop3A_2155 = arith.constant 16 : i32
        %parallel_loop3A_2156 = vector.broadcast %parallel_loop3A_2155 : i32 to vector<16xi32>
        %parallel_loop3A_2157 = arith.shli %parallel_loop3A_2114, %parallel_loop3A_2156 : vector<16xi32>
        %parallel_loop3A_2158 = vector.bitcast %parallel_loop3A_2157 : vector<16xi32> to vector<16xf32>
        %parallel_loop3A_2159 = arith.constant -65536 : i32
        %parallel_loop3A_2160 = vector.broadcast %parallel_loop3A_2159 : i32 to vector<16xi32>
        %parallel_loop3A_2161 = arith.andi %parallel_loop3A_2114, %parallel_loop3A_2160 : vector<16xi32>
        %parallel_loop3A_2162 = vector.bitcast %parallel_loop3A_2161 : vector<16xi32> to vector<16xf32>
        %parallel_loop3A_2163 = vector.broadcast %parallel_loop3A_2102 : f32 to vector<16xf32>
        %parallel_loop3A_2164 = arith.mulf %parallel_loop3A_2158, %parallel_loop3A_2163 : vector<16xf32>
        %parallel_loop3A_2165 = arith.index_cast %parallel_loop3A_2100 : i32 to index
        %parallel_loop3A_2166 = arith.constant 64 : index
        %parallel_loop3A_2167 = tpu.vector_load %arg13[%parallel_loop3A_2165, %parallel_loop3A_2166] {strides = array<i32>} : memref<64x144xf32, #tpu.memory_space<vmem>>, vector<16xf32>,
        tpu.vector_store %arg13[%parallel_loop3A_2165, %parallel_loop3A_2166], %parallel_loop3A_2164 {strides = array<i32>} : memref<64x144xf32, #tpu.memory_space<vmem>>, vector<16xf32>,
        %parallel_loop3A_2168 = vector.broadcast %parallel_loop3A_2102 : f32 to vector<16xf32>
        %parallel_loop3A_2169 = arith.mulf %parallel_loop3A_2162, %parallel_loop3A_2168 : vector<16xf32>
        %parallel_loop3A_2170 = arith.index_cast %parallel_loop3A_2100 : i32 to index
        %parallel_loop3A_2171 = arith.constant 80 : index
        %parallel_loop3A_2172 = tpu.vector_load %arg13[%parallel_loop3A_2170, %parallel_loop3A_2171] {strides = array<i32>} : memref<64x144xf32, #tpu.memory_space<vmem>>, vector<16xf32>,
        tpu.vector_store %arg13[%parallel_loop3A_2170, %parallel_loop3A_2171], %parallel_loop3A_2169 {strides = array<i32>} : memref<64x144xf32, #tpu.memory_space<vmem>>, vector<16xf32>,
        %parallel_loop3A_2173 = arith.constant 16 : i32
        %parallel_loop3A_2174 = vector.broadcast %parallel_loop3A_2173 : i32 to vector<16xi32>
        %parallel_loop3A_2175 = arith.shli %parallel_loop3A_2118, %parallel_loop3A_2174 : vector<16xi32>
        %parallel_loop3A_2176 = vector.bitcast %parallel_loop3A_2175 : vector<16xi32> to vector<16xf32>
        %parallel_loop3A_2177 = arith.constant -65536 : i32
        %parallel_loop3A_2178 = vector.broadcast %parallel_loop3A_2177 : i32 to vector<16xi32>
        %parallel_loop3A_2179 = arith.andi %parallel_loop3A_2118, %parallel_loop3A_2178 : vector<16xi32>
        %parallel_loop3A_2180 = vector.bitcast %parallel_loop3A_2179 : vector<16xi32> to vector<16xf32>
        %parallel_loop3A_2181 = vector.broadcast %parallel_loop3A_2102 : f32 to vector<16xf32>
        %parallel_loop3A_2182 = arith.mulf %parallel_loop3A_2176, %parallel_loop3A_2181 : vector<16xf32>
        %parallel_loop3A_2183 = arith.index_cast %parallel_loop3A_2100 : i32 to index
        %parallel_loop3A_2184 = arith.constant 96 : index
        %parallel_loop3A_2185 = tpu.vector_load %arg13[%parallel_loop3A_2183, %parallel_loop3A_2184] {strides = array<i32>} : memref<64x144xf32, #tpu.memory_space<vmem>>, vector<16xf32>,
        tpu.vector_store %arg13[%parallel_loop3A_2183, %parallel_loop3A_2184], %parallel_loop3A_2182 {strides = array<i32>} : memref<64x144xf32, #tpu.memory_space<vmem>>, vector<16xf32>,
        %parallel_loop3A_2186 = vector.broadcast %parallel_loop3A_2102 : f32 to vector<16xf32>
        %parallel_loop3A_2187 = arith.mulf %parallel_loop3A_2180, %parallel_loop3A_2186 : vector<16xf32>
        %parallel_loop3A_2188 = arith.index_cast %parallel_loop3A_2100 : i32 to index
        %parallel_loop3A_2189 = arith.constant 112 : index
        %parallel_loop3A_2190 = tpu.vector_load %arg13[%parallel_loop3A_2188, %parallel_loop3A_2189] {strides = array<i32>} : memref<64x144xf32, #tpu.memory_space<vmem>>, vector<16xf32>,
        tpu.vector_store %arg13[%parallel_loop3A_2188, %parallel_loop3A_2189], %parallel_loop3A_2187 {strides = array<i32>} : memref<64x144xf32, #tpu.memory_space<vmem>>, vector<16xf32>,
        %parallel_loop3A_2191 = arith.constant 0.000000e+00 : f32
        %parallel_loop3A_2192 = vector.broadcast %parallel_loop3A_2102 : f32 to vector<16xf32>
        %parallel_loop3A_2193 = vector.broadcast %parallel_loop3A_2191 : f32 to vector<16xf32>
        %parallel_loop3A_2194 = arith.select %eq3A_537, %parallel_loop3A_2192, %parallel_loop3A_2193 : vector<16xi1>, vector<16xf32>
        %parallel_loop3A_2195 = arith.index_cast %parallel_loop3A_2100 : i32 to index
        %parallel_loop3A_2196 = arith.constant 128 : index
        %parallel_loop3A_2197 = tpu.vector_load %arg13[%parallel_loop3A_2195, %parallel_loop3A_2196] {strides = array<i32>} : memref<64x144xf32, #tpu.memory_space<vmem>>, vector<16xf32>,
        tpu.vector_store %arg13[%parallel_loop3A_2195, %parallel_loop3A_2196], %parallel_loop3A_2194 {strides = array<i32>} : memref<64x144xf32, #tpu.memory_space<vmem>>, vector<16xf32>,
      } {sc.loop_unroll_factor = 2 : i64, sc.parallel_access}
      %jit3A_540 = arith.constant 8 : i32
      %div3A_541 = arith.divsi %scan3A_99, %jit3A_540 : i32
      %sign3A_542 = arith.constant 0 : i32
      %sign3A_543 = arith.cmpi sgt, %scan3A_99, %sign3A_542 : i32
      %sign3A_544 = arith.extui %sign3A_543 : i1 to i32
      %sign3A_545 = arith.constant 0 : i32
      %sign3A_546 = arith.cmpi slt, %scan3A_99, %sign3A_545 : i32
      %sign3A_547 = arith.extui %sign3A_546 : i1 to i32
      %sign3A_548 = arith.subi %sign3A_544, %sign3A_547 : i32
      %sign3A_549 = arith.constant 0 : i32
      %sign3A_550 = arith.cmpi sgt, %jit3A_540, %sign3A_549 : i32
      %sign3A_551 = arith.extui %sign3A_550 : i1 to i32
      %sign3A_552 = arith.constant 0 : i32
      %sign3A_553 = arith.cmpi slt, %jit3A_540, %sign3A_552 : i32
      %sign3A_554 = arith.extui %sign3A_553 : i1 to i32
      %sign3A_555 = arith.subi %sign3A_551, %sign3A_554 : i32
      %ne3A_556 = arith.cmpi ne, %sign3A_548, %sign3A_555 : i32
      %rem3A_557 = arith.remsi %scan3A_99, %jit3A_540 : i32
      %ne3A_558 = arith.constant 0 : i32
      %ne3A_559 = arith.cmpi ne, %rem3A_557, %ne3A_558 : i32
      %and3A_560 = arith.andi %ne3A_556, %ne3A_559 : i1
      %sub3A_561 = arith.constant 1 : i32
      %sub3A_562 = arith.subi %div3A_541, %sub3A_561 : i32
      %select_n3A_563 = arith.select %and3A_560, %sub3A_562, %div3A_541 : i32
      %jit3A_564 = arith.constant 8 : i32
      %eq3A_565 = arith.constant 0 : i32
      %eq3A_566 = arith.cmpi eq, %jit3A_564, %eq3A_565 : i32
      %jit3A_567 = arith.constant 1 : i32
      %select_n3A_568 = arith.select %eq3A_566, %jit3A_567, %jit3A_564 : i32
      %rem3A_569 = arith.remsi %scan3A_99, %select_n3A_568 : i32
      %ne3A_570 = arith.constant 0 : i32
      %ne3A_571 = arith.cmpi ne, %rem3A_569, %ne3A_570 : i32
      %lt3A_572 = arith.constant 0 : i32
      %lt3A_573 = arith.cmpi slt, %rem3A_569, %lt3A_572 : i32
      %lt3A_574 = arith.constant 0 : i32
      %lt3A_575 = arith.cmpi slt, %select_n3A_568, %lt3A_574 : i32
      %ne3A_576 = arith.xori %lt3A_573, %lt3A_575 : i1
      %and3A_577 = arith.andi %ne3A_576, %ne3A_571 : i1
      %add3A_578 = arith.addi %rem3A_569, %select_n3A_568 : i32
      %select_n3A_579 = arith.select %and3A_577, %add3A_578, %rem3A_569 : i32
      %jit3A_580 = arith.constant 2 : i32
      %eq3A_581 = arith.constant 0 : i32
      %eq3A_582 = arith.cmpi eq, %jit3A_580, %eq3A_581 : i32
      %jit3A_583 = arith.constant 1 : i32
      %select_n3A_584 = arith.select %eq3A_582, %jit3A_583, %jit3A_580 : i32
      %rem3A_585 = arith.remsi %select_n3A_563, %select_n3A_584 : i32
      %ne3A_586 = arith.constant 0 : i32
      %ne3A_587 = arith.cmpi ne, %rem3A_585, %ne3A_586 : i32
      %lt3A_588 = arith.constant 0 : i32
      %lt3A_589 = arith.cmpi slt, %rem3A_585, %lt3A_588 : i32
      %lt3A_590 = arith.constant 0 : i32
      %lt3A_591 = arith.cmpi slt, %select_n3A_584, %lt3A_590 : i32
      %ne3A_592 = arith.xori %lt3A_589, %lt3A_591 : i1
      %and3A_593 = arith.andi %ne3A_592, %ne3A_587 : i1
      %add3A_594 = arith.addi %rem3A_585, %select_n3A_584 : i32
      %select_n3A_595 = arith.select %and3A_593, %add3A_594, %rem3A_585 : i32
      %mul3A_596 = arith.constant 2 : i32
      %mul3A_597 = arith.muli %mul3A_596, %select_n3A_579 : i32
      %add3A_598 = arith.constant 1 : i32
      %add3A_599 = arith.addi %mul3A_597, %add3A_598 : i32
      %dma_start3A_600 = arith.constant 0 : i32
      %dma_start3A_601 = tpu.memref_slice %arg10[%select_n3A_595, %add3A_599, %dma_start3A_600] : memref<2x16x64xi32, #tpu.memory_space<vmem>> -> memref<1x1x64xi32, #tpu.memory_space<vmem>>
      %dma_start3A_602 = tpu.memref_squeeze %dma_start3A_601 : memref<1x1x64xi32, #tpu.memory_space<vmem>> -> memref<64xi32, #tpu.memory_space<vmem>>
      %dma_start3A_603 = arith.constant 0 : i32
      %dma_start3A_604 = arith.constant 0 : i32
      %dma_start3A_605 = tpu.memref_slice %arg7[%dma_start3A_603, %dma_start3A_604] : memref<10016x144xf32, #tpu.memory_space<vmem_shared>> -> memref<10016x144xf32, #tpu.memory_space<vmem_shared>>
      tpu.enqueue_indirect_dma source(%arg13 : memref<64x144xf32, #tpu.memory_space<vmem>>) target(%dma_start3A_605 : memref<10016x144xf32, #tpu.memory_space<vmem_shared>>) offsets(%dma_start3A_602 : memref<64xi32, #tpu.memory_space<vmem>>) semaphore(%arg15 : memref<!tpu.dma_semaphore, #tpu.memory_space<semaphore_mem>>) {add = true}
      %scan3A_606 = arith.constant 0 : i32
      scf.yield %scan3A_606 : i32
    }
    %scan3A_70 = arith.constant 160 : i32
    %dma_wait3A = arith.constant 1 : i32
    %dma_wait3A_71 = arith.constant 15 : i32
    %dma_wait3A_72 = arith.constant 0 : i32
    %dma_wait3A_73 = tpu.memref_slice %arg10[%dma_wait3A, %dma_wait3A_71, %dma_wait3A_72] : memref<2x16x64xi32, #tpu.memory_space<vmem>> -> memref<1x1x64xi32, #tpu.memory_space<vmem>>
    %dma_wait3A_74 = tpu.memref_squeeze %dma_wait3A_73 : memref<1x1x64xi32, #tpu.memory_space<vmem>> -> memref<64xi32, #tpu.memory_space<vmem>>
    %dma_wait3A_75 = arith.constant 0 : i32
    %dma_wait3A_76 = arith.constant 0 : i32
    %dma_wait3A_77 = tpu.memref_slice %arg7[%dma_wait3A_75, %dma_wait3A_76] : memref<10016x144xf32, #tpu.memory_space<vmem_shared>> -> memref<10016x144xf32, #tpu.memory_space<vmem_shared>>
    tpu.wait_indirect_dma semaphore(%arg15 : memref<!tpu.dma_semaphore, #tpu.memory_space<semaphore_mem>>) src(%arg13 : memref<64x144xf32, #tpu.memory_space<vmem>>) dst(%dma_wait3A_77 : memref<10016x144xf32, #tpu.memory_space<vmem_shared>>)
    %dma_wait3A_78 = arith.constant 1 : i32
    %dma_wait3A_79 = arith.constant 14 : i32
    %dma_wait3A_80 = arith.constant 0 : i32
    %dma_wait3A_81 = arith.constant 0 : i32
    %dma_wait3A_82 = arith.constant 0 : i32
    %dma_wait3A_83 = arith.constant 0 : i32
    %dma_wait3A_84 = tpu.memref_slice %arg12[%dma_wait3A_80, %dma_wait3A_82, %dma_wait3A_83] : memref<2x64x64xi32, #tpu.memory_space<vmem>> -> memref<1x64x64xi32, #tpu.memory_space<vmem>>
    %dma_wait3A_85 = tpu.memref_squeeze %dma_wait3A_84 : memref<1x64x64xi32, #tpu.memory_space<vmem>> -> memref<64x64xi32, #tpu.memory_space<vmem>>
    %dma_wait3A_86 = arith.constant 0 : i32
    %dma_wait3A_87 = tpu.memref_slice %arg10[%dma_wait3A_78, %dma_wait3A_79, %dma_wait3A_86] : memref<2x16x64xi32, #tpu.memory_space<vmem>> -> memref<1x1x64xi32, #tpu.memory_space<vmem>>
    %dma_wait3A_88 = tpu.memref_squeeze %dma_wait3A_87 : memref<1x1x64xi32, #tpu.memory_space<vmem>> -> memref<64xi32, #tpu.memory_space<vmem>>
    %dma_wait3A_89 = arith.constant 0 : i32
    %dma_wait3A_90 = arith.constant 0 : i32
    %dma_wait3A_91 = tpu.memref_slice %arg2[%dma_wait3A_89, %dma_wait3A_90] : memref<10016x64xi32, #tpu.memory_space<hbm>> -> memref<10016x64xi32, #tpu.memory_space<hbm>>
    %dma_wait3A_92 = tpu.memref_slice %arg14[%dma_wait3A_81] : memref<2x!tpu.dma_semaphore, #tpu.memory_space<semaphore_mem>> -> memref<1x!tpu.dma_semaphore, #tpu.memory_space<semaphore_mem>>
    %dma_wait3A_93 = tpu.memref_squeeze %dma_wait3A_92 : memref<1x!tpu.dma_semaphore, #tpu.memory_space<semaphore_mem>> -> memref<!tpu.dma_semaphore, #tpu.memory_space<semaphore_mem>>
    tpu.wait_indirect_dma semaphore(%dma_wait3A_93 : memref<!tpu.dma_semaphore, #tpu.memory_space<semaphore_mem>>) src(%dma_wait3A_91 : memref<10016x64xi32, #tpu.memory_space<hbm>>) dst(%dma_wait3A_85 : memref<64x64xi32, #tpu.memory_space<vmem>>)
    %barrier3A_94 = arith.constant 0 : index
    tpu.barrier barrier_id(%barrier3A_94)
    %mul3A_95 = arith.constant 626 : i32
    %mul3A_96 = arith.muli %arg1, %mul3A_95 : i32
    %mul3A_97 = arith.constant 626 : i32
    %mul3A_98 = arith.muli %arg1, %mul3A_97 : i32
    "tpu.region"() ({
      %run_scoped3A_99 = tpu.sem_alloc : memref<!tpu.dma_semaphore, #tpu.memory_space<semaphore_mem>>
      %dma_start3A_100 = arith.constant 0 : i32
      %dma_start3A_101 = tpu.memref_slice %arg6[%arg0, %mul3A_98, %dma_start3A_100] : memref<2x10016x144xf32, #tpu.memory_space<hbm>> -> memref<1x626x144xf32, #tpu.memory_space<hbm>>
      %dma_start3A_102 = tpu.memref_squeeze %dma_start3A_101 : memref<1x626x144xf32, #tpu.memory_space<hbm>> -> memref<626x144xf32, #tpu.memory_space<hbm>>
      %dma_start3A_103 = arith.constant 0 : i32
      %dma_start3A_104 = tpu.memref_slice %arg7[%mul3A_96, %dma_start3A_103] : memref<10016x144xf32, #tpu.memory_space<vmem_shared>> -> memref<626x144xf32, #tpu.memory_space<vmem_shared>>
      tpu.enqueue_dma source(%dma_start3A_104 : memref<626x144xf32, #tpu.memory_space<vmem_shared>>) target(%dma_start3A_102 : memref<626x144xf32, #tpu.memory_space<hbm>>) target_semaphore(%run_scoped3A_99 : memref<!tpu.dma_semaphore, #tpu.memory_space<semaphore_mem>>)
      %dma_wait3A_105 = arith.constant 0 : i32
      %dma_wait3A_106 = tpu.memref_slice %arg6[%arg0, %mul3A_98, %dma_wait3A_105] : memref<2x10016x144xf32, #tpu.memory_space<hbm>> -> memref<1x626x144xf32, #tpu.memory_space<hbm>>
      %dma_wait3A_107 = tpu.memref_squeeze %dma_wait3A_106 : memref<1x626x144xf32, #tpu.memory_space<hbm>> -> memref<626x144xf32, #tpu.memory_space<hbm>>
      %dma_wait3A_108 = arith.constant 0 : i32
      %dma_wait3A_109 = tpu.memref_slice %arg7[%mul3A_96, %dma_wait3A_108] : memref<10016x144xf32, #tpu.memory_space<vmem_shared>> -> memref<626x144xf32, #tpu.memory_space<vmem_shared>>
      tpu.wait_dma2 semaphore(%run_scoped3A_99 : memref<!tpu.dma_semaphore, #tpu.memory_space<semaphore_mem>>) src(%dma_wait3A_109 : memref<626x144xf32, #tpu.memory_space<vmem_shared>>) dst(%dma_wait3A_107 : memref<626x144xf32, #tpu.memory_space<hbm>>)
      tpu.yield
    }) : () -> ()
    return
  }
}

module attributes {stable_mosaic.version = 14 : i64} {
  func.func @_prologue_body(%arg0: i32, %arg1: memref<1000x128xf32, #tpu.memory_space<vmem>>, %arg2: memref<128x128xf32, #tpu.memory_space<vmem>>, %arg3: memref<1x128xf32, #tpu.memory_space<vmem>>, %arg4: memref<1x128xf32, #tpu.memory_space<vmem>>, %arg5: memref<1000x128xf32, #tpu.memory_space<vmem>>, %arg6: memref<1000x1xf32, #tpu.memory_space<vmem>>, %arg7: memref<1000x1xf32, #tpu.memory_space<vmem>>) attributes {dimension_semantics = [#tpu.dimension_semantics<arbitrary>], iteration_bounds = array<i64: 10>, scalar_prefetch = 0 : i64, scratch_operands = 0 : i64, tpu.core_type = #tpu.core_type<tc>, window_params = [{transform_indices = @transform_0, window_bounds = array<i64: 1000, 128>}, {pipeline_mode = #tpu.pipeline_mode<synchronous>, transform_indices = @transform_1, window_bounds = array<i64: 128, 128>}, {pipeline_mode = #tpu.pipeline_mode<synchronous>, transform_indices = @transform_2, window_bounds = array<i64: 1, 128>}, {pipeline_mode = #tpu.pipeline_mode<synchronous>, transform_indices = @transform_3, window_bounds = array<i64: 1, 128>}, {transform_indices = @transform_4, window_bounds = array<i64: 1000, 128>}, {transform_indices = @transform_5, window_bounds = array<i64: 1000, 1>}, {transform_indices = @transform_6, window_bounds = array<i64: 1000, 1>}]} {
    %get3A = arith.constant 0 : index
    %get3A_0 = arith.constant 0 : index
    %get3A_1 = vector.load %arg1[%get3A, %get3A_0] : memref<1000x128xf32, #tpu.memory_space<vmem>>, vector<1000x128xf32>
    %get3A_2 = arith.constant 0 : index
    %get3A_3 = arith.constant 0 : index
    %get3A_4 = vector.load %arg2[%get3A_2, %get3A_3] : memref<128x128xf32, #tpu.memory_space<vmem>>, vector<128x128xf32>
    %dot_general3A = arith.constant dense<0.000000e+00> : vector<1000x128xf32>
    %dot_general3A_5 = tpu.matmul %get3A_1, %get3A_4, %dot_general3A {dimension_numbers = #tpu.dot_dimension_numbers<[1], [0], [0], [1], [0, 0, 1, 1], [], []>, transpose_lhs_hint = false} : vector<1000x128xf32>, vector<128x128xf32>, vector<1000x128xf32> -> vector<1000x128xf32>
    %swap3A = arith.constant 0 : index
    %swap3A_6 = arith.constant 0 : index
    %swap3A_7 = vector.load %arg5[%swap3A, %swap3A_6] : memref<1000x128xf32, #tpu.memory_space<vmem>>, vector<1000x128xf32>
    tpu.vector_store %arg5[%swap3A, %swap3A_6], %dot_general3A_5 {strides = array<i32>} : memref<1000x128xf32, #tpu.memory_space<vmem>>, vector<1000x128xf32>,
    %get3A_8 = arith.constant 0 : index
    %get3A_9 = arith.constant 0 : index
    %get3A_10 = vector.load %arg3[%get3A_8, %get3A_9] : memref<1x128xf32, #tpu.memory_space<vmem>>, vector<1x128xf32>
    %mul3A = vector.broadcast %get3A_10 : vector<1x128xf32> to vector<1000x128xf32>
    %mul3A_11 = arith.mulf %dot_general3A_5, %mul3A : vector<1000x128xf32>
    %reduce_sum3A = arith.constant dense<0.000000e+00> : vector<1000xf32>
    %reduce_sum3A_12 = vector.multi_reduction <add>, %mul3A_11, %reduce_sum3A [1] : vector<1000x128xf32> to vector<1000xf32>
    %broadcast_in_dim3A = vector.shape_cast %reduce_sum3A_12 : vector<1000xf32> to vector<1000x1xf32>
    %swap3A_13 = arith.constant 0 : index
    %swap3A_14 = arith.constant 0 : index
    %swap3A_15 = vector.load %arg6[%swap3A_13, %swap3A_14] : memref<1000x1xf32, #tpu.memory_space<vmem>>, vector<1000x1xf32>
    tpu.vector_store %arg6[%swap3A_13, %swap3A_14], %broadcast_in_dim3A {strides = array<i32>} : memref<1000x1xf32, #tpu.memory_space<vmem>>, vector<1000x1xf32>,
    %get3A_16 = arith.constant 0 : index
    %get3A_17 = arith.constant 0 : index
    %get3A_18 = vector.load %arg4[%get3A_16, %get3A_17] : memref<1x128xf32, #tpu.memory_space<vmem>>, vector<1x128xf32>
    %mul3A_19 = vector.broadcast %get3A_18 : vector<1x128xf32> to vector<1000x128xf32>
    %mul3A_20 = arith.mulf %dot_general3A_5, %mul3A_19 : vector<1000x128xf32>
    %reduce_sum3A_21 = arith.constant dense<0.000000e+00> : vector<1000xf32>
    %reduce_sum3A_22 = vector.multi_reduction <add>, %mul3A_20, %reduce_sum3A_21 [1] : vector<1000x128xf32> to vector<1000xf32>
    %broadcast_in_dim3A_23 = vector.shape_cast %reduce_sum3A_22 : vector<1000xf32> to vector<1000x1xf32>
    %swap3A_24 = arith.constant 0 : index
    %swap3A_25 = arith.constant 0 : index
    %swap3A_26 = vector.load %arg7[%swap3A_24, %swap3A_25] : memref<1000x1xf32, #tpu.memory_space<vmem>>, vector<1000x1xf32>
    tpu.vector_store %arg7[%swap3A_24, %swap3A_25], %broadcast_in_dim3A_23 {strides = array<i32>} : memref<1000x1xf32, #tpu.memory_space<vmem>>, vector<1000x1xf32>,
    return
  }
  func.func @transform_0(%arg0: i32) -> (i32, i32) {
    %c0_i32 = arith.constant 0 : i32
    %c0_i32_0 = arith.constant 0 : i32
    return %arg0, %c0_i32 : i32, i32
  }
  func.func @transform_1(%arg0: i32) -> (i32, i32) {
    %c0_i32 = arith.constant 0 : i32
    %c0_i32_0 = arith.constant 0 : i32
    %c0_i32_1 = arith.constant 0 : i32
    return %c0_i32, %c0_i32_0 : i32, i32
  }
  func.func @transform_2(%arg0: i32) -> (i32, i32) {
    %c0_i32 = arith.constant 0 : i32
    %c0_i32_0 = arith.constant 0 : i32
    %c0_i32_1 = arith.constant 0 : i32
    return %c0_i32, %c0_i32_0 : i32, i32
  }
  func.func @transform_3(%arg0: i32) -> (i32, i32) {
    %c0_i32 = arith.constant 0 : i32
    %c0_i32_0 = arith.constant 0 : i32
    %c0_i32_1 = arith.constant 0 : i32
    return %c0_i32, %c0_i32_0 : i32, i32
  }
  func.func @transform_4(%arg0: i32) -> (i32, i32) {
    %c0_i32 = arith.constant 0 : i32
    %c0_i32_0 = arith.constant 0 : i32
    return %arg0, %c0_i32 : i32, i32
  }
  func.func @transform_5(%arg0: i32) -> (i32, i32) {
    %c0_i32 = arith.constant 0 : i32
    %c0_i32_0 = arith.constant 0 : i32
    return %arg0, %c0_i32 : i32, i32
  }
  func.func @transform_6(%arg0: i32) -> (i32, i32) {
    %c0_i32 = arith.constant 0 : i32
    %c0_i32_0 = arith.constant 0 : i32
    return %arg0, %c0_i32 : i32, i32
  }
}

module attributes {stable_mosaic.version = 14 : i64} {
  func.func @_epilogue_body(%arg0: i32, %arg1: memref<2x1000x144xf32, #tpu.memory_space<vmem>>, %arg2: memref<1000x128xf32, #tpu.memory_space<vmem>>, %arg3: memref<1000x1xf32, #tpu.memory_space<vmem>>, %arg4: memref<1000x1xf32, #tpu.memory_space<vmem>>, %arg5: memref<1x128xf32, #tpu.memory_space<vmem>>, %arg6: memref<1000x128xf32, #tpu.memory_space<vmem>>) attributes {dimension_semantics = [#tpu.dimension_semantics<arbitrary>], iteration_bounds = array<i64: 10>, scalar_prefetch = 0 : i64, scratch_operands = 0 : i64, tpu.core_type = #tpu.core_type<tc>, window_params = [{transform_indices = @transform_0, window_bounds = array<i64: 2, 1000, 144>}, {transform_indices = @transform_1, window_bounds = array<i64: 1000, 128>}, {transform_indices = @transform_2, window_bounds = array<i64: 1000, 1>}, {transform_indices = @transform_3, window_bounds = array<i64: 1000, 1>}, {pipeline_mode = #tpu.pipeline_mode<synchronous>, transform_indices = @transform_4, window_bounds = array<i64: 1, 128>}, {transform_indices = @transform_5, window_bounds = array<i64: 1000, 128>}]} {
    %get3A = arith.constant 0 : index
    %get3A_0 = arith.constant 0 : index
    %get3A_1 = arith.constant 0 : index
    %get3A_2 = vector.load %arg1[%get3A, %get3A_0, %get3A_1] : memref<2x1000x144xf32, #tpu.memory_space<vmem>>, vector<2x1000x144xf32>
    %slice3A = vector.extract_strided_slice %get3A_2 {offsets = [0, 0, 0], sizes = [1, 1000, 144], strides = [1, 1, 1]} : vector<2x1000x144xf32> to vector<1x1000x144xf32>
    %squeeze3A = vector.shape_cast %slice3A : vector<1x1000x144xf32> to vector<1000x144xf32>
    %slice3A_3 = vector.extract_strided_slice %get3A_2 {offsets = [1, 0, 0], sizes = [1, 1000, 144], strides = [1, 1, 1]} : vector<2x1000x144xf32> to vector<1x1000x144xf32>
    %squeeze3A_4 = vector.shape_cast %slice3A_3 : vector<1x1000x144xf32> to vector<1000x144xf32>
    %add3A = arith.addf %squeeze3A, %squeeze3A_4 : vector<1000x144xf32>
    %slice3A_5 = vector.extract_strided_slice %add3A {offsets = [0, 0], sizes = [1000, 128], strides = [1, 1]} : vector<1000x144xf32> to vector<1000x128xf32>
    %slice3A_6 = vector.extract_strided_slice %add3A {offsets = [0, 128], sizes = [1000, 1], strides = [1, 1]} : vector<1000x144xf32> to vector<1000x1xf32>
    %get3A_7 = arith.constant 0 : index
    %get3A_8 = arith.constant 0 : index
    %get3A_9 = vector.load %arg2[%get3A_7, %get3A_8] : memref<1000x128xf32, #tpu.memory_space<vmem>>, vector<1000x128xf32>
    %get3A_10 = arith.constant 0 : index
    %get3A_11 = arith.constant 0 : index
    %get3A_12 = vector.load %arg3[%get3A_10, %get3A_11] : memref<1000x1xf32, #tpu.memory_space<vmem>>, vector<1000x1xf32>
    %get3A_13 = arith.constant 0 : index
    %get3A_14 = arith.constant 0 : index
    %get3A_15 = vector.load %arg4[%get3A_13, %get3A_14] : memref<1000x1xf32, #tpu.memory_space<vmem>>, vector<1000x1xf32>
    %add3A_16 = arith.addf %get3A_12, %get3A_15 : vector<1000x1xf32>
    %ge3A = arith.constant 0.000000e+00 : f32
    %ge3A_17 = vector.broadcast %ge3A : f32 to vector<1000x1xf32>
    %ge3A_18 = arith.cmpf oge, %add3A_16, %ge3A_17 : vector<1000x1xf32>
    %mul3A = arith.constant 2.000000e-01 : f32
    %mul3A_19 = vector.broadcast %mul3A : f32 to vector<1000x1xf32>
    %mul3A_20 = arith.mulf %add3A_16, %mul3A_19 : vector<1000x1xf32>
    %select_n3A = arith.select %ge3A_18, %add3A_16, %mul3A_20 : vector<1000x1xi1>, vector<1000x1xf32>
    %exp3A = math.exp %select_n3A : vector<1000x1xf32>
    %mul3A_21 = vector.broadcast %exp3A : vector<1000x1xf32> to vector<1000x128xf32>
    %mul3A_22 = arith.mulf %mul3A_21, %get3A_9 : vector<1000x128xf32>
    %add3A_23 = arith.addf %slice3A_5, %mul3A_22 : vector<1000x128xf32>
    %add3A_24 = arith.addf %slice3A_6, %exp3A : vector<1000x1xf32>
    %add3A_25 = arith.constant 1.000000e-16 : f32
    %add3A_26 = vector.broadcast %add3A_25 : f32 to vector<1000x1xf32>
    %add3A_27 = arith.addf %add3A_24, %add3A_26 : vector<1000x1xf32>
    %div3A = vector.broadcast %add3A_27 : vector<1000x1xf32> to vector<1000x128xf32>
    %div3A_28 = arith.divf %add3A_23, %div3A : vector<1000x128xf32>
    %get3A_29 = arith.constant 0 : index
    %get3A_30 = arith.constant 0 : index
    %get3A_31 = vector.load %arg5[%get3A_29, %get3A_30] : memref<1x128xf32, #tpu.memory_space<vmem>>, vector<1x128xf32>
    %add3A_32 = vector.broadcast %get3A_31 : vector<1x128xf32> to vector<1000x128xf32>
    %add3A_33 = arith.addf %div3A_28, %add3A_32 : vector<1000x128xf32>
    %max3A = arith.constant 0.000000e+00 : f32
    %max3A_34 = vector.broadcast %max3A : f32 to vector<1000x128xf32>
    %max3A_35 = arith.maximumf %add3A_33, %max3A_34 : vector<1000x128xf32>
    %swap3A = arith.constant 0 : index
    %swap3A_36 = arith.constant 0 : index
    %swap3A_37 = vector.load %arg6[%swap3A, %swap3A_36] : memref<1000x128xf32, #tpu.memory_space<vmem>>, vector<1000x128xf32>
    tpu.vector_store %arg6[%swap3A, %swap3A_36], %max3A_35 {strides = array<i32>} : memref<1000x128xf32, #tpu.memory_space<vmem>>, vector<1000x128xf32>,
    return
  }
  func.func @transform_0(%arg0: i32) -> (i32, i32, i32) {
    %c0_i32 = arith.constant 0 : i32
    %c0_i32_0 = arith.constant 0 : i32
    %c0_i32_1 = arith.constant 0 : i32
    return %c0_i32, %arg0, %c0_i32_0 : i32, i32, i32
  }
  func.func @transform_1(%arg0: i32) -> (i32, i32) {
    %c0_i32 = arith.constant 0 : i32
    %c0_i32_0 = arith.constant 0 : i32
    return %arg0, %c0_i32 : i32, i32
  }
  func.func @transform_2(%arg0: i32) -> (i32, i32) {
    %c0_i32 = arith.constant 0 : i32
    %c0_i32_0 = arith.constant 0 : i32
    return %arg0, %c0_i32 : i32, i32
  }
  func.func @transform_3(%arg0: i32) -> (i32, i32) {
    %c0_i32 = arith.constant 0 : i32
    %c0_i32_0 = arith.constant 0 : i32
    return %arg0, %c0_i32 : i32, i32
  }
  func.func @transform_4(%arg0: i32) -> (i32, i32) {
    %c0_i32 = arith.constant 0 : i32
    %c0_i32_0 = arith.constant 0 : i32
    %c0_i32_1 = arith.constant 0 : i32
    return %c0_i32, %c0_i32_0 : i32, i32
  }
  func.func @transform_5(%arg0: i32) -> (i32, i32) {
    %c0_i32 = arith.constant 0 : i32
    %c0_i32_0 = arith.constant 0 : i32
    return %arg0, %c0_i32 : i32, i32
  }
}

</mosaic_0001>

<sc_bundles>
// kernel: kernel.5.cloned.1.call-start
scs
__scs_entry_jumppad:
0x0: {  	(pc) =	sbr.rel $0x88, $3  }
0x1: {  	(tag) =	ssettag $0x0;
	lr =	simm.s32 $0x1  }
0x2: {  	[smem:$0x3F9B] =	sst lr;
	_ =	strace $0xD0000000  }
0x3: {  	_ = 	snop  }
0x4: {  	_ = 	snop  }
0x5: {  	_ = 	snop  }
0x6: {  	_ = 	snop  }
0x7: {  	_ = 	snop  }
__scs_overlays_trampoline_lowered:
0x8: {  	[smem:$0x3FAA] =	sst s0  }
0x9: {  	[smem:$0x3FAB] =	sst s1  }
0xa: {  	[smem:$0x3FAC] =	sst s2  }
0xb: {  	[smem:$0x3FAD] =	sst s3  }
0xc: {  	[smem:$0x3FAE] =	sst s4  }
0xd: {  	[smem:$0x3FAF] =	sst s5  }
0xe: {  	[smem:$0x3FB0] =	sst s6  }
0xf: {  	[smem:$0x3FB1] =	sst s7  }
0x10: {  	[smem:$0x3FB2] =	sst s8  }
0x11: {  	[smem:$0x3FB3] =	sst s9;
	s0 =	simm.s32 @!p0 $0x0  }
0x12: {  	s1 =	sld [smem:$0x3F99];
	s0 =	simm.s32 @p0 $0x1  }
0x13: {  	[smem:$0x3FB4] =	sst s0;
	s0 =	simm.s32 @!p1 $0x0  }
0x14: {  	s2 =	sld [smem:$0x3F98];
	s0 =	simm.s32 @p1 $0x1  }
0x15: {  	[smem:$0x3FB5] =	sst s0;
	s0 =	simm.s32 @!p2 $0x0  }
0x16: {  	s3 =	sld [smem:$0x3FDB];
	s0 =	simm.s32 @p2 $0x1  }
0x17: {  	s4 =	simm.s32 $0x1BF5;
	[smem:$0x3FB7] =	sst s0  }
0x18: {  	s0 =	sld [smem:$0x3F9A];
	_ =	swait.ge [sflag:s4], $0x0  }
0x19: {  	s7 =	sld [smem:$0x3F9B]  }
0x1a: {  	s8 =	sadd.s32 $0xFFFFE003, lr  }
0x1b: {  	s9 =	sadd.s32 $0xFFFFFEF7, lr;
	s5 =	simm.s32 $0xFFFFFFFF;
	p2 =	slt.u32 s8, $0xFFFFF086  }
0x1c: {  	p1 =	slt.u32 s9, $0xF7A;
	s5 =	simm.s32 @!p2 $0x0  }
0x1d: {  	s5 =	simm.s32 @p1 $0x1;
	p0 =	seq.s32 s7, s2  }
0x1e: {  	s7 =	smul.u32 @!p0 $0xF7A, s2;
	p2 =	seq.s32 @!p0 s5, $0x0  }
0x1f: {  	s9 =	smul.u32 $0xF7A, s1;
	s8 =	simm.s32 @!p0 $0x1BF5;
	p2 =	por !p2, p0  }
0x20: {  	[sflag:s8] =	ssyncset.s32 @!p0 $0xFFFFF086;
	s6 =	sadd.s32 @!p0 s3, s7;
	s7 =	simm.s32 @!p0 $0x108  }
0x21: {  	s3 =	sadd.s32 s3, s9;
	s6 =	sadd.s32 @!p0 $0x88, s6;
	s7 =	simm.s32 @p2 $0x1082  }
0x22: {  	[simem:s7], [sflag:s8] =	dma.local @!p0 [hbm:s6], $0xF7A  }
0x23: {  	s9 =	sor.u32 $0xD0000000, s2;
	s6 =	simm.s32 $0x108;
	_ =	swait.ge @!p0 [sflag:s8], $0x0  }
0x24: {  	s3 =	sadd.s32 $0x88, s3;
	s6 =	simm.s32 @!p1 $0x1082;
	[sflag:s4] =	ssyncset.s32 $0xFFFFF086  }
0x25: {  	[simem:s6], [sflag:s4] =	dma.local [hbm:s3], $0xF7A  }
0x26: {  	[smem:$0x3F9B] =	sst s1;
	(tag) =	ssettag s2;
	_ =	strace s9  }
0x27: {  	s1 =	sld [smem:$0x3FAB]  }
0x28: {  	s2 =	sld [smem:$0x3FAC]  }
0x29: {  	s4 =	sld [smem:$0x3FAE]  }
0x2a: {  	p0 =	seq.s32 s5, $0x0;
	s5 =	sld [smem:$0x3FAF]  }
0x2b: {  	s6 =	sld [smem:$0x3FB0]  }
0x2c: {  	s7 =	sld [smem:$0x3FB1]  }
0x2d: {  	s3 =	simm.s32 $0x108;
	s8 =	sld [smem:$0x3FB2]  }
0x2e: {  	s3 =	simm.s32 @!p0 $0x1082;
	s9 =	sld [smem:$0x3FB3]  }
0x2f: {  	lr =	sadd.s32 s0, s3;
	s0 =	sld [smem:$0x3FAA]  }
0x30: {  	s3 =	sld [smem:$0x3FAD]  }
0x31: {  	[smem:$0x3FB6] =	sst s10  }
0x32: {  	s10 =	sld [smem:$0x3FB4];
	_ =	sdelay $0x3  }
0x33: {  	p0 =	seq.s32 s10, $0x1;
	s10 =	sld [smem:$0x3FB6];
	_ =	sdelay $0x3  }
0x34: {  	[smem:$0x3FB6] =	sst s10  }
0x35: {  	s10 =	sld [smem:$0x3FB5];
	_ =	sdelay $0x3  }
0x36: {  	p1 =	seq.s32 s10, $0x1;
	s10 =	sld [smem:$0x3FB6];
	_ =	sdelay $0x3  }
0x37: {  	[smem:$0x3FB6] =	sst s10  }
0x38: {  	s10 =	sld [smem:$0x3FB7]  }
0x39: {  	_ = 	snop;
	(pc) =	sbr.ind lr, $3  }
0x3a: {  	_ = 	snop  }
0x3b: {  	_ = 	snop  }
0x3c: {  	p2 =	seq.s32 s10, $0x1;
	s10 =	sld [smem:$0x3FB6]  }
0x3d: {  	_ =	shalt  }
0x3e: {  	_ =	shalt  }
0x3f: {  	_ =	shalt  }
0x40: {  	_ =	shalt  }
0x41: {  	_ =	shalt  }
0x42: {  	_ =	shalt  }
0x43: {  	_ =	shalt  }
0x44: {  	_ =	shalt  }
0x45: {  	_ =	shalt  }
0x46: {  	_ =	shalt  }
0x47: {  	_ =	shalt  }
0x48: {  	_ =	shalt  }
0x49: {  	_ =	shalt  }
0x4a: {  	_ =	shalt  }
0x4b: {  	_ =	shalt  }
0x4c: {  	_ =	shalt  }
0x4d: {  	_ =	shalt  }
0x4e: {  	_ =	shalt  }
0x4f: {  	_ =	shalt  }
0x50: {  	_ =	shalt  }
0x51: {  	_ =	shalt  }
0x52: {  	_ =	shalt  }
0x53: {  	_ =	shalt  }
0x54: {  	_ =	shalt  }
0x55: {  	_ =	shalt  }
0x56: {  	_ =	shalt  }
0x57: {  	_ =	shalt  }
0x58: {  	_ =	shalt  }
0x59: {  	_ =	shalt  }
0x5a: {  	_ =	shalt  }
0x5b: {  	_ =	shalt  }
0x5c: {  	_ =	shalt  }
0x5d: {  	_ =	shalt  }
0x5e: {  	_ =	shalt  }
0x5f: {  	_ =	shalt  }
0x60: {  	_ =	shalt  }
0x61: {  	_ =	shalt  }
0x62: {  	_ =	shalt  }
0x63: {  	_ =	shalt  }
0x64: {  	_ =	shalt  }
0x65: {  	_ =	shalt  }
0x66: {  	_ =	shalt  }
0x67: {  	_ =	shalt  }
0x68: {  	_ =	shalt  }
0x69: {  	_ =	shalt  }
0x6a: {  	_ =	shalt  }
0x6b: {  	_ =	shalt  }
0x6c: {  	_ =	shalt  }
0x6d: {  	_ =	shalt  }
0x6e: {  	_ =	shalt  }
0x6f: {  	_ =	shalt  }
0x70: {  	_ =	shalt  }
0x71: {  	_ =	shalt  }
0x72: {  	_ =	shalt  }
0x73: {  	_ =	shalt  }
0x74: {  	_ =	shalt  }
0x75: {  	_ =	shalt  }
0x76: {  	_ =	shalt  }
0x77: {  	_ =	shalt  }
0x78: {  	_ =	shalt  }
0x79: {  	_ =	shalt  }
0x7a: {  	_ =	shalt  }
0x7b: {  	_ =	shalt  }
0x7c: {  	_ =	shalt  }
0x7d: {  	_ =	shalt  }
0x7e: {  	_ =	shalt  }
0x7f: {  	_ =	shalt  }
0x80: {  	_ =	shalt  }
0x81: {  	_ =	shalt  }
0x82: {  	_ =	shalt  }
0x83: {  	_ =	shalt  }
0x84: {  	_ =	shalt  }
0x85: {  	_ =	shalt  }
0x86: {  	_ =	shalt  }
0x87: {  	_ =	shalt  }
.Lfunc_end0:
.L_simem_size_0:
called_computation_lowered:
.L_overlay_start_0:
0x88: {  	s2 =	sld [smem:$0x3FD9]  }
0x89: {  	s3 =	sld [smem:$0x3FFE];
	_ =	sdelay $0x1  }
0x8a: {  	s1 =	srdreg.scid  }
0x8b: {  	s0 =	sand.u32 $0x1, s1  }
0x8c: {  	s17 =	sshll.u32 s0, $0xA;
	s2 =	sadd.s32 s3, s2  }
0x8d: {  	s2 =	sadd.s32 s2, s17  }
0x8e: {  	[smem:$0x3FC2] =	sst s2  }
0x8f: {  	_ = 	snop  }
0x90: {  	s2 =	sld [smem:$0x3FD0];
	(tm) =	ssettm $0x1  }
0x91: {  	s18 =	sld [smem:$0x3FFB];
	_ =	sdelay $0x3  }
0x92: {  	_ =	strace s18  }
0x93: {  	s3 =	sld [smem:$0x3FFC];
	_ =	sdelay $0x3  }
0x94: {  	_ =	strace s3  }
0x95: {  	s3 =	sld [smem:$0x3FFD];
	_ =	sdelay $0x3  }
0x96: {  	_ =	strace s3  }
0x97: {  	_ =	strace $0x8FFFFFFF  }
0x98: {  	s19 =	sld [smem:$0x3FDB];
	_ =	sdelay $0x1  }
0x99: {  	s4 =	simm.s32 $_scs_section_size  }
0x9a: {  	s5 =	simm.s32 $_size__tile_overlayer_lowered;
	s6 =	simm.s32 $_tile_overlayer_lowered  }
0x9b: {  	s22 =	simm.s32 $0x1BFF;
	s21 =	sshll.u32 s6, $0x1;
	s3 =	sadd.s32 s4, s19  }
0x9c: {  	s7 =	simm.s32 $0x0;
	s20 =	sshll.u32 s5, $0x1;
	s5 =	sadd.s32 s21, s3  }
0x9d: {  	[timem:s7], [sflag:s22] =	dma.local [hbm:s5], s20  }
0x9e: {  	_ =	swait.ge [sflag:s22], s20  }
0x9f: {  	s4 =	ssub.s32 $0x0, s20;
	[sflag:s22] =	ssyncset.done $0x0  }
0xa0: {  	[sflag:s22] =	ssyncadd.s32 s4;
	_ =	sdelay $0x1  }
0xa1: {  	s23 =	simm.s32 $0x1B8B  }
0xa2: {  	_ =	swait.ge [sflag:s23], $0x1  }
0xa3: {  	[sflag:s23] =	ssyncset.done $0x0  }
0xa4: {  	s25 =	simm.s32 $0x1B8E;
	s24 =	sld [smem:$0x3FFE];
	[sflag:s23] =	ssyncadd.s32 $0xFFFFFFFF  }
0xa5: {  	s26 =	simm.s32 $execute0_lowered;
	[smem:$0x3FD2] =	sst s25  }
0xa6: {  	s5 =	sshll.u32 s26, $0x1;
	_ =	strace $0x80000046;
	[dreg:$0x1] =	wrdreg $0xFFFFFFFF  }
0xa7: {  	s28 =	simm.s32 $_size_execute0_lowered;
	s3 =	sadd.s32 s3, s5;
	[dreg:$0x0] =	wrdreg $0x0  }
0xa8: {  	s5 =	sshll.u32 s28, $0x1;
	[dreg:$0x2] =	wrdreg s3  }
0xa9: {  	[dreg:$0x3] =	wrdreg s5  }
0xaa: {  	[dreg:$0x4] =	wrdreg $0xC0  }
0xab: {  	_ =	task [dreg:s7], $0x5FFFF  }
0xac: {  	[dreg:$0x1] =	wrdreg $0xFFFFFFFF  }
0xad: {  	[dreg:$0x0] =	wrdreg $0x60  }
0xae: {  	[dreg:$0x2] =	wrdreg s24  }
0xaf: {  	[dreg:$0x3] =	wrdreg s2  }
0xb0: {  	[dreg:$0x4] =	wrdreg $0x0  }
0xb1: {  	[dreg:$0x5] =	wrdreg $0x9  }
0xb2: {  	_ =	task.clear_ibuf [dreg:s7], $0x6FFFF;
	_ =	strace $0x90000046  }
0xb3: {  	s29 =	simm.s32 $0x9;
	_ =	strace $0x80000048  }
0xb4: {  	_ =	swait.ge [sflag:s29], $0x1  }
0xb5: {  	[sflag:s29] =	ssyncadd.s32 $0xFFFFFFFF  }
0xb6: {  	_ =	strace $0x90000048  }
0xb7: {  	_ =	sfence  }
0xb8: {  	s30 =	sld [smem:$0x0];
	_ =	sdelay $0x2  }
0xb9: {  	s31 =	sshll.u32 s1, $0xD;
	s1 =	sshrl.u32 s1, $0x2  }
0xba: {  	s3 =	sand.u32 $0x4000, s31;
	s1 =	sadd.s32 s1, s30  }
0xbb: {  	s0 =	sor.u32 s3, s0;
	s1 =	sshll.u32 s1, $0x11  }
0xbc: {  	s0 =	sor.u32 s1, s0  }
0xbd: {  	s0 =	sadd.s32 $0x8F2B, s0  }
0xbe: {  	[sflag:s0] =	ssyncadd.remote.s32 $0x1  }
0xbf: {  	_ =	sfence.sel $0xFFFF  }
0xc0: {  	[dreg:$0x0] =	wrdreg $0xFFFFFFFF;
	(pc) =	sbr.abs _section_cstart, $3  }
0xc1: {  	[dreg:$0x1] =	wrdreg $0xFFFFFFFF  }
0xc2: {  	_ =	task.clear_ibuf [dreg:s7], $0x2FFFF;
	_ =	strace $0x9FFFFFFF  }
0xc3: {  	(tm) =	ssettm $0x7FFFFFFF  }
tec
execute0_lowered:
.L_overlay_start_1:
0x0: {  	(tag) =	ssettag $0x1  }
0x1: {  	s8 =	rddreg [dreg:$0x0]  }
0x2: {  	s3 =	rddreg [dreg:$0x1];
	s0 =	srdreg.scid  }
0x3: {  	s10 =	stileid.u32;
	s4 =	rddreg [dreg:$0x2]  }
0x4: {  	s5 =	simm.s32 $0x0;
	s28 =	simm.s32 $0x40;
	s30 =	simm.s32 $0x3  }
0x5: {  	s31 =	simm.s32 $0x1;
	s0 =	sand.u32 $0x1, s0;
	s1 =	smul.u32 $0x16020, s10  }
0x6: {  	[smem:$0x7FF] =	sst s5;
	s6 =	sadd.s32 $0xC00, s8;
	s7 =	smul.u32 $0x58080, s10  }
0x7: {  	s9 =	sadd.s32 $0x600, s8;
	s10 =	sshll.u32 s10, $0x1;
	s2 =	smul.u32 $0x160200, s0  }
0x8: {  	_ =	strace $0x80000047;
	s22 =	ssub.s32 $0x2, s0;
	s0 =	sor.u32 s0, s10  }
0x9: {  	[dreg:$0x4] =	wrdreg s9;
	s23 =	sshrl.u32 s22, $0x1;
	s29 =	smul.u32 $0xA00, s0  }
0xa: {  	s7 =	sshrl.u32 s7, $0x2;
	s18 =	smul.u32 $0x14, s0;
	s2 =	sadd.s32 s1, s2  }
0xb: {  	s21 =	ssub.s32 s22, s23;
	s7 =	sadd.s32 s7, s4;
	s22 =	simm.s32 $0x1D6A0  }
0xc: {  	s23 =	simm.s32 $0x6;
	s2 =	sshrl.u32 s2, $0x3;
	s24 =	sadd.s32 $0x2400, s7  }
0xd: {  	s25 =	sadd.s32 $0x4800, s7;
	s26 =	sadd.s32 $0x6C00, s7;
	s12 =	sadd.s32 $0x9000, s7  }
0xe: {  	s13 =	sadd.s32 $0xB400, s7;
	s14 =	sadd.s32 $0xD800, s7;
	s15 =	sadd.s32 $0xFC00, s7  }
0xf: {  	s16 =	sadd.s32 $0x12000, s7;
	s17 =	sadd.s32 $0x14400, s7;
	[dreg:$0x5] =	wrdreg s24  }
0x10: {  	s19 =	sadd.s32 s3, s29;
	s21 =	smax.u32 s21, $0x1;
	[dreg:$0x6] =	wrdreg s25  }
0x11: {  	s2 =	sadd.s32 s2, s8;
	s8 =	sadd.s32 s1, s4;
	[dreg:$0x7] =	wrdreg s26  }
0x12: {  	v0 =	vimm.f32 $0.0e+00;
	vm0 =	vmmov $0x1;
	s24 =	simm.s32 $0x16020;
	s25 =	simm.s32 $0x18740;
	s20 =	sadd.s32 $0x14600, s2  }
.LBB2_1:
0x13: {  	s0 =	simm.s32 $0x0;
	s1 =	simm.s32 $0x240  }
.LBB2_2:
0x14: {  	p0 =	sne.s32 s1, $0x8DC0;
	[tilespmem:s0+$0x1D720] =	vst v0  }
0x15: {  	[tilespmem:s0+$0x1D6A0] =	vst v0  }
0x16: {  	[tilespmem:s0+$0x1D6B0] =	vst v0  }
0x17: {  	[tilespmem:s0+$0x1D6C0] =	vst v0  }
.Ltmp0:
0x18: {  	[tilespmem:s0+$0x1D6D0] =	vst v0;
	(pc) =	sbr.rel @p0 .LBB2_2-.Ltmp0, $4  }
0x19: {  	[tilespmem:s0+$0x1D6E0] =	vst v0  }
0x1a: {  	[tilespmem:s0+$0x1D6F0] =	vst v0  }
0x1b: {  	[tilespmem:s0+$0x1D700] =	vst v0  }
0x1c: {  	[tilespmem:s0+$0x1D710] =	vst v0;
	s0 =	sshra.s32 s1, $0x2;
	s1 =	sadd.s32 $0x240, s1  }
0x1d: {  	[tilespmem:s0+$0x1D720] =	vst v0  }
0x1e: {  	[tilespmem:s0+$0x1D6A0] =	vst v0  }
0x1f: {  	[tilespmem:s0+$0x1D6B0] =	vst v0  }
0x20: {  	[tilespmem:s0+$0x1D6C0] =	vst v0  }
0x21: {  	[tilespmem:s0+$0x1D6D0] =	vst v0  }
0x22: {  	[tilespmem:s0+$0x1D6E0] =	vst v0  }
0x23: {  	[tilespmem:s0+$0x1D6F0] =	vst v0  }
0x24: {  	[tilespmem:s0+$0x1D700] =	vst v0  }
0x25: {  	[tilespmem:s0+$0x1D710] =	vst v0  }
0x26: {  	[spmem:s8] =	stream.linear.scatter [tilespmem:s22], [sflag:$0x6], $0x2400, $0x38;
	[tilespmem:$0x1FAA0] =	vst v63  }
0x27: {  	_ =	swait.ge [sflag:s23], $0x2400  }
0x28: {  	[sflag:s23] =	ssyncset.done $0x0  }
0x29: {  	s7 =	rddreg [dreg:$0x5];
	[sflag:s23] =	ssyncadd.s32 $0xFFFFDC00  }
0x2a: {  	[spmem:s7] =	stream.linear.scatter [tilespmem:s22], [sflag:$0x6], $0x2400, $0x38;
	[tilespmem:$0x1FAA0] =	vst v63  }
0x2b: {  	_ =	swait.ge [sflag:s23], $0x2400  }
0x2c: {  	[sflag:s23] =	ssyncset.done $0x0  }
0x2d: {  	s9 =	rddreg [dreg:$0x6];
	[sflag:s23] =	ssyncadd.s32 $0xFFFFDC00  }
0x2e: {  	[spmem:s9] =	stream.linear.scatter [tilespmem:s22], [sflag:$0x6], $0x2400, $0x38;
	[tilespmem:$0x1FAA0] =	vst v63  }
0x2f: {  	_ =	swait.ge [sflag:s23], $0x2400  }
0x30: {  	[sflag:s23] =	ssyncset.done $0x0  }
0x31: {  	s10 =	rddreg [dreg:$0x7];
	[sflag:s23] =	ssyncadd.s32 $0xFFFFDC00  }
0x32: {  	[spmem:s10] =	stream.linear.scatter [tilespmem:s22], [sflag:$0x6], $0x2400, $0x38;
	[tilespmem:$0x1FAA0] =	vst v63  }
0x33: {  	_ =	swait.ge [sflag:s23], $0x2400  }
0x34: {  	[sflag:s23] =	ssyncset.done $0x0  }
0x35: {  	[sflag:s23] =	ssyncadd.s32 $0xFFFFDC00  }
0x36: {  	[spmem:s12] =	stream.linear.scatter [tilespmem:s22], [sflag:$0x6], $0x2400, $0x38;
	[tilespmem:$0x1FAA0] =	vst v63  }
0x37: {  	_ =	swait.ge [sflag:s23], $0x2400  }
0x38: {  	[sflag:s23] =	ssyncset.done $0x0  }
0x39: {  	[sflag:s23] =	ssyncadd.s32 $0xFFFFDC00  }
0x3a: {  	[spmem:s13] =	stream.linear.scatter [tilespmem:s22], [sflag:$0x6], $0x2400, $0x38;
	[tilespmem:$0x1FAA0] =	vst v63  }
0x3b: {  	_ =	swait.ge [sflag:s23], $0x2400  }
0x3c: {  	[sflag:s23] =	ssyncset.done $0x0  }
0x3d: {  	[sflag:s23] =	ssyncadd.s32 $0xFFFFDC00  }
0x3e: {  	[spmem:s14] =	stream.linear.scatter [tilespmem:s22], [sflag:$0x6], $0x2400, $0x38;
	[tilespmem:$0x1FAA0] =	vst v63  }
0x3f: {  	_ =	swait.ge [sflag:s23], $0x2400  }
0x40: {  	[sflag:s23] =	ssyncset.done $0x0  }
0x41: {  	[sflag:s23] =	ssyncadd.s32 $0xFFFFDC00  }
0x42: {  	[spmem:s15] =	stream.linear.scatter [tilespmem:s22], [sflag:$0x6], $0x2400, $0x38;
	[tilespmem:$0x1FAA0] =	vst v63  }
0x43: {  	_ =	swait.ge [sflag:s23], $0x2400  }
0x44: {  	[sflag:s23] =	ssyncset.done $0x0  }
0x45: {  	[sflag:s23] =	ssyncadd.s32 $0xFFFFDC00  }
0x46: {  	[spmem:s16] =	stream.linear.scatter [tilespmem:s22], [sflag:$0x6], $0x2400, $0x38;
	[tilespmem:$0x1FAA0] =	vst v63  }
0x47: {  	_ =	swait.ge [sflag:s23], $0x2400  }
0x48: {  	[sflag:s23] =	ssyncset.done $0x0  }
0x49: {  	[sflag:s23] =	ssyncadd.s32 $0xFFFFDC00  }
0x4a: {  	[spmem:s17] =	stream.linear.scatter [tilespmem:s22], [sflag:$0x6], $0x1C20, $0x38;
	[tilespmem:$0x1FAA0] =	vst v63  }
0x4b: {  	_ =	swait.ge [sflag:s23], $0x1C20  }
0x4c: {  	[sflag:s23] =	ssyncset.done $0x0  }
0x4d: {  	[sflag:s23] =	ssyncadd.s32 $0xFFFFE3E0  }
0x4e: {  	s2 =	simm.s32 $0x0;
	s11 =	rddreg [dreg:$0x0]  }
0x4f: {  	[tilespmem:s24], [sflag:$0x6] =	stream.linear.gather [hbm4b:s11+s2], $0x2720, $0x38;
	[tilespmem:$0x1FAA0] =	vst v63  }
0x50: {  	_ =	swait.ge [sflag:s23], $0x2720  }
0x51: {  	[sflag:s23] =	ssyncset.done $0x0  }
0x52: {  	s26 =	rddreg [dreg:$0x4];
	[sflag:s23] =	ssyncadd.s32 $0xFFFFD8E0  }
0x53: {  	[tilespmem:s25], [sflag:$0x6] =	stream.linear.gather [hbm4b:s26+s2], $0x2720, $0x38;
	[tilespmem:$0x1FAA0] =	vst v63  }
0x54: {  	_ =	swait.ge [sflag:s23], $0x2720  }
0x55: {  	[sflag:s23] =	ssyncset.done $0x0  }
0x56: {  	s29 =	simm.s32 $0x1AE60;
	[sflag:s23] =	ssyncadd.s32 $0xFFFFD8E0  }
0x57: {  	[tilespmem:s29], [sflag:$0x6] =	stream.linear.gather [hbm4b:s19+s2], $0x400, $0x38;
	[tilespmem:$0x1FAA0] =	vst v63  }
0x58: {  	_ =	swait.ge [sflag:s23], $0x400  }
0x59: {  	[sflag:s23] =	ssyncset.done $0x0  }
0x5a: {  	[sflag:s23] =	ssyncadd.s32 $0xFFFFFC00  }
0x5b: {  	s1 =	simm.s32 $0x1B6A0;
	[bflag:$0x0] =	sbarrier.arrive $0xFFFF  }
0x5c: {  	[tilespmem:s1], [sflag:$0x1] =	stream.indirect.gather [hbm4b:s6+s28], $0x40, s29, s28, $0xb8;
	[tilespmem:$0x1FAA0] =	vst v63  }
.LBB2_4:
0x5d: {  	s1 =	sand.u32 $0x7, s2;
	s0 =	sshll.u32 s2, $0x7  }
0x5e: {  	s0 =	sand.u32 $0x400, s0;
	s7 =	sshll.u32 s1, $0x7  }
0x5f: {  	s7 =	sor.u32 s7, s0  }
0x60: {  	s0 =	sadd.s32 $0x1AE60, s7;
	v1 =	vld [tilespmem:s7+$0x1AE60]  }
0x61: {  	v2 =	vld [tilespmem:s0+$0x40];
	_ =	sdelay $0x6  }
0x62: {  	v1 =	vld.idx.msk [tilespmem:v1+s24+$0x0], $0xffff  }
0x63: {  	v2 =	vld.idx.msk [tilespmem:v2+s25+$0x0], $0xffff;
	_ =	sdelay $0x4  }
0x64: {  	v1 =	vadd.f32 v2, v1;
	_ =	sdelay $0x1  }
0x65: {  	v2 =	vmul.f32 $2.000000030e-01, v1  }
0x66: {  	vm1 =	vge.f32 v1, $0.0e+00  }
0x67: {  	v1 =	vsel vm1, v1, v2  }
0x68: {  	v1 =	vmul.f32 $1.442695020e+00, v1;
	_ =	sdelay $0x1  }
0x69: {  	(erf) = vpow2.f32 v1;
	_ =	sdelay $0x8  }
0x6a: {  	v1 =	vpop (erf)  }
0x6b: {  	[tilespmem:$0x1B660] =	vst v1  }
0x6c: {  	v1 =	vld [tilespmem:s0+$0x10]  }
0x6d: {  	v2 =	vld [tilespmem:s0+$0x50];
	_ =	sdelay $0x6  }
0x6e: {  	v1 =	vld.idx.msk [tilespmem:v1+s24+$0x0], $0xffff  }
0x6f: {  	v2 =	vld.idx.msk [tilespmem:v2+s25+$0x0], $0xffff;
	_ =	sdelay $0x4  }
0x70: {  	v1 =	vadd.f32 v2, v1;
	_ =	sdelay $0x1  }
0x71: {  	v2 =	vmul.f32 $2.000000030e-01, v1  }
0x72: {  	vm1 =	vge.f32 v1, $0.0e+00  }
0x73: {  	v1 =	vsel vm1, v1, v2  }
0x74: {  	v1 =	vmul.f32 $1.442695020e+00, v1;
	_ =	sdelay $0x1  }
0x75: {  	(erf) = vpow2.f32 v1;
	_ =	sdelay $0x8  }
0x76: {  	v1 =	vpop (erf)  }
0x77: {  	[tilespmem:$0x1B670] =	vst v1  }
0x78: {  	v1 =	vld [tilespmem:s0+$0x20]  }
0x79: {  	v2 =	vld [tilespmem:s0+$0x60];
	_ =	sdelay $0x6  }
0x7a: {  	v1 =	vld.idx.msk [tilespmem:v1+s24+$0x0], $0xffff  }
0x7b: {  	v2 =	vld.idx.msk [tilespmem:v2+s25+$0x0], $0xffff;
	_ =	sdelay $0x4  }
0x7c: {  	v1 =	vadd.f32 v2, v1;
	_ =	sdelay $0x1  }
0x7d: {  	v2 =	vmul.f32 $2.000000030e-01, v1  }
0x7e: {  	vm1 =	vge.f32 v1, $0.0e+00  }
0x7f: {  	v1 =	vsel vm1, v1, v2  }
0x80: {  	v1 =	vmul.f32 $1.442695020e+00, v1;
	_ =	sdelay $0x1  }
0x81: {  	(erf) = vpow2.f32 v1;
	_ =	sdelay $0x8  }
0x82: {  	v1 =	vpop (erf)  }
0x83: {  	[tilespmem:$0x1B680] =	vst v1  }
0x84: {  	v1 =	vld [tilespmem:s0+$0x30]  }
0x85: {  	v2 =	vld [tilespmem:s0+$0x70];
	_ =	sdelay $0x6  }
0x86: {  	v1 =	vld.idx.msk [tilespmem:v1+s24+$0x0], $0xffff  }
0x87: {  	v2 =	vld.idx.msk [tilespmem:v2+s25+$0x0], $0xffff;
	_ =	sdelay $0x4  }
0x88: {  	v1 =	vadd.f32 v2, v1;
	_ =	sdelay $0x1  }
0x89: {  	v2 =	vmul.f32 $2.000000030e-01, v1  }
0x8a: {  	vm1 =	vge.f32 v1, $0.0e+00  }
0x8b: {  	v1 =	vsel vm1, v1, v2  }
0x8c: {  	v1 =	vmul.f32 $1.442695020e+00, v1;
	_ =	sdelay $0x1  }
0x8d: {  	(erf) = vpow2.f32 v1;
	_ =	sdelay $0x5  }
0x8e: {  	p1 =	seq.s32 s1, $0x7  }
0x8f: {  	p0 =	sne.s32 @!p1 s1, $0x0;
	s7 =	sshrl.u32 s2, $0x3  }
0x90: {  	p0 =	por p0, p1;
	s29 =	sxor.u32 @p1 $0xFFFFFFFF, s7  }
0x91: {  	s7 =	sadd.s32 @!p0 $0x1, s7;
	s1 =	sand.u32 @p1 $0x1, s29;
	v1 =	vpop (erf)  }
0x92: {  	s26 =	sand.u32 @!p0 $0x1, s7;
	s7 =	smin.u32 @!p0 s7, $0x13;
	s1 =	sor.u32 @p1 $0x4, s1;
	[tilespmem:$0x1B690] =	vst v1  }
0x93: {  	s7 =	sadd.s32 @!p0 s18, s7;
	_ =	swait.ge @p1 [sflag:s1], $0x400  }
0x94: {  	s29 =	sand.u32 $0x1, s2;
	s7 =	sshll.u32 @!p0 s7, $0x7;
	[sflag:s1] =	ssyncset.done @p1 $0x0  }
0x95: {  	s9 =	sshll.u32 @!p0 s26, $0xA;
	s7 =	sadd.s32 @!p0 s3, s7;
	[sflag:s1] =	ssyncadd.s32 @p1 $0xFFFFFC00  }
0x96: {  	s1 =	sadd.s32 @!p0 $0x1AE60, s9;
	s9 =	sor.u32 @!p0 $0x4, s26;
	s26 =	simm.s32 @!p0 $0x0  }
0x97: {  	[tilespmem:s1], [sflag:s9] =	stream.linear.gather @!p0 [hbm4b:s7+s26], $0x400, $0x38;
	[tilespmem:$0x1FAA0] =	vst v63  }
0x98: {  	s10 =	sxor.u32 $0x1, s29;
	s7 =	sadd.s32 $0x1, s29  }
0x99: {  	s11 =	sshll.u32 s10, $0xC;
	_ =	swait.ge [sflag:s7], $0x1000  }
0x9a: {  	p0 =	seq.s32 s2, $0x0;
	s2 =	sadd.s32 $0x1, s2;
	[sflag:s7] =	ssyncset.done $0x0  }
0x9b: {  	s1 =	simm.s32 @!p0 $0x3;
	s9 =	smin.u32 s2, $0x9F;
	[sflag:s7] =	ssyncadd.s32 $0xFFFFF000  }
0x9c: {  	s26 =	sshll.u32 s29, $0xC;
	s7 =	sshll.u32 s9, $0x7;
	_ =	swait.ge @!p0 [sflag:s1], $0x2400  }
0x9d: {  	s9 =	sadd.s32 $0x1, s10;
	s7 =	sand.u32 $0x780, s7;
	[sflag:s1] =	ssyncset.done @!p0 $0x0  }
0x9e: {  	s7 =	sadd.s32 $0x1AE60, s7;
	[sflag:s1] =	ssyncadd.s32 @!p0 $0xFFFFDC00;
	s1 =	sadd.s32 $0x1B6A0, s11  }
0x9f: {  	[tilespmem:s1], [sflag:s9] =	stream.indirect.gather [hbm4b:s6+s28], $0x40, s7, s28, $0xb8;
	[tilespmem:$0x1FAA0] =	vst v63  }
0xa0: {  	s1 =	sadd.s32 $0x1B6A0, s26  }
0xa1: {  	v1 =	vmov s1;
	_ =	sdelay $0x1  }
0xa2: {  	s29 =	sadd.s32 $0x40, s0;
	s0 =	simm.s32 $0x0;
	p0 =	por $0x1, $0x1  }
.LBB2_5:
0xa3: {  	s1 =	sshll.u32 s0, $0x4;
	s7 =	sshll.u32 s0, $0xA  }
0xa4: {  	v2 =	vld [tilespmem:s1+$0x1B660];
	s7 =	sand.u32 $0x3FFFFC00, s7  }
0xa5: {  	v3 =	vld.idx.msk [tilespmem:v1+s7+$0x0 ss:$0x1], $0xffff;
	_ =	sdelay $0x1  }
0xa6: {  	v4 =	vld.idx.msk [tilespmem:v1+s7+$0x10 ss:$0x1], $0xffff;
	_ =	sdelay $0x1  }
0xa7: {  	v5 =	vld.idx.msk [tilespmem:v1+s7+$0x20 ss:$0x1], $0xffff;
	v6 =	vbroadcast v2, $0x0  }
0xa8: {  	s9 =	smul.u32 $0x2400, s0;
	v7 =	vshll.u32 v3, $0x10  }
0xa9: {  	v8 =	vld.idx.msk [tilespmem:v1+s7+$0x30 ss:$0x1], $0xffff;
	v3 =	vand.u32 $0xFFFF0000, v3;
	v7 =	vmul.f32 v7, v6  }
0xaa: {  	s10 =	sshra.s32 s9, $0x2;
	v9 =	vshll.u32 v4, $0x10;
	v3 =	vmul.f32 v3, v6  }
0xab: {  	v4 =	vand.u32 $0xFFFF0000, v4;
	v46 =	vmul.f32 v9, v6;
	[tilespmem:s10+$0x1D6A0] =	vst v7  }
0xac: {  	v47 =	vshll.u32 v5, $0x10;
	[tilespmem:s10+$0x1D6B0] =	vst v3;
	v3 =	vmul.f32 v4, v6  }
0xad: {  	v5 =	vand.u32 $0xFFFF0000, v5;
	[tilespmem:s10+$0x1D6C0] =	vst v46;
	v4 =	vmul.f32 v47, v6  }
0xae: {  	v48 =	vshll.u32 v8, $0x10;
	[tilespmem:s10+$0x1D6D0] =	vst v3;
	v3 =	vmul.f32 v5, v6  }
0xaf: {  	v49 =	vand.u32 $0xFFFF0000, v8;
	[tilespmem:s10+$0x1D6E0] =	vst v4;
	v5 =	vmul.f32 v48, v6  }
0xb0: {  	[tilespmem:s10+$0x1D6F0] =	vst v3;
	v3 =	vmul.f32 v49, v6  }
0xb1: {  	s11 =	sor.u32 $0x1, s1;
	[tilespmem:s10+$0x1D700] =	vst v5  }
0xb2: {  	s26 =	sshll.u32 s11, $0x6;
	[tilespmem:s10+$0x1D710] =	vst v3;
	v3 =	vnsel vm0, $0x0, v2  }
0xb3: {  	s26 =	sand.u32 $0x3FFFFC40, s26;
	[tilespmem:s10+$0x1D720] =	vst v3  }
0xb4: {  	v3 =	vld.idx.msk [tilespmem:v1+s26+$0x0 ss:$0x1], $0xffff;
	_ =	sdelay $0x1  }
0xb5: {  	v50 =	vld.idx.msk [tilespmem:v1+s26+$0x10 ss:$0x1], $0xffff;
	_ =	sdelay $0x1  }
0xb6: {  	v51 =	vbroadcast v2, $0x1;
	v5 =	vld.idx.msk [tilespmem:v1+s26+$0x20 ss:$0x1], $0xffff  }
0xb7: {  	s9 =	smul.u32 $0x240, s11;
	v52 =	vshll.u32 v3, $0x10  }
0xb8: {  	v53 =	vld.idx.msk [tilespmem:v1+s26+$0x30 ss:$0x1], $0xffff;
	v3 =	vand.u32 $0xFFFF0000, v3;
	v7 =	vmul.f32 v52, v51  }
0xb9: {  	s9 =	sshra.s32 s9, $0x2;
	v54 =	vshll.u32 v50, $0x10;
	v3 =	vmul.f32 v3, v51  }
0xba: {  	v4 =	vand.u32 $0xFFFF0000, v50;
	v55 =	vmul.f32 v54, v51;
	[tilespmem:s9+$0x1D6A0] =	vst v7  }
0xbb: {  	v56 =	vshll.u32 v5, $0x10;
	[tilespmem:s9+$0x1D6B0] =	vst v3;
	v3 =	vmul.f32 v4, v51  }
0xbc: {  	v5 =	vand.u32 $0xFFFF0000, v5;
	[tilespmem:s9+$0x1D6C0] =	vst v55;
	v4 =	vmul.f32 v56, v51  }
0xbd: {  	v57 =	vshll.u32 v53, $0x10;
	[tilespmem:s9+$0x1D6D0] =	vst v3;
	v3 =	vmul.f32 v5, v51  }
0xbe: {  	v58 =	vand.u32 $0xFFFF0000, v53;
	[tilespmem:s9+$0x1D6E0] =	vst v4;
	v5 =	vmul.f32 v57, v51  }
0xbf: {  	[tilespmem:s9+$0x1D6F0] =	vst v3;
	v3 =	vmul.f32 v58, v51  }
0xc0: {  	s10 =	sor.u32 $0x2, s1;
	[tilespmem:s9+$0x1D700] =	vst v5  }
0xc1: {  	s11 =	sshll.u32 s10, $0x6;
	[tilespmem:s9+$0x1D710] =	vst v3;
	v3 =	vnsel vm0, $0x0, v51  }
0xc2: {  	s26 =	sand.u32 $0x3FFFFC80, s11;
	[tilespmem:s9+$0x1D720] =	vst v3  }
0xc3: {  	v3 =	vld.idx.msk [tilespmem:v1+s26+$0x0 ss:$0x1], $0xffff;
	_ =	sdelay $0x1  }
0xc4: {  	v59 =	vld.idx.msk [tilespmem:v1+s26+$0x10 ss:$0x1], $0xffff;
	_ =	sdelay $0x1  }
0xc5: {  	v60 =	vbroadcast v2, $0x2;
	v5 =	vld.idx.msk [tilespmem:v1+s26+$0x20 ss:$0x1], $0xffff  }
0xc6: {  	s9 =	smul.u32 $0x240, s10;
	v61 =	vshll.u32 v3, $0x10  }
0xc7: {  	v62 =	vld.idx.msk [tilespmem:v1+s26+$0x30 ss:$0x1], $0xffff;
	v3 =	vand.u32 $0xFFFF0000, v3;
	v7 =	vmul.f32 v61, v60  }
0xc8: {  	s9 =	sshra.s32 s9, $0x2;
	v63 =	vshll.u32 v59, $0x10;
	v3 =	vmul.f32 v3, v60  }
0xc9: {  	v4 =	vand.u32 $0xFFFF0000, v59;
	v9 =	vmul.f32 v63, v60;
	[tilespmem:s9+$0x1D6A0] =	vst v7  }
0xca: {  	v10 =	vshll.u32 v5, $0x10;
	[tilespmem:s9+$0x1D6B0] =	vst v3;
	v3 =	vmul.f32 v4, v60  }
0xcb: {  	v5 =	vand.u32 $0xFFFF0000, v5;
	[tilespmem:s9+$0x1D6C0] =	vst v9;
	v4 =	vmul.f32 v10, v60  }
0xcc: {  	v11 =	vshll.u32 v62, $0x10;
	[tilespmem:s9+$0x1D6D0] =	vst v3;
	v3 =	vmul.f32 v5, v60  }
0xcd: {  	v12 =	vand.u32 $0xFFFF0000, v62;
	[tilespmem:s9+$0x1D6E0] =	vst v4;
	v5 =	vmul.f32 v11, v60  }
0xce: {  	[tilespmem:s9+$0x1D6F0] =	vst v3;
	v3 =	vmul.f32 v12, v60  }
0xcf: {  	s10 =	sor.u32 $0x3, s1;
	[tilespmem:s9+$0x1D700] =	vst v5  }
0xd0: {  	s11 =	sshll.u32 s10, $0x6;
	[tilespmem:s9+$0x1D710] =	vst v3;
	v3 =	vnsel vm0, $0x0, v60  }
0xd1: {  	s26 =	sand.u32 $0x3FFFFCC0, s11;
	[tilespmem:s9+$0x1D720] =	vst v3  }
0xd2: {  	v3 =	vld.idx.msk [tilespmem:v1+s26+$0x0 ss:$0x1], $0xffff;
	_ =	sdelay $0x1  }
0xd3: {  	v13 =	vld.idx.msk [tilespmem:v1+s26+$0x10 ss:$0x1], $0xffff;
	_ =	sdelay $0x1  }
0xd4: {  	v14 =	vbroadcast v2, $0x3;
	v5 =	vld.idx.msk [tilespmem:v1+s26+$0x20 ss:$0x1], $0xffff  }
0xd5: {  	s9 =	smul.u32 $0x240, s10;
	v15 =	vshll.u32 v3, $0x10  }
0xd6: {  	v16 =	vld.idx.msk [tilespmem:v1+s26+$0x30 ss:$0x1], $0xffff;
	v3 =	vand.u32 $0xFFFF0000, v3;
	v7 =	vmul.f32 v15, v14  }
0xd7: {  	s9 =	sshra.s32 s9, $0x2;
	v17 =	vshll.u32 v13, $0x10;
	v3 =	vmul.f32 v3, v14  }
0xd8: {  	v4 =	vand.u32 $0xFFFF0000, v13;
	v18 =	vmul.f32 v17, v14;
	[tilespmem:s9+$0x1D6A0] =	vst v7  }
0xd9: {  	v19 =	vshll.u32 v5, $0x10;
	[tilespmem:s9+$0x1D6B0] =	vst v3;
	v3 =	vmul.f32 v4, v14  }
0xda: {  	v5 =	vand.u32 $0xFFFF0000, v5;
	[tilespmem:s9+$0x1D6C0] =	vst v18;
	v4 =	vmul.f32 v19, v14  }
0xdb: {  	v20 =	vshll.u32 v16, $0x10;
	[tilespmem:s9+$0x1D6D0] =	vst v3;
	v3 =	vmul.f32 v5, v14  }
0xdc: {  	v21 =	vand.u32 $0xFFFF0000, v16;
	[tilespmem:s9+$0x1D6E0] =	vst v4;
	v5 =	vmul.f32 v20, v14  }
0xdd: {  	[tilespmem:s9+$0x1D6F0] =	vst v3;
	v3 =	vmul.f32 v21, v14  }
0xde: {  	s10 =	sor.u32 $0x4, s1;
	[tilespmem:s9+$0x1D700] =	vst v5  }
0xdf: {  	s11 =	sshll.u32 s10, $0x6;
	[tilespmem:s9+$0x1D710] =	vst v3;
	v3 =	vnsel vm0, $0x0, v14  }
0xe0: {  	s26 =	sand.u32 $0x3FFFFD00, s11;
	[tilespmem:s9+$0x1D720] =	vst v3  }
0xe1: {  	v3 =	vld.idx.msk [tilespmem:v1+s26+$0x0 ss:$0x1], $0xffff;
	_ =	sdelay $0x1  }
0xe2: {  	v22 =	vld.idx.msk [tilespmem:v1+s26+$0x10 ss:$0x1], $0xffff;
	_ =	sdelay $0x1  }
0xe3: {  	v23 =	vbroadcast v2, $0x4;
	v5 =	vld.idx.msk [tilespmem:v1+s26+$0x20 ss:$0x1], $0xffff  }
0xe4: {  	s9 =	smul.u32 $0x240, s10;
	v24 =	vshll.u32 v3, $0x10  }
0xe5: {  	v25 =	vld.idx.msk [tilespmem:v1+s26+$0x30 ss:$0x1], $0xffff;
	v3 =	vand.u32 $0xFFFF0000, v3;
	v7 =	vmul.f32 v24, v23  }
0xe6: {  	s9 =	sshra.s32 s9, $0x2;
	v26 =	vshll.u32 v22, $0x10;
	v3 =	vmul.f32 v3, v23  }
0xe7: {  	v4 =	vand.u32 $0xFFFF0000, v22;
	v27 =	vmul.f32 v26, v23;
	[tilespmem:s9+$0x1D6A0] =	vst v7  }
0xe8: {  	v28 =	vshll.u32 v5, $0x10;
	[tilespmem:s9+$0x1D6B0] =	vst v3;
	v3 =	vmul.f32 v4, v23  }
0xe9: {  	v5 =	vand.u32 $0xFFFF0000, v5;
	[tilespmem:s9+$0x1D6C0] =	vst v27;
	v4 =	vmul.f32 v28, v23  }
0xea: {  	v29 =	vshll.u32 v25, $0x10;
	[tilespmem:s9+$0x1D6D0] =	vst v3;
	v3 =	vmul.f32 v5, v23  }
0xeb: {  	v30 =	vand.u32 $0xFFFF0000, v25;
	[tilespmem:s9+$0x1D6E0] =	vst v4;
	v5 =	vmul.f32 v29, v23  }
0xec: {  	[tilespmem:s9+$0x1D6F0] =	vst v3;
	v3 =	vmul.f32 v30, v23  }
0xed: {  	s10 =	sor.u32 $0x5, s1;
	[tilespmem:s9+$0x1D700] =	vst v5  }
0xee: {  	s11 =	sshll.u32 s10, $0x6;
	[tilespmem:s9+$0x1D710] =	vst v3;
	v3 =	vnsel vm0, $0x0, v23  }
0xef: {  	s26 =	sand.u32 $0x3FFFFD40, s11;
	[tilespmem:s9+$0x1D720] =	vst v3  }
0xf0: {  	v3 =	vld.idx.msk [tilespmem:v1+s26+$0x0 ss:$0x1], $0xffff;
	_ =	sdelay $0x1  }
0xf1: {  	v31 =	vld.idx.msk [tilespmem:v1+s26+$0x10 ss:$0x1], $0xffff;
	_ =	sdelay $0x1  }
0xf2: {  	v32 =	vbroadcast v2, $0x5;
	v5 =	vld.idx.msk [tilespmem:v1+s26+$0x20 ss:$0x1], $0xffff  }
0xf3: {  	s9 =	smul.u32 $0x240, s10;
	v33 =	vshll.u32 v3, $0x10  }
0xf4: {  	v34 =	vld.idx.msk [tilespmem:v1+s26+$0x30 ss:$0x1], $0xffff;
	v3 =	vand.u32 $0xFFFF0000, v3;
	v7 =	vmul.f32 v33, v32  }
0xf5: {  	s9 =	sshra.s32 s9, $0x2;
	v35 =	vshll.u32 v31, $0x10;
	v3 =	vmul.f32 v3, v32  }
0xf6: {  	v4 =	vand.u32 $0xFFFF0000, v31;
	v36 =	vmul.f32 v35, v32;
	[tilespmem:s9+$0x1D6A0] =	vst v7  }
0xf7: {  	v37 =	vshll.u32 v5, $0x10;
	[tilespmem:s9+$0x1D6B0] =	vst v3;
	v3 =	vmul.f32 v4, v32  }
0xf8: {  	v5 =	vand.u32 $0xFFFF0000, v5;
	[tilespmem:s9+$0x1D6C0] =	vst v36;
	v4 =	vmul.f32 v37, v32  }
0xf9: {  	v38 =	vshll.u32 v34, $0x10;
	[tilespmem:s9+$0x1D6D0] =	vst v3;
	v3 =	vmul.f32 v5, v32  }
0xfa: {  	v39 =	vand.u32 $0xFFFF0000, v34;
	[tilespmem:s9+$0x1D6E0] =	vst v4;
	v5 =	vmul.f32 v38, v32  }
0xfb: {  	[tilespmem:s9+$0x1D6F0] =	vst v3;
	v3 =	vmul.f32 v39, v32  }
0xfc: {  	s10 =	sor.u32 $0x6, s1;
	[tilespmem:s9+$0x1D700] =	vst v5  }
0xfd: {  	s11 =	sshll.u32 s10, $0x6;
	[tilespmem:s9+$0x1D710] =	vst v3;
	v3 =	vnsel vm0, $0x0, v32  }
0xfe: {  	s26 =	sand.u32 $0x3FFFFD80, s11;
	[tilespmem:s9+$0x1D720] =	vst v3  }
0xff: {  	v3 =	vld.idx.msk [tilespmem:v1+s26+$0x0 ss:$0x1], $0xffff;
	_ =	sdelay $0x1  }
0x100: {  	v40 =	vld.idx.msk [tilespmem:v1+s26+$0x10 ss:$0x1], $0xffff;
	_ =	sdelay $0x1  }
0x101: {  	v41 =	vbroadcast v2, $0x6;
	v5 =	vld.idx.msk [tilespmem:v1+s26+$0x20 ss:$0x1], $0xffff  }
0x102: {  	s9 =	smul.u32 $0x240, s10;
	v42 =	vshll.u32 v3, $0x10  }
0x103: {  	v43 =	vld.idx.msk [tilespmem:v1+s26+$0x30 ss:$0x1], $0xffff;
	v3 =	vand.u32 $0xFFFF0000, v3;
	v7 =	vmul.f32 v42, v41  }
0x104: {  	s9 =	sshra.s32 s9, $0x2;
	v44 =	vshll.u32 v40, $0x10;
	v3 =	vmul.f32 v3, v41  }
0x105: {  	v4 =	vand.u32 $0xFFFF0000, v40;
	v45 =	vmul.f32 v44, v41;
	[tilespmem:s9+$0x1D6A0] =	vst v7  }
0x106: {  	v46 =	vshll.u32 v5, $0x10;
	[tilespmem:s9+$0x1D6B0] =	vst v3;
	v3 =	vmul.f32 v4, v41  }
0x107: {  	v5 =	vand.u32 $0xFFFF0000, v5;
	[tilespmem:s9+$0x1D6C0] =	vst v45;
	v4 =	vmul.f32 v46, v41  }
0x108: {  	v47 =	vshll.u32 v43, $0x10;
	[tilespmem:s9+$0x1D6D0] =	vst v3;
	v3 =	vmul.f32 v5, v41  }
0x109: {  	v48 =	vand.u32 $0xFFFF0000, v43;
	[tilespmem:s9+$0x1D6E0] =	vst v4;
	v5 =	vmul.f32 v47, v41  }
0x10a: {  	[tilespmem:s9+$0x1D6F0] =	vst v3;
	v3 =	vmul.f32 v48, v41  }
0x10b: {  	s10 =	sor.u32 $0x7, s1;
	[tilespmem:s9+$0x1D700] =	vst v5  }
0x10c: {  	s11 =	sshll.u32 s10, $0x6;
	[tilespmem:s9+$0x1D710] =	vst v3;
	v3 =	vnsel vm0, $0x0, v41  }
0x10d: {  	s26 =	sand.u32 $0x3FFFFDC0, s11;
	[tilespmem:s9+$0x1D720] =	vst v3  }
0x10e: {  	v3 =	vld.idx.msk [tilespmem:v1+s26+$0x0 ss:$0x1], $0xffff;
	_ =	sdelay $0x1  }
0x10f: {  	v49 =	vld.idx.msk [tilespmem:v1+s26+$0x10 ss:$0x1], $0xffff;
	_ =	sdelay $0x1  }
0x110: {  	v50 =	vbroadcast v2, $0x7;
	v5 =	vld.idx.msk [tilespmem:v1+s26+$0x20 ss:$0x1], $0xffff  }
0x111: {  	s9 =	smul.u32 $0x240, s10;
	v51 =	vshll.u32 v3, $0x10  }
0x112: {  	v52 =	vld.idx.msk [tilespmem:v1+s26+$0x30 ss:$0x1], $0xffff;
	v3 =	vand.u32 $0xFFFF0000, v3;
	v7 =	vmul.f32 v51, v50  }
0x113: {  	s10 =	sshra.s32 s9, $0x2;
	v53 =	vshll.u32 v49, $0x10;
	v3 =	vmul.f32 v3, v50  }
0x114: {  	v4 =	vand.u32 $0xFFFF0000, v49;
	v54 =	vmul.f32 v53, v50;
	[tilespmem:s10+$0x1D6A0] =	vst v7  }
0x115: {  	v55 =	vshll.u32 v5, $0x10;
	[tilespmem:s10+$0x1D6B0] =	vst v3;
	v3 =	vmul.f32 v4, v50  }
0x116: {  	v5 =	vand.u32 $0xFFFF0000, v5;
	[tilespmem:s10+$0x1D6C0] =	vst v54;
	v4 =	vmul.f32 v55, v50  }
0x117: {  	v56 =	vshll.u32 v52, $0x10;
	[tilespmem:s10+$0x1D6D0] =	vst v3;
	v3 =	vmul.f32 v5, v50  }
0x118: {  	v57 =	vand.u32 $0xFFFF0000, v52;
	[tilespmem:s10+$0x1D6E0] =	vst v4;
	v5 =	vmul.f32 v56, v50  }
0x119: {  	[tilespmem:s10+$0x1D6F0] =	vst v3;
	v3 =	vmul.f32 v57, v50  }
0x11a: {  	s9 =	sor.u32 $0x8, s1;
	[tilespmem:s10+$0x1D700] =	vst v5  }
0x11b: {  	s11 =	sshll.u32 s9, $0x6;
	[tilespmem:s10+$0x1D710] =	vst v3;
	v3 =	vnsel vm0, $0x0, v50  }
0x11c: {  	s26 =	sand.u32 $0x3FFFFE00, s11;
	[tilespmem:s10+$0x1D720] =	vst v3;
	v3 =	vld [tilespmem:s1+$0x1B670]  }
0x11d: {  	s11 =	sor.u32 $0x10, s1;
	v58 =	vld.idx.msk [tilespmem:v1+s26+$0x0 ss:$0x1], $0xffff  }
0x11e: {  	s10 =	sshll.u32 s11, $0x6;
	v60 =	vld.idx.msk [tilespmem:v1+s26+$0x10 ss:$0x1], $0xffff  }
0x11f: {  	s10 =	sand.u32 $0x3FFFFC00, s10;
	v62 =	vld.idx.msk [tilespmem:v1+s26+$0x20 ss:$0x1], $0xffff  }
0x120: {  	v59 =	vld.idx.msk [tilespmem:v1+s10+$0x0 ss:$0x1], $0xffff  }
0x121: {  	v13 =	vld.idx.msk [tilespmem:v1+s26+$0x30 ss:$0x1], $0xffff  }
0x122: {  	v63 =	vbroadcast v2, $0x8;
	s9 =	smul.u32 $0x240, s9;
	v61 =	vld.idx.msk [tilespmem:v1+s10+$0x10 ss:$0x1], $0xffff  }
0x123: {  	s26 =	smul.u32 $0x240, s11;
	v11 =	vld.idx.msk [tilespmem:v1+s10+$0x20 ss:$0x1], $0xffff  }
0x124: {  	v40 =	vnsel vm0, $0x0, v63;
	s7 =	sshra.s32 s9, $0x2;
	v12 =	vbroadcast v3, $0x0;
	v10 =	vshll.u32 v58, $0x10  }
0x125: {  	[tilespmem:s7+$0x1D720] =	vst v40;
	s26 =	sshra.s32 s26, $0x2;
	v27 =	vnsel vm0, $0x0, v3;
	v10 =	vmul.f32 v10, v63;
	v14 =	vshll.u32 v59, $0x10  }
0x126: {  	v15 =	vld.idx.msk [tilespmem:v1+s10+$0x30 ss:$0x1], $0xffff;
	[tilespmem:s26+$0x1D720] =	vst v27;
	v5 =	vand.u32 $0xFFFF0000, v59;
	v14 =	vmul.f32 v14, v12  }
0x127: {  	v7 =	vand.u32 $0xFFFF0000, v61;
	v5 =	vmul.f32 v5, v12;
	[tilespmem:s7+$0x1D6A0] =	vst v10  }
0x128: {  	v20 =	vshll.u32 v11, $0x10;
	v19 =	vmul.f32 v7, v12;
	[tilespmem:s26+$0x1D6A0] =	vst v14  }
0x129: {  	v21 =	vand.u32 $0xFFFF0000, v11;
	v7 =	vmul.f32 v20, v12;
	[tilespmem:s26+$0x1D6B0] =	vst v5  }
0x12a: {  	v18 =	vshll.u32 v61, $0x10;
	v22 =	vmul.f32 v21, v12;
	[tilespmem:s26+$0x1D6D0] =	vst v19  }
0x12b: {  	v24 =	vand.u32 $0xFFFF0000, v15;
	v10 =	vmul.f32 v18, v12;
	[tilespmem:s26+$0x1D6E0] =	vst v7  }
0x12c: {  	v23 =	vshll.u32 v15, $0x10;
	v25 =	vmul.f32 v24, v12;
	[tilespmem:s26+$0x1D6F0] =	vst v22  }
0x12d: {  	s10 =	sor.u32 $0x11, s1;
	v4 =	vand.u32 $0xFFFF0000, v58;
	[tilespmem:s26+$0x1D6C0] =	vst v10;
	v10 =	vmul.f32 v23, v12  }
0x12e: {  	s11 =	sshll.u32 s10, $0x6;
	v6 =	vand.u32 $0xFFFF0000, v60;
	v4 =	vmul.f32 v4, v63;
	[tilespmem:s26+$0x1D710] =	vst v25  }
0x12f: {  	v31 =	vand.u32 $0xFFFF0000, v62;
	v28 =	vmul.f32 v6, v63;
	[tilespmem:s26+$0x1D700] =	vst v10;
	s26 =	sand.u32 $0x3FFFFC40, s11  }
0x130: {  	v35 =	vand.u32 $0xFFFF0000, v13;
	v32 =	vmul.f32 v31, v63;
	[tilespmem:s7+$0x1D6B0] =	vst v4;
	v30 =	vld.idx.msk [tilespmem:v1+s26+$0x0 ss:$0x1], $0xffff  }
0x131: {  	v26 =	vshll.u32 v60, $0x10;
	v36 =	vmul.f32 v35, v63;
	[tilespmem:s7+$0x1D6D0] =	vst v28  }
0x132: {  	v29 =	vshll.u32 v62, $0x10;
	[tilespmem:s7+$0x1D6F0] =	vst v32;
	v7 =	vmul.f32 v26, v63;
	v34 =	vld.idx.msk [tilespmem:v1+s26+$0x10 ss:$0x1], $0xffff  }
0x133: {  	v33 =	vshll.u32 v13, $0x10;
	[tilespmem:s7+$0x1D710] =	vst v36;
	v5 =	vmul.f32 v29, v63  }
0x134: {  	s10 =	smul.u32 $0x240, s10;
	v38 =	vbroadcast v3, $0x1;
	[tilespmem:s7+$0x1D6C0] =	vst v7;
	v7 =	vmul.f32 v33, v63;
	v37 =	vld.idx.msk [tilespmem:v1+s26+$0x20 ss:$0x1], $0xffff  }
0x135: {  	[tilespmem:s7+$0x1D6E0] =	vst v5;
	v39 =	vshll.u32 v30, $0x10  }
0x136: {  	v52 =	vnsel vm0, $0x0, v38;
	[tilespmem:s7+$0x1D700] =	vst v7;
	v41 =	vld.idx.msk [tilespmem:v1+s26+$0x30 ss:$0x1], $0xffff;
	s7 =	sshra.s32 s10, $0x2;
	v6 =	vand.u32 $0xFFFF0000, v30;
	v7 =	vmul.f32 v39, v38  }
0x137: {  	[tilespmem:s7+$0x1D720] =	vst v52;
	v43 =	vshll.u32 v34, $0x10;
	v42 =	vmul.f32 v6, v38  }
0x138: {  	v44 =	vand.u32 $0xFFFF0000, v34;
	v6 =	vmul.f32 v43, v38;
	[tilespmem:s7+$0x1D6A0] =	vst v7  }
0x139: {  	v46 =	vshll.u32 v37, $0x10;
	v45 =	vmul.f32 v44, v38;
	[tilespmem:s7+$0x1D6B0] =	vst v42  }
0x13a: {  	s9 =	sor.u32 $0x9, s1;
	v5 =	vand.u32 $0xFFFF0000, v37;
	v47 =	vmul.f32 v46, v38;
	[tilespmem:s7+$0x1D6C0] =	vst v6  }
0x13b: {  	s11 =	sshll.u32 s9, $0x6;
	v49 =	vshll.u32 v41, $0x10;
	v48 =	vmul.f32 v5, v38;
	[tilespmem:s7+$0x1D6D0] =	vst v45  }
0x13c: {  	s10 =	sand.u32 $0x3FFFFE40, s11;
	v50 =	vand.u32 $0xFFFF0000, v41;
	v5 =	vmul.f32 v49, v38;
	[tilespmem:s7+$0x1D6E0] =	vst v47  }
0x13d: {  	s26 =	sor.u32 $0x12, s1;
	v53 =	vld.idx.msk [tilespmem:v1+s10+$0x0 ss:$0x1], $0xffff;
	v51 =	vmul.f32 v50, v38;
	[tilespmem:s7+$0x1D6F0] =	vst v48  }
0x13e: {  	s11 =	sshll.u32 s26, $0x6;
	[tilespmem:s7+$0x1D700] =	vst v5  }
0x13f: {  	v56 =	vld.idx.msk [tilespmem:v1+s10+$0x20 ss:$0x1], $0xffff;
	s11 =	sand.u32 $0x3FFFFC80, s11;
	[tilespmem:s7+$0x1D710] =	vst v51  }
0x140: {  	v4 =	vld.idx.msk [tilespmem:v1+s11+$0x0 ss:$0x1], $0xffff  }
0x141: {  	v57 =	vbroadcast v2, $0x9;
	v54 =	vld.idx.msk [tilespmem:v1+s10+$0x10 ss:$0x1], $0xffff  }
0x142: {  	s9 =	smul.u32 $0x240, s9;
	v58 =	vshll.u32 v53, $0x10;
	v55 =	vld.idx.msk [tilespmem:v1+s11+$0x10 ss:$0x1], $0xffff  }
0x143: {  	v60 =	vbroadcast v3, $0x2;
	v61 =	vld.idx.msk [tilespmem:v1+s10+$0x30 ss:$0x1], $0xffff;
	s10 =	smul.u32 $0x240, s26;
	v10 =	vmul.f32 v58, v57  }
0x144: {  	v30 =	vand.u32 $0xFFFF0000, v56;
	s7 =	sshra.s32 s9, $0x2;
	v59 =	vld.idx.msk [tilespmem:v1+s11+$0x20 ss:$0x1], $0xffff  }
0x145: {  	v26 =	vnsel vm0, $0x0, v60;
	v31 =	vmul.f32 v30, v57;
	s9 =	sshra.s32 s10, $0x2;
	[tilespmem:s7+$0x1D6A0] =	vst v10;
	v62 =	vshll.u32 v4, $0x10  }
0x146: {  	v63 =	vld.idx.msk [tilespmem:v1+s11+$0x30 ss:$0x1], $0xffff;
	[tilespmem:s9+$0x1D720] =	vst v26;
	v4 =	vand.u32 $0xFFFF0000, v4;
	v14 =	vmul.f32 v62, v60  }
0x147: {  	[tilespmem:s7+$0x1D6F0] =	vst v31;
	v17 =	vshll.u32 v55, $0x10;
	v4 =	vmul.f32 v4, v60  }
0x148: {  	v7 =	vand.u32 $0xFFFF0000, v55;
	v10 =	vmul.f32 v17, v60;
	[tilespmem:s9+$0x1D6A0] =	vst v14  }
0x149: {  	v19 =	vshll.u32 v59, $0x10;
	v18 =	vmul.f32 v7, v60;
	[tilespmem:s9+$0x1D6B0] =	vst v4  }
0x14a: {  	v20 =	vand.u32 $0xFFFF0000, v59;
	v7 =	vmul.f32 v19, v60;
	[tilespmem:s9+$0x1D6C0] =	vst v10  }
0x14b: {  	v23 =	vand.u32 $0xFFFF0000, v63;
	v21 =	vmul.f32 v20, v60;
	[tilespmem:s9+$0x1D6D0] =	vst v18  }
0x14c: {  	v22 =	vshll.u32 v63, $0x10;
	v24 =	vmul.f32 v23, v60;
	[tilespmem:s9+$0x1D6E0] =	vst v7  }
0x14d: {  	v34 =	vand.u32 $0xFFFF0000, v61;
	s10 =	sor.u32 $0x13, s1;
	v10 =	vmul.f32 v22, v60;
	[tilespmem:s9+$0x1D6F0] =	vst v21  }
0x14e: {  	v35 =	vmul.f32 v34, v57;
	s26 =	sshll.u32 s10, $0x6;
	[tilespmem:s9+$0x1D710] =	vst v24  }
0x14f: {  	v5 =	vand.u32 $0xFFFF0000, v53;
	s11 =	sand.u32 $0x3FFFFCC0, s26;
	[tilespmem:s9+$0x1D700] =	vst v10  }
0x150: {  	v39 =	vnsel vm0, $0x0, v57;
	v6 =	vand.u32 $0xFFFF0000, v54;
	v5 =	vmul.f32 v5, v57;
	[tilespmem:s7+$0x1D710] =	vst v35;
	v29 =	vld.idx.msk [tilespmem:v1+s11+$0x0 ss:$0x1], $0xffff  }
0x151: {  	v25 =	vshll.u32 v54, $0x10;
	v27 =	vmul.f32 v6, v57;
	[tilespmem:s7+$0x1D720] =	vst v39  }
0x152: {  	v28 =	vshll.u32 v56, $0x10;
	[tilespmem:s7+$0x1D6B0] =	vst v5;
	v7 =	vmul.f32 v25, v57;
	v33 =	vld.idx.msk [tilespmem:v1+s11+$0x10 ss:$0x1], $0xffff  }
0x153: {  	v32 =	vshll.u32 v61, $0x10;
	v5 =	vmul.f32 v28, v57;
	[tilespmem:s7+$0x1D6D0] =	vst v27  }
0x154: {  	v37 =	vbroadcast v3, $0x3;
	s10 =	smul.u32 $0x240, s10;
	[tilespmem:s7+$0x1D6C0] =	vst v7;
	v7 =	vmul.f32 v32, v57;
	v36 =	vld.idx.msk [tilespmem:v1+s11+$0x20 ss:$0x1], $0xffff  }
0x155: {  	[tilespmem:s7+$0x1D6E0] =	vst v5;
	v38 =	vshll.u32 v29, $0x10  }
0x156: {  	v51 =	vnsel vm0, $0x0, v37;
	v40 =	vld.idx.msk [tilespmem:v1+s11+$0x30 ss:$0x1], $0xffff;
	[tilespmem:s7+$0x1D700] =	vst v7;
	s7 =	sshra.s32 s10, $0x2;
	v6 =	vand.u32 $0xFFFF0000, v29;
	v7 =	vmul.f32 v38, v37  }
0x157: {  	[tilespmem:s7+$0x1D720] =	vst v51;
	v42 =	vshll.u32 v33, $0x10;
	v41 =	vmul.f32 v6, v37  }
0x158: {  	v43 =	vand.u32 $0xFFFF0000, v33;
	v6 =	vmul.f32 v42, v37;
	[tilespmem:s7+$0x1D6A0] =	vst v7  }
0x159: {  	v45 =	vshll.u32 v36, $0x10;
	v44 =	vmul.f32 v43, v37;
	[tilespmem:s7+$0x1D6B0] =	vst v41  }
0x15a: {  	v5 =	vand.u32 $0xFFFF0000, v36;
	v46 =	vmul.f32 v45, v37;
	[tilespmem:s7+$0x1D6C0] =	vst v6  }
0x15b: {  	v48 =	vshll.u32 v40, $0x10;
	v47 =	vmul.f32 v5, v37;
	[tilespmem:s7+$0x1D6D0] =	vst v44  }
0x15c: {  	s9 =	sor.u32 $0xA, s1;
	v49 =	vand.u32 $0xFFFF0000, v40;
	v5 =	vmul.f32 v48, v37;
	[tilespmem:s7+$0x1D6E0] =	vst v46  }
0x15d: {  	s26 =	sshll.u32 s9, $0x6;
	s11 =	sor.u32 $0x14, s1;
	v50 =	vmul.f32 v49, v37;
	[tilespmem:s7+$0x1D6F0] =	vst v47  }
0x15e: {  	s10 =	sand.u32 $0x3FFFFE80, s26;
	s26 =	sshll.u32 s11, $0x6;
	[tilespmem:s7+$0x1D700] =	vst v5  }
0x15f: {  	v52 =	vld.idx.msk [tilespmem:v1+s10+$0x0 ss:$0x1], $0xffff;
	s26 =	sand.u32 $0x3FFFFD00, s26;
	[tilespmem:s7+$0x1D710] =	vst v50  }
0x160: {  	v4 =	vld.idx.msk [tilespmem:v1+s26+$0x0 ss:$0x1], $0xffff  }
0x161: {  	s9 =	smul.u32 $0x240, s9;
	v53 =	vld.idx.msk [tilespmem:v1+s10+$0x10 ss:$0x1], $0xffff  }
0x162: {  	v59 =	vbroadcast v3, $0x4;
	s11 =	smul.u32 $0x240, s11;
	v54 =	vld.idx.msk [tilespmem:v1+s26+$0x10 ss:$0x1], $0xffff  }
0x163: {  	v56 =	vbroadcast v2, $0xA;
	v55 =	vld.idx.msk [tilespmem:v1+s10+$0x20 ss:$0x1], $0xffff  }
0x164: {  	v24 =	vnsel vm0, $0x0, v59;
	v57 =	vshll.u32 v52, $0x10;
	s7 =	sshra.s32 s9, $0x2;
	s9 =	sshra.s32 s11, $0x2;
	v58 =	vld.idx.msk [tilespmem:v1+s26+$0x20 ss:$0x1], $0xffff  }
0x165: {  	v37 =	vnsel vm0, $0x0, v56;
	v10 =	vmul.f32 v57, v56;
	v62 =	vld.idx.msk [tilespmem:v1+s26+$0x30 ss:$0x1], $0xffff;
	[tilespmem:s9+$0x1D720] =	vst v24;
	v61 =	vshll.u32 v4, $0x10  }
0x166: {  	v60 =	vld.idx.msk [tilespmem:v1+s10+$0x30 ss:$0x1], $0xffff;
	[tilespmem:s7+$0x1D720] =	vst v37;
	v4 =	vand.u32 $0xFFFF0000, v4;
	v14 =	vmul.f32 v61, v59  }
0x167: {  	[tilespmem:s7+$0x1D6A0] =	vst v10;
	v63 =	vshll.u32 v54, $0x10;
	v4 =	vmul.f32 v4, v59  }
0x168: {  	v7 =	vand.u32 $0xFFFF0000, v54;
	v10 =	vmul.f32 v63, v59;
	[tilespmem:s9+$0x1D6A0] =	vst v14  }
0x169: {  	v17 =	vshll.u32 v58, $0x10;
	v16 =	vmul.f32 v7, v59;
	[tilespmem:s9+$0x1D6B0] =	vst v4  }
0x16a: {  	v18 =	vand.u32 $0xFFFF0000, v58;
	v7 =	vmul.f32 v17, v59;
	[tilespmem:s9+$0x1D6C0] =	vst v10  }
0x16b: {  	v21 =	vand.u32 $0xFFFF0000, v62;
	v19 =	vmul.f32 v18, v59;
	[tilespmem:s9+$0x1D6D0] =	vst v16  }
0x16c: {  	v20 =	vshll.u32 v62, $0x10;
	v22 =	vmul.f32 v21, v59;
	[tilespmem:s9+$0x1D6E0] =	vst v7  }
0x16d: {  	s10 =	sor.u32 $0x15, s1;
	v28 =	vand.u32 $0xFFFF0000, v55;
	v10 =	vmul.f32 v20, v59;
	[tilespmem:s9+$0x1D6F0] =	vst v19  }
0x16e: {  	v32 =	vand.u32 $0xFFFF0000, v60;
	v29 =	vmul.f32 v28, v56;
	s26 =	sshll.u32 s10, $0x6;
	[tilespmem:s9+$0x1D710] =	vst v22  }
0x16f: {  	v5 =	vand.u32 $0xFFFF0000, v52;
	v33 =	vmul.f32 v32, v56;
	s11 =	sand.u32 $0x3FFFFD40, s26;
	[tilespmem:s9+$0x1D700] =	vst v10  }
0x170: {  	v6 =	vand.u32 $0xFFFF0000, v53;
	v5 =	vmul.f32 v5, v56;
	[tilespmem:s7+$0x1D6F0] =	vst v29;
	v27 =	vld.idx.msk [tilespmem:v1+s11+$0x0 ss:$0x1], $0xffff  }
0x171: {  	v23 =	vshll.u32 v53, $0x10;
	v25 =	vmul.f32 v6, v56;
	[tilespmem:s7+$0x1D710] =	vst v33  }
0x172: {  	v26 =	vshll.u32 v55, $0x10;
	[tilespmem:s7+$0x1D6B0] =	vst v5;
	v7 =	vmul.f32 v23, v56;
	v31 =	vld.idx.msk [tilespmem:v1+s11+$0x10 ss:$0x1], $0xffff  }
0x173: {  	v30 =	vshll.u32 v60, $0x10;
	v5 =	vmul.f32 v26, v56;
	[tilespmem:s7+$0x1D6D0] =	vst v25  }
0x174: {  	v35 =	vbroadcast v3, $0x5;
	s10 =	smul.u32 $0x240, s10;
	[tilespmem:s7+$0x1D6C0] =	vst v7;
	v7 =	vmul.f32 v30, v56;
	v34 =	vld.idx.msk [tilespmem:v1+s11+$0x20 ss:$0x1], $0xffff  }
0x175: {  	[tilespmem:s7+$0x1D6E0] =	vst v5;
	v36 =	vshll.u32 v27, $0x10  }
0x176: {  	v49 =	vnsel vm0, $0x0, v35;
	v38 =	vld.idx.msk [tilespmem:v1+s11+$0x30 ss:$0x1], $0xffff;
	[tilespmem:s7+$0x1D700] =	vst v7;
	s7 =	sshra.s32 s10, $0x2;
	v6 =	vand.u32 $0xFFFF0000, v27;
	v7 =	vmul.f32 v36, v35  }
0x177: {  	[tilespmem:s7+$0x1D720] =	vst v49;
	v40 =	vshll.u32 v31, $0x10;
	v39 =	vmul.f32 v6, v35  }
0x178: {  	v41 =	vand.u32 $0xFFFF0000, v31;
	v6 =	vmul.f32 v40, v35;
	[tilespmem:s7+$0x1D6A0] =	vst v7  }
0x179: {  	v43 =	vshll.u32 v34, $0x10;
	v42 =	vmul.f32 v41, v35;
	[tilespmem:s7+$0x1D6B0] =	vst v39  }
0x17a: {  	v5 =	vand.u32 $0xFFFF0000, v34;
	v44 =	vmul.f32 v43, v35;
	[tilespmem:s7+$0x1D6C0] =	vst v6  }
0x17b: {  	v46 =	vshll.u32 v38, $0x10;
	v45 =	vmul.f32 v5, v35;
	[tilespmem:s7+$0x1D6D0] =	vst v42  }
0x17c: {  	s9 =	sor.u32 $0xB, s1;
	v47 =	vand.u32 $0xFFFF0000, v38;
	v5 =	vmul.f32 v46, v35;
	[tilespmem:s7+$0x1D6E0] =	vst v44  }
0x17d: {  	s26 =	sshll.u32 s9, $0x6;
	s11 =	sor.u32 $0x16, s1;
	v48 =	vmul.f32 v47, v35;
	[tilespmem:s7+$0x1D6F0] =	vst v45  }
0x17e: {  	s10 =	sand.u32 $0x3FFFFEC0, s26;
	s26 =	sshll.u32 s11, $0x6;
	[tilespmem:s7+$0x1D700] =	vst v5  }
0x17f: {  	v50 =	vld.idx.msk [tilespmem:v1+s10+$0x0 ss:$0x1], $0xffff;
	s26 =	sand.u32 $0x3FFFFD80, s26;
	[tilespmem:s7+$0x1D710] =	vst v48  }
0x180: {  	v4 =	vld.idx.msk [tilespmem:v1+s26+$0x0 ss:$0x1], $0xffff  }
0x181: {  	s9 =	smul.u32 $0x240, s9;
	v51 =	vld.idx.msk [tilespmem:v1+s10+$0x10 ss:$0x1], $0xffff  }
0x182: {  	v57 =	vbroadcast v3, $0x6;
	s11 =	smul.u32 $0x240, s11;
	v52 =	vld.idx.msk [tilespmem:v1+s26+$0x10 ss:$0x1], $0xffff  }
0x183: {  	v54 =	vbroadcast v2, $0xB;
	v53 =	vld.idx.msk [tilespmem:v1+s10+$0x20 ss:$0x1], $0xffff  }
0x184: {  	v21 =	vnsel vm0, $0x0, v57;
	v55 =	vshll.u32 v50, $0x10;
	s7 =	sshra.s32 s9, $0x2;
	s9 =	sshra.s32 s11, $0x2;
	v56 =	vld.idx.msk [tilespmem:v1+s26+$0x20 ss:$0x1], $0xffff  }
0x185: {  	v34 =	vnsel vm0, $0x0, v54;
	v10 =	vmul.f32 v55, v54;
	v60 =	vld.idx.msk [tilespmem:v1+s26+$0x30 ss:$0x1], $0xffff;
	[tilespmem:s9+$0x1D720] =	vst v21;
	v59 =	vshll.u32 v4, $0x10  }
0x186: {  	v58 =	vld.idx.msk [tilespmem:v1+s10+$0x30 ss:$0x1], $0xffff;
	[tilespmem:s7+$0x1D720] =	vst v34;
	v4 =	vand.u32 $0xFFFF0000, v4;
	v14 =	vmul.f32 v59, v57  }
0x187: {  	[tilespmem:s7+$0x1D6A0] =	vst v10;
	v61 =	vshll.u32 v52, $0x10;
	v4 =	vmul.f32 v4, v57  }
0x188: {  	v7 =	vand.u32 $0xFFFF0000, v52;
	v10 =	vmul.f32 v61, v57;
	[tilespmem:s9+$0x1D6A0] =	vst v14  }
0x189: {  	v63 =	vshll.u32 v56, $0x10;
	v62 =	vmul.f32 v7, v57;
	[tilespmem:s9+$0x1D6B0] =	vst v4  }
0x18a: {  	v18 =	vand.u32 $0xFFFF0000, v60;
	v7 =	vmul.f32 v63, v57;
	[tilespmem:s9+$0x1D6C0] =	vst v10  }
0x18b: {  	v17 =	vshll.u32 v60, $0x10;
	v19 =	vmul.f32 v18, v57;
	[tilespmem:s9+$0x1D6D0] =	vst v62  }
0x18c: {  	v14 =	vand.u32 $0xFFFF0000, v56;
	[tilespmem:s9+$0x1D6E0] =	vst v7;
	v10 =	vmul.f32 v17, v57  }
0x18d: {  	s10 =	sor.u32 $0x17, s1;
	v25 =	vand.u32 $0xFFFF0000, v53;
	[tilespmem:s9+$0x1D710] =	vst v19;
	v16 =	vmul.f32 v14, v57  }
0x18e: {  	v29 =	vand.u32 $0xFFFF0000, v58;
	v26 =	vmul.f32 v25, v54;
	s26 =	sshll.u32 s10, $0x6;
	[tilespmem:s9+$0x1D700] =	vst v10  }
0x18f: {  	v5 =	vand.u32 $0xFFFF0000, v50;
	v30 =	vmul.f32 v29, v54;
	s11 =	sand.u32 $0x3FFFFDC0, s26;
	[tilespmem:s9+$0x1D6F0] =	vst v16  }
0x190: {  	v6 =	vand.u32 $0xFFFF0000, v51;
	v5 =	vmul.f32 v5, v54;
	[tilespmem:s7+$0x1D6F0] =	vst v26;
	v24 =	vld.idx.msk [tilespmem:v1+s11+$0x0 ss:$0x1], $0xffff  }
0x191: {  	v20 =	vshll.u32 v51, $0x10;
	v22 =	vmul.f32 v6, v54;
	[tilespmem:s7+$0x1D710] =	vst v30  }
0x192: {  	v23 =	vshll.u32 v53, $0x10;
	[tilespmem:s7+$0x1D6B0] =	vst v5;
	v7 =	vmul.f32 v20, v54;
	v28 =	vld.idx.msk [tilespmem:v1+s11+$0x10 ss:$0x1], $0xffff  }
0x193: {  	v27 =	vshll.u32 v58, $0x10;
	v5 =	vmul.f32 v23, v54;
	[tilespmem:s7+$0x1D6D0] =	vst v22  }
0x194: {  	v32 =	vbroadcast v3, $0x7;
	s10 =	smul.u32 $0x240, s10;
	[tilespmem:s7+$0x1D6C0] =	vst v7;
	v7 =	vmul.f32 v27, v54;
	v31 =	vld.idx.msk [tilespmem:v1+s11+$0x20 ss:$0x1], $0xffff  }
0x195: {  	[tilespmem:s7+$0x1D6E0] =	vst v5;
	v33 =	vshll.u32 v24, $0x10  }
0x196: {  	v46 =	vnsel vm0, $0x0, v32;
	[tilespmem:s7+$0x1D700] =	vst v7;
	v35 =	vld.idx.msk [tilespmem:v1+s11+$0x30 ss:$0x1], $0xffff;
	s7 =	sshra.s32 s10, $0x2;
	v6 =	vand.u32 $0xFFFF0000, v24;
	v7 =	vmul.f32 v33, v32  }
0x197: {  	[tilespmem:s7+$0x1D720] =	vst v46;
	v37 =	vshll.u32 v28, $0x10;
	v36 =	vmul.f32 v6, v32  }
0x198: {  	v38 =	vand.u32 $0xFFFF0000, v28;
	v6 =	vmul.f32 v37, v32;
	[tilespmem:s7+$0x1D6A0] =	vst v7  }
0x199: {  	v40 =	vshll.u32 v31, $0x10;
	v39 =	vmul.f32 v38, v32;
	[tilespmem:s7+$0x1D6B0] =	vst v36  }
0x19a: {  	v5 =	vand.u32 $0xFFFF0000, v31;
	v41 =	vmul.f32 v40, v32;
	[tilespmem:s7+$0x1D6C0] =	vst v6  }
0x19b: {  	v43 =	vshll.u32 v35, $0x10;
	v42 =	vmul.f32 v5, v32;
	[tilespmem:s7+$0x1D6D0] =	vst v39  }
0x19c: {  	s9 =	sor.u32 $0xC, s1;
	v44 =	vand.u32 $0xFFFF0000, v35;
	v5 =	vmul.f32 v43, v32;
	[tilespmem:s7+$0x1D6E0] =	vst v41  }
0x19d: {  	s26 =	sshll.u32 s9, $0x6;
	s11 =	sor.u32 $0x18, s1;
	v45 =	vmul.f32 v44, v32;
	[tilespmem:s7+$0x1D6F0] =	vst v42  }
0x19e: {  	s10 =	sand.u32 $0x3FFFFF00, s26;
	s26 =	sshll.u32 s11, $0x6;
	[tilespmem:s7+$0x1D700] =	vst v5  }
0x19f: {  	v47 =	vld.idx.msk [tilespmem:v1+s10+$0x0 ss:$0x1], $0xffff;
	s26 =	sand.u32 $0x3FFFFE00, s26;
	[tilespmem:s7+$0x1D710] =	vst v45  }
0x1a0: {  	v4 =	vld.idx.msk [tilespmem:v1+s26+$0x0 ss:$0x1], $0xffff  }
0x1a1: {  	s9 =	smul.u32 $0x240, s9;
	v48 =	vld.idx.msk [tilespmem:v1+s10+$0x10 ss:$0x1], $0xffff  }
0x1a2: {  	v54 =	vbroadcast v3, $0x8;
	s11 =	smul.u32 $0x240, s11;
	v49 =	vld.idx.msk [tilespmem:v1+s26+$0x10 ss:$0x1], $0xffff  }
0x1a3: {  	v51 =	vbroadcast v2, $0xC;
	v50 =	vld.idx.msk [tilespmem:v1+s10+$0x20 ss:$0x1], $0xffff  }
0x1a4: {  	v17 =	vnsel vm0, $0x0, v54;
	v52 =	vshll.u32 v47, $0x10;
	s7 =	sshra.s32 s9, $0x2;
	s9 =	sshra.s32 s11, $0x2;
	v53 =	vld.idx.msk [tilespmem:v1+s26+$0x20 ss:$0x1], $0xffff  }
0x1a5: {  	v30 =	vnsel vm0, $0x0, v51;
	v10 =	vmul.f32 v52, v51;
	v57 =	vld.idx.msk [tilespmem:v1+s26+$0x30 ss:$0x1], $0xffff;
	[tilespmem:s9+$0x1D720] =	vst v17;
	v56 =	vshll.u32 v4, $0x10  }
0x1a6: {  	v55 =	vld.idx.msk [tilespmem:v1+s10+$0x30 ss:$0x1], $0xffff;
	[tilespmem:s7+$0x1D720] =	vst v30;
	v4 =	vand.u32 $0xFFFF0000, v4;
	v14 =	vmul.f32 v56, v54  }
0x1a7: {  	[tilespmem:s7+$0x1D6A0] =	vst v10;
	v58 =	vshll.u32 v49, $0x10;
	v4 =	vmul.f32 v4, v54  }
0x1a8: {  	v7 =	vand.u32 $0xFFFF0000, v49;
	v10 =	vmul.f32 v58, v54;
	[tilespmem:s9+$0x1D6A0] =	vst v14  }
0x1a9: {  	v60 =	vshll.u32 v53, $0x10;
	v59 =	vmul.f32 v7, v54;
	[tilespmem:s9+$0x1D6B0] =	vst v4  }
0x1aa: {  	v61 =	vand.u32 $0xFFFF0000, v53;
	v7 =	vmul.f32 v60, v54;
	[tilespmem:s9+$0x1D6C0] =	vst v10  }
0x1ab: {  	v63 =	vshll.u32 v57, $0x10;
	v62 =	vmul.f32 v61, v54;
	[tilespmem:s9+$0x1D6D0] =	vst v59  }
0x1ac: {  	[tilespmem:s9+$0x1D6E0] =	vst v7;
	v14 =	vand.u32 $0xFFFF0000, v57;
	v10 =	vmul.f32 v63, v54  }
0x1ad: {  	s10 =	sor.u32 $0x19, s1;
	v21 =	vand.u32 $0xFFFF0000, v50;
	[tilespmem:s9+$0x1D6F0] =	vst v62;
	v15 =	vmul.f32 v14, v54  }
0x1ae: {  	v25 =	vand.u32 $0xFFFF0000, v55;
	v22 =	vmul.f32 v21, v51;
	s26 =	sshll.u32 s10, $0x6;
	[tilespmem:s9+$0x1D700] =	vst v10  }
0x1af: {  	v5 =	vand.u32 $0xFFFF0000, v47;
	v26 =	vmul.f32 v25, v51;
	s11 =	sand.u32 $0x3FFFFE40, s26;
	[tilespmem:s9+$0x1D710] =	vst v15  }
0x1b0: {  	v6 =	vand.u32 $0xFFFF0000, v48;
	v5 =	vmul.f32 v5, v51;
	[tilespmem:s7+$0x1D6F0] =	vst v22;
	v20 =	vld.idx.msk [tilespmem:v1+s11+$0x0 ss:$0x1], $0xffff  }
0x1b1: {  	v16 =	vshll.u32 v48, $0x10;
	v18 =	vmul.f32 v6, v51;
	[tilespmem:s7+$0x1D710] =	vst v26  }
0x1b2: {  	v19 =	vshll.u32 v50, $0x10;
	[tilespmem:s7+$0x1D6B0] =	vst v5;
	v7 =	vmul.f32 v16, v51;
	v24 =	vld.idx.msk [tilespmem:v1+s11+$0x10 ss:$0x1], $0xffff  }
0x1b3: {  	v23 =	vshll.u32 v55, $0x10;
	v5 =	vmul.f32 v19, v51;
	[tilespmem:s7+$0x1D6D0] =	vst v18  }
0x1b4: {  	v28 =	vbroadcast v3, $0x9;
	s10 =	smul.u32 $0x240, s10;
	[tilespmem:s7+$0x1D6C0] =	vst v7;
	v7 =	vmul.f32 v23, v51;
	v27 =	vld.idx.msk [tilespmem:v1+s11+$0x20 ss:$0x1], $0xffff  }
0x1b5: {  	[tilespmem:s7+$0x1D6E0] =	vst v5;
	v29 =	vshll.u32 v20, $0x10  }
0x1b6: {  	v42 =	vnsel vm0, $0x0, v28;
	[tilespmem:s7+$0x1D700] =	vst v7;
	v31 =	vld.idx.msk [tilespmem:v1+s11+$0x30 ss:$0x1], $0xffff;
	s7 =	sshra.s32 s10, $0x2;
	v6 =	vand.u32 $0xFFFF0000, v20;
	v7 =	vmul.f32 v29, v28  }
0x1b7: {  	[tilespmem:s7+$0x1D720] =	vst v42;
	v33 =	vshll.u32 v24, $0x10;
	v32 =	vmul.f32 v6, v28  }
0x1b8: {  	v34 =	vand.u32 $0xFFFF0000, v24;
	v6 =	vmul.f32 v33, v28;
	[tilespmem:s7+$0x1D6A0] =	vst v7  }
0x1b9: {  	v36 =	vshll.u32 v27, $0x10;
	v35 =	vmul.f32 v34, v28;
	[tilespmem:s7+$0x1D6B0] =	vst v32  }
0x1ba: {  	v5 =	vand.u32 $0xFFFF0000, v27;
	v37 =	vmul.f32 v36, v28;
	[tilespmem:s7+$0x1D6C0] =	vst v6  }
0x1bb: {  	v39 =	vshll.u32 v31, $0x10;
	v38 =	vmul.f32 v5, v28;
	[tilespmem:s7+$0x1D6D0] =	vst v35  }
0x1bc: {  	s9 =	sor.u32 $0xD, s1;
	v40 =	vand.u32 $0xFFFF0000, v31;
	v5 =	vmul.f32 v39, v28;
	[tilespmem:s7+$0x1D6E0] =	vst v37  }
0x1bd: {  	s26 =	sshll.u32 s9, $0x6;
	s11 =	sor.u32 $0x1A, s1;
	v41 =	vmul.f32 v40, v28;
	[tilespmem:s7+$0x1D6F0] =	vst v38  }
0x1be: {  	s10 =	sand.u32 $0x3FFFFF40, s26;
	s26 =	sshll.u32 s11, $0x6;
	[tilespmem:s7+$0x1D700] =	vst v5  }
0x1bf: {  	v43 =	vld.idx.msk [tilespmem:v1+s10+$0x0 ss:$0x1], $0xffff;
	s26 =	sand.u32 $0x3FFFFE80, s26;
	[tilespmem:s7+$0x1D710] =	vst v41  }
0x1c0: {  	v4 =	vld.idx.msk [tilespmem:v1+s26+$0x0 ss:$0x1], $0xffff  }
0x1c1: {  	s9 =	smul.u32 $0x240, s9;
	v44 =	vld.idx.msk [tilespmem:v1+s10+$0x10 ss:$0x1], $0xffff  }
0x1c2: {  	v50 =	vbroadcast v3, $0xA;
	s11 =	smul.u32 $0x240, s11;
	v45 =	vld.idx.msk [tilespmem:v1+s26+$0x10 ss:$0x1], $0xffff  }
0x1c3: {  	v47 =	vbroadcast v2, $0xD;
	v46 =	vld.idx.msk [tilespmem:v1+s10+$0x20 ss:$0x1], $0xffff  }
0x1c4: {  	v63 =	vnsel vm0, $0x0, v50;
	v48 =	vshll.u32 v43, $0x10;
	s7 =	sshra.s32 s9, $0x2;
	s9 =	sshra.s32 s11, $0x2;
	v49 =	vld.idx.msk [tilespmem:v1+s26+$0x20 ss:$0x1], $0xffff  }
0x1c5: {  	v23 =	vnsel vm0, $0x0, v47;
	v10 =	vmul.f32 v48, v47;
	v53 =	vld.idx.msk [tilespmem:v1+s26+$0x30 ss:$0x1], $0xffff;
	[tilespmem:s9+$0x1D720] =	vst v63;
	v52 =	vshll.u32 v4, $0x10  }
0x1c6: {  	v51 =	vld.idx.msk [tilespmem:v1+s10+$0x30 ss:$0x1], $0xffff;
	[tilespmem:s7+$0x1D720] =	vst v23;
	v4 =	vand.u32 $0xFFFF0000, v4;
	v14 =	vmul.f32 v52, v50  }
0x1c7: {  	[tilespmem:s7+$0x1D6A0] =	vst v10;
	v54 =	vshll.u32 v45, $0x10;
	v4 =	vmul.f32 v4, v50  }
0x1c8: {  	v7 =	vand.u32 $0xFFFF0000, v45;
	v10 =	vmul.f32 v54, v50;
	[tilespmem:s9+$0x1D6A0] =	vst v14  }
0x1c9: {  	v56 =	vshll.u32 v49, $0x10;
	v55 =	vmul.f32 v7, v50;
	[tilespmem:s9+$0x1D6B0] =	vst v4  }
0x1ca: {  	v57 =	vand.u32 $0xFFFF0000, v49;
	v7 =	vmul.f32 v56, v50;
	[tilespmem:s9+$0x1D6C0] =	vst v10  }
0x1cb: {  	v60 =	vand.u32 $0xFFFF0000, v53;
	v58 =	vmul.f32 v57, v50;
	[tilespmem:s9+$0x1D6D0] =	vst v55  }
0x1cc: {  	v59 =	vshll.u32 v53, $0x10;
	v61 =	vmul.f32 v60, v50;
	[tilespmem:s9+$0x1D6E0] =	vst v7  }
0x1cd: {  	s10 =	sor.u32 $0x1B, s1;
	v5 =	vand.u32 $0xFFFF0000, v43;
	v10 =	vmul.f32 v59, v50;
	[tilespmem:s9+$0x1D6F0] =	vst v58  }
0x1ce: {  	v18 =	vand.u32 $0xFFFF0000, v51;
	v5 =	vmul.f32 v5, v47;
	s26 =	sshll.u32 s10, $0x6;
	[tilespmem:s9+$0x1D710] =	vst v61  }
0x1cf: {  	v11 =	vshll.u32 v46, $0x10;
	v19 =	vmul.f32 v18, v47;
	s11 =	sand.u32 $0x3FFFFEC0, s26;
	[tilespmem:s9+$0x1D700] =	vst v10  }
0x1d0: {  	v62 =	vshll.u32 v44, $0x10;
	[tilespmem:s7+$0x1D6B0] =	vst v5;
	v5 =	vmul.f32 v11, v47;
	v12 =	vld.idx.msk [tilespmem:v1+s11+$0x0 ss:$0x1], $0xffff  }
0x1d1: {  	[tilespmem:s7+$0x1D710] =	vst v19;
	v7 =	vmul.f32 v62, v47;
	v14 =	vand.u32 $0xFFFF0000, v46  }
0x1d2: {  	v6 =	vand.u32 $0xFFFF0000, v44;
	[tilespmem:s7+$0x1D6E0] =	vst v5;
	v15 =	vmul.f32 v14, v47;
	v17 =	vld.idx.msk [tilespmem:v1+s11+$0x10 ss:$0x1], $0xffff  }
0x1d3: {  	v16 =	vshll.u32 v51, $0x10;
	v10 =	vmul.f32 v6, v47;
	[tilespmem:s7+$0x1D6C0] =	vst v7  }
0x1d4: {  	v21 =	vbroadcast v3, $0xB;
	s10 =	smul.u32 $0x240, s10;
	v7 =	vmul.f32 v16, v47;
	[tilespmem:s7+$0x1D6F0] =	vst v15;
	v20 =	vld.idx.msk [tilespmem:v1+s11+$0x20 ss:$0x1], $0xffff  }
0x1d5: {  	[tilespmem:s7+$0x1D6D0] =	vst v10;
	v22 =	vshll.u32 v12, $0x10  }
0x1d6: {  	v35 =	vnsel vm0, $0x0, v21;
	v24 =	vld.idx.msk [tilespmem:v1+s11+$0x30 ss:$0x1], $0xffff;
	[tilespmem:s7+$0x1D700] =	vst v7;
	s7 =	sshra.s32 s10, $0x2;
	v6 =	vand.u32 $0xFFFF0000, v12;
	v7 =	vmul.f32 v22, v21  }
0x1d7: {  	[tilespmem:s7+$0x1D720] =	vst v35;
	v26 =	vshll.u32 v17, $0x10;
	v25 =	vmul.f32 v6, v21  }
0x1d8: {  	v27 =	vand.u32 $0xFFFF0000, v17;
	v6 =	vmul.f32 v26, v21;
	[tilespmem:s7+$0x1D6A0] =	vst v7  }
0x1d9: {  	v29 =	vshll.u32 v20, $0x10;
	v28 =	vmul.f32 v27, v21;
	[tilespmem:s7+$0x1D6B0] =	vst v25  }
0x1da: {  	v5 =	vand.u32 $0xFFFF0000, v20;
	v30 =	vmul.f32 v29, v21;
	[tilespmem:s7+$0x1D6C0] =	vst v6  }
0x1db: {  	v32 =	vshll.u32 v24, $0x10;
	v31 =	vmul.f32 v5, v21;
	[tilespmem:s7+$0x1D6D0] =	vst v28  }
0x1dc: {  	s9 =	sor.u32 $0xE, s1;
	v33 =	vand.u32 $0xFFFF0000, v24;
	v5 =	vmul.f32 v32, v21;
	[tilespmem:s7+$0x1D6E0] =	vst v30  }
0x1dd: {  	s26 =	sshll.u32 s9, $0x6;
	s11 =	sor.u32 $0x1C, s1;
	v34 =	vmul.f32 v33, v21;
	[tilespmem:s7+$0x1D6F0] =	vst v31  }
0x1de: {  	s10 =	sand.u32 $0x3FFFFF80, s26;
	s26 =	sshll.u32 s11, $0x6;
	[tilespmem:s7+$0x1D700] =	vst v5  }
0x1df: {  	v36 =	vld.idx.msk [tilespmem:v1+s10+$0x0 ss:$0x1], $0xffff;
	s26 =	sand.u32 $0x3FFFFF00, s26;
	[tilespmem:s7+$0x1D710] =	vst v34  }
0x1e0: {  	v5 =	vld.idx.msk [tilespmem:v1+s26+$0x0 ss:$0x1], $0xffff  }
0x1e1: {  	s9 =	smul.u32 $0x240, s9;
	v37 =	vld.idx.msk [tilespmem:v1+s10+$0x10 ss:$0x1], $0xffff  }
0x1e2: {  	v43 =	vbroadcast v3, $0xC;
	s11 =	smul.u32 $0x240, s11;
	v38 =	vld.idx.msk [tilespmem:v1+s26+$0x10 ss:$0x1], $0xffff  }
0x1e3: {  	v40 =	vbroadcast v2, $0xE;
	v39 =	vld.idx.msk [tilespmem:v1+s10+$0x20 ss:$0x1], $0xffff  }
0x1e4: {  	v56 =	vnsel vm0, $0x0, v43;
	v41 =	vshll.u32 v36, $0x10;
	s7 =	sshra.s32 s9, $0x2;
	s9 =	sshra.s32 s11, $0x2;
	v42 =	vld.idx.msk [tilespmem:v1+s26+$0x20 ss:$0x1], $0xffff  }
0x1e5: {  	v16 =	vnsel vm0, $0x0, v40;
	v10 =	vmul.f32 v41, v40;
	v46 =	vld.idx.msk [tilespmem:v1+s26+$0x30 ss:$0x1], $0xffff;
	[tilespmem:s9+$0x1D720] =	vst v56;
	v45 =	vshll.u32 v5, $0x10  }
0x1e6: {  	v44 =	vld.idx.msk [tilespmem:v1+s10+$0x30 ss:$0x1], $0xffff;
	[tilespmem:s7+$0x1D720] =	vst v16;
	v5 =	vand.u32 $0xFFFF0000, v5;
	v14 =	vmul.f32 v45, v43  }
0x1e7: {  	[tilespmem:s7+$0x1D6A0] =	vst v10;
	v47 =	vshll.u32 v38, $0x10;
	v5 =	vmul.f32 v5, v43  }
0x1e8: {  	v7 =	vand.u32 $0xFFFF0000, v38;
	v10 =	vmul.f32 v47, v43;
	[tilespmem:s9+$0x1D6A0] =	vst v14  }
0x1e9: {  	v49 =	vshll.u32 v42, $0x10;
	v48 =	vmul.f32 v7, v43;
	[tilespmem:s9+$0x1D6B0] =	vst v5  }
0x1ea: {  	v50 =	vand.u32 $0xFFFF0000, v42;
	v7 =	vmul.f32 v49, v43;
	[tilespmem:s9+$0x1D6C0] =	vst v10  }
0x1eb: {  	v53 =	vand.u32 $0xFFFF0000, v46;
	v51 =	vmul.f32 v50, v43;
	[tilespmem:s9+$0x1D6D0] =	vst v48  }
0x1ec: {  	v52 =	vshll.u32 v46, $0x10;
	v54 =	vmul.f32 v53, v43;
	[tilespmem:s9+$0x1D6E0] =	vst v7  }
0x1ed: {  	s10 =	sor.u32 $0x1D, s1;
	v4 =	vand.u32 $0xFFFF0000, v36;
	v10 =	vmul.f32 v52, v43;
	[tilespmem:s9+$0x1D6F0] =	vst v51  }
0x1ee: {  	v60 =	vand.u32 $0xFFFF0000, v39;
	v4 =	vmul.f32 v4, v40;
	s26 =	sshll.u32 s10, $0x6;
	[tilespmem:s9+$0x1D710] =	vst v54  }
0x1ef: {  	v11 =	vand.u32 $0xFFFF0000, v44;
	v61 =	vmul.f32 v60, v40;
	s26 =	sand.u32 $0x3FFFFF40, s26;
	[tilespmem:s9+$0x1D700] =	vst v10  }
0x1f0: {  	v6 =	vand.u32 $0xFFFF0000, v37;
	v12 =	vmul.f32 v11, v40;
	[tilespmem:s7+$0x1D6B0] =	vst v4;
	v59 =	vld.idx.msk [tilespmem:v1+s26+$0x0 ss:$0x1], $0xffff  }
0x1f1: {  	v55 =	vshll.u32 v37, $0x10;
	v57 =	vmul.f32 v6, v40;
	[tilespmem:s7+$0x1D6F0] =	vst v61  }
0x1f2: {  	v58 =	vshll.u32 v39, $0x10;
	[tilespmem:s7+$0x1D710] =	vst v12;
	v7 =	vmul.f32 v55, v40;
	v63 =	vld.idx.msk [tilespmem:v1+s26+$0x10 ss:$0x1], $0xffff  }
0x1f3: {  	v62 =	vshll.u32 v44, $0x10;
	[tilespmem:s7+$0x1D6D0] =	vst v57;
	v5 =	vmul.f32 v58, v40  }
0x1f4: {  	s10 =	smul.u32 $0x240, s10;
	v14 =	vbroadcast v3, $0xD;
	[tilespmem:s7+$0x1D6C0] =	vst v7;
	v7 =	vmul.f32 v62, v40;
	v13 =	vld.idx.msk [tilespmem:v1+s26+$0x20 ss:$0x1], $0xffff  }
0x1f5: {  	[tilespmem:s7+$0x1D6E0] =	vst v5;
	v15 =	vshll.u32 v59, $0x10  }
0x1f6: {  	v28 =	vnsel vm0, $0x0, v14;
	v17 =	vld.idx.msk [tilespmem:v1+s26+$0x30 ss:$0x1], $0xffff;
	[tilespmem:s7+$0x1D700] =	vst v7;
	s7 =	sshra.s32 s10, $0x2;
	v6 =	vand.u32 $0xFFFF0000, v59;
	v7 =	vmul.f32 v15, v14  }
0x1f7: {  	[tilespmem:s7+$0x1D720] =	vst v28;
	v19 =	vshll.u32 v63, $0x10;
	v18 =	vmul.f32 v6, v14  }
0x1f8: {  	v20 =	vand.u32 $0xFFFF0000, v63;
	v6 =	vmul.f32 v19, v14;
	[tilespmem:s7+$0x1D6A0] =	vst v7  }
0x1f9: {  	v22 =	vshll.u32 v13, $0x10;
	v21 =	vmul.f32 v20, v14;
	[tilespmem:s7+$0x1D6B0] =	vst v18  }
0x1fa: {  	v5 =	vand.u32 $0xFFFF0000, v13;
	v23 =	vmul.f32 v22, v14;
	[tilespmem:s7+$0x1D6C0] =	vst v6  }
0x1fb: {  	v25 =	vshll.u32 v17, $0x10;
	v24 =	vmul.f32 v5, v14;
	[tilespmem:s7+$0x1D6D0] =	vst v21  }
0x1fc: {  	s0 =	sshllo.u32 s0, $0x4;
	v26 =	vand.u32 $0xFFFF0000, v17;
	v5 =	vmul.f32 v25, v14;
	[tilespmem:s7+$0x1D6E0] =	vst v23  }
0x1fd: {  	s11 =	sshll.u32 s0, $0x6;
	s10 =	sor.u32 $0x1E, s1;
	v27 =	vmul.f32 v26, v14;
	[tilespmem:s7+$0x1D6F0] =	vst v24  }
0x1fe: {  	s9 =	sand.u32 $0x3FFFFFC0, s11;
	s26 =	sshll.u32 s10, $0x6;
	[tilespmem:s7+$0x1D700] =	vst v5  }
0x1ff: {  	v29 =	vld.idx.msk [tilespmem:v1+s9+$0x0 ss:$0x1], $0xffff;
	s11 =	sand.u32 $0x3FFFFF80, s26;
	[tilespmem:s7+$0x1D710] =	vst v27  }
0x200: {  	v5 =	vld.idx.msk [tilespmem:v1+s11+$0x0 ss:$0x1], $0xffff  }
0x201: {  	v30 =	vld.idx.msk [tilespmem:v1+s9+$0x10 ss:$0x1], $0xffff  }
0x202: {  	v31 =	vld.idx.msk [tilespmem:v1+s11+$0x10 ss:$0x1], $0xffff  }
0x203: {  	v2 =	vbroadcast v2, $0xF;
	v35 =	vbroadcast v3, $0xE;
	v32 =	vld.idx.msk [tilespmem:v1+s9+$0x20 ss:$0x1], $0xffff;
	s26 =	smul.u32 $0x240, s10  }
0x204: {  	s0 =	smul.u32 $0x240, s0;
	v33 =	vshll.u32 v29, $0x10;
	v34 =	vld.idx.msk [tilespmem:v1+s11+$0x20 ss:$0x1], $0xffff  }
0x205: {  	v47 =	vnsel vm0, $0x0, v35;
	v36 =	vld.idx.msk [tilespmem:v1+s9+$0x30 ss:$0x1], $0xffff;
	s9 =	sshra.s32 s26, $0x2;
	v9 =	vmul.f32 v33, v2;
	v37 =	vshll.u32 v5, $0x10  }
0x206: {  	s0 =	sshra.s32 s0, $0x2;
	v14 =	vld.idx.msk [tilespmem:v1+s11+$0x30 ss:$0x1], $0xffff;
	[tilespmem:s9+$0x1D720] =	vst v47;
	v5 =	vand.u32 $0xFFFF0000, v5;
	v13 =	vmul.f32 v37, v35  }
0x207: {  	[tilespmem:s0+$0x1D6A0] =	vst v9;
	v38 =	vshll.u32 v31, $0x10;
	v5 =	vmul.f32 v5, v35  }
0x208: {  	v7 =	vand.u32 $0xFFFF0000, v31;
	v9 =	vmul.f32 v38, v35;
	[tilespmem:s9+$0x1D6A0] =	vst v13  }
0x209: {  	v40 =	vshll.u32 v34, $0x10;
	v39 =	vmul.f32 v7, v35;
	[tilespmem:s9+$0x1D6B0] =	vst v5  }
0x20a: {  	v41 =	vand.u32 $0xFFFF0000, v34;
	v7 =	vmul.f32 v40, v35;
	[tilespmem:s9+$0x1D6C0] =	vst v9  }
0x20b: {  	v44 =	vand.u32 $0xFFFF0000, v14;
	v42 =	vmul.f32 v41, v35;
	[tilespmem:s9+$0x1D6D0] =	vst v39  }
0x20c: {  	v43 =	vshll.u32 v14, $0x10;
	v45 =	vmul.f32 v44, v35;
	[tilespmem:s9+$0x1D6E0] =	vst v7  }
0x20d: {  	s1 =	sor.u32 $0x1F, s1;
	v4 =	vand.u32 $0xFFFF0000, v29;
	v9 =	vmul.f32 v43, v35;
	[tilespmem:s9+$0x1D6F0] =	vst v42  }
0x20e: {  	s10 =	sshll.u32 s1, $0x6;
	v50 =	vand.u32 $0xFFFF0000, v32;
	v4 =	vmul.f32 v4, v2;
	[tilespmem:s9+$0x1D710] =	vst v45  }
0x20f: {  	v54 =	vand.u32 $0xFFFF0000, v36;
	v51 =	vmul.f32 v50, v2;
	s11 =	sand.u32 $0x3FFFFFC0, s10;
	[tilespmem:s9+$0x1D700] =	vst v9  }
0x210: {  	v6 =	vand.u32 $0xFFFF0000, v30;
	v55 =	vmul.f32 v54, v2;
	[tilespmem:s0+$0x1D6B0] =	vst v4;
	v7 =	vld.idx.msk [tilespmem:v1+s11+$0x0 ss:$0x1], $0xffff  }
0x211: {  	v46 =	vshll.u32 v30, $0x10;
	v48 =	vmul.f32 v6, v2;
	[tilespmem:s0+$0x1D6F0] =	vst v51  }
0x212: {  	v49 =	vshll.u32 v32, $0x10;
	[tilespmem:s0+$0x1D710] =	vst v55;
	v5 =	vmul.f32 v46, v2;
	v53 =	vld.idx.msk [tilespmem:v1+s11+$0x10 ss:$0x1], $0xffff  }
0x213: {  	v52 =	vshll.u32 v36, $0x10;
	v6 =	vmul.f32 v49, v2;
	[tilespmem:s0+$0x1D6D0] =	vst v48  }
0x214: {  	v3 =	vbroadcast v3, $0xF;
	[tilespmem:s0+$0x1D6C0] =	vst v5;
	v5 =	vmul.f32 v52, v2;
	v58 =	vld.idx.msk [tilespmem:v1+s11+$0x30 ss:$0x1], $0xffff  }
0x215: {  	s1 =	smul.u32 $0x240, s1;
	[tilespmem:s0+$0x1D6E0] =	vst v6;
	v56 =	vld.idx.msk [tilespmem:v1+s11+$0x20 ss:$0x1], $0xffff;
	v57 =	vshll.u32 v7, $0x10  }
0x216: {  	v2 =	vnsel vm0, $0x0, v2;
	[tilespmem:s0+$0x1D700] =	vst v5;
	v7 =	vand.u32 $0xFFFF0000, v7;
	v5 =	vmul.f32 v57, v3  }
0x217: {  	s26 =	sshra.s32 s1, $0x2;
	[tilespmem:s0+$0x1D720] =	vst v2;
	v59 =	vshll.u32 v53, $0x10;
	v2 =	vmul.f32 v7, v3  }
0x218: {  	v60 =	vand.u32 $0xFFFF0000, v53;
	v7 =	vmul.f32 v59, v3;
	[tilespmem:s26+$0x1D6A0] =	vst v5  }
0x219: {  	v62 =	vshll.u32 v58, $0x10;
	[tilespmem:s26+$0x1D6B0] =	vst v2;
	v2 =	vmul.f32 v60, v3  }
0x21a: {  	v6 =	vand.u32 $0xFFFF0000, v56;
	v63 =	vmul.f32 v62, v3;
	[tilespmem:s26+$0x1D6C0] =	vst v7  }
0x21b: {  	p1 =	por p0, p0;
	v61 =	vshll.u32 v56, $0x10;
	[tilespmem:s26+$0x1D6D0] =	vst v2;
	v2 =	vmul.f32 v6, v3  }
.Ltmp1:
0x21c: {  	v4 =	vand.u32 $0xFFFF0000, v58;
	v5 =	vmul.f32 v61, v3;
	[tilespmem:s26+$0x1D700] =	vst v63;
	(pc) =	sbr.rel @p1 .LBB2_5-.Ltmp1, $4  }
0x21d: {  	[tilespmem:s26+$0x1D6F0] =	vst v2;
	v2 =	vmul.f32 v4, v3  }
0x21e: {  	[tilespmem:s26+$0x1D6E0] =	vst v5  }
0x21f: {  	[tilespmem:s26+$0x1D710] =	vst v2;
	v2 =	vnsel vm0, $0x0, v3  }
0x220: {  	p0 =	por $0x0, $0x0;
	s0 =	simm.s32 $0x2;
	[tilespmem:s26+$0x1D720] =	vst v2  }
0x221: {  	p0 =	sne.s32 s2, $0xA0  }
.Ltmp2:
0x222: {  	_ = 	snop;
	(pc) =	sbr.rel @p0 .LBB2_4-.Ltmp2, $2  }
0x223: {  	_ =	sdelay $0x2  }
0x224: {  	[spmem:s4] =	stream.indirect.scatter.add.f32 [tilespmem:s22], [sflag:$0x3], $0x90, s29, s28, $0xb8;
	[tilespmem:$0x1FAA0] =	vst v63  }
0x225: {  	_ =	swait.ge [sflag:s30], $0x2400  }
0x226: {  	[sflag:s30] =	ssyncset.done $0x0  }
0x227: {  	[sflag:s30] =	ssyncadd.s32 $0xFFFFDC00  }
0x228: {  	s0 =	stileid.u32;
	_ =	swait.ge [sflag:s31], $0x1000  }
0x229: {  	s1 =	sshrl.u32 s8, $0x3;
	s5 =	sadd.s32 $0x1, s5;
	[sflag:s31] =	ssyncset.done $0x0  }
0x22a: {  	s0 =	sshll.u32 s0, $0x6;
	p0 =	sne.s32 s5, s21;
	[sflag:s31] =	ssyncadd.s32 $0xFFFFF000  }
.Ltmp3:
0x22b: {  	s0 =	sor.u32 $0x1C06, s0;
	[bflag:$0x0] =	sbarrier.arrive $0xFFFF;
	(pc) =	sbr.rel @p0 .LBB2_1-.Ltmp3, $4  }
0x22c: {  	[hbm:s20], [sflag:s0] =	dma.local [spmem:s1], $0x2C04  }
0x22d: {  	_ =	swait.ge [sflag:s23], $0x2C04  }
0x22e: {  	[sflag:s23] =	ssyncset.done $0x0  }
0x22f: {  	[sflag:s23] =	ssyncadd.s32 $0xFFFFD3FC  }
0x230: {  	_ =	sfence.sel $0x180000  }
0x231: {  	[bflag:$0x0] =	sbarrier.arrive $0xFFFF  }
0x232: {  	_ =	strace $0x90000047  }
0x233: {  	s0 =	stileid.u32;
	[bflag:$0x2] =	sbarrier.arrive $0xFFFF  }
0x234: {  	p0 =	sne.s32 s0, $0x0;
	s0 =	rddreg [dreg:$0x3]  }
0x235: {  	s0 =	sadd.s32 @!p0 $0x100000, s0  }
0x236: {  	[sflag:s0] =	ssyncadd.tile.s32 @!p0 $0x1;
	_ =	shalt  }
.Lfunc_end2:
_tile_overlayer_lowered:
.L_overlay_start_2:
0x237: {  	(tag) =	ssettag $0x2  }
0x238: {  	s0 =	rddreg [dreg:$0x0];
	s2 =	stileid.u32  }
0x239: {  	s1 =	rddreg [dreg:$0x1];
	p0 =	sne.s32 s2, $0x0  }
0x23a: {  	s3 =	rddreg [dreg:$0x2];
	[bflag:$0x3] =	sbarrier.arrive $0xFFFF;
	s2 =	simm.s32 @!p0 $0x1C06  }
0x23b: {  	[timem:s3], [sflag:s2] =	dma.local @!p0 [hbm:s0], s1  }
0x23c: {  	s0 =	simm.s32 @!p0 $0x6  }
0x23d: {  	_ =	swait.ge @!p0 [sflag:s0], s1  }
0x23e: {  	s1 =	ssub.s32 @!p0 $0x0, s1;
	[sflag:s0] =	ssyncset.done @!p0 $0x0  }
0x23f: {  	[sflag:s0] =	ssyncadd.s32 @!p0 s1  }
0x240: {  	[bflag:$0x3] =	sbarrier.arrive $0xFFFF  }
0x241: {  	_ =	shalt  }

</sc_bundles>
